<compile_context>
chip_gen: v7x
topology: tpu7x:2x2x1
jax: 0.10.2.dev20260603
libtpu: 0.0.44.dev20260713+nightly
codegen_flags: <defaults>
</compile_context>

<pallas_src>
import functools

import jax
import jax.numpy as jnp
from jax import lax
from jax.experimental import pallas as pl
from jax.experimental.pallas import tpu as pltpu
from jax.experimental.pallas import tpu_sc as plsc

N_NODES = 10000
N_EDGES = 320000
LANES = 16
NC = 2
NS = 16
NW = NC * NS
CHUNK = 128
CPW = 80
EPW = CHUNK * CPW
E_PAD = EPW * NW
ZBLK = 80
NZB = N_NODES // ZBLK

BM = 1000


NBUF = 3
EDB = NBUF + 1


def _segsum(width, awidth=None):
  grp = width // LANES
  agrp = grp if awidth is None else -(-awidth // LANES)
  mesh = plsc.VectorSubcoreMesh(core_axis_name="c", subcore_axis_name="s")

  def body(table, epair, ewr, out, ed, ewv, rows, acc, sem_e, sem_w, sem_g,
           sem_s):
    cid = lax.axis_index("c")
    sid = lax.axis_index("s")
    wid = sid * NC + cid

    def zfill(i, carry):
      for q in range(grp):
        rows[0, i, pl.ds(q * LANES, LANES)] = jnp.zeros((LANES,), jnp.float32)
      return carry
    lax.fori_loop(0, CHUNK, zfill, 0)

    nzb = N_NODES // CHUNK
    def zblk(i, carry):
      u = sid + i * NS
      @pl.when(u < nzb)
      def _():
        pltpu.sync_copy(rows.at[0], acc.at[pl.ds(u * CHUNK, CHUNK)])
      return carry
    lax.fori_loop(0, (nzb + NS - 1) // NS, zblk, 0)
    tail = N_NODES - nzb * CHUNK
    @pl.when(sid == NS - 1)
    def _():
      pltpu.sync_copy(rows.at[0, pl.ds(0, tail)],
                      acc.at[pl.ds(nzb * CHUNK, tail)])

    plsc.subcore_barrier()

    def ed_copy(j, eb):
      pltpu.async_copy(epair.at[wid, j], ed.at[eb], sem_e.at[eb])
      pltpu.async_copy(ewr.at[wid, j], ewv.at[eb], sem_w.at[eb])

    def ed_wait(eb):
      pltpu.make_async_copy(epair.at[wid, 0], ed.at[eb], sem_e.at[eb]).wait()
      pltpu.make_async_copy(ewr.at[wid, 0], ewv.at[eb], sem_w.at[eb]).wait()

    def gather(j, b):
      return pltpu.async_copy(table.at[ed.at[j % EDB, 0]], rows.at[b],
                              sem_g.at[b])

    def gather_wait(b):
      pltpu.make_async_copy(table.at[pl.ds(0, CHUNK)], rows.at[b],
                            sem_g.at[b]).wait()

    def scatter_drain(b):
      pltpu.make_async_copy(table.at[pl.ds(0, CHUNK)], rows.at[b],
                            sem_s.at[b]).wait()

    def scale(b, j):
      def sgrp(g, c2):
        wv = ewv[j % EDB, pl.ds(g * LANES, LANES)]
        for t in range(LANES):
          e = g * LANES + t
          w = wv[t]
          for q in range(agrp):
            sl = pl.ds(q * LANES, LANES)
            rows[b, e, sl] = rows[b, e, sl] * w
        return c2
      lax.fori_loop(0, CHUNK // LANES, sgrp, 0)

    ed_copy(0, 0)
    ed_wait(0)
    gather(0, 0)
    ed_copy(1, 1)

    def loop(j, carry):
      b = j % NBUF
      nb = (j + 1) % NBUF
      @pl.when(j + 1 < CPW)
      def _():
        ed_wait((j + 1) % EDB)
        @pl.when(j + 1 >= NBUF)
        def _():
          scatter_drain(nb)
        gather(j + 1, nb)
        @pl.when(j + 2 < CPW)
        def _():
          ed_copy(j + 2, (j + 2) % EDB)
      gather_wait(b)
      scale(b, j)
      pltpu.async_copy(rows.at[b], acc.at[ed.at[j % EDB, 1]], sem_s.at[b],
                       add=True)
      return carry
    lax.fori_loop(0, CPW, loop, 0)

    for b in range(NBUF):
      scatter_drain(b)

    plsc.subcore_barrier()

    def dblk(i, carry):
      u = sid + i * NS
      @pl.when(u < NZB)
      def _():
        r0 = u * ZBLK
        pltpu.sync_copy(acc.at[pl.ds(r0, ZBLK)], out.at[cid, pl.ds(r0, ZBLK)])
      return carry
    lax.fori_loop(0, (NZB + NS - 1) // NS, dblk, 0)

  return pl.kernel(
      body,
      out_type=jax.ShapeDtypeStruct((NC, N_NODES, width), jnp.float32),
      mesh=mesh,
      scratch_types=[
          pltpu.VMEM((EDB, 2, CHUNK), jnp.int32),
          pltpu.VMEM((EDB, CHUNK), jnp.float32),
          pltpu.VMEM((NBUF, CHUNK, width), jnp.float32),
          pltpu.VMEM_SHARED((N_NODES, width), jnp.float32),
          pltpu.SemaphoreType.DMA((EDB,)),
          pltpu.SemaphoreType.DMA((EDB,)),
          pltpu.SemaphoreType.DMA((NBUF,)),
          pltpu.SemaphoreType.DMA((NBUF,)),
      ],
  )


def _tc1_body(x_ref, pa_ref, pb_ref, wr1_ref, b1_ref, wo1_ref, wr2_ref,
              wo2_ref, g_ref, r_ref):
  agg = pa_ref[...] + pb_ref[...]
  h = jnp.dot(agg, wr1_ref[...], preferred_element_type=jnp.float32)
  h += jnp.dot(x_ref[...], wo1_ref[...], preferred_element_type=jnp.float32)
  h = jnp.maximum(h + b1_ref[...], 0.0)
  g_ref[...] = jnp.dot(h, wr2_ref[...], preferred_element_type=jnp.float32)
  r_ref[...] = jnp.dot(h, wo2_ref[...], preferred_element_type=jnp.float32)


def _tc2_body(pa_ref, pb_ref, r_ref, b2_ref, out_ref):
  out_ref[...] = pa_ref[...] + pb_ref[...] + r_ref[...] + b2_ref[...]


def kernel(x, edge_index, edge_weight, W_rel1, b_rel1, W_root1, W_rel2,
           b_rel2, W_root2):
  f32 = jnp.float32
  H = W_rel1.shape[1]
  C = W_rel2.shape[1]
  CP = 128

  pad = E_PAD - N_EDGES
  src = jnp.concatenate([edge_index[0], jnp.zeros((pad,), jnp.int32)])
  dst = jnp.concatenate([edge_index[1], jnp.zeros((pad,), jnp.int32)])
  ew = jnp.concatenate([edge_weight, jnp.zeros((pad,), f32)])
  perm = jnp.argsort(edge_index[0])
  src0 = edge_index[0][perm]
  dst0 = edge_index[1][perm]
  ew0 = edge_weight[perm]
  edge_index = jnp.stack([src0, dst0])
  edge_weight = ew0
  epair = jnp.stack([src.reshape(NW, CPW, CHUNK),
                     dst.reshape(NW, CPW, CHUNK)], axis=2)
  ewr = ew.reshape(NW, CPW, CHUNK)

  wr2p = jnp.zeros((H, CP), f32).at[:, :C].set(W_rel2)
  wo2p = jnp.zeros((H, CP), f32).at[:, :C].set(W_root2)
  b2p = jnp.zeros((1, CP), f32).at[0, :C].set(b_rel2)
  b1 = b_rel1.reshape(1, H)

  p1 = _segsum(128)(x, epair, ewr)

  grid = N_NODES // BM
  row_blk = lambda w: pl.BlockSpec((BM, w), lambda i: (i, 0))
  full = lambda a, b: pl.BlockSpec((a, b), lambda i: (0, 0))
  g, r = pl.pallas_call(
      _tc1_body,
      grid=(grid,),
      in_specs=[
          row_blk(128), row_blk(128), row_blk(128),
          full(128, H), full(1, H), full(128, H), full(H, CP), full(H, CP),
      ],
      out_specs=[row_blk(CP), row_blk(CP)],
      out_shape=[
          jax.ShapeDtypeStruct((N_NODES, CP), f32),
          jax.ShapeDtypeStruct((N_NODES, CP), f32),
      ],
  )(x, p1[0], p1[1], W_rel1, b1, W_root1, wr2p, wo2p)

  p2 = _segsum(CP, awidth=C)(g, epair, ewr)

  out64 = pl.pallas_call(
      _tc2_body,
      grid=(grid,),
      in_specs=[row_blk(CP), row_blk(CP), row_blk(CP), full(1, CP)],
      out_specs=row_blk(CP),
      out_shape=jax.ShapeDtypeStruct((N_NODES, CP), f32),
  )(p2[0], p2[1], r, b2p)

  return out64[:, :C]

# --- scband reference (transcript-rebuilt; emitter-appended) ---
"""Pipeline reference for scband-graph-conv-net-60284160966678 (READ-ONLY COPY).

The authoritative reference and input builder live on the scoring server;
editing this copy changes nothing except your own understanding.
"""

import jax, jax.numpy as jnp
import numpy as np

N = 10000
E = 320000
D = 128
H = 256
C = 40


def _glorot_uniform(key, shape):
    fan_in, fan_out = shape[0], shape[1]
    limit = float(np.sqrt(6.0 / (fan_in + fan_out)))
    return jax.random.uniform(key, shape, minval=-limit, maxval=limit, dtype=jnp.float32)


def setup_inputs(seed: int = 0) -> dict:
    key = jax.random.key(seed)
    ks = jax.random.split(key, 10)
    x = jax.random.normal(ks[0], (N, D), dtype=jnp.float32)
    edge_index = jax.random.randint(ks[1], (2, E), 0, N, dtype=jnp.int32)
    edge_weight = jax.random.uniform(ks[2], (E,), dtype=jnp.float32)
    # GraphConv layer 1: in=D, out=H (lin_rel has bias, lin_root has no bias)
    W_rel1 = _glorot_uniform(ks[3], (D, H))
    b_rel1 = jnp.zeros((H,), dtype=jnp.float32)
    W_root1 = _glorot_uniform(ks[4], (D, H))
    # GraphConv layer 2: in=H, out=C
    W_rel2 = _glorot_uniform(ks[5], (H, C))
    b_rel2 = jnp.zeros((C,), dtype=jnp.float32)
    W_root2 = _glorot_uniform(ks[6], (H, C))
    return {
        'x': x,
        'edge_index': edge_index,
        'edge_weight': edge_weight,
        'W_rel1': W_rel1, 'b_rel1': b_rel1, 'W_root1': W_root1,
        'W_rel2': W_rel2, 'b_rel2': b_rel2, 'W_root2': W_root2,
    }


def _graph_conv(x, src, dst, ew, W_rel, b_rel, W_root, num_nodes):
    # PyG GraphConv (aggr='add'): out = lin_rel(sum_j ew_ij * x_j) + lin_root(x)
    msg = x[src] * ew[:, None]
    agg = jax.ops.segment_sum(msg, dst, num_segments=num_nodes)
    return agg @ W_rel + b_rel + x @ W_root


def reference(x, edge_index, edge_weight, W_rel1, b_rel1, W_root1, W_rel2, b_rel2, W_root2):
    # eval mode: dropedge and dropout are identity; use_linear=False, num_layers=2
    src = edge_index[0]
    dst = edge_index[1]
    num_nodes = x.shape[0]
    h = jax.nn.relu(_graph_conv(x, src, dst, edge_weight, W_rel1, b_rel1, W_root1, num_nodes))
    out = _graph_conv(h, src, dst, edge_weight, W_rel2, b_rel2, W_root2, num_nodes)
    return out

if __name__ == "__main__":
    import jax
    _d = setup_inputs()
    print(jax.jit(kernel)(*tuple(_d.values())))

</pallas_src>

<mosaic_0001>
#map = affine_map<(d0, d1) -> (0, 0)>
#map1 = affine_map<(d0, d1) -> (0, 0, 0, 0)>
#map2 = affine_map<(d0, d1) -> (0, 0, 0)>
module attributes {stable_mosaic.version = 14 : i64} {
  func.func @body(%arg0: i32, %arg1: i32, %arg2: memref<10000x128xf32, #tpu.memory_space<hbm>>, %arg3: memref<32x80x2x128xi32, #tpu.memory_space<hbm>>, %arg4: memref<32x80x128xf32, #tpu.memory_space<hbm>>, %arg5: memref<2x10000x128xf32, #tpu.memory_space<hbm>>, %arg6: memref<4x2x128xi32, #tpu.memory_space<vmem>>, %arg7: memref<4x128xf32, #tpu.memory_space<vmem>>, %arg8: memref<3x128x128xf32, #tpu.memory_space<vmem>>, %arg9: memref<10000x128xf32, #tpu.memory_space<vmem_shared>>, %arg10: memref<4x!tpu.dma_semaphore, #tpu.memory_space<semaphore_mem>>, %arg11: memref<4x!tpu.dma_semaphore, #tpu.memory_space<semaphore_mem>>, %arg12: memref<3x!tpu.dma_semaphore, #tpu.memory_space<semaphore_mem>>, %arg13: memref<3x!tpu.dma_semaphore, #tpu.memory_space<semaphore_mem>>) attributes {dimension_semantics = [#tpu.dimension_semantics<core_parallel>, #tpu.dimension_semantics<subcore_parallel>], iteration_bounds = array<i64: 2, 16>, scalar_prefetch = 0 : i64, scratch_operands = 8 : i64, tpu.core_type = #tpu.core_type<sc_vector_subcore>, window_params = [{transform_indices = #map}, {transform_indices = #map1}, {transform_indices = #map2}, {transform_indices = #map2}]} {
    %mul3A = arith.constant 2 : i32
    %mul3A_0 = arith.muli %arg1, %mul3A : i32
    %add3A = arith.addi %mul3A_0, %arg0 : i32
    %scan3A = arith.constant 0 : i32
    %scan3A_1 = arith.constant 0 : i32
    %scan3A_2 = arith.constant 128 : i32
    %scan3A_3 = arith.addi %scan3A_1, %scan3A_2 : i32
    %scan3A_4 = arith.constant 1 : i32
    scf.for %scan3A_209 = %scan3A_1 to %scan3A_3 step %scan3A_4  : i32 {
      %broadcast_in_dim3A = arith.constant 0.000000e+00 : f32
      %broadcast_in_dim3A_210 = vector.broadcast %broadcast_in_dim3A : f32 to vector<16xf32>
      %swap3A = arith.constant 0 : i32
      %swap3A_211 = arith.index_cast %swap3A : i32 to index
      %swap3A_212 = arith.index_cast %scan3A_209 : i32 to index
      %swap3A_213 = arith.constant 0 : index
      %swap3A_214 = tpu.vector_load %arg8[%swap3A_211, %swap3A_212, %swap3A_213] {strides = array<i32>} : memref<3x128x128xf32, #tpu.memory_space<vmem>>, vector<1x1x16xf32>,
      %swap3A_215 = vector.shape_cast %swap3A_214 : vector<1x1x16xf32> to vector<16xf32>
      %swap3A_216 = vector.shape_cast %broadcast_in_dim3A_210 : vector<16xf32> to vector<1x1x16xf32>
      tpu.vector_store %arg8[%swap3A_211, %swap3A_212, %swap3A_213], %swap3A_216 {strides = array<i32>} : memref<3x128x128xf32, #tpu.memory_space<vmem>>, vector<1x1x16xf32>,
      %broadcast_in_dim3A_217 = arith.constant 0.000000e+00 : f32
      %broadcast_in_dim3A_218 = vector.broadcast %broadcast_in_dim3A_217 : f32 to vector<16xf32>
      %swap3A_219 = arith.constant 0 : i32
      %swap3A_220 = arith.index_cast %swap3A_219 : i32 to index
      %swap3A_221 = arith.index_cast %scan3A_209 : i32 to index
      %swap3A_222 = arith.constant 16 : index
      %swap3A_223 = tpu.vector_load %arg8[%swap3A_220, %swap3A_221, %swap3A_222] {strides = array<i32>} : memref<3x128x128xf32, #tpu.memory_space<vmem>>, vector<1x1x16xf32>,
      %swap3A_224 = vector.shape_cast %swap3A_223 : vector<1x1x16xf32> to vector<16xf32>
      %swap3A_225 = vector.shape_cast %broadcast_in_dim3A_218 : vector<16xf32> to vector<1x1x16xf32>
      tpu.vector_store %arg8[%swap3A_220, %swap3A_221, %swap3A_222], %swap3A_225 {strides = array<i32>} : memref<3x128x128xf32, #tpu.memory_space<vmem>>, vector<1x1x16xf32>,
      %broadcast_in_dim3A_226 = arith.constant 0.000000e+00 : f32
      %broadcast_in_dim3A_227 = vector.broadcast %broadcast_in_dim3A_226 : f32 to vector<16xf32>
      %swap3A_228 = arith.constant 0 : i32
      %swap3A_229 = arith.index_cast %swap3A_228 : i32 to index
      %swap3A_230 = arith.index_cast %scan3A_209 : i32 to index
      %swap3A_231 = arith.constant 32 : index
      %swap3A_232 = tpu.vector_load %arg8[%swap3A_229, %swap3A_230, %swap3A_231] {strides = array<i32>} : memref<3x128x128xf32, #tpu.memory_space<vmem>>, vector<1x1x16xf32>,
      %swap3A_233 = vector.shape_cast %swap3A_232 : vector<1x1x16xf32> to vector<16xf32>
      %swap3A_234 = vector.shape_cast %broadcast_in_dim3A_227 : vector<16xf32> to vector<1x1x16xf32>
      tpu.vector_store %arg8[%swap3A_229, %swap3A_230, %swap3A_231], %swap3A_234 {strides = array<i32>} : memref<3x128x128xf32, #tpu.memory_space<vmem>>, vector<1x1x16xf32>,
      %broadcast_in_dim3A_235 = arith.constant 0.000000e+00 : f32
      %broadcast_in_dim3A_236 = vector.broadcast %broadcast_in_dim3A_235 : f32 to vector<16xf32>
      %swap3A_237 = arith.constant 0 : i32
      %swap3A_238 = arith.index_cast %swap3A_237 : i32 to index
      %swap3A_239 = arith.index_cast %scan3A_209 : i32 to index
      %swap3A_240 = arith.constant 48 : index
      %swap3A_241 = tpu.vector_load %arg8[%swap3A_238, %swap3A_239, %swap3A_240] {strides = array<i32>} : memref<3x128x128xf32, #tpu.memory_space<vmem>>, vector<1x1x16xf32>,
      %swap3A_242 = vector.shape_cast %swap3A_241 : vector<1x1x16xf32> to vector<16xf32>
      %swap3A_243 = vector.shape_cast %broadcast_in_dim3A_236 : vector<16xf32> to vector<1x1x16xf32>
      tpu.vector_store %arg8[%swap3A_238, %swap3A_239, %swap3A_240], %swap3A_243 {strides = array<i32>} : memref<3x128x128xf32, #tpu.memory_space<vmem>>, vector<1x1x16xf32>,
      %broadcast_in_dim3A_244 = arith.constant 0.000000e+00 : f32
      %broadcast_in_dim3A_245 = vector.broadcast %broadcast_in_dim3A_244 : f32 to vector<16xf32>
      %swap3A_246 = arith.constant 0 : i32
      %swap3A_247 = arith.index_cast %swap3A_246 : i32 to index
      %swap3A_248 = arith.index_cast %scan3A_209 : i32 to index
      %swap3A_249 = arith.constant 64 : index
      %swap3A_250 = tpu.vector_load %arg8[%swap3A_247, %swap3A_248, %swap3A_249] {strides = array<i32>} : memref<3x128x128xf32, #tpu.memory_space<vmem>>, vector<1x1x16xf32>,
      %swap3A_251 = vector.shape_cast %swap3A_250 : vector<1x1x16xf32> to vector<16xf32>
      %swap3A_252 = vector.shape_cast %broadcast_in_dim3A_245 : vector<16xf32> to vector<1x1x16xf32>
      tpu.vector_store %arg8[%swap3A_247, %swap3A_248, %swap3A_249], %swap3A_252 {strides = array<i32>} : memref<3x128x128xf32, #tpu.memory_space<vmem>>, vector<1x1x16xf32>,
      %broadcast_in_dim3A_253 = arith.constant 0.000000e+00 : f32
      %broadcast_in_dim3A_254 = vector.broadcast %broadcast_in_dim3A_253 : f32 to vector<16xf32>
      %swap3A_255 = arith.constant 0 : i32
      %swap3A_256 = arith.index_cast %swap3A_255 : i32 to index
      %swap3A_257 = arith.index_cast %scan3A_209 : i32 to index
      %swap3A_258 = arith.constant 80 : index
      %swap3A_259 = tpu.vector_load %arg8[%swap3A_256, %swap3A_257, %swap3A_258] {strides = array<i32>} : memref<3x128x128xf32, #tpu.memory_space<vmem>>, vector<1x1x16xf32>,
      %swap3A_260 = vector.shape_cast %swap3A_259 : vector<1x1x16xf32> to vector<16xf32>
      %swap3A_261 = vector.shape_cast %broadcast_in_dim3A_254 : vector<16xf32> to vector<1x1x16xf32>
      tpu.vector_store %arg8[%swap3A_256, %swap3A_257, %swap3A_258], %swap3A_261 {strides = array<i32>} : memref<3x128x128xf32, #tpu.memory_space<vmem>>, vector<1x1x16xf32>,
      %broadcast_in_dim3A_262 = arith.constant 0.000000e+00 : f32
      %broadcast_in_dim3A_263 = vector.broadcast %broadcast_in_dim3A_262 : f32 to vector<16xf32>
      %swap3A_264 = arith.constant 0 : i32
      %swap3A_265 = arith.index_cast %swap3A_264 : i32 to index
      %swap3A_266 = arith.index_cast %scan3A_209 : i32 to index
      %swap3A_267 = arith.constant 96 : index
      %swap3A_268 = tpu.vector_load %arg8[%swap3A_265, %swap3A_266, %swap3A_267] {strides = array<i32>} : memref<3x128x128xf32, #tpu.memory_space<vmem>>, vector<1x1x16xf32>,
      %swap3A_269 = vector.shape_cast %swap3A_268 : vector<1x1x16xf32> to vector<16xf32>
      %swap3A_270 = vector.shape_cast %broadcast_in_dim3A_263 : vector<16xf32> to vector<1x1x16xf32>
      tpu.vector_store %arg8[%swap3A_265, %swap3A_266, %swap3A_267], %swap3A_270 {strides = array<i32>} : memref<3x128x128xf32, #tpu.memory_space<vmem>>, vector<1x1x16xf32>,
      %broadcast_in_dim3A_271 = arith.constant 0.000000e+00 : f32
      %broadcast_in_dim3A_272 = vector.broadcast %broadcast_in_dim3A_271 : f32 to vector<16xf32>
      %swap3A_273 = arith.constant 0 : i32
      %swap3A_274 = arith.index_cast %swap3A_273 : i32 to index
      %swap3A_275 = arith.index_cast %scan3A_209 : i32 to index
      %swap3A_276 = arith.constant 112 : index
      %swap3A_277 = tpu.vector_load %arg8[%swap3A_274, %swap3A_275, %swap3A_276] {strides = array<i32>} : memref<3x128x128xf32, #tpu.memory_space<vmem>>, vector<1x1x16xf32>,
      %swap3A_278 = vector.shape_cast %swap3A_277 : vector<1x1x16xf32> to vector<16xf32>
      %swap3A_279 = vector.shape_cast %broadcast_in_dim3A_272 : vector<16xf32> to vector<1x1x16xf32>
      tpu.vector_store %arg8[%swap3A_274, %swap3A_275, %swap3A_276], %swap3A_279 {strides = array<i32>} : memref<3x128x128xf32, #tpu.memory_space<vmem>>, vector<1x1x16xf32>,
    }
    %scan3A_5 = arith.constant 128 : i32
    %scan3A_6 = arith.constant 0 : i32
    %scan3A_7 = arith.constant 0 : i32
    %scan3A_8 = arith.constant 5 : i32
    %scan3A_9 = arith.addi %scan3A_7, %scan3A_8 : i32
    %scan3A_10 = arith.constant 1 : i32
    scf.for %scan3A_209 = %scan3A_7 to %scan3A_9 step %scan3A_10  : i32 {
      %mul3A_210 = arith.constant 16 : i32
      %mul3A_211 = arith.muli %scan3A_209, %mul3A_210 : i32
      %add3A_212 = arith.addi %arg1, %mul3A_211 : i32
      %lt3A = arith.constant 78 : i32
      %lt3A_213 = arith.cmpi slt, %add3A_212, %lt3A : i32
      %convert_element_type3A_214 = arith.extui %lt3A_213 : i1 to i32
      %cond3A_215 = arith.constant 0 : i32
      %cond3A_216 = arith.cmpi ne, %convert_element_type3A_214, %cond3A_215 : i32
      scf.if %cond3A_216 {
        %mul3A_217 = arith.constant 128 : i32
        %mul3A_218 = arith.muli %add3A_212, %mul3A_217 : i32
        %run_scoped3A = arith.constant 0 : i32
        "tpu.region"() ({
          %run_scoped3A_219 = tpu.sem_alloc : memref<!tpu.dma_semaphore, #tpu.memory_space<semaphore_mem>>
          %dma_start3A_220 = arith.constant 0 : i32
          %dma_start3A_221 = arith.constant 0 : i32
          %dma_start3A_222 = tpu.memref_slice %arg8[%run_scoped3A, %dma_start3A_220, %dma_start3A_221] : memref<3x128x128xf32, #tpu.memory_space<vmem>> -> memref<1x128x128xf32, #tpu.memory_space<vmem>>
          %dma_start3A_223 = tpu.memref_squeeze %dma_start3A_222 : memref<1x128x128xf32, #tpu.memory_space<vmem>> -> memref<128x128xf32, #tpu.memory_space<vmem>>
          %dma_start3A_224 = arith.constant 0 : i32
          %dma_start3A_225 = tpu.memref_slice %arg9[%mul3A_218, %dma_start3A_224] : memref<10000x128xf32, #tpu.memory_space<vmem_shared>> -> memref<128x128xf32, #tpu.memory_space<vmem_shared>>
          %dma_start3A_226 = arith.constant 0 : i32
          %dma_start3A_227 = tpu.memref_slice %arg9[%mul3A_218, %dma_start3A_226] : memref<10000x128xf32, #tpu.memory_space<vmem_shared>> -> memref<128x128xf32, #tpu.memory_space<vmem_shared>>
          %dma_start3A_228 = arith.constant 0 : i32
          %dma_start3A_229 = arith.constant 0 : i32
          %dma_start3A_230 = tpu.memref_slice %arg8[%run_scoped3A, %dma_start3A_228, %dma_start3A_229] : memref<3x128x128xf32, #tpu.memory_space<vmem>> -> memref<1x128x128xf32, #tpu.memory_space<vmem>>
          %dma_start3A_231 = tpu.memref_squeeze %dma_start3A_230 : memref<1x128x128xf32, #tpu.memory_space<vmem>> -> memref<128x128xf32, #tpu.memory_space<vmem>>
          tpu.enqueue_dma source(%dma_start3A_231 : memref<128x128xf32, #tpu.memory_space<vmem>>) target(%dma_start3A_227 : memref<128x128xf32, #tpu.memory_space<vmem_shared>>) target_semaphore(%run_scoped3A_219 : memref<!tpu.dma_semaphore, #tpu.memory_space<semaphore_mem>>)
          %dma_wait3A_232 = arith.constant 0 : i32
          %dma_wait3A_233 = arith.constant 0 : i32
          %dma_wait3A_234 = tpu.memref_slice %arg8[%run_scoped3A, %dma_wait3A_232, %dma_wait3A_233] : memref<3x128x128xf32, #tpu.memory_space<vmem>> -> memref<1x128x128xf32, #tpu.memory_space<vmem>>
          %dma_wait3A_235 = tpu.memref_squeeze %dma_wait3A_234 : memref<1x128x128xf32, #tpu.memory_space<vmem>> -> memref<128x128xf32, #tpu.memory_space<vmem>>
          %dma_wait3A_236 = arith.constant 0 : i32
          %dma_wait3A_237 = tpu.memref_slice %arg9[%mul3A_218, %dma_wait3A_236] : memref<10000x128xf32, #tpu.memory_space<vmem_shared>> -> memref<128x128xf32, #tpu.memory_space<vmem_shared>>
          %dma_wait3A_238 = arith.constant 0 : i32
          %dma_wait3A_239 = tpu.memref_slice %arg9[%mul3A_218, %dma_wait3A_238] : memref<10000x128xf32, #tpu.memory_space<vmem_shared>> -> memref<128x128xf32, #tpu.memory_space<vmem_shared>>
          %dma_wait3A_240 = arith.constant 0 : i32
          %dma_wait3A_241 = arith.constant 0 : i32
          %dma_wait3A_242 = tpu.memref_slice %arg8[%run_scoped3A, %dma_wait3A_240, %dma_wait3A_241] : memref<3x128x128xf32, #tpu.memory_space<vmem>> -> memref<1x128x128xf32, #tpu.memory_space<vmem>>
          %dma_wait3A_243 = tpu.memref_squeeze %dma_wait3A_242 : memref<1x128x128xf32, #tpu.memory_space<vmem>> -> memref<128x128xf32, #tpu.memory_space<vmem>>
          tpu.wait_dma2 semaphore(%run_scoped3A_219 : memref<!tpu.dma_semaphore, #tpu.memory_space<semaphore_mem>>) src(%dma_wait3A_243 : memref<128x128xf32, #tpu.memory_space<vmem>>) dst(%dma_wait3A_239 : memref<128x128xf32, #tpu.memory_space<vmem_shared>>)
          tpu.yield
        }) : () -> ()
      } else {
      }
    }
    %scan3A_11 = arith.constant 5 : i32
    %eq3A = arith.constant 15 : i32
    %eq3A_12 = arith.cmpi eq, %arg1, %eq3A : i32
    %convert_element_type3A = arith.extui %eq3A_12 : i1 to i32
    %cond3A = arith.constant 0 : i32
    %cond3A_13 = arith.cmpi ne, %convert_element_type3A, %cond3A : i32
    scf.if %cond3A_13 {
      %run_scoped3A = arith.constant 0 : i32
      "tpu.region"() ({
        %run_scoped3A_209 = tpu.sem_alloc : memref<!tpu.dma_semaphore, #tpu.memory_space<semaphore_mem>>
        %dma_start3A_210 = arith.constant 0 : i32
        %dma_start3A_211 = arith.constant 0 : i32
        %dma_start3A_212 = tpu.memref_slice %arg8[%run_scoped3A, %dma_start3A_210, %dma_start3A_211] : memref<3x128x128xf32, #tpu.memory_space<vmem>> -> memref<1x16x128xf32, #tpu.memory_space<vmem>>
        %dma_start3A_213 = tpu.memref_squeeze %dma_start3A_212 : memref<1x16x128xf32, #tpu.memory_space<vmem>> -> memref<16x128xf32, #tpu.memory_space<vmem>>
        %dma_start3A_214 = arith.constant 9984 : i32
        %dma_start3A_215 = arith.constant 0 : i32
        %dma_start3A_216 = tpu.memref_slice %arg9[%dma_start3A_214, %dma_start3A_215] : memref<10000x128xf32, #tpu.memory_space<vmem_shared>> -> memref<16x128xf32, #tpu.memory_space<vmem_shared>>
        %dma_start3A_217 = arith.constant 9984 : i32
        %dma_start3A_218 = arith.constant 0 : i32
        %dma_start3A_219 = tpu.memref_slice %arg9[%dma_start3A_217, %dma_start3A_218] : memref<10000x128xf32, #tpu.memory_space<vmem_shared>> -> memref<16x128xf32, #tpu.memory_space<vmem_shared>>
        %dma_start3A_220 = arith.constant 0 : i32
        %dma_start3A_221 = arith.constant 0 : i32
        %dma_start3A_222 = tpu.memref_slice %arg8[%run_scoped3A, %dma_start3A_220, %dma_start3A_221] : memref<3x128x128xf32, #tpu.memory_space<vmem>> -> memref<1x16x128xf32, #tpu.memory_space<vmem>>
        %dma_start3A_223 = tpu.memref_squeeze %dma_start3A_222 : memref<1x16x128xf32, #tpu.memory_space<vmem>> -> memref<16x128xf32, #tpu.memory_space<vmem>>
        tpu.enqueue_dma source(%dma_start3A_223 : memref<16x128xf32, #tpu.memory_space<vmem>>) target(%dma_start3A_219 : memref<16x128xf32, #tpu.memory_space<vmem_shared>>) target_semaphore(%run_scoped3A_209 : memref<!tpu.dma_semaphore, #tpu.memory_space<semaphore_mem>>)
        %dma_wait3A_224 = arith.constant 0 : i32
        %dma_wait3A_225 = arith.constant 0 : i32
        %dma_wait3A_226 = tpu.memref_slice %arg8[%run_scoped3A, %dma_wait3A_224, %dma_wait3A_225] : memref<3x128x128xf32, #tpu.memory_space<vmem>> -> memref<1x16x128xf32, #tpu.memory_space<vmem>>
        %dma_wait3A_227 = tpu.memref_squeeze %dma_wait3A_226 : memref<1x16x128xf32, #tpu.memory_space<vmem>> -> memref<16x128xf32, #tpu.memory_space<vmem>>
        %dma_wait3A_228 = arith.constant 9984 : i32
        %dma_wait3A_229 = arith.constant 0 : i32
        %dma_wait3A_230 = tpu.memref_slice %arg9[%dma_wait3A_228, %dma_wait3A_229] : memref<10000x128xf32, #tpu.memory_space<vmem_shared>> -> memref<16x128xf32, #tpu.memory_space<vmem_shared>>
        %dma_wait3A_231 = arith.constant 9984 : i32
        %dma_wait3A_232 = arith.constant 0 : i32
        %dma_wait3A_233 = tpu.memref_slice %arg9[%dma_wait3A_231, %dma_wait3A_232] : memref<10000x128xf32, #tpu.memory_space<vmem_shared>> -> memref<16x128xf32, #tpu.memory_space<vmem_shared>>
        %dma_wait3A_234 = arith.constant 0 : i32
        %dma_wait3A_235 = arith.constant 0 : i32
        %dma_wait3A_236 = tpu.memref_slice %arg8[%run_scoped3A, %dma_wait3A_234, %dma_wait3A_235] : memref<3x128x128xf32, #tpu.memory_space<vmem>> -> memref<1x16x128xf32, #tpu.memory_space<vmem>>
        %dma_wait3A_237 = tpu.memref_squeeze %dma_wait3A_236 : memref<1x16x128xf32, #tpu.memory_space<vmem>> -> memref<16x128xf32, #tpu.memory_space<vmem>>
        tpu.wait_dma2 semaphore(%run_scoped3A_209 : memref<!tpu.dma_semaphore, #tpu.memory_space<semaphore_mem>>) src(%dma_wait3A_237 : memref<16x128xf32, #tpu.memory_space<vmem>>) dst(%dma_wait3A_233 : memref<16x128xf32, #tpu.memory_space<vmem_shared>>)
        tpu.yield
      }) : () -> ()
    } else {
    }
    %barrier3A = arith.constant 0 : index
    tpu.barrier barrier_id(%barrier3A)
    %dma_start3A = arith.constant 0 : i32
    %dma_start3A_14 = arith.constant 0 : i32
    %dma_start3A_15 = arith.constant 0 : i32
    %dma_start3A_16 = arith.constant 0 : i32
    %dma_start3A_17 = arith.constant 0 : i32
    %dma_start3A_18 = tpu.memref_slice %arg6[%dma_start3A_14, %dma_start3A_16, %dma_start3A_17] : memref<4x2x128xi32, #tpu.memory_space<vmem>> -> memref<1x2x128xi32, #tpu.memory_space<vmem>>
    %dma_start3A_19 = tpu.memref_squeeze %dma_start3A_18 : memref<1x2x128xi32, #tpu.memory_space<vmem>> -> memref<2x128xi32, #tpu.memory_space<vmem>>
    %dma_start3A_20 = arith.constant 0 : i32
    %dma_start3A_21 = arith.constant 0 : i32
    %dma_start3A_22 = tpu.memref_slice %arg3[%add3A, %dma_start3A, %dma_start3A_20, %dma_start3A_21] : memref<32x80x2x128xi32, #tpu.memory_space<hbm>> -> memref<1x1x2x128xi32, #tpu.memory_space<hbm>>
    %dma_start3A_23 = tpu.memref_squeeze %dma_start3A_22 : memref<1x1x2x128xi32, #tpu.memory_space<hbm>> -> memref<2x128xi32, #tpu.memory_space<hbm>>
    %dma_start3A_24 = tpu.memref_slice %arg10[%dma_start3A_15] : memref<4x!tpu.dma_semaphore, #tpu.memory_space<semaphore_mem>> -> memref<1x!tpu.dma_semaphore, #tpu.memory_space<semaphore_mem>>
    %dma_start3A_25 = tpu.memref_squeeze %dma_start3A_24 : memref<1x!tpu.dma_semaphore, #tpu.memory_space<semaphore_mem>> -> memref<!tpu.dma_semaphore, #tpu.memory_space<semaphore_mem>>
    %dma_start3A_26 = arith.constant 0 : i32
    %dma_start3A_27 = arith.constant 0 : i32
    %dma_start3A_28 = tpu.memref_slice %arg6[%dma_start3A_14, %dma_start3A_26, %dma_start3A_27] : memref<4x2x128xi32, #tpu.memory_space<vmem>> -> memref<1x2x128xi32, #tpu.memory_space<vmem>>
    %dma_start3A_29 = tpu.memref_squeeze %dma_start3A_28 : memref<1x2x128xi32, #tpu.memory_space<vmem>> -> memref<2x128xi32, #tpu.memory_space<vmem>>
    %dma_start3A_30 = arith.constant 0 : i32
    %dma_start3A_31 = arith.constant 0 : i32
    %dma_start3A_32 = tpu.memref_slice %arg3[%add3A, %dma_start3A, %dma_start3A_30, %dma_start3A_31] : memref<32x80x2x128xi32, #tpu.memory_space<hbm>> -> memref<1x1x2x128xi32, #tpu.memory_space<hbm>>
    %dma_start3A_33 = tpu.memref_squeeze %dma_start3A_32 : memref<1x1x2x128xi32, #tpu.memory_space<hbm>> -> memref<2x128xi32, #tpu.memory_space<hbm>>
    tpu.enqueue_dma source(%dma_start3A_33 : memref<2x128xi32, #tpu.memory_space<hbm>>) target(%dma_start3A_29 : memref<2x128xi32, #tpu.memory_space<vmem>>) target_semaphore(%dma_start3A_25 : memref<!tpu.dma_semaphore, #tpu.memory_space<semaphore_mem>>)
    %dma_start3A_34 = arith.constant 0 : i32
    %dma_start3A_35 = arith.constant 0 : i32
    %dma_start3A_36 = arith.constant 0 : i32
    %dma_start3A_37 = arith.constant 0 : i32
    %dma_start3A_38 = tpu.memref_slice %arg7[%dma_start3A_35, %dma_start3A_37] : memref<4x128xf32, #tpu.memory_space<vmem>> -> memref<1x128xf32, #tpu.memory_space<vmem>>
    %dma_start3A_39 = tpu.memref_squeeze %dma_start3A_38 : memref<1x128xf32, #tpu.memory_space<vmem>> -> memref<128xf32, #tpu.memory_space<vmem>>
    %dma_start3A_40 = arith.constant 0 : i32
    %dma_start3A_41 = tpu.memref_slice %arg4[%add3A, %dma_start3A_34, %dma_start3A_40] : memref<32x80x128xf32, #tpu.memory_space<hbm>> -> memref<1x1x128xf32, #tpu.memory_space<hbm>>
    %dma_start3A_42 = tpu.memref_squeeze %dma_start3A_41 : memref<1x1x128xf32, #tpu.memory_space<hbm>> -> memref<128xf32, #tpu.memory_space<hbm>>
    %dma_start3A_43 = tpu.memref_slice %arg11[%dma_start3A_36] : memref<4x!tpu.dma_semaphore, #tpu.memory_space<semaphore_mem>> -> memref<1x!tpu.dma_semaphore, #tpu.memory_space<semaphore_mem>>
    %dma_start3A_44 = tpu.memref_squeeze %dma_start3A_43 : memref<1x!tpu.dma_semaphore, #tpu.memory_space<semaphore_mem>> -> memref<!tpu.dma_semaphore, #tpu.memory_space<semaphore_mem>>
    %dma_start3A_45 = arith.constant 0 : i32
    %dma_start3A_46 = tpu.memref_slice %arg7[%dma_start3A_35, %dma_start3A_45] : memref<4x128xf32, #tpu.memory_space<vmem>> -> memref<1x128xf32, #tpu.memory_space<vmem>>
    %dma_start3A_47 = tpu.memref_squeeze %dma_start3A_46 : memref<1x128xf32, #tpu.memory_space<vmem>> -> memref<128xf32, #tpu.memory_space<vmem>>
    %dma_start3A_48 = arith.constant 0 : i32
    %dma_start3A_49 = tpu.memref_slice %arg4[%add3A, %dma_start3A_34, %dma_start3A_48] : memref<32x80x128xf32, #tpu.memory_space<hbm>> -> memref<1x1x128xf32, #tpu.memory_space<hbm>>
    %dma_start3A_50 = tpu.memref_squeeze %dma_start3A_49 : memref<1x1x128xf32, #tpu.memory_space<hbm>> -> memref<128xf32, #tpu.memory_space<hbm>>
    tpu.enqueue_dma source(%dma_start3A_50 : memref<128xf32, #tpu.memory_space<hbm>>) target(%dma_start3A_47 : memref<128xf32, #tpu.memory_space<vmem>>) target_semaphore(%dma_start3A_44 : memref<!tpu.dma_semaphore, #tpu.memory_space<semaphore_mem>>)
    %dma_wait3A = arith.constant 0 : i32
    %dma_wait3A_51 = arith.constant 0 : i32
    %dma_wait3A_52 = arith.constant 0 : i32
    %dma_wait3A_53 = arith.constant 0 : i32
    %dma_wait3A_54 = arith.constant 0 : i32
    %dma_wait3A_55 = tpu.memref_slice %arg6[%dma_wait3A_51, %dma_wait3A_53, %dma_wait3A_54] : memref<4x2x128xi32, #tpu.memory_space<vmem>> -> memref<1x2x128xi32, #tpu.memory_space<vmem>>
    %dma_wait3A_56 = tpu.memref_squeeze %dma_wait3A_55 : memref<1x2x128xi32, #tpu.memory_space<vmem>> -> memref<2x128xi32, #tpu.memory_space<vmem>>
    %dma_wait3A_57 = arith.constant 0 : i32
    %dma_wait3A_58 = arith.constant 0 : i32
    %dma_wait3A_59 = tpu.memref_slice %arg3[%add3A, %dma_wait3A, %dma_wait3A_57, %dma_wait3A_58] : memref<32x80x2x128xi32, #tpu.memory_space<hbm>> -> memref<1x1x2x128xi32, #tpu.memory_space<hbm>>
    %dma_wait3A_60 = tpu.memref_squeeze %dma_wait3A_59 : memref<1x1x2x128xi32, #tpu.memory_space<hbm>> -> memref<2x128xi32, #tpu.memory_space<hbm>>
    %dma_wait3A_61 = tpu.memref_slice %arg10[%dma_wait3A_52] : memref<4x!tpu.dma_semaphore, #tpu.memory_space<semaphore_mem>> -> memref<1x!tpu.dma_semaphore, #tpu.memory_space<semaphore_mem>>
    %dma_wait3A_62 = tpu.memref_squeeze %dma_wait3A_61 : memref<1x!tpu.dma_semaphore, #tpu.memory_space<semaphore_mem>> -> memref<!tpu.dma_semaphore, #tpu.memory_space<semaphore_mem>>
    %dma_wait3A_63 = arith.constant 0 : i32
    %dma_wait3A_64 = arith.constant 0 : i32
    %dma_wait3A_65 = tpu.memref_slice %arg6[%dma_wait3A_51, %dma_wait3A_63, %dma_wait3A_64] : memref<4x2x128xi32, #tpu.memory_space<vmem>> -> memref<1x2x128xi32, #tpu.memory_space<vmem>>
    %dma_wait3A_66 = tpu.memref_squeeze %dma_wait3A_65 : memref<1x2x128xi32, #tpu.memory_space<vmem>> -> memref<2x128xi32, #tpu.memory_space<vmem>>
    %dma_wait3A_67 = arith.constant 0 : i32
    %dma_wait3A_68 = arith.constant 0 : i32
    %dma_wait3A_69 = tpu.memref_slice %arg3[%add3A, %dma_wait3A, %dma_wait3A_67, %dma_wait3A_68] : memref<32x80x2x128xi32, #tpu.memory_space<hbm>> -> memref<1x1x2x128xi32, #tpu.memory_space<hbm>>
    %dma_wait3A_70 = tpu.memref_squeeze %dma_wait3A_69 : memref<1x1x2x128xi32, #tpu.memory_space<hbm>> -> memref<2x128xi32, #tpu.memory_space<hbm>>
    tpu.wait_dma2 semaphore(%dma_wait3A_62 : memref<!tpu.dma_semaphore, #tpu.memory_space<semaphore_mem>>) src(%dma_wait3A_70 : memref<2x128xi32, #tpu.memory_space<hbm>>) dst(%dma_wait3A_66 : memref<2x128xi32, #tpu.memory_space<vmem>>)
    %dma_wait3A_71 = arith.constant 0 : i32
    %dma_wait3A_72 = arith.constant 0 : i32
    %dma_wait3A_73 = arith.constant 0 : i32
    %dma_wait3A_74 = arith.constant 0 : i32
    %dma_wait3A_75 = tpu.memref_slice %arg7[%dma_wait3A_72, %dma_wait3A_74] : memref<4x128xf32, #tpu.memory_space<vmem>> -> memref<1x128xf32, #tpu.memory_space<vmem>>
    %dma_wait3A_76 = tpu.memref_squeeze %dma_wait3A_75 : memref<1x128xf32, #tpu.memory_space<vmem>> -> memref<128xf32, #tpu.memory_space<vmem>>
    %dma_wait3A_77 = arith.constant 0 : i32
    %dma_wait3A_78 = tpu.memref_slice %arg4[%add3A, %dma_wait3A_71, %dma_wait3A_77] : memref<32x80x128xf32, #tpu.memory_space<hbm>> -> memref<1x1x128xf32, #tpu.memory_space<hbm>>
    %dma_wait3A_79 = tpu.memref_squeeze %dma_wait3A_78 : memref<1x1x128xf32, #tpu.memory_space<hbm>> -> memref<128xf32, #tpu.memory_space<hbm>>
    %dma_wait3A_80 = tpu.memref_slice %arg11[%dma_wait3A_73] : memref<4x!tpu.dma_semaphore, #tpu.memory_space<semaphore_mem>> -> memref<1x!tpu.dma_semaphore, #tpu.memory_space<semaphore_mem>>
    %dma_wait3A_81 = tpu.memref_squeeze %dma_wait3A_80 : memref<1x!tpu.dma_semaphore, #tpu.memory_space<semaphore_mem>> -> memref<!tpu.dma_semaphore, #tpu.memory_space<semaphore_mem>>
    %dma_wait3A_82 = arith.constant 0 : i32
    %dma_wait3A_83 = tpu.memref_slice %arg7[%dma_wait3A_72, %dma_wait3A_82] : memref<4x128xf32, #tpu.memory_space<vmem>> -> memref<1x128xf32, #tpu.memory_space<vmem>>
    %dma_wait3A_84 = tpu.memref_squeeze %dma_wait3A_83 : memref<1x128xf32, #tpu.memory_space<vmem>> -> memref<128xf32, #tpu.memory_space<vmem>>
    %dma_wait3A_85 = arith.constant 0 : i32
    %dma_wait3A_86 = tpu.memref_slice %arg4[%add3A, %dma_wait3A_71, %dma_wait3A_85] : memref<32x80x128xf32, #tpu.memory_space<hbm>> -> memref<1x1x128xf32, #tpu.memory_space<hbm>>
    %dma_wait3A_87 = tpu.memref_squeeze %dma_wait3A_86 : memref<1x1x128xf32, #tpu.memory_space<hbm>> -> memref<128xf32, #tpu.memory_space<hbm>>
    tpu.wait_dma2 semaphore(%dma_wait3A_81 : memref<!tpu.dma_semaphore, #tpu.memory_space<semaphore_mem>>) src(%dma_wait3A_87 : memref<128xf32, #tpu.memory_space<hbm>>) dst(%dma_wait3A_84 : memref<128xf32, #tpu.memory_space<vmem>>)
    %dma_start3A_88 = arith.constant 0 : i32
    %dma_start3A_89 = arith.constant 0 : i32
    %dma_start3A_90 = arith.constant 0 : i32
    %dma_start3A_91 = arith.constant 0 : i32
    %dma_start3A_92 = arith.constant 0 : i32
    %dma_start3A_93 = arith.constant 0 : i32
    %dma_start3A_94 = tpu.memref_slice %arg8[%dma_start3A_90, %dma_start3A_92, %dma_start3A_93] : memref<3x128x128xf32, #tpu.memory_space<vmem>> -> memref<1x128x128xf32, #tpu.memory_space<vmem>>
    %dma_start3A_95 = tpu.memref_squeeze %dma_start3A_94 : memref<1x128x128xf32, #tpu.memory_space<vmem>> -> memref<128x128xf32, #tpu.memory_space<vmem>>
    %dma_start3A_96 = arith.constant 0 : i32
    %dma_start3A_97 = tpu.memref_slice %arg6[%dma_start3A_88, %dma_start3A_89, %dma_start3A_96] : memref<4x2x128xi32, #tpu.memory_space<vmem>> -> memref<1x1x128xi32, #tpu.memory_space<vmem>>
    %dma_start3A_98 = tpu.memref_squeeze %dma_start3A_97 : memref<1x1x128xi32, #tpu.memory_space<vmem>> -> memref<128xi32, #tpu.memory_space<vmem>>
    %dma_start3A_99 = arith.constant 0 : i32
    %dma_start3A_100 = arith.constant 0 : i32
    %dma_start3A_101 = tpu.memref_slice %arg2[%dma_start3A_99, %dma_start3A_100] : memref<10000x128xf32, #tpu.memory_space<hbm>> -> memref<10000x128xf32, #tpu.memory_space<hbm>>
    %dma_start3A_102 = tpu.memref_slice %arg12[%dma_start3A_91] : memref<3x!tpu.dma_semaphore, #tpu.memory_space<semaphore_mem>> -> memref<1x!tpu.dma_semaphore, #tpu.memory_space<semaphore_mem>>
    %dma_start3A_103 = tpu.memref_squeeze %dma_start3A_102 : memref<1x!tpu.dma_semaphore, #tpu.memory_space<semaphore_mem>> -> memref<!tpu.dma_semaphore, #tpu.memory_space<semaphore_mem>>
    tpu.enqueue_indirect_dma source(%dma_start3A_101 : memref<10000x128xf32, #tpu.memory_space<hbm>>) target(%dma_start3A_95 : memref<128x128xf32, #tpu.memory_space<vmem>>) offsets(%dma_start3A_98 : memref<128xi32, #tpu.memory_space<vmem>>) semaphore(%dma_start3A_103 : memref<!tpu.dma_semaphore, #tpu.memory_space<semaphore_mem>>)
    %dma_start3A_104 = arith.constant 1 : i32
    %dma_start3A_105 = arith.constant 1 : i32
    %dma_start3A_106 = arith.constant 1 : i32
    %dma_start3A_107 = arith.constant 0 : i32
    %dma_start3A_108 = arith.constant 0 : i32
    %dma_start3A_109 = tpu.memref_slice %arg6[%dma_start3A_105, %dma_start3A_107, %dma_start3A_108] : memref<4x2x128xi32, #tpu.memory_space<vmem>> -> memref<1x2x128xi32, #tpu.memory_space<vmem>>
    %dma_start3A_110 = tpu.memref_squeeze %dma_start3A_109 : memref<1x2x128xi32, #tpu.memory_space<vmem>> -> memref<2x128xi32, #tpu.memory_space<vmem>>
    %dma_start3A_111 = arith.constant 0 : i32
    %dma_start3A_112 = arith.constant 0 : i32
    %dma_start3A_113 = tpu.memref_slice %arg3[%add3A, %dma_start3A_104, %dma_start3A_111, %dma_start3A_112] : memref<32x80x2x128xi32, #tpu.memory_space<hbm>> -> memref<1x1x2x128xi32, #tpu.memory_space<hbm>>
    %dma_start3A_114 = tpu.memref_squeeze %dma_start3A_113 : memref<1x1x2x128xi32, #tpu.memory_space<hbm>> -> memref<2x128xi32, #tpu.memory_space<hbm>>
    %dma_start3A_115 = tpu.memref_slice %arg10[%dma_start3A_106] : memref<4x!tpu.dma_semaphore, #tpu.memory_space<semaphore_mem>> -> memref<1x!tpu.dma_semaphore, #tpu.memory_space<semaphore_mem>>
    %dma_start3A_116 = tpu.memref_squeeze %dma_start3A_115 : memref<1x!tpu.dma_semaphore, #tpu.memory_space<semaphore_mem>> -> memref<!tpu.dma_semaphore, #tpu.memory_space<semaphore_mem>>
    %dma_start3A_117 = arith.constant 0 : i32
    %dma_start3A_118 = arith.constant 0 : i32
    %dma_start3A_119 = tpu.memref_slice %arg6[%dma_start3A_105, %dma_start3A_117, %dma_start3A_118] : memref<4x2x128xi32, #tpu.memory_space<vmem>> -> memref<1x2x128xi32, #tpu.memory_space<vmem>>
    %dma_start3A_120 = tpu.memref_squeeze %dma_start3A_119 : memref<1x2x128xi32, #tpu.memory_space<vmem>> -> memref<2x128xi32, #tpu.memory_space<vmem>>
    %dma_start3A_121 = arith.constant 0 : i32
    %dma_start3A_122 = arith.constant 0 : i32
    %dma_start3A_123 = tpu.memref_slice %arg3[%add3A, %dma_start3A_104, %dma_start3A_121, %dma_start3A_122] : memref<32x80x2x128xi32, #tpu.memory_space<hbm>> -> memref<1x1x2x128xi32, #tpu.memory_space<hbm>>
    %dma_start3A_124 = tpu.memref_squeeze %dma_start3A_123 : memref<1x1x2x128xi32, #tpu.memory_space<hbm>> -> memref<2x128xi32, #tpu.memory_space<hbm>>
    tpu.enqueue_dma source(%dma_start3A_124 : memref<2x128xi32, #tpu.memory_space<hbm>>) target(%dma_start3A_120 : memref<2x128xi32, #tpu.memory_space<vmem>>) target_semaphore(%dma_start3A_116 : memref<!tpu.dma_semaphore, #tpu.memory_space<semaphore_mem>>)
    %dma_start3A_125 = arith.constant 1 : i32
    %dma_start3A_126 = arith.constant 1 : i32
    %dma_start3A_127 = arith.constant 1 : i32
    %dma_start3A_128 = arith.constant 0 : i32
    %dma_start3A_129 = tpu.memref_slice %arg7[%dma_start3A_126, %dma_start3A_128] : memref<4x128xf32, #tpu.memory_space<vmem>> -> memref<1x128xf32, #tpu.memory_space<vmem>>
    %dma_start3A_130 = tpu.memref_squeeze %dma_start3A_129 : memref<1x128xf32, #tpu.memory_space<vmem>> -> memref<128xf32, #tpu.memory_space<vmem>>
    %dma_start3A_131 = arith.constant 0 : i32
    %dma_start3A_132 = tpu.memref_slice %arg4[%add3A, %dma_start3A_125, %dma_start3A_131] : memref<32x80x128xf32, #tpu.memory_space<hbm>> -> memref<1x1x128xf32, #tpu.memory_space<hbm>>
    %dma_start3A_133 = tpu.memref_squeeze %dma_start3A_132 : memref<1x1x128xf32, #tpu.memory_space<hbm>> -> memref<128xf32, #tpu.memory_space<hbm>>
    %dma_start3A_134 = tpu.memref_slice %arg11[%dma_start3A_127] : memref<4x!tpu.dma_semaphore, #tpu.memory_space<semaphore_mem>> -> memref<1x!tpu.dma_semaphore, #tpu.memory_space<semaphore_mem>>
    %dma_start3A_135 = tpu.memref_squeeze %dma_start3A_134 : memref<1x!tpu.dma_semaphore, #tpu.memory_space<semaphore_mem>> -> memref<!tpu.dma_semaphore, #tpu.memory_space<semaphore_mem>>
    %dma_start3A_136 = arith.constant 0 : i32
    %dma_start3A_137 = tpu.memref_slice %arg7[%dma_start3A_126, %dma_start3A_136] : memref<4x128xf32, #tpu.memory_space<vmem>> -> memref<1x128xf32, #tpu.memory_space<vmem>>
    %dma_start3A_138 = tpu.memref_squeeze %dma_start3A_137 : memref<1x128xf32, #tpu.memory_space<vmem>> -> memref<128xf32, #tpu.memory_space<vmem>>
    %dma_start3A_139 = arith.constant 0 : i32
    %dma_start3A_140 = tpu.memref_slice %arg4[%add3A, %dma_start3A_125, %dma_start3A_139] : memref<32x80x128xf32, #tpu.memory_space<hbm>> -> memref<1x1x128xf32, #tpu.memory_space<hbm>>
    %dma_start3A_141 = tpu.memref_squeeze %dma_start3A_140 : memref<1x1x128xf32, #tpu.memory_space<hbm>> -> memref<128xf32, #tpu.memory_space<hbm>>
    tpu.enqueue_dma source(%dma_start3A_141 : memref<128xf32, #tpu.memory_space<hbm>>) target(%dma_start3A_138 : memref<128xf32, #tpu.memory_space<vmem>>) target_semaphore(%dma_start3A_135 : memref<!tpu.dma_semaphore, #tpu.memory_space<semaphore_mem>>)
    %scan3A_142 = arith.constant 0 : i32
    %scan3A_143 = arith.constant 0 : i32
    %scan3A_144 = arith.constant 80 : i32
    %scan3A_145 = arith.addi %scan3A_143, %scan3A_144 : i32
    %scan3A_146 = arith.constant 1 : i32
    scf.for %scan3A_209 = %scan3A_143 to %scan3A_145 step %scan3A_146  : i32 {
      %jit3A = arith.constant 3 : i32
      %eq3A_210 = arith.constant 0 : i32
      %eq3A_211 = arith.cmpi eq, %jit3A, %eq3A_210 : i32
      %jit3A_212 = arith.constant 1 : i32
      %select_n3A = arith.select %eq3A_211, %jit3A_212, %jit3A : i32
      %rem3A = arith.remsi %scan3A_209, %select_n3A : i32
      %ne3A = arith.constant 0 : i32
      %ne3A_213 = arith.cmpi ne, %rem3A, %ne3A : i32
      %lt3A = arith.constant 0 : i32
      %lt3A_214 = arith.cmpi slt, %rem3A, %lt3A : i32
      %lt3A_215 = arith.constant 0 : i32
      %lt3A_216 = arith.cmpi slt, %select_n3A, %lt3A_215 : i32
      %ne3A_217 = arith.xori %lt3A_214, %lt3A_216 : i1
      %and3A = arith.andi %ne3A_217, %ne3A_213 : i1
      %add3A_218 = arith.addi %rem3A, %select_n3A : i32
      %select_n3A_219 = arith.select %and3A, %add3A_218, %rem3A : i32
      %add3A_220 = arith.constant 1 : i32
      %add3A_221 = arith.addi %scan3A_209, %add3A_220 : i32
      %jit3A_222 = arith.constant 3 : i32
      %eq3A_223 = arith.constant 0 : i32
      %eq3A_224 = arith.cmpi eq, %jit3A_222, %eq3A_223 : i32
      %jit3A_225 = arith.constant 1 : i32
      %select_n3A_226 = arith.select %eq3A_224, %jit3A_225, %jit3A_222 : i32
      %rem3A_227 = arith.remsi %add3A_221, %select_n3A_226 : i32
      %ne3A_228 = arith.constant 0 : i32
      %ne3A_229 = arith.cmpi ne, %rem3A_227, %ne3A_228 : i32
      %lt3A_230 = arith.constant 0 : i32
      %lt3A_231 = arith.cmpi slt, %rem3A_227, %lt3A_230 : i32
      %lt3A_232 = arith.constant 0 : i32
      %lt3A_233 = arith.cmpi slt, %select_n3A_226, %lt3A_232 : i32
      %ne3A_234 = arith.xori %lt3A_231, %lt3A_233 : i1
      %and3A_235 = arith.andi %ne3A_234, %ne3A_229 : i1
      %add3A_236 = arith.addi %rem3A_227, %select_n3A_226 : i32
      %select_n3A_237 = arith.select %and3A_235, %add3A_236, %rem3A_227 : i32
      %add3A_238 = arith.constant 1 : i32
      %add3A_239 = arith.addi %scan3A_209, %add3A_238 : i32
      %lt3A_240 = arith.constant 80 : i32
      %lt3A_241 = arith.cmpi slt, %add3A_239, %lt3A_240 : i32
      %convert_element_type3A_242 = arith.extui %lt3A_241 : i1 to i32
      %cond3A_243 = arith.constant 0 : i32
      %cond3A_244 = arith.cmpi ne, %convert_element_type3A_242, %cond3A_243 : i32
      scf.if %cond3A_244 {
        %add3A_296 = arith.constant 1 : i32
        %add3A_297 = arith.addi %scan3A_209, %add3A_296 : i32
        %jit3A_298 = arith.constant 4 : i32
        %eq3A_299 = arith.constant 0 : i32
        %eq3A_300 = arith.cmpi eq, %jit3A_298, %eq3A_299 : i32
        %jit3A_301 = arith.constant 1 : i32
        %select_n3A_302 = arith.select %eq3A_300, %jit3A_301, %jit3A_298 : i32
        %rem3A_303 = arith.remsi %add3A_297, %select_n3A_302 : i32
        %ne3A_304 = arith.constant 0 : i32
        %ne3A_305 = arith.cmpi ne, %rem3A_303, %ne3A_304 : i32
        %lt3A_306 = arith.constant 0 : i32
        %lt3A_307 = arith.cmpi slt, %rem3A_303, %lt3A_306 : i32
        %lt3A_308 = arith.constant 0 : i32
        %lt3A_309 = arith.cmpi slt, %select_n3A_302, %lt3A_308 : i32
        %ne3A_310 = arith.xori %lt3A_307, %lt3A_309 : i1
        %and3A_311 = arith.andi %ne3A_310, %ne3A_305 : i1
        %add3A_312 = arith.addi %rem3A_303, %select_n3A_302 : i32
        %select_n3A_313 = arith.select %and3A_311, %add3A_312, %rem3A_303 : i32
        %dma_wait3A_314 = arith.constant 0 : i32
        %dma_wait3A_315 = arith.constant 0 : i32
        %dma_wait3A_316 = arith.constant 0 : i32
        %dma_wait3A_317 = tpu.memref_slice %arg6[%select_n3A_313, %dma_wait3A_315, %dma_wait3A_316] : memref<4x2x128xi32, #tpu.memory_space<vmem>> -> memref<1x2x128xi32, #tpu.memory_space<vmem>>
        %dma_wait3A_318 = tpu.memref_squeeze %dma_wait3A_317 : memref<1x2x128xi32, #tpu.memory_space<vmem>> -> memref<2x128xi32, #tpu.memory_space<vmem>>
        %dma_wait3A_319 = arith.constant 0 : i32
        %dma_wait3A_320 = arith.constant 0 : i32
        %dma_wait3A_321 = tpu.memref_slice %arg3[%add3A, %dma_wait3A_314, %dma_wait3A_319, %dma_wait3A_320] : memref<32x80x2x128xi32, #tpu.memory_space<hbm>> -> memref<1x1x2x128xi32, #tpu.memory_space<hbm>>
        %dma_wait3A_322 = tpu.memref_squeeze %dma_wait3A_321 : memref<1x1x2x128xi32, #tpu.memory_space<hbm>> -> memref<2x128xi32, #tpu.memory_space<hbm>>
        %dma_wait3A_323 = tpu.memref_slice %arg10[%select_n3A_313] : memref<4x!tpu.dma_semaphore, #tpu.memory_space<semaphore_mem>> -> memref<1x!tpu.dma_semaphore, #tpu.memory_space<semaphore_mem>>
        %dma_wait3A_324 = tpu.memref_squeeze %dma_wait3A_323 : memref<1x!tpu.dma_semaphore, #tpu.memory_space<semaphore_mem>> -> memref<!tpu.dma_semaphore, #tpu.memory_space<semaphore_mem>>
        %dma_wait3A_325 = arith.constant 0 : i32
        %dma_wait3A_326 = arith.constant 0 : i32
        %dma_wait3A_327 = tpu.memref_slice %arg6[%select_n3A_313, %dma_wait3A_325, %dma_wait3A_326] : memref<4x2x128xi32, #tpu.memory_space<vmem>> -> memref<1x2x128xi32, #tpu.memory_space<vmem>>
        %dma_wait3A_328 = tpu.memref_squeeze %dma_wait3A_327 : memref<1x2x128xi32, #tpu.memory_space<vmem>> -> memref<2x128xi32, #tpu.memory_space<vmem>>
        %dma_wait3A_329 = arith.constant 0 : i32
        %dma_wait3A_330 = arith.constant 0 : i32
        %dma_wait3A_331 = tpu.memref_slice %arg3[%add3A, %dma_wait3A_314, %dma_wait3A_329, %dma_wait3A_330] : memref<32x80x2x128xi32, #tpu.memory_space<hbm>> -> memref<1x1x2x128xi32, #tpu.memory_space<hbm>>
        %dma_wait3A_332 = tpu.memref_squeeze %dma_wait3A_331 : memref<1x1x2x128xi32, #tpu.memory_space<hbm>> -> memref<2x128xi32, #tpu.memory_space<hbm>>
        tpu.wait_dma2 semaphore(%dma_wait3A_324 : memref<!tpu.dma_semaphore, #tpu.memory_space<semaphore_mem>>) src(%dma_wait3A_332 : memref<2x128xi32, #tpu.memory_space<hbm>>) dst(%dma_wait3A_328 : memref<2x128xi32, #tpu.memory_space<vmem>>)
        %dma_wait3A_333 = arith.constant 0 : i32
        %dma_wait3A_334 = arith.constant 0 : i32
        %dma_wait3A_335 = tpu.memref_slice %arg7[%select_n3A_313, %dma_wait3A_334] : memref<4x128xf32, #tpu.memory_space<vmem>> -> memref<1x128xf32, #tpu.memory_space<vmem>>
        %dma_wait3A_336 = tpu.memref_squeeze %dma_wait3A_335 : memref<1x128xf32, #tpu.memory_space<vmem>> -> memref<128xf32, #tpu.memory_space<vmem>>
        %dma_wait3A_337 = arith.constant 0 : i32
        %dma_wait3A_338 = tpu.memref_slice %arg4[%add3A, %dma_wait3A_333, %dma_wait3A_337] : memref<32x80x128xf32, #tpu.memory_space<hbm>> -> memref<1x1x128xf32, #tpu.memory_space<hbm>>
        %dma_wait3A_339 = tpu.memref_squeeze %dma_wait3A_338 : memref<1x1x128xf32, #tpu.memory_space<hbm>> -> memref<128xf32, #tpu.memory_space<hbm>>
        %dma_wait3A_340 = tpu.memref_slice %arg11[%select_n3A_313] : memref<4x!tpu.dma_semaphore, #tpu.memory_space<semaphore_mem>> -> memref<1x!tpu.dma_semaphore, #tpu.memory_space<semaphore_mem>>
        %dma_wait3A_341 = tpu.memref_squeeze %dma_wait3A_340 : memref<1x!tpu.dma_semaphore, #tpu.memory_space<semaphore_mem>> -> memref<!tpu.dma_semaphore, #tpu.memory_space<semaphore_mem>>
        %dma_wait3A_342 = arith.constant 0 : i32
        %dma_wait3A_343 = tpu.memref_slice %arg7[%select_n3A_313, %dma_wait3A_342] : memref<4x128xf32, #tpu.memory_space<vmem>> -> memref<1x128xf32, #tpu.memory_space<vmem>>
        %dma_wait3A_344 = tpu.memref_squeeze %dma_wait3A_343 : memref<1x128xf32, #tpu.memory_space<vmem>> -> memref<128xf32, #tpu.memory_space<vmem>>
        %dma_wait3A_345 = arith.constant 0 : i32
        %dma_wait3A_346 = tpu.memref_slice %arg4[%add3A, %dma_wait3A_333, %dma_wait3A_345] : memref<32x80x128xf32, #tpu.memory_space<hbm>> -> memref<1x1x128xf32, #tpu.memory_space<hbm>>
        %dma_wait3A_347 = tpu.memref_squeeze %dma_wait3A_346 : memref<1x1x128xf32, #tpu.memory_space<hbm>> -> memref<128xf32, #tpu.memory_space<hbm>>
        tpu.wait_dma2 semaphore(%dma_wait3A_341 : memref<!tpu.dma_semaphore, #tpu.memory_space<semaphore_mem>>) src(%dma_wait3A_347 : memref<128xf32, #tpu.memory_space<hbm>>) dst(%dma_wait3A_344 : memref<128xf32, #tpu.memory_space<vmem>>)
        %add3A_348 = arith.constant 1 : i32
        %add3A_349 = arith.addi %scan3A_209, %add3A_348 : i32
        %ge3A = arith.constant 3 : i32
        %ge3A_350 = arith.cmpi sge, %add3A_349, %ge3A : i32
        %convert_element_type3A_351 = arith.extui %ge3A_350 : i1 to i32
        %cond3A_352 = arith.constant 0 : i32
        %cond3A_353 = arith.cmpi ne, %convert_element_type3A_351, %cond3A_352 : i32
        scf.if %cond3A_353 {
          %dma_wait3A_392 = arith.constant 0 : i32
          %dma_wait3A_393 = arith.constant 0 : i32
          %dma_wait3A_394 = tpu.memref_slice %arg8[%select_n3A_237, %dma_wait3A_392, %dma_wait3A_393] : memref<3x128x128xf32, #tpu.memory_space<vmem>> -> memref<1x128x128xf32, #tpu.memory_space<vmem>>
          %dma_wait3A_395 = tpu.memref_squeeze %dma_wait3A_394 : memref<1x128x128xf32, #tpu.memory_space<vmem>> -> memref<128x128xf32, #tpu.memory_space<vmem>>
          %dma_wait3A_396 = arith.constant 0 : i32
          %dma_wait3A_397 = arith.constant 0 : i32
          %dma_wait3A_398 = tpu.memref_slice %arg2[%dma_wait3A_396, %dma_wait3A_397] : memref<10000x128xf32, #tpu.memory_space<hbm>> -> memref<128x128xf32, #tpu.memory_space<hbm>>
          %dma_wait3A_399 = tpu.memref_slice %arg13[%select_n3A_237] : memref<3x!tpu.dma_semaphore, #tpu.memory_space<semaphore_mem>> -> memref<1x!tpu.dma_semaphore, #tpu.memory_space<semaphore_mem>>
          %dma_wait3A_400 = tpu.memref_squeeze %dma_wait3A_399 : memref<1x!tpu.dma_semaphore, #tpu.memory_space<semaphore_mem>> -> memref<!tpu.dma_semaphore, #tpu.memory_space<semaphore_mem>>
          %dma_wait3A_401 = arith.constant 0 : i32
          %dma_wait3A_402 = arith.constant 0 : i32
          %dma_wait3A_403 = tpu.memref_slice %arg8[%select_n3A_237, %dma_wait3A_401, %dma_wait3A_402] : memref<3x128x128xf32, #tpu.memory_space<vmem>> -> memref<1x128x128xf32, #tpu.memory_space<vmem>>
          %dma_wait3A_404 = tpu.memref_squeeze %dma_wait3A_403 : memref<1x128x128xf32, #tpu.memory_space<vmem>> -> memref<128x128xf32, #tpu.memory_space<vmem>>
          %dma_wait3A_405 = arith.constant 0 : i32
          %dma_wait3A_406 = arith.constant 0 : i32
          %dma_wait3A_407 = tpu.memref_slice %arg2[%dma_wait3A_405, %dma_wait3A_406] : memref<10000x128xf32, #tpu.memory_space<hbm>> -> memref<128x128xf32, #tpu.memory_space<hbm>>
          tpu.wait_dma2 semaphore(%dma_wait3A_400 : memref<!tpu.dma_semaphore, #tpu.memory_space<semaphore_mem>>) src(%dma_wait3A_407 : memref<128x128xf32, #tpu.memory_space<hbm>>) dst(%dma_wait3A_404 : memref<128x128xf32, #tpu.memory_space<vmem>>)
        } else {
        }
        %add3A_354 = arith.constant 1 : i32
        %add3A_355 = arith.addi %scan3A_209, %add3A_354 : i32
        %jit3A_356 = arith.constant 4 : i32
        %eq3A_357 = arith.constant 0 : i32
        %eq3A_358 = arith.cmpi eq, %jit3A_356, %eq3A_357 : i32
        %jit3A_359 = arith.constant 1 : i32
        %select_n3A_360 = arith.select %eq3A_358, %jit3A_359, %jit3A_356 : i32
        %rem3A_361 = arith.remsi %add3A_355, %select_n3A_360 : i32
        %ne3A_362 = arith.constant 0 : i32
        %ne3A_363 = arith.cmpi ne, %rem3A_361, %ne3A_362 : i32
        %lt3A_364 = arith.constant 0 : i32
        %lt3A_365 = arith.cmpi slt, %rem3A_361, %lt3A_364 : i32
        %lt3A_366 = arith.constant 0 : i32
        %lt3A_367 = arith.cmpi slt, %select_n3A_360, %lt3A_366 : i32
        %ne3A_368 = arith.xori %lt3A_365, %lt3A_367 : i1
        %and3A_369 = arith.andi %ne3A_368, %ne3A_363 : i1
        %add3A_370 = arith.addi %rem3A_361, %select_n3A_360 : i32
        %select_n3A_371 = arith.select %and3A_369, %add3A_370, %rem3A_361 : i32
        %dma_start3A_372 = arith.constant 0 : i32
        %dma_start3A_373 = arith.constant 0 : i32
        %dma_start3A_374 = arith.constant 0 : i32
        %dma_start3A_375 = tpu.memref_slice %arg8[%select_n3A_237, %dma_start3A_373, %dma_start3A_374] : memref<3x128x128xf32, #tpu.memory_space<vmem>> -> memref<1x128x128xf32, #tpu.memory_space<vmem>>
        %dma_start3A_376 = tpu.memref_squeeze %dma_start3A_375 : memref<1x128x128xf32, #tpu.memory_space<vmem>> -> memref<128x128xf32, #tpu.memory_space<vmem>>
        %dma_start3A_377 = arith.constant 0 : i32
        %dma_start3A_378 = tpu.memref_slice %arg6[%select_n3A_371, %dma_start3A_372, %dma_start3A_377] : memref<4x2x128xi32, #tpu.memory_space<vmem>> -> memref<1x1x128xi32, #tpu.memory_space<vmem>>
        %dma_start3A_379 = tpu.memref_squeeze %dma_start3A_378 : memref<1x1x128xi32, #tpu.memory_space<vmem>> -> memref<128xi32, #tpu.memory_space<vmem>>
        %dma_start3A_380 = arith.constant 0 : i32
        %dma_start3A_381 = arith.constant 0 : i32
        %dma_start3A_382 = tpu.memref_slice %arg2[%dma_start3A_380, %dma_start3A_381] : memref<10000x128xf32, #tpu.memory_space<hbm>> -> memref<10000x128xf32, #tpu.memory_space<hbm>>
        %dma_start3A_383 = tpu.memref_slice %arg12[%select_n3A_237] : memref<3x!tpu.dma_semaphore, #tpu.memory_space<semaphore_mem>> -> memref<1x!tpu.dma_semaphore, #tpu.memory_space<semaphore_mem>>
        %dma_start3A_384 = tpu.memref_squeeze %dma_start3A_383 : memref<1x!tpu.dma_semaphore, #tpu.memory_space<semaphore_mem>> -> memref<!tpu.dma_semaphore, #tpu.memory_space<semaphore_mem>>
        tpu.enqueue_indirect_dma source(%dma_start3A_382 : memref<10000x128xf32, #tpu.memory_space<hbm>>) target(%dma_start3A_376 : memref<128x128xf32, #tpu.memory_space<vmem>>) offsets(%dma_start3A_379 : memref<128xi32, #tpu.memory_space<vmem>>) semaphore(%dma_start3A_384 : memref<!tpu.dma_semaphore, #tpu.memory_space<semaphore_mem>>)
        %add3A_385 = arith.constant 2 : i32
        %add3A_386 = arith.addi %scan3A_209, %add3A_385 : i32
        %lt3A_387 = arith.constant 80 : i32
        %lt3A_388 = arith.cmpi slt, %add3A_386, %lt3A_387 : i32
        %convert_element_type3A_389 = arith.extui %lt3A_388 : i1 to i32
        %cond3A_390 = arith.constant 0 : i32
        %cond3A_391 = arith.cmpi ne, %convert_element_type3A_389, %cond3A_390 : i32
        scf.if %cond3A_391 {
          %add3A_392 = arith.constant 2 : i32
          %add3A_393 = arith.addi %scan3A_209, %add3A_392 : i32
          %add3A_394 = arith.constant 2 : i32
          %add3A_395 = arith.addi %scan3A_209, %add3A_394 : i32
          %jit3A_396 = arith.constant 4 : i32
          %eq3A_397 = arith.constant 0 : i32
          %eq3A_398 = arith.cmpi eq, %jit3A_396, %eq3A_397 : i32
          %jit3A_399 = arith.constant 1 : i32
          %select_n3A_400 = arith.select %eq3A_398, %jit3A_399, %jit3A_396 : i32
          %rem3A_401 = arith.remsi %add3A_395, %select_n3A_400 : i32
          %ne3A_402 = arith.constant 0 : i32
          %ne3A_403 = arith.cmpi ne, %rem3A_401, %ne3A_402 : i32
          %lt3A_404 = arith.constant 0 : i32
          %lt3A_405 = arith.cmpi slt, %rem3A_401, %lt3A_404 : i32
          %lt3A_406 = arith.constant 0 : i32
          %lt3A_407 = arith.cmpi slt, %select_n3A_400, %lt3A_406 : i32
          %ne3A_408 = arith.xori %lt3A_405, %lt3A_407 : i1
          %and3A_409 = arith.andi %ne3A_408, %ne3A_403 : i1
          %add3A_410 = arith.addi %rem3A_401, %select_n3A_400 : i32
          %select_n3A_411 = arith.select %and3A_409, %add3A_410, %rem3A_401 : i32
          %dma_start3A_412 = arith.constant 0 : i32
          %dma_start3A_413 = arith.constant 0 : i32
          %dma_start3A_414 = tpu.memref_slice %arg6[%select_n3A_411, %dma_start3A_412, %dma_start3A_413] : memref<4x2x128xi32, #tpu.memory_space<vmem>> -> memref<1x2x128xi32, #tpu.memory_space<vmem>>
          %dma_start3A_415 = tpu.memref_squeeze %dma_start3A_414 : memref<1x2x128xi32, #tpu.memory_space<vmem>> -> memref<2x128xi32, #tpu.memory_space<vmem>>
          %dma_start3A_416 = arith.constant 0 : i32
          %dma_start3A_417 = arith.constant 0 : i32
          %dma_start3A_418 = tpu.memref_slice %arg3[%add3A, %add3A_393, %dma_start3A_416, %dma_start3A_417] : memref<32x80x2x128xi32, #tpu.memory_space<hbm>> -> memref<1x1x2x128xi32, #tpu.memory_space<hbm>>
          %dma_start3A_419 = tpu.memref_squeeze %dma_start3A_418 : memref<1x1x2x128xi32, #tpu.memory_space<hbm>> -> memref<2x128xi32, #tpu.memory_space<hbm>>
          %dma_start3A_420 = tpu.memref_slice %arg10[%select_n3A_411] : memref<4x!tpu.dma_semaphore, #tpu.memory_space<semaphore_mem>> -> memref<1x!tpu.dma_semaphore, #tpu.memory_space<semaphore_mem>>
          %dma_start3A_421 = tpu.memref_squeeze %dma_start3A_420 : memref<1x!tpu.dma_semaphore, #tpu.memory_space<semaphore_mem>> -> memref<!tpu.dma_semaphore, #tpu.memory_space<semaphore_mem>>
          %dma_start3A_422 = arith.constant 0 : i32
          %dma_start3A_423 = arith.constant 0 : i32
          %dma_start3A_424 = tpu.memref_slice %arg6[%select_n3A_411, %dma_start3A_422, %dma_start3A_423] : memref<4x2x128xi32, #tpu.memory_space<vmem>> -> memref<1x2x128xi32, #tpu.memory_space<vmem>>
          %dma_start3A_425 = tpu.memref_squeeze %dma_start3A_424 : memref<1x2x128xi32, #tpu.memory_space<vmem>> -> memref<2x128xi32, #tpu.memory_space<vmem>>
          %dma_start3A_426 = arith.constant 0 : i32
          %dma_start3A_427 = arith.constant 0 : i32
          %dma_start3A_428 = tpu.memref_slice %arg3[%add3A, %add3A_393, %dma_start3A_426, %dma_start3A_427] : memref<32x80x2x128xi32, #tpu.memory_space<hbm>> -> memref<1x1x2x128xi32, #tpu.memory_space<hbm>>
          %dma_start3A_429 = tpu.memref_squeeze %dma_start3A_428 : memref<1x1x2x128xi32, #tpu.memory_space<hbm>> -> memref<2x128xi32, #tpu.memory_space<hbm>>
          tpu.enqueue_dma source(%dma_start3A_429 : memref<2x128xi32, #tpu.memory_space<hbm>>) target(%dma_start3A_425 : memref<2x128xi32, #tpu.memory_space<vmem>>) target_semaphore(%dma_start3A_421 : memref<!tpu.dma_semaphore, #tpu.memory_space<semaphore_mem>>)
          %dma_start3A_430 = arith.constant 0 : i32
          %dma_start3A_431 = tpu.memref_slice %arg7[%select_n3A_411, %dma_start3A_430] : memref<4x128xf32, #tpu.memory_space<vmem>> -> memref<1x128xf32, #tpu.memory_space<vmem>>
          %dma_start3A_432 = tpu.memref_squeeze %dma_start3A_431 : memref<1x128xf32, #tpu.memory_space<vmem>> -> memref<128xf32, #tpu.memory_space<vmem>>
          %dma_start3A_433 = arith.constant 0 : i32
          %dma_start3A_434 = tpu.memref_slice %arg4[%add3A, %add3A_393, %dma_start3A_433] : memref<32x80x128xf32, #tpu.memory_space<hbm>> -> memref<1x1x128xf32, #tpu.memory_space<hbm>>
          %dma_start3A_435 = tpu.memref_squeeze %dma_start3A_434 : memref<1x1x128xf32, #tpu.memory_space<hbm>> -> memref<128xf32, #tpu.memory_space<hbm>>
          %dma_start3A_436 = tpu.memref_slice %arg11[%select_n3A_411] : memref<4x!tpu.dma_semaphore, #tpu.memory_space<semaphore_mem>> -> memref<1x!tpu.dma_semaphore, #tpu.memory_space<semaphore_mem>>
          %dma_start3A_437 = tpu.memref_squeeze %dma_start3A_436 : memref<1x!tpu.dma_semaphore, #tpu.memory_space<semaphore_mem>> -> memref<!tpu.dma_semaphore, #tpu.memory_space<semaphore_mem>>
          %dma_start3A_438 = arith.constant 0 : i32
          %dma_start3A_439 = tpu.memref_slice %arg7[%select_n3A_411, %dma_start3A_438] : memref<4x128xf32, #tpu.memory_space<vmem>> -> memref<1x128xf32, #tpu.memory_space<vmem>>
          %dma_start3A_440 = tpu.memref_squeeze %dma_start3A_439 : memref<1x128xf32, #tpu.memory_space<vmem>> -> memref<128xf32, #tpu.memory_space<vmem>>
          %dma_start3A_441 = arith.constant 0 : i32
          %dma_start3A_442 = tpu.memref_slice %arg4[%add3A, %add3A_393, %dma_start3A_441] : memref<32x80x128xf32, #tpu.memory_space<hbm>> -> memref<1x1x128xf32, #tpu.memory_space<hbm>>
          %dma_start3A_443 = tpu.memref_squeeze %dma_start3A_442 : memref<1x1x128xf32, #tpu.memory_space<hbm>> -> memref<128xf32, #tpu.memory_space<hbm>>
          tpu.enqueue_dma source(%dma_start3A_443 : memref<128xf32, #tpu.memory_space<hbm>>) target(%dma_start3A_440 : memref<128xf32, #tpu.memory_space<vmem>>) target_semaphore(%dma_start3A_437 : memref<!tpu.dma_semaphore, #tpu.memory_space<semaphore_mem>>)
        } else {
        }
      } else {
      }
      %dma_wait3A_245 = arith.constant 0 : i32
      %dma_wait3A_246 = arith.constant 0 : i32
      %dma_wait3A_247 = tpu.memref_slice %arg8[%select_n3A_219, %dma_wait3A_245, %dma_wait3A_246] : memref<3x128x128xf32, #tpu.memory_space<vmem>> -> memref<1x128x128xf32, #tpu.memory_space<vmem>>
      %dma_wait3A_248 = tpu.memref_squeeze %dma_wait3A_247 : memref<1x128x128xf32, #tpu.memory_space<vmem>> -> memref<128x128xf32, #tpu.memory_space<vmem>>
      %dma_wait3A_249 = arith.constant 0 : i32
      %dma_wait3A_250 = arith.constant 0 : i32
      %dma_wait3A_251 = tpu.memref_slice %arg2[%dma_wait3A_249, %dma_wait3A_250] : memref<10000x128xf32, #tpu.memory_space<hbm>> -> memref<128x128xf32, #tpu.memory_space<hbm>>
      %dma_wait3A_252 = tpu.memref_slice %arg12[%select_n3A_219] : memref<3x!tpu.dma_semaphore, #tpu.memory_space<semaphore_mem>> -> memref<1x!tpu.dma_semaphore, #tpu.memory_space<semaphore_mem>>
      %dma_wait3A_253 = tpu.memref_squeeze %dma_wait3A_252 : memref<1x!tpu.dma_semaphore, #tpu.memory_space<semaphore_mem>> -> memref<!tpu.dma_semaphore, #tpu.memory_space<semaphore_mem>>
      %dma_wait3A_254 = arith.constant 0 : i32
      %dma_wait3A_255 = arith.constant 0 : i32
      %dma_wait3A_256 = tpu.memref_slice %arg8[%select_n3A_219, %dma_wait3A_254, %dma_wait3A_255] : memref<3x128x128xf32, #tpu.memory_space<vmem>> -> memref<1x128x128xf32, #tpu.memory_space<vmem>>
      %dma_wait3A_257 = tpu.memref_squeeze %dma_wait3A_256 : memref<1x128x128xf32, #tpu.memory_space<vmem>> -> memref<128x128xf32, #tpu.memory_space<vmem>>
      %dma_wait3A_258 = arith.constant 0 : i32
      %dma_wait3A_259 = arith.constant 0 : i32
      %dma_wait3A_260 = tpu.memref_slice %arg2[%dma_wait3A_258, %dma_wait3A_259] : memref<10000x128xf32, #tpu.memory_space<hbm>> -> memref<128x128xf32, #tpu.memory_space<hbm>>
      tpu.wait_dma2 semaphore(%dma_wait3A_253 : memref<!tpu.dma_semaphore, #tpu.memory_space<semaphore_mem>>) src(%dma_wait3A_260 : memref<128x128xf32, #tpu.memory_space<hbm>>) dst(%dma_wait3A_257 : memref<128x128xf32, #tpu.memory_space<vmem>>)
      %scan3A_261 = arith.constant 0 : i32
      %scan3A_262 = arith.constant 0 : i32
      %scan3A_263 = arith.constant 8 : i32
      %scan3A_264 = arith.addi %scan3A_262, %scan3A_263 : i32
      %scan3A_265 = arith.constant 1 : i32
      scf.for %scan3A_296 = %scan3A_262 to %scan3A_264 step %scan3A_265  : i32 {
        %jit3A_297 = arith.constant 4 : i32
        %eq3A_298 = arith.constant 0 : i32
        %eq3A_299 = arith.cmpi eq, %jit3A_297, %eq3A_298 : i32
        %jit3A_300 = arith.constant 1 : i32
        %select_n3A_301 = arith.select %eq3A_299, %jit3A_300, %jit3A_297 : i32
        %rem3A_302 = arith.remsi %scan3A_209, %select_n3A_301 : i32
        %ne3A_303 = arith.constant 0 : i32
        %ne3A_304 = arith.cmpi ne, %rem3A_302, %ne3A_303 : i32
        %lt3A_305 = arith.constant 0 : i32
        %lt3A_306 = arith.cmpi slt, %rem3A_302, %lt3A_305 : i32
        %lt3A_307 = arith.constant 0 : i32
        %lt3A_308 = arith.cmpi slt, %select_n3A_301, %lt3A_307 : i32
        %ne3A_309 = arith.xori %lt3A_306, %lt3A_308 : i1
        %and3A_310 = arith.andi %ne3A_309, %ne3A_304 : i1
        %add3A_311 = arith.addi %rem3A_302, %select_n3A_301 : i32
        %select_n3A_312 = arith.select %and3A_310, %add3A_311, %rem3A_302 : i32
        %mul3A_313 = arith.constant 16 : i32
        %mul3A_314 = arith.muli %scan3A_296, %mul3A_313 : i32
        %get3A = arith.index_cast %select_n3A_312 : i32 to index
        %get3A_315 = arith.index_cast %mul3A_314 : i32 to index
        %get3A_316 = tpu.vector_load %arg7[%get3A, %get3A_315] {strides = array<i32>} : memref<4x128xf32, #tpu.memory_space<vmem>>, vector<1x16xf32>,
        %get3A_317 = vector.shape_cast %get3A_316 : vector<1x16xf32> to vector<16xf32>
        %mul3A_318 = arith.constant 16 : i32
        %mul3A_319 = arith.muli %scan3A_296, %mul3A_318 : i32
        %add3A_320 = arith.constant 0 : i32
        %add3A_321 = arith.addi %mul3A_319, %add3A_320 : i32
        %slice3A = vector.extract_strided_slice %get3A_317 {offsets = [0], sizes = [1], strides = [1]} : vector<16xf32> to vector<1xf32>
        %squeeze3A = vector.extract %slice3A[0] : f32 from vector<1xf32>
        %get3A_322 = arith.index_cast %select_n3A_219 : i32 to index
        %get3A_323 = arith.index_cast %add3A_321 : i32 to index
        %get3A_324 = arith.constant 0 : index
        %get3A_325 = tpu.vector_load %arg8[%get3A_322, %get3A_323, %get3A_324] {strides = array<i32>} : memref<3x128x128xf32, #tpu.memory_space<vmem>>, vector<1x1x16xf32>,
        %get3A_326 = vector.shape_cast %get3A_325 : vector<1x1x16xf32> to vector<16xf32>
        %mul3A_327 = vector.broadcast %squeeze3A : f32 to vector<16xf32>
        %mul3A_328 = arith.mulf %get3A_326, %mul3A_327 : vector<16xf32>
        %swap3A = arith.index_cast %select_n3A_219 : i32 to index
        %swap3A_329 = arith.index_cast %add3A_321 : i32 to index
        %swap3A_330 = arith.constant 0 : index
        %swap3A_331 = tpu.vector_load %arg8[%swap3A, %swap3A_329, %swap3A_330] {strides = array<i32>} : memref<3x128x128xf32, #tpu.memory_space<vmem>>, vector<1x1x16xf32>,
        %swap3A_332 = vector.shape_cast %swap3A_331 : vector<1x1x16xf32> to vector<16xf32>
        %swap3A_333 = vector.shape_cast %mul3A_328 : vector<16xf32> to vector<1x1x16xf32>
        tpu.vector_store %arg8[%swap3A, %swap3A_329, %swap3A_330], %swap3A_333 {strides = array<i32>} : memref<3x128x128xf32, #tpu.memory_space<vmem>>, vector<1x1x16xf32>,
        %get3A_334 = arith.index_cast %select_n3A_219 : i32 to index
        %get3A_335 = arith.index_cast %add3A_321 : i32 to index
        %get3A_336 = arith.constant 16 : index
        %get3A_337 = tpu.vector_load %arg8[%get3A_334, %get3A_335, %get3A_336] {strides = array<i32>} : memref<3x128x128xf32, #tpu.memory_space<vmem>>, vector<1x1x16xf32>,
        %get3A_338 = vector.shape_cast %get3A_337 : vector<1x1x16xf32> to vector<16xf32>
        %mul3A_339 = vector.broadcast %squeeze3A : f32 to vector<16xf32>
        %mul3A_340 = arith.mulf %get3A_338, %mul3A_339 : vector<16xf32>
        %swap3A_341 = arith.index_cast %select_n3A_219 : i32 to index
        %swap3A_342 = arith.index_cast %add3A_321 : i32 to index
        %swap3A_343 = arith.constant 16 : index
        %swap3A_344 = tpu.vector_load %arg8[%swap3A_341, %swap3A_342, %swap3A_343] {strides = array<i32>} : memref<3x128x128xf32, #tpu.memory_space<vmem>>, vector<1x1x16xf32>,
        %swap3A_345 = vector.shape_cast %swap3A_344 : vector<1x1x16xf32> to vector<16xf32>
        %swap3A_346 = vector.shape_cast %mul3A_340 : vector<16xf32> to vector<1x1x16xf32>
        tpu.vector_store %arg8[%swap3A_341, %swap3A_342, %swap3A_343], %swap3A_346 {strides = array<i32>} : memref<3x128x128xf32, #tpu.memory_space<vmem>>, vector<1x1x16xf32>,
        %get3A_347 = arith.index_cast %select_n3A_219 : i32 to index
        %get3A_348 = arith.index_cast %add3A_321 : i32 to index
        %get3A_349 = arith.constant 32 : index
        %get3A_350 = tpu.vector_load %arg8[%get3A_347, %get3A_348, %get3A_349] {strides = array<i32>} : memref<3x128x128xf32, #tpu.memory_space<vmem>>, vector<1x1x16xf32>,
        %get3A_351 = vector.shape_cast %get3A_350 : vector<1x1x16xf32> to vector<16xf32>
        %mul3A_352 = vector.broadcast %squeeze3A : f32 to vector<16xf32>
        %mul3A_353 = arith.mulf %get3A_351, %mul3A_352 : vector<16xf32>
        %swap3A_354 = arith.index_cast %select_n3A_219 : i32 to index
        %swap3A_355 = arith.index_cast %add3A_321 : i32 to index
        %swap3A_356 = arith.constant 32 : index
        %swap3A_357 = tpu.vector_load %arg8[%swap3A_354, %swap3A_355, %swap3A_356] {strides = array<i32>} : memref<3x128x128xf32, #tpu.memory_space<vmem>>, vector<1x1x16xf32>,
        %swap3A_358 = vector.shape_cast %swap3A_357 : vector<1x1x16xf32> to vector<16xf32>
        %swap3A_359 = vector.shape_cast %mul3A_353 : vector<16xf32> to vector<1x1x16xf32>
        tpu.vector_store %arg8[%swap3A_354, %swap3A_355, %swap3A_356], %swap3A_359 {strides = array<i32>} : memref<3x128x128xf32, #tpu.memory_space<vmem>>, vector<1x1x16xf32>,
        %get3A_360 = arith.index_cast %select_n3A_219 : i32 to index
        %get3A_361 = arith.index_cast %add3A_321 : i32 to index
        %get3A_362 = arith.constant 48 : index
        %get3A_363 = tpu.vector_load %arg8[%get3A_360, %get3A_361, %get3A_362] {strides = array<i32>} : memref<3x128x128xf32, #tpu.memory_space<vmem>>, vector<1x1x16xf32>,
        %get3A_364 = vector.shape_cast %get3A_363 : vector<1x1x16xf32> to vector<16xf32>
        %mul3A_365 = vector.broadcast %squeeze3A : f32 to vector<16xf32>
        %mul3A_366 = arith.mulf %get3A_364, %mul3A_365 : vector<16xf32>
        %swap3A_367 = arith.index_cast %select_n3A_219 : i32 to index
        %swap3A_368 = arith.index_cast %add3A_321 : i32 to index
        %swap3A_369 = arith.constant 48 : index
        %swap3A_370 = tpu.vector_load %arg8[%swap3A_367, %swap3A_368, %swap3A_369] {strides = array<i32>} : memref<3x128x128xf32, #tpu.memory_space<vmem>>, vector<1x1x16xf32>,
        %swap3A_371 = vector.shape_cast %swap3A_370 : vector<1x1x16xf32> to vector<16xf32>
        %swap3A_372 = vector.shape_cast %mul3A_366 : vector<16xf32> to vector<1x1x16xf32>
        tpu.vector_store %arg8[%swap3A_367, %swap3A_368, %swap3A_369], %swap3A_372 {strides = array<i32>} : memref<3x128x128xf32, #tpu.memory_space<vmem>>, vector<1x1x16xf32>,
        %get3A_373 = arith.index_cast %select_n3A_219 : i32 to index
        %get3A_374 = arith.index_cast %add3A_321 : i32 to index
        %get3A_375 = arith.constant 64 : index
        %get3A_376 = tpu.vector_load %arg8[%get3A_373, %get3A_374, %get3A_375] {strides = array<i32>} : memref<3x128x128xf32, #tpu.memory_space<vmem>>, vector<1x1x16xf32>,
        %get3A_377 = vector.shape_cast %get3A_376 : vector<1x1x16xf32> to vector<16xf32>
        %mul3A_378 = vector.broadcast %squeeze3A : f32 to vector<16xf32>
        %mul3A_379 = arith.mulf %get3A_377, %mul3A_378 : vector<16xf32>
        %swap3A_380 = arith.index_cast %select_n3A_219 : i32 to index
        %swap3A_381 = arith.index_cast %add3A_321 : i32 to index
        %swap3A_382 = arith.constant 64 : index
        %swap3A_383 = tpu.vector_load %arg8[%swap3A_380, %swap3A_381, %swap3A_382] {strides = array<i32>} : memref<3x128x128xf32, #tpu.memory_space<vmem>>, vector<1x1x16xf32>,
        %swap3A_384 = vector.shape_cast %swap3A_383 : vector<1x1x16xf32> to vector<16xf32>
        %swap3A_385 = vector.shape_cast %mul3A_379 : vector<16xf32> to vector<1x1x16xf32>
        tpu.vector_store %arg8[%swap3A_380, %swap3A_381, %swap3A_382], %swap3A_385 {strides = array<i32>} : memref<3x128x128xf32, #tpu.memory_space<vmem>>, vector<1x1x16xf32>,
        %get3A_386 = arith.index_cast %select_n3A_219 : i32 to index
        %get3A_387 = arith.index_cast %add3A_321 : i32 to index
        %get3A_388 = arith.constant 80 : index
        %get3A_389 = tpu.vector_load %arg8[%get3A_386, %get3A_387, %get3A_388] {strides = array<i32>} : memref<3x128x128xf32, #tpu.memory_space<vmem>>, vector<1x1x16xf32>,
        %get3A_390 = vector.shape_cast %get3A_389 : vector<1x1x16xf32> to vector<16xf32>
        %mul3A_391 = vector.broadcast %squeeze3A : f32 to vector<16xf32>
        %mul3A_392 = arith.mulf %get3A_390, %mul3A_391 : vector<16xf32>
        %swap3A_393 = arith.index_cast %select_n3A_219 : i32 to index
        %swap3A_394 = arith.index_cast %add3A_321 : i32 to index
        %swap3A_395 = arith.constant 80 : index
        %swap3A_396 = tpu.vector_load %arg8[%swap3A_393, %swap3A_394, %swap3A_395] {strides = array<i32>} : memref<3x128x128xf32, #tpu.memory_space<vmem>>, vector<1x1x16xf32>,
        %swap3A_397 = vector.shape_cast %swap3A_396 : vector<1x1x16xf32> to vector<16xf32>
        %swap3A_398 = vector.shape_cast %mul3A_392 : vector<16xf32> to vector<1x1x16xf32>
        tpu.vector_store %arg8[%swap3A_393, %swap3A_394, %swap3A_395], %swap3A_398 {strides = array<i32>} : memref<3x128x128xf32, #tpu.memory_space<vmem>>, vector<1x1x16xf32>,
        %get3A_399 = arith.index_cast %select_n3A_219 : i32 to index
        %get3A_400 = arith.index_cast %add3A_321 : i32 to index
        %get3A_401 = arith.constant 96 : index
        %get3A_402 = tpu.vector_load %arg8[%get3A_399, %get3A_400, %get3A_401] {strides = array<i32>} : memref<3x128x128xf32, #tpu.memory_space<vmem>>, vector<1x1x16xf32>,
        %get3A_403 = vector.shape_cast %get3A_402 : vector<1x1x16xf32> to vector<16xf32>
        %mul3A_404 = vector.broadcast %squeeze3A : f32 to vector<16xf32>
        %mul3A_405 = arith.mulf %get3A_403, %mul3A_404 : vector<16xf32>
        %swap3A_406 = arith.index_cast %select_n3A_219 : i32 to index
        %swap3A_407 = arith.index_cast %add3A_321 : i32 to index
        %swap3A_408 = arith.constant 96 : index
        %swap3A_409 = tpu.vector_load %arg8[%swap3A_406, %swap3A_407, %swap3A_408] {strides = array<i32>} : memref<3x128x128xf32, #tpu.memory_space<vmem>>, vector<1x1x16xf32>,
        %swap3A_410 = vector.shape_cast %swap3A_409 : vector<1x1x16xf32> to vector<16xf32>
        %swap3A_411 = vector.shape_cast %mul3A_405 : vector<16xf32> to vector<1x1x16xf32>
        tpu.vector_store %arg8[%swap3A_406, %swap3A_407, %swap3A_408], %swap3A_411 {strides = array<i32>} : memref<3x128x128xf32, #tpu.memory_space<vmem>>, vector<1x1x16xf32>,
        %get3A_412 = arith.index_cast %select_n3A_219 : i32 to index
        %get3A_413 = arith.index_cast %add3A_321 : i32 to index
        %get3A_414 = arith.constant 112 : index
        %get3A_415 = tpu.vector_load %arg8[%get3A_412, %get3A_413, %get3A_414] {strides = array<i32>} : memref<3x128x128xf32, #tpu.memory_space<vmem>>, vector<1x1x16xf32>,
        %get3A_416 = vector.shape_cast %get3A_415 : vector<1x1x16xf32> to vector<16xf32>
        %mul3A_417 = vector.broadcast %squeeze3A : f32 to vector<16xf32>
        %mul3A_418 = arith.mulf %get3A_416, %mul3A_417 : vector<16xf32>
        %swap3A_419 = arith.index_cast %select_n3A_219 : i32 to index
        %swap3A_420 = arith.index_cast %add3A_321 : i32 to index
        %swap3A_421 = arith.constant 112 : index
        %swap3A_422 = tpu.vector_load %arg8[%swap3A_419, %swap3A_420, %swap3A_421] {strides = array<i32>} : memref<3x128x128xf32, #tpu.memory_space<vmem>>, vector<1x1x16xf32>,
        %swap3A_423 = vector.shape_cast %swap3A_422 : vector<1x1x16xf32> to vector<16xf32>
        %swap3A_424 = vector.shape_cast %mul3A_418 : vector<16xf32> to vector<1x1x16xf32>
        tpu.vector_store %arg8[%swap3A_419, %swap3A_420, %swap3A_421], %swap3A_424 {strides = array<i32>} : memref<3x128x128xf32, #tpu.memory_space<vmem>>, vector<1x1x16xf32>,
        %mul3A_425 = arith.constant 16 : i32
        %mul3A_426 = arith.muli %scan3A_296, %mul3A_425 : i32
        %add3A_427 = arith.constant 1 : i32
        %add3A_428 = arith.addi %mul3A_426, %add3A_427 : i32
        %slice3A_429 = vector.extract_strided_slice %get3A_317 {offsets = [1], sizes = [1], strides = [1]} : vector<16xf32> to vector<1xf32>
        %squeeze3A_430 = vector.extract %slice3A_429[0] : f32 from vector<1xf32>
        %get3A_431 = arith.index_cast %select_n3A_219 : i32 to index
        %get3A_432 = arith.index_cast %add3A_428 : i32 to index
        %get3A_433 = arith.constant 0 : index
        %get3A_434 = tpu.vector_load %arg8[%get3A_431, %get3A_432, %get3A_433] {strides = array<i32>} : memref<3x128x128xf32, #tpu.memory_space<vmem>>, vector<1x1x16xf32>,
        %get3A_435 = vector.shape_cast %get3A_434 : vector<1x1x16xf32> to vector<16xf32>
        %mul3A_436 = vector.broadcast %squeeze3A_430 : f32 to vector<16xf32>
        %mul3A_437 = arith.mulf %get3A_435, %mul3A_436 : vector<16xf32>
        %swap3A_438 = arith.index_cast %select_n3A_219 : i32 to index
        %swap3A_439 = arith.index_cast %add3A_428 : i32 to index
        %swap3A_440 = arith.constant 0 : index
        %swap3A_441 = tpu.vector_load %arg8[%swap3A_438, %swap3A_439, %swap3A_440] {strides = array<i32>} : memref<3x128x128xf32, #tpu.memory_space<vmem>>, vector<1x1x16xf32>,
        %swap3A_442 = vector.shape_cast %swap3A_441 : vector<1x1x16xf32> to vector<16xf32>
        %swap3A_443 = vector.shape_cast %mul3A_437 : vector<16xf32> to vector<1x1x16xf32>
        tpu.vector_store %arg8[%swap3A_438, %swap3A_439, %swap3A_440], %swap3A_443 {strides = array<i32>} : memref<3x128x128xf32, #tpu.memory_space<vmem>>, vector<1x1x16xf32>,
        %get3A_444 = arith.index_cast %select_n3A_219 : i32 to index
        %get3A_445 = arith.index_cast %add3A_428 : i32 to index
        %get3A_446 = arith.constant 16 : index
        %get3A_447 = tpu.vector_load %arg8[%get3A_444, %get3A_445, %get3A_446] {strides = array<i32>} : memref<3x128x128xf32, #tpu.memory_space<vmem>>, vector<1x1x16xf32>,
        %get3A_448 = vector.shape_cast %get3A_447 : vector<1x1x16xf32> to vector<16xf32>
        %mul3A_449 = vector.broadcast %squeeze3A_430 : f32 to vector<16xf32>
        %mul3A_450 = arith.mulf %get3A_448, %mul3A_449 : vector<16xf32>
        %swap3A_451 = arith.index_cast %select_n3A_219 : i32 to index
        %swap3A_452 = arith.index_cast %add3A_428 : i32 to index
        %swap3A_453 = arith.constant 16 : index
        %swap3A_454 = tpu.vector_load %arg8[%swap3A_451, %swap3A_452, %swap3A_453] {strides = array<i32>} : memref<3x128x128xf32, #tpu.memory_space<vmem>>, vector<1x1x16xf32>,
        %swap3A_455 = vector.shape_cast %swap3A_454 : vector<1x1x16xf32> to vector<16xf32>
        %swap3A_456 = vector.shape_cast %mul3A_450 : vector<16xf32> to vector<1x1x16xf32>
        tpu.vector_store %arg8[%swap3A_451, %swap3A_452, %swap3A_453], %swap3A_456 {strides = array<i32>} : memref<3x128x128xf32, #tpu.memory_space<vmem>>, vector<1x1x16xf32>,
        %get3A_457 = arith.index_cast %select_n3A_219 : i32 to index
        %get3A_458 = arith.index_cast %add3A_428 : i32 to index
        %get3A_459 = arith.constant 32 : index
        %get3A_460 = tpu.vector_load %arg8[%get3A_457, %get3A_458, %get3A_459] {strides = array<i32>} : memref<3x128x128xf32, #tpu.memory_space<vmem>>, vector<1x1x16xf32>,
        %get3A_461 = vector.shape_cast %get3A_460 : vector<1x1x16xf32> to vector<16xf32>
        %mul3A_462 = vector.broadcast %squeeze3A_430 : f32 to vector<16xf32>
        %mul3A_463 = arith.mulf %get3A_461, %mul3A_462 : vector<16xf32>
        %swap3A_464 = arith.index_cast %select_n3A_219 : i32 to index
        %swap3A_465 = arith.index_cast %add3A_428 : i32 to index
        %swap3A_466 = arith.constant 32 : index
        %swap3A_467 = tpu.vector_load %arg8[%swap3A_464, %swap3A_465, %swap3A_466] {strides = array<i32>} : memref<3x128x128xf32, #tpu.memory_space<vmem>>, vector<1x1x16xf32>,
        %swap3A_468 = vector.shape_cast %swap3A_467 : vector<1x1x16xf32> to vector<16xf32>
        %swap3A_469 = vector.shape_cast %mul3A_463 : vector<16xf32> to vector<1x1x16xf32>
        tpu.vector_store %arg8[%swap3A_464, %swap3A_465, %swap3A_466], %swap3A_469 {strides = array<i32>} : memref<3x128x128xf32, #tpu.memory_space<vmem>>, vector<1x1x16xf32>,
        %get3A_470 = arith.index_cast %select_n3A_219 : i32 to index
        %get3A_471 = arith.index_cast %add3A_428 : i32 to index
        %get3A_472 = arith.constant 48 : index
        %get3A_473 = tpu.vector_load %arg8[%get3A_470, %get3A_471, %get3A_472] {strides = array<i32>} : memref<3x128x128xf32, #tpu.memory_space<vmem>>, vector<1x1x16xf32>,
        %get3A_474 = vector.shape_cast %get3A_473 : vector<1x1x16xf32> to vector<16xf32>
        %mul3A_475 = vector.broadcast %squeeze3A_430 : f32 to vector<16xf32>
        %mul3A_476 = arith.mulf %get3A_474, %mul3A_475 : vector<16xf32>
        %swap3A_477 = arith.index_cast %select_n3A_219 : i32 to index
        %swap3A_478 = arith.index_cast %add3A_428 : i32 to index
        %swap3A_479 = arith.constant 48 : index
        %swap3A_480 = tpu.vector_load %arg8[%swap3A_477, %swap3A_478, %swap3A_479] {strides = array<i32>} : memref<3x128x128xf32, #tpu.memory_space<vmem>>, vector<1x1x16xf32>,
        %swap3A_481 = vector.shape_cast %swap3A_480 : vector<1x1x16xf32> to vector<16xf32>
        %swap3A_482 = vector.shape_cast %mul3A_476 : vector<16xf32> to vector<1x1x16xf32>
        tpu.vector_store %arg8[%swap3A_477, %swap3A_478, %swap3A_479], %swap3A_482 {strides = array<i32>} : memref<3x128x128xf32, #tpu.memory_space<vmem>>, vector<1x1x16xf32>,
        %get3A_483 = arith.index_cast %select_n3A_219 : i32 to index
        %get3A_484 = arith.index_cast %add3A_428 : i32 to index
        %get3A_485 = arith.constant 64 : index
        %get3A_486 = tpu.vector_load %arg8[%get3A_483, %get3A_484, %get3A_485] {strides = array<i32>} : memref<3x128x128xf32, #tpu.memory_space<vmem>>, vector<1x1x16xf32>,
        %get3A_487 = vector.shape_cast %get3A_486 : vector<1x1x16xf32> to vector<16xf32>
        %mul3A_488 = vector.broadcast %squeeze3A_430 : f32 to vector<16xf32>
        %mul3A_489 = arith.mulf %get3A_487, %mul3A_488 : vector<16xf32>
        %swap3A_490 = arith.index_cast %select_n3A_219 : i32 to index
        %swap3A_491 = arith.index_cast %add3A_428 : i32 to index
        %swap3A_492 = arith.constant 64 : index
        %swap3A_493 = tpu.vector_load %arg8[%swap3A_490, %swap3A_491, %swap3A_492] {strides = array<i32>} : memref<3x128x128xf32, #tpu.memory_space<vmem>>, vector<1x1x16xf32>,
        %swap3A_494 = vector.shape_cast %swap3A_493 : vector<1x1x16xf32> to vector<16xf32>
        %swap3A_495 = vector.shape_cast %mul3A_489 : vector<16xf32> to vector<1x1x16xf32>
        tpu.vector_store %arg8[%swap3A_490, %swap3A_491, %swap3A_492], %swap3A_495 {strides = array<i32>} : memref<3x128x128xf32, #tpu.memory_space<vmem>>, vector<1x1x16xf32>,
        %get3A_496 = arith.index_cast %select_n3A_219 : i32 to index
        %get3A_497 = arith.index_cast %add3A_428 : i32 to index
        %get3A_498 = arith.constant 80 : index
        %get3A_499 = tpu.vector_load %arg8[%get3A_496, %get3A_497, %get3A_498] {strides = array<i32>} : memref<3x128x128xf32, #tpu.memory_space<vmem>>, vector<1x1x16xf32>,
        %get3A_500 = vector.shape_cast %get3A_499 : vector<1x1x16xf32> to vector<16xf32>
        %mul3A_501 = vector.broadcast %squeeze3A_430 : f32 to vector<16xf32>
        %mul3A_502 = arith.mulf %get3A_500, %mul3A_501 : vector<16xf32>
        %swap3A_503 = arith.index_cast %select_n3A_219 : i32 to index
        %swap3A_504 = arith.index_cast %add3A_428 : i32 to index
        %swap3A_505 = arith.constant 80 : index
        %swap3A_506 = tpu.vector_load %arg8[%swap3A_503, %swap3A_504, %swap3A_505] {strides = array<i32>} : memref<3x128x128xf32, #tpu.memory_space<vmem>>, vector<1x1x16xf32>,
        %swap3A_507 = vector.shape_cast %swap3A_506 : vector<1x1x16xf32> to vector<16xf32>
        %swap3A_508 = vector.shape_cast %mul3A_502 : vector<16xf32> to vector<1x1x16xf32>
        tpu.vector_store %arg8[%swap3A_503, %swap3A_504, %swap3A_505], %swap3A_508 {strides = array<i32>} : memref<3x128x128xf32, #tpu.memory_space<vmem>>, vector<1x1x16xf32>,
        %get3A_509 = arith.index_cast %select_n3A_219 : i32 to index
        %get3A_510 = arith.index_cast %add3A_428 : i32 to index
        %get3A_511 = arith.constant 96 : index
        %get3A_512 = tpu.vector_load %arg8[%get3A_509, %get3A_510, %get3A_511] {strides = array<i32>} : memref<3x128x128xf32, #tpu.memory_space<vmem>>, vector<1x1x16xf32>,
        %get3A_513 = vector.shape_cast %get3A_512 : vector<1x1x16xf32> to vector<16xf32>
        %mul3A_514 = vector.broadcast %squeeze3A_430 : f32 to vector<16xf32>
        %mul3A_515 = arith.mulf %get3A_513, %mul3A_514 : vector<16xf32>
        %swap3A_516 = arith.index_cast %select_n3A_219 : i32 to index
        %swap3A_517 = arith.index_cast %add3A_428 : i32 to index
        %swap3A_518 = arith.constant 96 : index
        %swap3A_519 = tpu.vector_load %arg8[%swap3A_516, %swap3A_517, %swap3A_518] {strides = array<i32>} : memref<3x128x128xf32, #tpu.memory_space<vmem>>, vector<1x1x16xf32>,
        %swap3A_520 = vector.shape_cast %swap3A_519 : vector<1x1x16xf32> to vector<16xf32>
        %swap3A_521 = vector.shape_cast %mul3A_515 : vector<16xf32> to vector<1x1x16xf32>
        tpu.vector_store %arg8[%swap3A_516, %swap3A_517, %swap3A_518], %swap3A_521 {strides = array<i32>} : memref<3x128x128xf32, #tpu.memory_space<vmem>>, vector<1x1x16xf32>,
        %get3A_522 = arith.index_cast %select_n3A_219 : i32 to index
        %get3A_523 = arith.index_cast %add3A_428 : i32 to index
        %get3A_524 = arith.constant 112 : index
        %get3A_525 = tpu.vector_load %arg8[%get3A_522, %get3A_523, %get3A_524] {strides = array<i32>} : memref<3x128x128xf32, #tpu.memory_space<vmem>>, vector<1x1x16xf32>,
        %get3A_526 = vector.shape_cast %get3A_525 : vector<1x1x16xf32> to vector<16xf32>
        %mul3A_527 = vector.broadcast %squeeze3A_430 : f32 to vector<16xf32>
        %mul3A_528 = arith.mulf %get3A_526, %mul3A_527 : vector<16xf32>
        %swap3A_529 = arith.index_cast %select_n3A_219 : i32 to index
        %swap3A_530 = arith.index_cast %add3A_428 : i32 to index
        %swap3A_531 = arith.constant 112 : index
        %swap3A_532 = tpu.vector_load %arg8[%swap3A_529, %swap3A_530, %swap3A_531] {strides = array<i32>} : memref<3x128x128xf32, #tpu.memory_space<vmem>>, vector<1x1x16xf32>,
        %swap3A_533 = vector.shape_cast %swap3A_532 : vector<1x1x16xf32> to vector<16xf32>
        %swap3A_534 = vector.shape_cast %mul3A_528 : vector<16xf32> to vector<1x1x16xf32>
        tpu.vector_store %arg8[%swap3A_529, %swap3A_530, %swap3A_531], %swap3A_534 {strides = array<i32>} : memref<3x128x128xf32, #tpu.memory_space<vmem>>, vector<1x1x16xf32>,
        %mul3A_535 = arith.constant 16 : i32
        %mul3A_536 = arith.muli %scan3A_296, %mul3A_535 : i32
        %add3A_537 = arith.constant 2 : i32
        %add3A_538 = arith.addi %mul3A_536, %add3A_537 : i32
        %slice3A_539 = vector.extract_strided_slice %get3A_317 {offsets = [2], sizes = [1], strides = [1]} : vector<16xf32> to vector<1xf32>
        %squeeze3A_540 = vector.extract %slice3A_539[0] : f32 from vector<1xf32>
        %get3A_541 = arith.index_cast %select_n3A_219 : i32 to index
        %get3A_542 = arith.index_cast %add3A_538 : i32 to index
        %get3A_543 = arith.constant 0 : index
        %get3A_544 = tpu.vector_load %arg8[%get3A_541, %get3A_542, %get3A_543] {strides = array<i32>} : memref<3x128x128xf32, #tpu.memory_space<vmem>>, vector<1x1x16xf32>,
        %get3A_545 = vector.shape_cast %get3A_544 : vector<1x1x16xf32> to vector<16xf32>
        %mul3A_546 = vector.broadcast %squeeze3A_540 : f32 to vector<16xf32>
        %mul3A_547 = arith.mulf %get3A_545, %mul3A_546 : vector<16xf32>
        %swap3A_548 = arith.index_cast %select_n3A_219 : i32 to index
        %swap3A_549 = arith.index_cast %add3A_538 : i32 to index
        %swap3A_550 = arith.constant 0 : index
        %swap3A_551 = tpu.vector_load %arg8[%swap3A_548, %swap3A_549, %swap3A_550] {strides = array<i32>} : memref<3x128x128xf32, #tpu.memory_space<vmem>>, vector<1x1x16xf32>,
        %swap3A_552 = vector.shape_cast %swap3A_551 : vector<1x1x16xf32> to vector<16xf32>
        %swap3A_553 = vector.shape_cast %mul3A_547 : vector<16xf32> to vector<1x1x16xf32>
        tpu.vector_store %arg8[%swap3A_548, %swap3A_549, %swap3A_550], %swap3A_553 {strides = array<i32>} : memref<3x128x128xf32, #tpu.memory_space<vmem>>, vector<1x1x16xf32>,
        %get3A_554 = arith.index_cast %select_n3A_219 : i32 to index
        %get3A_555 = arith.index_cast %add3A_538 : i32 to index
        %get3A_556 = arith.constant 16 : index
        %get3A_557 = tpu.vector_load %arg8[%get3A_554, %get3A_555, %get3A_556] {strides = array<i32>} : memref<3x128x128xf32, #tpu.memory_space<vmem>>, vector<1x1x16xf32>,
        %get3A_558 = vector.shape_cast %get3A_557 : vector<1x1x16xf32> to vector<16xf32>
        %mul3A_559 = vector.broadcast %squeeze3A_540 : f32 to vector<16xf32>
        %mul3A_560 = arith.mulf %get3A_558, %mul3A_559 : vector<16xf32>
        %swap3A_561 = arith.index_cast %select_n3A_219 : i32 to index
        %swap3A_562 = arith.index_cast %add3A_538 : i32 to index
        %swap3A_563 = arith.constant 16 : index
        %swap3A_564 = tpu.vector_load %arg8[%swap3A_561, %swap3A_562, %swap3A_563] {strides = array<i32>} : memref<3x128x128xf32, #tpu.memory_space<vmem>>, vector<1x1x16xf32>,
        %swap3A_565 = vector.shape_cast %swap3A_564 : vector<1x1x16xf32> to vector<16xf32>
        %swap3A_566 = vector.shape_cast %mul3A_560 : vector<16xf32> to vector<1x1x16xf32>
        tpu.vector_store %arg8[%swap3A_561, %swap3A_562, %swap3A_563], %swap3A_566 {strides = array<i32>} : memref<3x128x128xf32, #tpu.memory_space<vmem>>, vector<1x1x16xf32>,
        %get3A_567 = arith.index_cast %select_n3A_219 : i32 to index
        %get3A_568 = arith.index_cast %add3A_538 : i32 to index
        %get3A_569 = arith.constant 32 : index
        %get3A_570 = tpu.vector_load %arg8[%get3A_567, %get3A_568, %get3A_569] {strides = array<i32>} : memref<3x128x128xf32, #tpu.memory_space<vmem>>, vector<1x1x16xf32>,
        %get3A_571 = vector.shape_cast %get3A_570 : vector<1x1x16xf32> to vector<16xf32>
        %mul3A_572 = vector.broadcast %squeeze3A_540 : f32 to vector<16xf32>
        %mul3A_573 = arith.mulf %get3A_571, %mul3A_572 : vector<16xf32>
        %swap3A_574 = arith.index_cast %select_n3A_219 : i32 to index
        %swap3A_575 = arith.index_cast %add3A_538 : i32 to index
        %swap3A_576 = arith.constant 32 : index
        %swap3A_577 = tpu.vector_load %arg8[%swap3A_574, %swap3A_575, %swap3A_576] {strides = array<i32>} : memref<3x128x128xf32, #tpu.memory_space<vmem>>, vector<1x1x16xf32>,
        %swap3A_578 = vector.shape_cast %swap3A_577 : vector<1x1x16xf32> to vector<16xf32>
        %swap3A_579 = vector.shape_cast %mul3A_573 : vector<16xf32> to vector<1x1x16xf32>
        tpu.vector_store %arg8[%swap3A_574, %swap3A_575, %swap3A_576], %swap3A_579 {strides = array<i32>} : memref<3x128x128xf32, #tpu.memory_space<vmem>>, vector<1x1x16xf32>,
        %get3A_580 = arith.index_cast %select_n3A_219 : i32 to index
        %get3A_581 = arith.index_cast %add3A_538 : i32 to index
        %get3A_582 = arith.constant 48 : index
        %get3A_583 = tpu.vector_load %arg8[%get3A_580, %get3A_581, %get3A_582] {strides = array<i32>} : memref<3x128x128xf32, #tpu.memory_space<vmem>>, vector<1x1x16xf32>,
        %get3A_584 = vector.shape_cast %get3A_583 : vector<1x1x16xf32> to vector<16xf32>
        %mul3A_585 = vector.broadcast %squeeze3A_540 : f32 to vector<16xf32>
        %mul3A_586 = arith.mulf %get3A_584, %mul3A_585 : vector<16xf32>
        %swap3A_587 = arith.index_cast %select_n3A_219 : i32 to index
        %swap3A_588 = arith.index_cast %add3A_538 : i32 to index
        %swap3A_589 = arith.constant 48 : index
        %swap3A_590 = tpu.vector_load %arg8[%swap3A_587, %swap3A_588, %swap3A_589] {strides = array<i32>} : memref<3x128x128xf32, #tpu.memory_space<vmem>>, vector<1x1x16xf32>,
        %swap3A_591 = vector.shape_cast %swap3A_590 : vector<1x1x16xf32> to vector<16xf32>
        %swap3A_592 = vector.shape_cast %mul3A_586 : vector<16xf32> to vector<1x1x16xf32>
        tpu.vector_store %arg8[%swap3A_587, %swap3A_588, %swap3A_589], %swap3A_592 {strides = array<i32>} : memref<3x128x128xf32, #tpu.memory_space<vmem>>, vector<1x1x16xf32>,
        %get3A_593 = arith.index_cast %select_n3A_219 : i32 to index
        %get3A_594 = arith.index_cast %add3A_538 : i32 to index
        %get3A_595 = arith.constant 64 : index
        %get3A_596 = tpu.vector_load %arg8[%get3A_593, %get3A_594, %get3A_595] {strides = array<i32>} : memref<3x128x128xf32, #tpu.memory_space<vmem>>, vector<1x1x16xf32>,
        %get3A_597 = vector.shape_cast %get3A_596 : vector<1x1x16xf32> to vector<16xf32>
        %mul3A_598 = vector.broadcast %squeeze3A_540 : f32 to vector<16xf32>
        %mul3A_599 = arith.mulf %get3A_597, %mul3A_598 : vector<16xf32>
        %swap3A_600 = arith.index_cast %select_n3A_219 : i32 to index
        %swap3A_601 = arith.index_cast %add3A_538 : i32 to index
        %swap3A_602 = arith.constant 64 : index
        %swap3A_603 = tpu.vector_load %arg8[%swap3A_600, %swap3A_601, %swap3A_602] {strides = array<i32>} : memref<3x128x128xf32, #tpu.memory_space<vmem>>, vector<1x1x16xf32>,
        %swap3A_604 = vector.shape_cast %swap3A_603 : vector<1x1x16xf32> to vector<16xf32>
        %swap3A_605 = vector.shape_cast %mul3A_599 : vector<16xf32> to vector<1x1x16xf32>
        tpu.vector_store %arg8[%swap3A_600, %swap3A_601, %swap3A_602], %swap3A_605 {strides = array<i32>} : memref<3x128x128xf32, #tpu.memory_space<vmem>>, vector<1x1x16xf32>,
        %get3A_606 = arith.index_cast %select_n3A_219 : i32 to index
        %get3A_607 = arith.index_cast %add3A_538 : i32 to index
        %get3A_608 = arith.constant 80 : index
        %get3A_609 = tpu.vector_load %arg8[%get3A_606, %get3A_607, %get3A_608] {strides = array<i32>} : memref<3x128x128xf32, #tpu.memory_space<vmem>>, vector<1x1x16xf32>,
        %get3A_610 = vector.shape_cast %get3A_609 : vector<1x1x16xf32> to vector<16xf32>
        %mul3A_611 = vector.broadcast %squeeze3A_540 : f32 to vector<16xf32>
        %mul3A_612 = arith.mulf %get3A_610, %mul3A_611 : vector<16xf32>
        %swap3A_613 = arith.index_cast %select_n3A_219 : i32 to index
        %swap3A_614 = arith.index_cast %add3A_538 : i32 to index
        %swap3A_615 = arith.constant 80 : index
        %swap3A_616 = tpu.vector_load %arg8[%swap3A_613, %swap3A_614, %swap3A_615] {strides = array<i32>} : memref<3x128x128xf32, #tpu.memory_space<vmem>>, vector<1x1x16xf32>,
        %swap3A_617 = vector.shape_cast %swap3A_616 : vector<1x1x16xf32> to vector<16xf32>
        %swap3A_618 = vector.shape_cast %mul3A_612 : vector<16xf32> to vector<1x1x16xf32>
        tpu.vector_store %arg8[%swap3A_613, %swap3A_614, %swap3A_615], %swap3A_618 {strides = array<i32>} : memref<3x128x128xf32, #tpu.memory_space<vmem>>, vector<1x1x16xf32>,
        %get3A_619 = arith.index_cast %select_n3A_219 : i32 to index
        %get3A_620 = arith.index_cast %add3A_538 : i32 to index
        %get3A_621 = arith.constant 96 : index
        %get3A_622 = tpu.vector_load %arg8[%get3A_619, %get3A_620, %get3A_621] {strides = array<i32>} : memref<3x128x128xf32, #tpu.memory_space<vmem>>, vector<1x1x16xf32>,
        %get3A_623 = vector.shape_cast %get3A_622 : vector<1x1x16xf32> to vector<16xf32>
        %mul3A_624 = vector.broadcast %squeeze3A_540 : f32 to vector<16xf32>
        %mul3A_625 = arith.mulf %get3A_623, %mul3A_624 : vector<16xf32>
        %swap3A_626 = arith.index_cast %select_n3A_219 : i32 to index
        %swap3A_627 = arith.index_cast %add3A_538 : i32 to index
        %swap3A_628 = arith.constant 96 : index
        %swap3A_629 = tpu.vector_load %arg8[%swap3A_626, %swap3A_627, %swap3A_628] {strides = array<i32>} : memref<3x128x128xf32, #tpu.memory_space<vmem>>, vector<1x1x16xf32>,
        %swap3A_630 = vector.shape_cast %swap3A_629 : vector<1x1x16xf32> to vector<16xf32>
        %swap3A_631 = vector.shape_cast %mul3A_625 : vector<16xf32> to vector<1x1x16xf32>
        tpu.vector_store %arg8[%swap3A_626, %swap3A_627, %swap3A_628], %swap3A_631 {strides = array<i32>} : memref<3x128x128xf32, #tpu.memory_space<vmem>>, vector<1x1x16xf32>,
        %get3A_632 = arith.index_cast %select_n3A_219 : i32 to index
        %get3A_633 = arith.index_cast %add3A_538 : i32 to index
        %get3A_634 = arith.constant 112 : index
        %get3A_635 = tpu.vector_load %arg8[%get3A_632, %get3A_633, %get3A_634] {strides = array<i32>} : memref<3x128x128xf32, #tpu.memory_space<vmem>>, vector<1x1x16xf32>,
        %get3A_636 = vector.shape_cast %get3A_635 : vector<1x1x16xf32> to vector<16xf32>
        %mul3A_637 = vector.broadcast %squeeze3A_540 : f32 to vector<16xf32>
        %mul3A_638 = arith.mulf %get3A_636, %mul3A_637 : vector<16xf32>
        %swap3A_639 = arith.index_cast %select_n3A_219 : i32 to index
        %swap3A_640 = arith.index_cast %add3A_538 : i32 to index
        %swap3A_641 = arith.constant 112 : index
        %swap3A_642 = tpu.vector_load %arg8[%swap3A_639, %swap3A_640, %swap3A_641] {strides = array<i32>} : memref<3x128x128xf32, #tpu.memory_space<vmem>>, vector<1x1x16xf32>,
        %swap3A_643 = vector.shape_cast %swap3A_642 : vector<1x1x16xf32> to vector<16xf32>
        %swap3A_644 = vector.shape_cast %mul3A_638 : vector<16xf32> to vector<1x1x16xf32>
        tpu.vector_store %arg8[%swap3A_639, %swap3A_640, %swap3A_641], %swap3A_644 {strides = array<i32>} : memref<3x128x128xf32, #tpu.memory_space<vmem>>, vector<1x1x16xf32>,
        %mul3A_645 = arith.constant 16 : i32
        %mul3A_646 = arith.muli %scan3A_296, %mul3A_645 : i32
        %add3A_647 = arith.constant 3 : i32
        %add3A_648 = arith.addi %mul3A_646, %add3A_647 : i32
        %slice3A_649 = vector.extract_strided_slice %get3A_317 {offsets = [3], sizes = [1], strides = [1]} : vector<16xf32> to vector<1xf32>
        %squeeze3A_650 = vector.extract %slice3A_649[0] : f32 from vector<1xf32>
        %get3A_651 = arith.index_cast %select_n3A_219 : i32 to index
        %get3A_652 = arith.index_cast %add3A_648 : i32 to index
        %get3A_653 = arith.constant 0 : index
        %get3A_654 = tpu.vector_load %arg8[%get3A_651, %get3A_652, %get3A_653] {strides = array<i32>} : memref<3x128x128xf32, #tpu.memory_space<vmem>>, vector<1x1x16xf32>,
        %get3A_655 = vector.shape_cast %get3A_654 : vector<1x1x16xf32> to vector<16xf32>
        %mul3A_656 = vector.broadcast %squeeze3A_650 : f32 to vector<16xf32>
        %mul3A_657 = arith.mulf %get3A_655, %mul3A_656 : vector<16xf32>
        %swap3A_658 = arith.index_cast %select_n3A_219 : i32 to index
        %swap3A_659 = arith.index_cast %add3A_648 : i32 to index
        %swap3A_660 = arith.constant 0 : index
        %swap3A_661 = tpu.vector_load %arg8[%swap3A_658, %swap3A_659, %swap3A_660] {strides = array<i32>} : memref<3x128x128xf32, #tpu.memory_space<vmem>>, vector<1x1x16xf32>,
        %swap3A_662 = vector.shape_cast %swap3A_661 : vector<1x1x16xf32> to vector<16xf32>
        %swap3A_663 = vector.shape_cast %mul3A_657 : vector<16xf32> to vector<1x1x16xf32>
        tpu.vector_store %arg8[%swap3A_658, %swap3A_659, %swap3A_660], %swap3A_663 {strides = array<i32>} : memref<3x128x128xf32, #tpu.memory_space<vmem>>, vector<1x1x16xf32>,
        %get3A_664 = arith.index_cast %select_n3A_219 : i32 to index
        %get3A_665 = arith.index_cast %add3A_648 : i32 to index
        %get3A_666 = arith.constant 16 : index
        %get3A_667 = tpu.vector_load %arg8[%get3A_664, %get3A_665, %get3A_666] {strides = array<i32>} : memref<3x128x128xf32, #tpu.memory_space<vmem>>, vector<1x1x16xf32>,
        %get3A_668 = vector.shape_cast %get3A_667 : vector<1x1x16xf32> to vector<16xf32>
        %mul3A_669 = vector.broadcast %squeeze3A_650 : f32 to vector<16xf32>
        %mul3A_670 = arith.mulf %get3A_668, %mul3A_669 : vector<16xf32>
        %swap3A_671 = arith.index_cast %select_n3A_219 : i32 to index
        %swap3A_672 = arith.index_cast %add3A_648 : i32 to index
        %swap3A_673 = arith.constant 16 : index
        %swap3A_674 = tpu.vector_load %arg8[%swap3A_671, %swap3A_672, %swap3A_673] {strides = array<i32>} : memref<3x128x128xf32, #tpu.memory_space<vmem>>, vector<1x1x16xf32>,
        %swap3A_675 = vector.shape_cast %swap3A_674 : vector<1x1x16xf32> to vector<16xf32>
        %swap3A_676 = vector.shape_cast %mul3A_670 : vector<16xf32> to vector<1x1x16xf32>
        tpu.vector_store %arg8[%swap3A_671, %swap3A_672, %swap3A_673], %swap3A_676 {strides = array<i32>} : memref<3x128x128xf32, #tpu.memory_space<vmem>>, vector<1x1x16xf32>,
        %get3A_677 = arith.index_cast %select_n3A_219 : i32 to index
        %get3A_678 = arith.index_cast %add3A_648 : i32 to index
        %get3A_679 = arith.constant 32 : index
        %get3A_680 = tpu.vector_load %arg8[%get3A_677, %get3A_678, %get3A_679] {strides = array<i32>} : memref<3x128x128xf32, #tpu.memory_space<vmem>>, vector<1x1x16xf32>,
        %get3A_681 = vector.shape_cast %get3A_680 : vector<1x1x16xf32> to vector<16xf32>
        %mul3A_682 = vector.broadcast %squeeze3A_650 : f32 to vector<16xf32>
        %mul3A_683 = arith.mulf %get3A_681, %mul3A_682 : vector<16xf32>
        %swap3A_684 = arith.index_cast %select_n3A_219 : i32 to index
        %swap3A_685 = arith.index_cast %add3A_648 : i32 to index
        %swap3A_686 = arith.constant 32 : index
        %swap3A_687 = tpu.vector_load %arg8[%swap3A_684, %swap3A_685, %swap3A_686] {strides = array<i32>} : memref<3x128x128xf32, #tpu.memory_space<vmem>>, vector<1x1x16xf32>,
        %swap3A_688 = vector.shape_cast %swap3A_687 : vector<1x1x16xf32> to vector<16xf32>
        %swap3A_689 = vector.shape_cast %mul3A_683 : vector<16xf32> to vector<1x1x16xf32>
        tpu.vector_store %arg8[%swap3A_684, %swap3A_685, %swap3A_686], %swap3A_689 {strides = array<i32>} : memref<3x128x128xf32, #tpu.memory_space<vmem>>, vector<1x1x16xf32>,
        %get3A_690 = arith.index_cast %select_n3A_219 : i32 to index
        %get3A_691 = arith.index_cast %add3A_648 : i32 to index
        %get3A_692 = arith.constant 48 : index
        %get3A_693 = tpu.vector_load %arg8[%get3A_690, %get3A_691, %get3A_692] {strides = array<i32>} : memref<3x128x128xf32, #tpu.memory_space<vmem>>, vector<1x1x16xf32>,
        %get3A_694 = vector.shape_cast %get3A_693 : vector<1x1x16xf32> to vector<16xf32>
        %mul3A_695 = vector.broadcast %squeeze3A_650 : f32 to vector<16xf32>
        %mul3A_696 = arith.mulf %get3A_694, %mul3A_695 : vector<16xf32>
        %swap3A_697 = arith.index_cast %select_n3A_219 : i32 to index
        %swap3A_698 = arith.index_cast %add3A_648 : i32 to index
        %swap3A_699 = arith.constant 48 : index
        %swap3A_700 = tpu.vector_load %arg8[%swap3A_697, %swap3A_698, %swap3A_699] {strides = array<i32>} : memref<3x128x128xf32, #tpu.memory_space<vmem>>, vector<1x1x16xf32>,
        %swap3A_701 = vector.shape_cast %swap3A_700 : vector<1x1x16xf32> to vector<16xf32>
        %swap3A_702 = vector.shape_cast %mul3A_696 : vector<16xf32> to vector<1x1x16xf32>
        tpu.vector_store %arg8[%swap3A_697, %swap3A_698, %swap3A_699], %swap3A_702 {strides = array<i32>} : memref<3x128x128xf32, #tpu.memory_space<vmem>>, vector<1x1x16xf32>,
        %get3A_703 = arith.index_cast %select_n3A_219 : i32 to index
        %get3A_704 = arith.index_cast %add3A_648 : i32 to index
        %get3A_705 = arith.constant 64 : index
        %get3A_706 = tpu.vector_load %arg8[%get3A_703, %get3A_704, %get3A_705] {strides = array<i32>} : memref<3x128x128xf32, #tpu.memory_space<vmem>>, vector<1x1x16xf32>,
        %get3A_707 = vector.shape_cast %get3A_706 : vector<1x1x16xf32> to vector<16xf32>
        %mul3A_708 = vector.broadcast %squeeze3A_650 : f32 to vector<16xf32>
        %mul3A_709 = arith.mulf %get3A_707, %mul3A_708 : vector<16xf32>
        %swap3A_710 = arith.index_cast %select_n3A_219 : i32 to index
        %swap3A_711 = arith.index_cast %add3A_648 : i32 to index
        %swap3A_712 = arith.constant 64 : index
        %swap3A_713 = tpu.vector_load %arg8[%swap3A_710, %swap3A_711, %swap3A_712] {strides = array<i32>} : memref<3x128x128xf32, #tpu.memory_space<vmem>>, vector<1x1x16xf32>,
        %swap3A_714 = vector.shape_cast %swap3A_713 : vector<1x1x16xf32> to vector<16xf32>
        %swap3A_715 = vector.shape_cast %mul3A_709 : vector<16xf32> to vector<1x1x16xf32>
        tpu.vector_store %arg8[%swap3A_710, %swap3A_711, %swap3A_712], %swap3A_715 {strides = array<i32>} : memref<3x128x128xf32, #tpu.memory_space<vmem>>, vector<1x1x16xf32>,
        %get3A_716 = arith.index_cast %select_n3A_219 : i32 to index
        %get3A_717 = arith.index_cast %add3A_648 : i32 to index
        %get3A_718 = arith.constant 80 : index
        %get3A_719 = tpu.vector_load %arg8[%get3A_716, %get3A_717, %get3A_718] {strides = array<i32>} : memref<3x128x128xf32, #tpu.memory_space<vmem>>, vector<1x1x16xf32>,
        %get3A_720 = vector.shape_cast %get3A_719 : vector<1x1x16xf32> to vector<16xf32>
        %mul3A_721 = vector.broadcast %squeeze3A_650 : f32 to vector<16xf32>
        %mul3A_722 = arith.mulf %get3A_720, %mul3A_721 : vector<16xf32>
        %swap3A_723 = arith.index_cast %select_n3A_219 : i32 to index
        %swap3A_724 = arith.index_cast %add3A_648 : i32 to index
        %swap3A_725 = arith.constant 80 : index
        %swap3A_726 = tpu.vector_load %arg8[%swap3A_723, %swap3A_724, %swap3A_725] {strides = array<i32>} : memref<3x128x128xf32, #tpu.memory_space<vmem>>, vector<1x1x16xf32>,
        %swap3A_727 = vector.shape_cast %swap3A_726 : vector<1x1x16xf32> to vector<16xf32>
        %swap3A_728 = vector.shape_cast %mul3A_722 : vector<16xf32> to vector<1x1x16xf32>
        tpu.vector_store %arg8[%swap3A_723, %swap3A_724, %swap3A_725], %swap3A_728 {strides = array<i32>} : memref<3x128x128xf32, #tpu.memory_space<vmem>>, vector<1x1x16xf32>,
        %get3A_729 = arith.index_cast %select_n3A_219 : i32 to index
        %get3A_730 = arith.index_cast %add3A_648 : i32 to index
        %get3A_731 = arith.constant 96 : index
        %get3A_732 = tpu.vector_load %arg8[%get3A_729, %get3A_730, %get3A_731] {strides = array<i32>} : memref<3x128x128xf32, #tpu.memory_space<vmem>>, vector<1x1x16xf32>,
        %get3A_733 = vector.shape_cast %get3A_732 : vector<1x1x16xf32> to vector<16xf32>
        %mul3A_734 = vector.broadcast %squeeze3A_650 : f32 to vector<16xf32>
        %mul3A_735 = arith.mulf %get3A_733, %mul3A_734 : vector<16xf32>
        %swap3A_736 = arith.index_cast %select_n3A_219 : i32 to index
        %swap3A_737 = arith.index_cast %add3A_648 : i32 to index
        %swap3A_738 = arith.constant 96 : index
        %swap3A_739 = tpu.vector_load %arg8[%swap3A_736, %swap3A_737, %swap3A_738] {strides = array<i32>} : memref<3x128x128xf32, #tpu.memory_space<vmem>>, vector<1x1x16xf32>,
        %swap3A_740 = vector.shape_cast %swap3A_739 : vector<1x1x16xf32> to vector<16xf32>
        %swap3A_741 = vector.shape_cast %mul3A_735 : vector<16xf32> to vector<1x1x16xf32>
        tpu.vector_store %arg8[%swap3A_736, %swap3A_737, %swap3A_738], %swap3A_741 {strides = array<i32>} : memref<3x128x128xf32, #tpu.memory_space<vmem>>, vector<1x1x16xf32>,
        %get3A_742 = arith.index_cast %select_n3A_219 : i32 to index
        %get3A_743 = arith.index_cast %add3A_648 : i32 to index
        %get3A_744 = arith.constant 112 : index
        %get3A_745 = tpu.vector_load %arg8[%get3A_742, %get3A_743, %get3A_744] {strides = array<i32>} : memref<3x128x128xf32, #tpu.memory_space<vmem>>, vector<1x1x16xf32>,
        %get3A_746 = vector.shape_cast %get3A_745 : vector<1x1x16xf32> to vector<16xf32>
        %mul3A_747 = vector.broadcast %squeeze3A_650 : f32 to vector<16xf32>
        %mul3A_748 = arith.mulf %get3A_746, %mul3A_747 : vector<16xf32>
        %swap3A_749 = arith.index_cast %select_n3A_219 : i32 to index
        %swap3A_750 = arith.index_cast %add3A_648 : i32 to index
        %swap3A_751 = arith.constant 112 : index
        %swap3A_752 = tpu.vector_load %arg8[%swap3A_749, %swap3A_750, %swap3A_751] {strides = array<i32>} : memref<3x128x128xf32, #tpu.memory_space<vmem>>, vector<1x1x16xf32>,
        %swap3A_753 = vector.shape_cast %swap3A_752 : vector<1x1x16xf32> to vector<16xf32>
        %swap3A_754 = vector.shape_cast %mul3A_748 : vector<16xf32> to vector<1x1x16xf32>
        tpu.vector_store %arg8[%swap3A_749, %swap3A_750, %swap3A_751], %swap3A_754 {strides = array<i32>} : memref<3x128x128xf32, #tpu.memory_space<vmem>>, vector<1x1x16xf32>,
        %mul3A_755 = arith.constant 16 : i32
        %mul3A_756 = arith.muli %scan3A_296, %mul3A_755 : i32
        %add3A_757 = arith.constant 4 : i32
        %add3A_758 = arith.addi %mul3A_756, %add3A_757 : i32
        %slice3A_759 = vector.extract_strided_slice %get3A_317 {offsets = [4], sizes = [1], strides = [1]} : vector<16xf32> to vector<1xf32>
        %squeeze3A_760 = vector.extract %slice3A_759[0] : f32 from vector<1xf32>
        %get3A_761 = arith.index_cast %select_n3A_219 : i32 to index
        %get3A_762 = arith.index_cast %add3A_758 : i32 to index
        %get3A_763 = arith.constant 0 : index
        %get3A_764 = tpu.vector_load %arg8[%get3A_761, %get3A_762, %get3A_763] {strides = array<i32>} : memref<3x128x128xf32, #tpu.memory_space<vmem>>, vector<1x1x16xf32>,
        %get3A_765 = vector.shape_cast %get3A_764 : vector<1x1x16xf32> to vector<16xf32>
        %mul3A_766 = vector.broadcast %squeeze3A_760 : f32 to vector<16xf32>
        %mul3A_767 = arith.mulf %get3A_765, %mul3A_766 : vector<16xf32>
        %swap3A_768 = arith.index_cast %select_n3A_219 : i32 to index
        %swap3A_769 = arith.index_cast %add3A_758 : i32 to index
        %swap3A_770 = arith.constant 0 : index
        %swap3A_771 = tpu.vector_load %arg8[%swap3A_768, %swap3A_769, %swap3A_770] {strides = array<i32>} : memref<3x128x128xf32, #tpu.memory_space<vmem>>, vector<1x1x16xf32>,
        %swap3A_772 = vector.shape_cast %swap3A_771 : vector<1x1x16xf32> to vector<16xf32>
        %swap3A_773 = vector.shape_cast %mul3A_767 : vector<16xf32> to vector<1x1x16xf32>
        tpu.vector_store %arg8[%swap3A_768, %swap3A_769, %swap3A_770], %swap3A_773 {strides = array<i32>} : memref<3x128x128xf32, #tpu.memory_space<vmem>>, vector<1x1x16xf32>,
        %get3A_774 = arith.index_cast %select_n3A_219 : i32 to index
        %get3A_775 = arith.index_cast %add3A_758 : i32 to index
        %get3A_776 = arith.constant 16 : index
        %get3A_777 = tpu.vector_load %arg8[%get3A_774, %get3A_775, %get3A_776] {strides = array<i32>} : memref<3x128x128xf32, #tpu.memory_space<vmem>>, vector<1x1x16xf32>,
        %get3A_778 = vector.shape_cast %get3A_777 : vector<1x1x16xf32> to vector<16xf32>
        %mul3A_779 = vector.broadcast %squeeze3A_760 : f32 to vector<16xf32>
        %mul3A_780 = arith.mulf %get3A_778, %mul3A_779 : vector<16xf32>
        %swap3A_781 = arith.index_cast %select_n3A_219 : i32 to index
        %swap3A_782 = arith.index_cast %add3A_758 : i32 to index
        %swap3A_783 = arith.constant 16 : index
        %swap3A_784 = tpu.vector_load %arg8[%swap3A_781, %swap3A_782, %swap3A_783] {strides = array<i32>} : memref<3x128x128xf32, #tpu.memory_space<vmem>>, vector<1x1x16xf32>,
        %swap3A_785 = vector.shape_cast %swap3A_784 : vector<1x1x16xf32> to vector<16xf32>
        %swap3A_786 = vector.shape_cast %mul3A_780 : vector<16xf32> to vector<1x1x16xf32>
        tpu.vector_store %arg8[%swap3A_781, %swap3A_782, %swap3A_783], %swap3A_786 {strides = array<i32>} : memref<3x128x128xf32, #tpu.memory_space<vmem>>, vector<1x1x16xf32>,
        %get3A_787 = arith.index_cast %select_n3A_219 : i32 to index
        %get3A_788 = arith.index_cast %add3A_758 : i32 to index
        %get3A_789 = arith.constant 32 : index
        %get3A_790 = tpu.vector_load %arg8[%get3A_787, %get3A_788, %get3A_789] {strides = array<i32>} : memref<3x128x128xf32, #tpu.memory_space<vmem>>, vector<1x1x16xf32>,
        %get3A_791 = vector.shape_cast %get3A_790 : vector<1x1x16xf32> to vector<16xf32>
        %mul3A_792 = vector.broadcast %squeeze3A_760 : f32 to vector<16xf32>
        %mul3A_793 = arith.mulf %get3A_791, %mul3A_792 : vector<16xf32>
        %swap3A_794 = arith.index_cast %select_n3A_219 : i32 to index
        %swap3A_795 = arith.index_cast %add3A_758 : i32 to index
        %swap3A_796 = arith.constant 32 : index
        %swap3A_797 = tpu.vector_load %arg8[%swap3A_794, %swap3A_795, %swap3A_796] {strides = array<i32>} : memref<3x128x128xf32, #tpu.memory_space<vmem>>, vector<1x1x16xf32>,
        %swap3A_798 = vector.shape_cast %swap3A_797 : vector<1x1x16xf32> to vector<16xf32>
        %swap3A_799 = vector.shape_cast %mul3A_793 : vector<16xf32> to vector<1x1x16xf32>
        tpu.vector_store %arg8[%swap3A_794, %swap3A_795, %swap3A_796], %swap3A_799 {strides = array<i32>} : memref<3x128x128xf32, #tpu.memory_space<vmem>>, vector<1x1x16xf32>,
        %get3A_800 = arith.index_cast %select_n3A_219 : i32 to index
        %get3A_801 = arith.index_cast %add3A_758 : i32 to index
        %get3A_802 = arith.constant 48 : index
        %get3A_803 = tpu.vector_load %arg8[%get3A_800, %get3A_801, %get3A_802] {strides = array<i32>} : memref<3x128x128xf32, #tpu.memory_space<vmem>>, vector<1x1x16xf32>,
        %get3A_804 = vector.shape_cast %get3A_803 : vector<1x1x16xf32> to vector<16xf32>
        %mul3A_805 = vector.broadcast %squeeze3A_760 : f32 to vector<16xf32>
        %mul3A_806 = arith.mulf %get3A_804, %mul3A_805 : vector<16xf32>
        %swap3A_807 = arith.index_cast %select_n3A_219 : i32 to index
        %swap3A_808 = arith.index_cast %add3A_758 : i32 to index
        %swap3A_809 = arith.constant 48 : index
        %swap3A_810 = tpu.vector_load %arg8[%swap3A_807, %swap3A_808, %swap3A_809] {strides = array<i32>} : memref<3x128x128xf32, #tpu.memory_space<vmem>>, vector<1x1x16xf32>,
        %swap3A_811 = vector.shape_cast %swap3A_810 : vector<1x1x16xf32> to vector<16xf32>
        %swap3A_812 = vector.shape_cast %mul3A_806 : vector<16xf32> to vector<1x1x16xf32>
        tpu.vector_store %arg8[%swap3A_807, %swap3A_808, %swap3A_809], %swap3A_812 {strides = array<i32>} : memref<3x128x128xf32, #tpu.memory_space<vmem>>, vector<1x1x16xf32>,
        %get3A_813 = arith.index_cast %select_n3A_219 : i32 to index
        %get3A_814 = arith.index_cast %add3A_758 : i32 to index
        %get3A_815 = arith.constant 64 : index
        %get3A_816 = tpu.vector_load %arg8[%get3A_813, %get3A_814, %get3A_815] {strides = array<i32>} : memref<3x128x128xf32, #tpu.memory_space<vmem>>, vector<1x1x16xf32>,
        %get3A_817 = vector.shape_cast %get3A_816 : vector<1x1x16xf32> to vector<16xf32>
        %mul3A_818 = vector.broadcast %squeeze3A_760 : f32 to vector<16xf32>
        %mul3A_819 = arith.mulf %get3A_817, %mul3A_818 : vector<16xf32>
        %swap3A_820 = arith.index_cast %select_n3A_219 : i32 to index
        %swap3A_821 = arith.index_cast %add3A_758 : i32 to index
        %swap3A_822 = arith.constant 64 : index
        %swap3A_823 = tpu.vector_load %arg8[%swap3A_820, %swap3A_821, %swap3A_822] {strides = array<i32>} : memref<3x128x128xf32, #tpu.memory_space<vmem>>, vector<1x1x16xf32>,
        %swap3A_824 = vector.shape_cast %swap3A_823 : vector<1x1x16xf32> to vector<16xf32>
        %swap3A_825 = vector.shape_cast %mul3A_819 : vector<16xf32> to vector<1x1x16xf32>
        tpu.vector_store %arg8[%swap3A_820, %swap3A_821, %swap3A_822], %swap3A_825 {strides = array<i32>} : memref<3x128x128xf32, #tpu.memory_space<vmem>>, vector<1x1x16xf32>,
        %get3A_826 = arith.index_cast %select_n3A_219 : i32 to index
        %get3A_827 = arith.index_cast %add3A_758 : i32 to index
        %get3A_828 = arith.constant 80 : index
        %get3A_829 = tpu.vector_load %arg8[%get3A_826, %get3A_827, %get3A_828] {strides = array<i32>} : memref<3x128x128xf32, #tpu.memory_space<vmem>>, vector<1x1x16xf32>,
        %get3A_830 = vector.shape_cast %get3A_829 : vector<1x1x16xf32> to vector<16xf32>
        %mul3A_831 = vector.broadcast %squeeze3A_760 : f32 to vector<16xf32>
        %mul3A_832 = arith.mulf %get3A_830, %mul3A_831 : vector<16xf32>
        %swap3A_833 = arith.index_cast %select_n3A_219 : i32 to index
        %swap3A_834 = arith.index_cast %add3A_758 : i32 to index
        %swap3A_835 = arith.constant 80 : index
        %swap3A_836 = tpu.vector_load %arg8[%swap3A_833, %swap3A_834, %swap3A_835] {strides = array<i32>} : memref<3x128x128xf32, #tpu.memory_space<vmem>>, vector<1x1x16xf32>,
        %swap3A_837 = vector.shape_cast %swap3A_836 : vector<1x1x16xf32> to vector<16xf32>
        %swap3A_838 = vector.shape_cast %mul3A_832 : vector<16xf32> to vector<1x1x16xf32>
        tpu.vector_store %arg8[%swap3A_833, %swap3A_834, %swap3A_835], %swap3A_838 {strides = array<i32>} : memref<3x128x128xf32, #tpu.memory_space<vmem>>, vector<1x1x16xf32>,
        %get3A_839 = arith.index_cast %select_n3A_219 : i32 to index
        %get3A_840 = arith.index_cast %add3A_758 : i32 to index
        %get3A_841 = arith.constant 96 : index
        %get3A_842 = tpu.vector_load %arg8[%get3A_839, %get3A_840, %get3A_841] {strides = array<i32>} : memref<3x128x128xf32, #tpu.memory_space<vmem>>, vector<1x1x16xf32>,
        %get3A_843 = vector.shape_cast %get3A_842 : vector<1x1x16xf32> to vector<16xf32>
        %mul3A_844 = vector.broadcast %squeeze3A_760 : f32 to vector<16xf32>
        %mul3A_845 = arith.mulf %get3A_843, %mul3A_844 : vector<16xf32>
        %swap3A_846 = arith.index_cast %select_n3A_219 : i32 to index
        %swap3A_847 = arith.index_cast %add3A_758 : i32 to index
        %swap3A_848 = arith.constant 96 : index
        %swap3A_849 = tpu.vector_load %arg8[%swap3A_846, %swap3A_847, %swap3A_848] {strides = array<i32>} : memref<3x128x128xf32, #tpu.memory_space<vmem>>, vector<1x1x16xf32>,
        %swap3A_850 = vector.shape_cast %swap3A_849 : vector<1x1x16xf32> to vector<16xf32>
        %swap3A_851 = vector.shape_cast %mul3A_845 : vector<16xf32> to vector<1x1x16xf32>
        tpu.vector_store %arg8[%swap3A_846, %swap3A_847, %swap3A_848], %swap3A_851 {strides = array<i32>} : memref<3x128x128xf32, #tpu.memory_space<vmem>>, vector<1x1x16xf32>,
        %get3A_852 = arith.index_cast %select_n3A_219 : i32 to index
        %get3A_853 = arith.index_cast %add3A_758 : i32 to index
        %get3A_854 = arith.constant 112 : index
        %get3A_855 = tpu.vector_load %arg8[%get3A_852, %get3A_853, %get3A_854] {strides = array<i32>} : memref<3x128x128xf32, #tpu.memory_space<vmem>>, vector<1x1x16xf32>,
        %get3A_856 = vector.shape_cast %get3A_855 : vector<1x1x16xf32> to vector<16xf32>
        %mul3A_857 = vector.broadcast %squeeze3A_760 : f32 to vector<16xf32>
        %mul3A_858 = arith.mulf %get3A_856, %mul3A_857 : vector<16xf32>
        %swap3A_859 = arith.index_cast %select_n3A_219 : i32 to index
        %swap3A_860 = arith.index_cast %add3A_758 : i32 to index
        %swap3A_861 = arith.constant 112 : index
        %swap3A_862 = tpu.vector_load %arg8[%swap3A_859, %swap3A_860, %swap3A_861] {strides = array<i32>} : memref<3x128x128xf32, #tpu.memory_space<vmem>>, vector<1x1x16xf32>,
        %swap3A_863 = vector.shape_cast %swap3A_862 : vector<1x1x16xf32> to vector<16xf32>
        %swap3A_864 = vector.shape_cast %mul3A_858 : vector<16xf32> to vector<1x1x16xf32>
        tpu.vector_store %arg8[%swap3A_859, %swap3A_860, %swap3A_861], %swap3A_864 {strides = array<i32>} : memref<3x128x128xf32, #tpu.memory_space<vmem>>, vector<1x1x16xf32>,
        %mul3A_865 = arith.constant 16 : i32
        %mul3A_866 = arith.muli %scan3A_296, %mul3A_865 : i32
        %add3A_867 = arith.constant 5 : i32
        %add3A_868 = arith.addi %mul3A_866, %add3A_867 : i32
        %slice3A_869 = vector.extract_strided_slice %get3A_317 {offsets = [5], sizes = [1], strides = [1]} : vector<16xf32> to vector<1xf32>
        %squeeze3A_870 = vector.extract %slice3A_869[0] : f32 from vector<1xf32>
        %get3A_871 = arith.index_cast %select_n3A_219 : i32 to index
        %get3A_872 = arith.index_cast %add3A_868 : i32 to index
        %get3A_873 = arith.constant 0 : index
        %get3A_874 = tpu.vector_load %arg8[%get3A_871, %get3A_872, %get3A_873] {strides = array<i32>} : memref<3x128x128xf32, #tpu.memory_space<vmem>>, vector<1x1x16xf32>,
        %get3A_875 = vector.shape_cast %get3A_874 : vector<1x1x16xf32> to vector<16xf32>
        %mul3A_876 = vector.broadcast %squeeze3A_870 : f32 to vector<16xf32>
        %mul3A_877 = arith.mulf %get3A_875, %mul3A_876 : vector<16xf32>
        %swap3A_878 = arith.index_cast %select_n3A_219 : i32 to index
        %swap3A_879 = arith.index_cast %add3A_868 : i32 to index
        %swap3A_880 = arith.constant 0 : index
        %swap3A_881 = tpu.vector_load %arg8[%swap3A_878, %swap3A_879, %swap3A_880] {strides = array<i32>} : memref<3x128x128xf32, #tpu.memory_space<vmem>>, vector<1x1x16xf32>,
        %swap3A_882 = vector.shape_cast %swap3A_881 : vector<1x1x16xf32> to vector<16xf32>
        %swap3A_883 = vector.shape_cast %mul3A_877 : vector<16xf32> to vector<1x1x16xf32>
        tpu.vector_store %arg8[%swap3A_878, %swap3A_879, %swap3A_880], %swap3A_883 {strides = array<i32>} : memref<3x128x128xf32, #tpu.memory_space<vmem>>, vector<1x1x16xf32>,
        %get3A_884 = arith.index_cast %select_n3A_219 : i32 to index
        %get3A_885 = arith.index_cast %add3A_868 : i32 to index
        %get3A_886 = arith.constant 16 : index
        %get3A_887 = tpu.vector_load %arg8[%get3A_884, %get3A_885, %get3A_886] {strides = array<i32>} : memref<3x128x128xf32, #tpu.memory_space<vmem>>, vector<1x1x16xf32>,
        %get3A_888 = vector.shape_cast %get3A_887 : vector<1x1x16xf32> to vector<16xf32>
        %mul3A_889 = vector.broadcast %squeeze3A_870 : f32 to vector<16xf32>
        %mul3A_890 = arith.mulf %get3A_888, %mul3A_889 : vector<16xf32>
        %swap3A_891 = arith.index_cast %select_n3A_219 : i32 to index
        %swap3A_892 = arith.index_cast %add3A_868 : i32 to index
        %swap3A_893 = arith.constant 16 : index
        %swap3A_894 = tpu.vector_load %arg8[%swap3A_891, %swap3A_892, %swap3A_893] {strides = array<i32>} : memref<3x128x128xf32, #tpu.memory_space<vmem>>, vector<1x1x16xf32>,
        %swap3A_895 = vector.shape_cast %swap3A_894 : vector<1x1x16xf32> to vector<16xf32>
        %swap3A_896 = vector.shape_cast %mul3A_890 : vector<16xf32> to vector<1x1x16xf32>
        tpu.vector_store %arg8[%swap3A_891, %swap3A_892, %swap3A_893], %swap3A_896 {strides = array<i32>} : memref<3x128x128xf32, #tpu.memory_space<vmem>>, vector<1x1x16xf32>,
        %get3A_897 = arith.index_cast %select_n3A_219 : i32 to index
        %get3A_898 = arith.index_cast %add3A_868 : i32 to index
        %get3A_899 = arith.constant 32 : index
        %get3A_900 = tpu.vector_load %arg8[%get3A_897, %get3A_898, %get3A_899] {strides = array<i32>} : memref<3x128x128xf32, #tpu.memory_space<vmem>>, vector<1x1x16xf32>,
        %get3A_901 = vector.shape_cast %get3A_900 : vector<1x1x16xf32> to vector<16xf32>
        %mul3A_902 = vector.broadcast %squeeze3A_870 : f32 to vector<16xf32>
        %mul3A_903 = arith.mulf %get3A_901, %mul3A_902 : vector<16xf32>
        %swap3A_904 = arith.index_cast %select_n3A_219 : i32 to index
        %swap3A_905 = arith.index_cast %add3A_868 : i32 to index
        %swap3A_906 = arith.constant 32 : index
        %swap3A_907 = tpu.vector_load %arg8[%swap3A_904, %swap3A_905, %swap3A_906] {strides = array<i32>} : memref<3x128x128xf32, #tpu.memory_space<vmem>>, vector<1x1x16xf32>,
        %swap3A_908 = vector.shape_cast %swap3A_907 : vector<1x1x16xf32> to vector<16xf32>
        %swap3A_909 = vector.shape_cast %mul3A_903 : vector<16xf32> to vector<1x1x16xf32>
        tpu.vector_store %arg8[%swap3A_904, %swap3A_905, %swap3A_906], %swap3A_909 {strides = array<i32>} : memref<3x128x128xf32, #tpu.memory_space<vmem>>, vector<1x1x16xf32>,
        %get3A_910 = arith.index_cast %select_n3A_219 : i32 to index
        %get3A_911 = arith.index_cast %add3A_868 : i32 to index
        %get3A_912 = arith.constant 48 : index
        %get3A_913 = tpu.vector_load %arg8[%get3A_910, %get3A_911, %get3A_912] {strides = array<i32>} : memref<3x128x128xf32, #tpu.memory_space<vmem>>, vector<1x1x16xf32>,
        %get3A_914 = vector.shape_cast %get3A_913 : vector<1x1x16xf32> to vector<16xf32>
        %mul3A_915 = vector.broadcast %squeeze3A_870 : f32 to vector<16xf32>
        %mul3A_916 = arith.mulf %get3A_914, %mul3A_915 : vector<16xf32>
        %swap3A_917 = arith.index_cast %select_n3A_219 : i32 to index
        %swap3A_918 = arith.index_cast %add3A_868 : i32 to index
        %swap3A_919 = arith.constant 48 : index
        %swap3A_920 = tpu.vector_load %arg8[%swap3A_917, %swap3A_918, %swap3A_919] {strides = array<i32>} : memref<3x128x128xf32, #tpu.memory_space<vmem>>, vector<1x1x16xf32>,
        %swap3A_921 = vector.shape_cast %swap3A_920 : vector<1x1x16xf32> to vector<16xf32>
        %swap3A_922 = vector.shape_cast %mul3A_916 : vector<16xf32> to vector<1x1x16xf32>
        tpu.vector_store %arg8[%swap3A_917, %swap3A_918, %swap3A_919], %swap3A_922 {strides = array<i32>} : memref<3x128x128xf32, #tpu.memory_space<vmem>>, vector<1x1x16xf32>,
        %get3A_923 = arith.index_cast %select_n3A_219 : i32 to index
        %get3A_924 = arith.index_cast %add3A_868 : i32 to index
        %get3A_925 = arith.constant 64 : index
        %get3A_926 = tpu.vector_load %arg8[%get3A_923, %get3A_924, %get3A_925] {strides = array<i32>} : memref<3x128x128xf32, #tpu.memory_space<vmem>>, vector<1x1x16xf32>,
        %get3A_927 = vector.shape_cast %get3A_926 : vector<1x1x16xf32> to vector<16xf32>
        %mul3A_928 = vector.broadcast %squeeze3A_870 : f32 to vector<16xf32>
        %mul3A_929 = arith.mulf %get3A_927, %mul3A_928 : vector<16xf32>
        %swap3A_930 = arith.index_cast %select_n3A_219 : i32 to index
        %swap3A_931 = arith.index_cast %add3A_868 : i32 to index
        %swap3A_932 = arith.constant 64 : index
        %swap3A_933 = tpu.vector_load %arg8[%swap3A_930, %swap3A_931, %swap3A_932] {strides = array<i32>} : memref<3x128x128xf32, #tpu.memory_space<vmem>>, vector<1x1x16xf32>,
        %swap3A_934 = vector.shape_cast %swap3A_933 : vector<1x1x16xf32> to vector<16xf32>
        %swap3A_935 = vector.shape_cast %mul3A_929 : vector<16xf32> to vector<1x1x16xf32>
        tpu.vector_store %arg8[%swap3A_930, %swap3A_931, %swap3A_932], %swap3A_935 {strides = array<i32>} : memref<3x128x128xf32, #tpu.memory_space<vmem>>, vector<1x1x16xf32>,
        %get3A_936 = arith.index_cast %select_n3A_219 : i32 to index
        %get3A_937 = arith.index_cast %add3A_868 : i32 to index
        %get3A_938 = arith.constant 80 : index
        %get3A_939 = tpu.vector_load %arg8[%get3A_936, %get3A_937, %get3A_938] {strides = array<i32>} : memref<3x128x128xf32, #tpu.memory_space<vmem>>, vector<1x1x16xf32>,
        %get3A_940 = vector.shape_cast %get3A_939 : vector<1x1x16xf32> to vector<16xf32>
        %mul3A_941 = vector.broadcast %squeeze3A_870 : f32 to vector<16xf32>
        %mul3A_942 = arith.mulf %get3A_940, %mul3A_941 : vector<16xf32>
        %swap3A_943 = arith.index_cast %select_n3A_219 : i32 to index
        %swap3A_944 = arith.index_cast %add3A_868 : i32 to index
        %swap3A_945 = arith.constant 80 : index
        %swap3A_946 = tpu.vector_load %arg8[%swap3A_943, %swap3A_944, %swap3A_945] {strides = array<i32>} : memref<3x128x128xf32, #tpu.memory_space<vmem>>, vector<1x1x16xf32>,
        %swap3A_947 = vector.shape_cast %swap3A_946 : vector<1x1x16xf32> to vector<16xf32>
        %swap3A_948 = vector.shape_cast %mul3A_942 : vector<16xf32> to vector<1x1x16xf32>
        tpu.vector_store %arg8[%swap3A_943, %swap3A_944, %swap3A_945], %swap3A_948 {strides = array<i32>} : memref<3x128x128xf32, #tpu.memory_space<vmem>>, vector<1x1x16xf32>,
        %get3A_949 = arith.index_cast %select_n3A_219 : i32 to index
        %get3A_950 = arith.index_cast %add3A_868 : i32 to index
        %get3A_951 = arith.constant 96 : index
        %get3A_952 = tpu.vector_load %arg8[%get3A_949, %get3A_950, %get3A_951] {strides = array<i32>} : memref<3x128x128xf32, #tpu.memory_space<vmem>>, vector<1x1x16xf32>,
        %get3A_953 = vector.shape_cast %get3A_952 : vector<1x1x16xf32> to vector<16xf32>
        %mul3A_954 = vector.broadcast %squeeze3A_870 : f32 to vector<16xf32>
        %mul3A_955 = arith.mulf %get3A_953, %mul3A_954 : vector<16xf32>
        %swap3A_956 = arith.index_cast %select_n3A_219 : i32 to index
        %swap3A_957 = arith.index_cast %add3A_868 : i32 to index
        %swap3A_958 = arith.constant 96 : index
        %swap3A_959 = tpu.vector_load %arg8[%swap3A_956, %swap3A_957, %swap3A_958] {strides = array<i32>} : memref<3x128x128xf32, #tpu.memory_space<vmem>>, vector<1x1x16xf32>,
        %swap3A_960 = vector.shape_cast %swap3A_959 : vector<1x1x16xf32> to vector<16xf32>
        %swap3A_961 = vector.shape_cast %mul3A_955 : vector<16xf32> to vector<1x1x16xf32>
        tpu.vector_store %arg8[%swap3A_956, %swap3A_957, %swap3A_958], %swap3A_961 {strides = array<i32>} : memref<3x128x128xf32, #tpu.memory_space<vmem>>, vector<1x1x16xf32>,
        %get3A_962 = arith.index_cast %select_n3A_219 : i32 to index
        %get3A_963 = arith.index_cast %add3A_868 : i32 to index
        %get3A_964 = arith.constant 112 : index
        %get3A_965 = tpu.vector_load %arg8[%get3A_962, %get3A_963, %get3A_964] {strides = array<i32>} : memref<3x128x128xf32, #tpu.memory_space<vmem>>, vector<1x1x16xf32>,
        %get3A_966 = vector.shape_cast %get3A_965 : vector<1x1x16xf32> to vector<16xf32>
        %mul3A_967 = vector.broadcast %squeeze3A_870 : f32 to vector<16xf32>
        %mul3A_968 = arith.mulf %get3A_966, %mul3A_967 : vector<16xf32>
        %swap3A_969 = arith.index_cast %select_n3A_219 : i32 to index
        %swap3A_970 = arith.index_cast %add3A_868 : i32 to index
        %swap3A_971 = arith.constant 112 : index
        %swap3A_972 = tpu.vector_load %arg8[%swap3A_969, %swap3A_970, %swap3A_971] {strides = array<i32>} : memref<3x128x128xf32, #tpu.memory_space<vmem>>, vector<1x1x16xf32>,
        %swap3A_973 = vector.shape_cast %swap3A_972 : vector<1x1x16xf32> to vector<16xf32>
        %swap3A_974 = vector.shape_cast %mul3A_968 : vector<16xf32> to vector<1x1x16xf32>
        tpu.vector_store %arg8[%swap3A_969, %swap3A_970, %swap3A_971], %swap3A_974 {strides = array<i32>} : memref<3x128x128xf32, #tpu.memory_space<vmem>>, vector<1x1x16xf32>,
        %mul3A_975 = arith.constant 16 : i32
        %mul3A_976 = arith.muli %scan3A_296, %mul3A_975 : i32
        %add3A_977 = arith.constant 6 : i32
        %add3A_978 = arith.addi %mul3A_976, %add3A_977 : i32
        %slice3A_979 = vector.extract_strided_slice %get3A_317 {offsets = [6], sizes = [1], strides = [1]} : vector<16xf32> to vector<1xf32>
        %squeeze3A_980 = vector.extract %slice3A_979[0] : f32 from vector<1xf32>
        %get3A_981 = arith.index_cast %select_n3A_219 : i32 to index
        %get3A_982 = arith.index_cast %add3A_978 : i32 to index
        %get3A_983 = arith.constant 0 : index
        %get3A_984 = tpu.vector_load %arg8[%get3A_981, %get3A_982, %get3A_983] {strides = array<i32>} : memref<3x128x128xf32, #tpu.memory_space<vmem>>, vector<1x1x16xf32>,
        %get3A_985 = vector.shape_cast %get3A_984 : vector<1x1x16xf32> to vector<16xf32>
        %mul3A_986 = vector.broadcast %squeeze3A_980 : f32 to vector<16xf32>
        %mul3A_987 = arith.mulf %get3A_985, %mul3A_986 : vector<16xf32>
        %swap3A_988 = arith.index_cast %select_n3A_219 : i32 to index
        %swap3A_989 = arith.index_cast %add3A_978 : i32 to index
        %swap3A_990 = arith.constant 0 : index
        %swap3A_991 = tpu.vector_load %arg8[%swap3A_988, %swap3A_989, %swap3A_990] {strides = array<i32>} : memref<3x128x128xf32, #tpu.memory_space<vmem>>, vector<1x1x16xf32>,
        %swap3A_992 = vector.shape_cast %swap3A_991 : vector<1x1x16xf32> to vector<16xf32>
        %swap3A_993 = vector.shape_cast %mul3A_987 : vector<16xf32> to vector<1x1x16xf32>
        tpu.vector_store %arg8[%swap3A_988, %swap3A_989, %swap3A_990], %swap3A_993 {strides = array<i32>} : memref<3x128x128xf32, #tpu.memory_space<vmem>>, vector<1x1x16xf32>,
        %get3A_994 = arith.index_cast %select_n3A_219 : i32 to index
        %get3A_995 = arith.index_cast %add3A_978 : i32 to index
        %get3A_996 = arith.constant 16 : index
        %get3A_997 = tpu.vector_load %arg8[%get3A_994, %get3A_995, %get3A_996] {strides = array<i32>} : memref<3x128x128xf32, #tpu.memory_space<vmem>>, vector<1x1x16xf32>,
        %get3A_998 = vector.shape_cast %get3A_997 : vector<1x1x16xf32> to vector<16xf32>
        %mul3A_999 = vector.broadcast %squeeze3A_980 : f32 to vector<16xf32>
        %mul3A_1000 = arith.mulf %get3A_998, %mul3A_999 : vector<16xf32>
        %swap3A_1001 = arith.index_cast %select_n3A_219 : i32 to index
        %swap3A_1002 = arith.index_cast %add3A_978 : i32 to index
        %swap3A_1003 = arith.constant 16 : index
        %swap3A_1004 = tpu.vector_load %arg8[%swap3A_1001, %swap3A_1002, %swap3A_1003] {strides = array<i32>} : memref<3x128x128xf32, #tpu.memory_space<vmem>>, vector<1x1x16xf32>,
        %swap3A_1005 = vector.shape_cast %swap3A_1004 : vector<1x1x16xf32> to vector<16xf32>
        %swap3A_1006 = vector.shape_cast %mul3A_1000 : vector<16xf32> to vector<1x1x16xf32>
        tpu.vector_store %arg8[%swap3A_1001, %swap3A_1002, %swap3A_1003], %swap3A_1006 {strides = array<i32>} : memref<3x128x128xf32, #tpu.memory_space<vmem>>, vector<1x1x16xf32>,
        %get3A_1007 = arith.index_cast %select_n3A_219 : i32 to index
        %get3A_1008 = arith.index_cast %add3A_978 : i32 to index
        %get3A_1009 = arith.constant 32 : index
        %get3A_1010 = tpu.vector_load %arg8[%get3A_1007, %get3A_1008, %get3A_1009] {strides = array<i32>} : memref<3x128x128xf32, #tpu.memory_space<vmem>>, vector<1x1x16xf32>,
        %get3A_1011 = vector.shape_cast %get3A_1010 : vector<1x1x16xf32> to vector<16xf32>
        %mul3A_1012 = vector.broadcast %squeeze3A_980 : f32 to vector<16xf32>
        %mul3A_1013 = arith.mulf %get3A_1011, %mul3A_1012 : vector<16xf32>
        %swap3A_1014 = arith.index_cast %select_n3A_219 : i32 to index
        %swap3A_1015 = arith.index_cast %add3A_978 : i32 to index
        %swap3A_1016 = arith.constant 32 : index
        %swap3A_1017 = tpu.vector_load %arg8[%swap3A_1014, %swap3A_1015, %swap3A_1016] {strides = array<i32>} : memref<3x128x128xf32, #tpu.memory_space<vmem>>, vector<1x1x16xf32>,
        %swap3A_1018 = vector.shape_cast %swap3A_1017 : vector<1x1x16xf32> to vector<16xf32>
        %swap3A_1019 = vector.shape_cast %mul3A_1013 : vector<16xf32> to vector<1x1x16xf32>
        tpu.vector_store %arg8[%swap3A_1014, %swap3A_1015, %swap3A_1016], %swap3A_1019 {strides = array<i32>} : memref<3x128x128xf32, #tpu.memory_space<vmem>>, vector<1x1x16xf32>,
        %get3A_1020 = arith.index_cast %select_n3A_219 : i32 to index
        %get3A_1021 = arith.index_cast %add3A_978 : i32 to index
        %get3A_1022 = arith.constant 48 : index
        %get3A_1023 = tpu.vector_load %arg8[%get3A_1020, %get3A_1021, %get3A_1022] {strides = array<i32>} : memref<3x128x128xf32, #tpu.memory_space<vmem>>, vector<1x1x16xf32>,
        %get3A_1024 = vector.shape_cast %get3A_1023 : vector<1x1x16xf32> to vector<16xf32>
        %mul3A_1025 = vector.broadcast %squeeze3A_980 : f32 to vector<16xf32>
        %mul3A_1026 = arith.mulf %get3A_1024, %mul3A_1025 : vector<16xf32>
        %swap3A_1027 = arith.index_cast %select_n3A_219 : i32 to index
        %swap3A_1028 = arith.index_cast %add3A_978 : i32 to index
        %swap3A_1029 = arith.constant 48 : index
        %swap3A_1030 = tpu.vector_load %arg8[%swap3A_1027, %swap3A_1028, %swap3A_1029] {strides = array<i32>} : memref<3x128x128xf32, #tpu.memory_space<vmem>>, vector<1x1x16xf32>,
        %swap3A_1031 = vector.shape_cast %swap3A_1030 : vector<1x1x16xf32> to vector<16xf32>
        %swap3A_1032 = vector.shape_cast %mul3A_1026 : vector<16xf32> to vector<1x1x16xf32>
        tpu.vector_store %arg8[%swap3A_1027, %swap3A_1028, %swap3A_1029], %swap3A_1032 {strides = array<i32>} : memref<3x128x128xf32, #tpu.memory_space<vmem>>, vector<1x1x16xf32>,
        %get3A_1033 = arith.index_cast %select_n3A_219 : i32 to index
        %get3A_1034 = arith.index_cast %add3A_978 : i32 to index
        %get3A_1035 = arith.constant 64 : index
        %get3A_1036 = tpu.vector_load %arg8[%get3A_1033, %get3A_1034, %get3A_1035] {strides = array<i32>} : memref<3x128x128xf32, #tpu.memory_space<vmem>>, vector<1x1x16xf32>,
        %get3A_1037 = vector.shape_cast %get3A_1036 : vector<1x1x16xf32> to vector<16xf32>
        %mul3A_1038 = vector.broadcast %squeeze3A_980 : f32 to vector<16xf32>
        %mul3A_1039 = arith.mulf %get3A_1037, %mul3A_1038 : vector<16xf32>
        %swap3A_1040 = arith.index_cast %select_n3A_219 : i32 to index
        %swap3A_1041 = arith.index_cast %add3A_978 : i32 to index
        %swap3A_1042 = arith.constant 64 : index
        %swap3A_1043 = tpu.vector_load %arg8[%swap3A_1040, %swap3A_1041, %swap3A_1042] {strides = array<i32>} : memref<3x128x128xf32, #tpu.memory_space<vmem>>, vector<1x1x16xf32>,
        %swap3A_1044 = vector.shape_cast %swap3A_1043 : vector<1x1x16xf32> to vector<16xf32>
        %swap3A_1045 = vector.shape_cast %mul3A_1039 : vector<16xf32> to vector<1x1x16xf32>
        tpu.vector_store %arg8[%swap3A_1040, %swap3A_1041, %swap3A_1042], %swap3A_1045 {strides = array<i32>} : memref<3x128x128xf32, #tpu.memory_space<vmem>>, vector<1x1x16xf32>,
        %get3A_1046 = arith.index_cast %select_n3A_219 : i32 to index
        %get3A_1047 = arith.index_cast %add3A_978 : i32 to index
        %get3A_1048 = arith.constant 80 : index
        %get3A_1049 = tpu.vector_load %arg8[%get3A_1046, %get3A_1047, %get3A_1048] {strides = array<i32>} : memref<3x128x128xf32, #tpu.memory_space<vmem>>, vector<1x1x16xf32>,
        %get3A_1050 = vector.shape_cast %get3A_1049 : vector<1x1x16xf32> to vector<16xf32>
        %mul3A_1051 = vector.broadcast %squeeze3A_980 : f32 to vector<16xf32>
        %mul3A_1052 = arith.mulf %get3A_1050, %mul3A_1051 : vector<16xf32>
        %swap3A_1053 = arith.index_cast %select_n3A_219 : i32 to index
        %swap3A_1054 = arith.index_cast %add3A_978 : i32 to index
        %swap3A_1055 = arith.constant 80 : index
        %swap3A_1056 = tpu.vector_load %arg8[%swap3A_1053, %swap3A_1054, %swap3A_1055] {strides = array<i32>} : memref<3x128x128xf32, #tpu.memory_space<vmem>>, vector<1x1x16xf32>,
        %swap3A_1057 = vector.shape_cast %swap3A_1056 : vector<1x1x16xf32> to vector<16xf32>
        %swap3A_1058 = vector.shape_cast %mul3A_1052 : vector<16xf32> to vector<1x1x16xf32>
        tpu.vector_store %arg8[%swap3A_1053, %swap3A_1054, %swap3A_1055], %swap3A_1058 {strides = array<i32>} : memref<3x128x128xf32, #tpu.memory_space<vmem>>, vector<1x1x16xf32>,
        %get3A_1059 = arith.index_cast %select_n3A_219 : i32 to index
        %get3A_1060 = arith.index_cast %add3A_978 : i32 to index
        %get3A_1061 = arith.constant 96 : index
        %get3A_1062 = tpu.vector_load %arg8[%get3A_1059, %get3A_1060, %get3A_1061] {strides = array<i32>} : memref<3x128x128xf32, #tpu.memory_space<vmem>>, vector<1x1x16xf32>,
        %get3A_1063 = vector.shape_cast %get3A_1062 : vector<1x1x16xf32> to vector<16xf32>
        %mul3A_1064 = vector.broadcast %squeeze3A_980 : f32 to vector<16xf32>
        %mul3A_1065 = arith.mulf %get3A_1063, %mul3A_1064 : vector<16xf32>
        %swap3A_1066 = arith.index_cast %select_n3A_219 : i32 to index
        %swap3A_1067 = arith.index_cast %add3A_978 : i32 to index
        %swap3A_1068 = arith.constant 96 : index
        %swap3A_1069 = tpu.vector_load %arg8[%swap3A_1066, %swap3A_1067, %swap3A_1068] {strides = array<i32>} : memref<3x128x128xf32, #tpu.memory_space<vmem>>, vector<1x1x16xf32>,
        %swap3A_1070 = vector.shape_cast %swap3A_1069 : vector<1x1x16xf32> to vector<16xf32>
        %swap3A_1071 = vector.shape_cast %mul3A_1065 : vector<16xf32> to vector<1x1x16xf32>
        tpu.vector_store %arg8[%swap3A_1066, %swap3A_1067, %swap3A_1068], %swap3A_1071 {strides = array<i32>} : memref<3x128x128xf32, #tpu.memory_space<vmem>>, vector<1x1x16xf32>,
        %get3A_1072 = arith.index_cast %select_n3A_219 : i32 to index
        %get3A_1073 = arith.index_cast %add3A_978 : i32 to index
        %get3A_1074 = arith.constant 112 : index
        %get3A_1075 = tpu.vector_load %arg8[%get3A_1072, %get3A_1073, %get3A_1074] {strides = array<i32>} : memref<3x128x128xf32, #tpu.memory_space<vmem>>, vector<1x1x16xf32>,
        %get3A_1076 = vector.shape_cast %get3A_1075 : vector<1x1x16xf32> to vector<16xf32>
        %mul3A_1077 = vector.broadcast %squeeze3A_980 : f32 to vector<16xf32>
        %mul3A_1078 = arith.mulf %get3A_1076, %mul3A_1077 : vector<16xf32>
        %swap3A_1079 = arith.index_cast %select_n3A_219 : i32 to index
        %swap3A_1080 = arith.index_cast %add3A_978 : i32 to index
        %swap3A_1081 = arith.constant 112 : index
        %swap3A_1082 = tpu.vector_load %arg8[%swap3A_1079, %swap3A_1080, %swap3A_1081] {strides = array<i32>} : memref<3x128x128xf32, #tpu.memory_space<vmem>>, vector<1x1x16xf32>,
        %swap3A_1083 = vector.shape_cast %swap3A_1082 : vector<1x1x16xf32> to vector<16xf32>
        %swap3A_1084 = vector.shape_cast %mul3A_1078 : vector<16xf32> to vector<1x1x16xf32>
        tpu.vector_store %arg8[%swap3A_1079, %swap3A_1080, %swap3A_1081], %swap3A_1084 {strides = array<i32>} : memref<3x128x128xf32, #tpu.memory_space<vmem>>, vector<1x1x16xf32>,
        %mul3A_1085 = arith.constant 16 : i32
        %mul3A_1086 = arith.muli %scan3A_296, %mul3A_1085 : i32
        %add3A_1087 = arith.constant 7 : i32
        %add3A_1088 = arith.addi %mul3A_1086, %add3A_1087 : i32
        %slice3A_1089 = vector.extract_strided_slice %get3A_317 {offsets = [7], sizes = [1], strides = [1]} : vector<16xf32> to vector<1xf32>
        %squeeze3A_1090 = vector.extract %slice3A_1089[0] : f32 from vector<1xf32>
        %get3A_1091 = arith.index_cast %select_n3A_219 : i32 to index
        %get3A_1092 = arith.index_cast %add3A_1088 : i32 to index
        %get3A_1093 = arith.constant 0 : index
        %get3A_1094 = tpu.vector_load %arg8[%get3A_1091, %get3A_1092, %get3A_1093] {strides = array<i32>} : memref<3x128x128xf32, #tpu.memory_space<vmem>>, vector<1x1x16xf32>,
        %get3A_1095 = vector.shape_cast %get3A_1094 : vector<1x1x16xf32> to vector<16xf32>
        %mul3A_1096 = vector.broadcast %squeeze3A_1090 : f32 to vector<16xf32>
        %mul3A_1097 = arith.mulf %get3A_1095, %mul3A_1096 : vector<16xf32>
        %swap3A_1098 = arith.index_cast %select_n3A_219 : i32 to index
        %swap3A_1099 = arith.index_cast %add3A_1088 : i32 to index
        %swap3A_1100 = arith.constant 0 : index
        %swap3A_1101 = tpu.vector_load %arg8[%swap3A_1098, %swap3A_1099, %swap3A_1100] {strides = array<i32>} : memref<3x128x128xf32, #tpu.memory_space<vmem>>, vector<1x1x16xf32>,
        %swap3A_1102 = vector.shape_cast %swap3A_1101 : vector<1x1x16xf32> to vector<16xf32>
        %swap3A_1103 = vector.shape_cast %mul3A_1097 : vector<16xf32> to vector<1x1x16xf32>
        tpu.vector_store %arg8[%swap3A_1098, %swap3A_1099, %swap3A_1100], %swap3A_1103 {strides = array<i32>} : memref<3x128x128xf32, #tpu.memory_space<vmem>>, vector<1x1x16xf32>,
        %get3A_1104 = arith.index_cast %select_n3A_219 : i32 to index
        %get3A_1105 = arith.index_cast %add3A_1088 : i32 to index
        %get3A_1106 = arith.constant 16 : index
        %get3A_1107 = tpu.vector_load %arg8[%get3A_1104, %get3A_1105, %get3A_1106] {strides = array<i32>} : memref<3x128x128xf32, #tpu.memory_space<vmem>>, vector<1x1x16xf32>,
        %get3A_1108 = vector.shape_cast %get3A_1107 : vector<1x1x16xf32> to vector<16xf32>
        %mul3A_1109 = vector.broadcast %squeeze3A_1090 : f32 to vector<16xf32>
        %mul3A_1110 = arith.mulf %get3A_1108, %mul3A_1109 : vector<16xf32>
        %swap3A_1111 = arith.index_cast %select_n3A_219 : i32 to index
        %swap3A_1112 = arith.index_cast %add3A_1088 : i32 to index
        %swap3A_1113 = arith.constant 16 : index
        %swap3A_1114 = tpu.vector_load %arg8[%swap3A_1111, %swap3A_1112, %swap3A_1113] {strides = array<i32>} : memref<3x128x128xf32, #tpu.memory_space<vmem>>, vector<1x1x16xf32>,
        %swap3A_1115 = vector.shape_cast %swap3A_1114 : vector<1x1x16xf32> to vector<16xf32>
        %swap3A_1116 = vector.shape_cast %mul3A_1110 : vector<16xf32> to vector<1x1x16xf32>
        tpu.vector_store %arg8[%swap3A_1111, %swap3A_1112, %swap3A_1113], %swap3A_1116 {strides = array<i32>} : memref<3x128x128xf32, #tpu.memory_space<vmem>>, vector<1x1x16xf32>,
        %get3A_1117 = arith.index_cast %select_n3A_219 : i32 to index
        %get3A_1118 = arith.index_cast %add3A_1088 : i32 to index
        %get3A_1119 = arith.constant 32 : index
        %get3A_1120 = tpu.vector_load %arg8[%get3A_1117, %get3A_1118, %get3A_1119] {strides = array<i32>} : memref<3x128x128xf32, #tpu.memory_space<vmem>>, vector<1x1x16xf32>,
        %get3A_1121 = vector.shape_cast %get3A_1120 : vector<1x1x16xf32> to vector<16xf32>
        %mul3A_1122 = vector.broadcast %squeeze3A_1090 : f32 to vector<16xf32>
        %mul3A_1123 = arith.mulf %get3A_1121, %mul3A_1122 : vector<16xf32>
        %swap3A_1124 = arith.index_cast %select_n3A_219 : i32 to index
        %swap3A_1125 = arith.index_cast %add3A_1088 : i32 to index
        %swap3A_1126 = arith.constant 32 : index
        %swap3A_1127 = tpu.vector_load %arg8[%swap3A_1124, %swap3A_1125, %swap3A_1126] {strides = array<i32>} : memref<3x128x128xf32, #tpu.memory_space<vmem>>, vector<1x1x16xf32>,
        %swap3A_1128 = vector.shape_cast %swap3A_1127 : vector<1x1x16xf32> to vector<16xf32>
        %swap3A_1129 = vector.shape_cast %mul3A_1123 : vector<16xf32> to vector<1x1x16xf32>
        tpu.vector_store %arg8[%swap3A_1124, %swap3A_1125, %swap3A_1126], %swap3A_1129 {strides = array<i32>} : memref<3x128x128xf32, #tpu.memory_space<vmem>>, vector<1x1x16xf32>,
        %get3A_1130 = arith.index_cast %select_n3A_219 : i32 to index
        %get3A_1131 = arith.index_cast %add3A_1088 : i32 to index
        %get3A_1132 = arith.constant 48 : index
        %get3A_1133 = tpu.vector_load %arg8[%get3A_1130, %get3A_1131, %get3A_1132] {strides = array<i32>} : memref<3x128x128xf32, #tpu.memory_space<vmem>>, vector<1x1x16xf32>,
        %get3A_1134 = vector.shape_cast %get3A_1133 : vector<1x1x16xf32> to vector<16xf32>
        %mul3A_1135 = vector.broadcast %squeeze3A_1090 : f32 to vector<16xf32>
        %mul3A_1136 = arith.mulf %get3A_1134, %mul3A_1135 : vector<16xf32>
        %swap3A_1137 = arith.index_cast %select_n3A_219 : i32 to index
        %swap3A_1138 = arith.index_cast %add3A_1088 : i32 to index
        %swap3A_1139 = arith.constant 48 : index
        %swap3A_1140 = tpu.vector_load %arg8[%swap3A_1137, %swap3A_1138, %swap3A_1139] {strides = array<i32>} : memref<3x128x128xf32, #tpu.memory_space<vmem>>, vector<1x1x16xf32>,
        %swap3A_1141 = vector.shape_cast %swap3A_1140 : vector<1x1x16xf32> to vector<16xf32>
        %swap3A_1142 = vector.shape_cast %mul3A_1136 : vector<16xf32> to vector<1x1x16xf32>
        tpu.vector_store %arg8[%swap3A_1137, %swap3A_1138, %swap3A_1139], %swap3A_1142 {strides = array<i32>} : memref<3x128x128xf32, #tpu.memory_space<vmem>>, vector<1x1x16xf32>,
        %get3A_1143 = arith.index_cast %select_n3A_219 : i32 to index
        %get3A_1144 = arith.index_cast %add3A_1088 : i32 to index
        %get3A_1145 = arith.constant 64 : index
        %get3A_1146 = tpu.vector_load %arg8[%get3A_1143, %get3A_1144, %get3A_1145] {strides = array<i32>} : memref<3x128x128xf32, #tpu.memory_space<vmem>>, vector<1x1x16xf32>,
        %get3A_1147 = vector.shape_cast %get3A_1146 : vector<1x1x16xf32> to vector<16xf32>
        %mul3A_1148 = vector.broadcast %squeeze3A_1090 : f32 to vector<16xf32>
        %mul3A_1149 = arith.mulf %get3A_1147, %mul3A_1148 : vector<16xf32>
        %swap3A_1150 = arith.index_cast %select_n3A_219 : i32 to index
        %swap3A_1151 = arith.index_cast %add3A_1088 : i32 to index
        %swap3A_1152 = arith.constant 64 : index
        %swap3A_1153 = tpu.vector_load %arg8[%swap3A_1150, %swap3A_1151, %swap3A_1152] {strides = array<i32>} : memref<3x128x128xf32, #tpu.memory_space<vmem>>, vector<1x1x16xf32>,
        %swap3A_1154 = vector.shape_cast %swap3A_1153 : vector<1x1x16xf32> to vector<16xf32>
        %swap3A_1155 = vector.shape_cast %mul3A_1149 : vector<16xf32> to vector<1x1x16xf32>
        tpu.vector_store %arg8[%swap3A_1150, %swap3A_1151, %swap3A_1152], %swap3A_1155 {strides = array<i32>} : memref<3x128x128xf32, #tpu.memory_space<vmem>>, vector<1x1x16xf32>,
        %get3A_1156 = arith.index_cast %select_n3A_219 : i32 to index
        %get3A_1157 = arith.index_cast %add3A_1088 : i32 to index
        %get3A_1158 = arith.constant 80 : index
        %get3A_1159 = tpu.vector_load %arg8[%get3A_1156, %get3A_1157, %get3A_1158] {strides = array<i32>} : memref<3x128x128xf32, #tpu.memory_space<vmem>>, vector<1x1x16xf32>,
        %get3A_1160 = vector.shape_cast %get3A_1159 : vector<1x1x16xf32> to vector<16xf32>
        %mul3A_1161 = vector.broadcast %squeeze3A_1090 : f32 to vector<16xf32>
        %mul3A_1162 = arith.mulf %get3A_1160, %mul3A_1161 : vector<16xf32>
        %swap3A_1163 = arith.index_cast %select_n3A_219 : i32 to index
        %swap3A_1164 = arith.index_cast %add3A_1088 : i32 to index
        %swap3A_1165 = arith.constant 80 : index
        %swap3A_1166 = tpu.vector_load %arg8[%swap3A_1163, %swap3A_1164, %swap3A_1165] {strides = array<i32>} : memref<3x128x128xf32, #tpu.memory_space<vmem>>, vector<1x1x16xf32>,
        %swap3A_1167 = vector.shape_cast %swap3A_1166 : vector<1x1x16xf32> to vector<16xf32>
        %swap3A_1168 = vector.shape_cast %mul3A_1162 : vector<16xf32> to vector<1x1x16xf32>
        tpu.vector_store %arg8[%swap3A_1163, %swap3A_1164, %swap3A_1165], %swap3A_1168 {strides = array<i32>} : memref<3x128x128xf32, #tpu.memory_space<vmem>>, vector<1x1x16xf32>,
        %get3A_1169 = arith.index_cast %select_n3A_219 : i32 to index
        %get3A_1170 = arith.index_cast %add3A_1088 : i32 to index
        %get3A_1171 = arith.constant 96 : index
        %get3A_1172 = tpu.vector_load %arg8[%get3A_1169, %get3A_1170, %get3A_1171] {strides = array<i32>} : memref<3x128x128xf32, #tpu.memory_space<vmem>>, vector<1x1x16xf32>,
        %get3A_1173 = vector.shape_cast %get3A_1172 : vector<1x1x16xf32> to vector<16xf32>
        %mul3A_1174 = vector.broadcast %squeeze3A_1090 : f32 to vector<16xf32>
        %mul3A_1175 = arith.mulf %get3A_1173, %mul3A_1174 : vector<16xf32>
        %swap3A_1176 = arith.index_cast %select_n3A_219 : i32 to index
        %swap3A_1177 = arith.index_cast %add3A_1088 : i32 to index
        %swap3A_1178 = arith.constant 96 : index
        %swap3A_1179 = tpu.vector_load %arg8[%swap3A_1176, %swap3A_1177, %swap3A_1178] {strides = array<i32>} : memref<3x128x128xf32, #tpu.memory_space<vmem>>, vector<1x1x16xf32>,
        %swap3A_1180 = vector.shape_cast %swap3A_1179 : vector<1x1x16xf32> to vector<16xf32>
        %swap3A_1181 = vector.shape_cast %mul3A_1175 : vector<16xf32> to vector<1x1x16xf32>
        tpu.vector_store %arg8[%swap3A_1176, %swap3A_1177, %swap3A_1178], %swap3A_1181 {strides = array<i32>} : memref<3x128x128xf32, #tpu.memory_space<vmem>>, vector<1x1x16xf32>,
        %get3A_1182 = arith.index_cast %select_n3A_219 : i32 to index
        %get3A_1183 = arith.index_cast %add3A_1088 : i32 to index
        %get3A_1184 = arith.constant 112 : index
        %get3A_1185 = tpu.vector_load %arg8[%get3A_1182, %get3A_1183, %get3A_1184] {strides = array<i32>} : memref<3x128x128xf32, #tpu.memory_space<vmem>>, vector<1x1x16xf32>,
        %get3A_1186 = vector.shape_cast %get3A_1185 : vector<1x1x16xf32> to vector<16xf32>
        %mul3A_1187 = vector.broadcast %squeeze3A_1090 : f32 to vector<16xf32>
        %mul3A_1188 = arith.mulf %get3A_1186, %mul3A_1187 : vector<16xf32>
        %swap3A_1189 = arith.index_cast %select_n3A_219 : i32 to index
        %swap3A_1190 = arith.index_cast %add3A_1088 : i32 to index
        %swap3A_1191 = arith.constant 112 : index
        %swap3A_1192 = tpu.vector_load %arg8[%swap3A_1189, %swap3A_1190, %swap3A_1191] {strides = array<i32>} : memref<3x128x128xf32, #tpu.memory_space<vmem>>, vector<1x1x16xf32>,
        %swap3A_1193 = vector.shape_cast %swap3A_1192 : vector<1x1x16xf32> to vector<16xf32>
        %swap3A_1194 = vector.shape_cast %mul3A_1188 : vector<16xf32> to vector<1x1x16xf32>
        tpu.vector_store %arg8[%swap3A_1189, %swap3A_1190, %swap3A_1191], %swap3A_1194 {strides = array<i32>} : memref<3x128x128xf32, #tpu.memory_space<vmem>>, vector<1x1x16xf32>,
        %mul3A_1195 = arith.constant 16 : i32
        %mul3A_1196 = arith.muli %scan3A_296, %mul3A_1195 : i32
        %add3A_1197 = arith.constant 8 : i32
        %add3A_1198 = arith.addi %mul3A_1196, %add3A_1197 : i32
        %slice3A_1199 = vector.extract_strided_slice %get3A_317 {offsets = [8], sizes = [1], strides = [1]} : vector<16xf32> to vector<1xf32>
        %squeeze3A_1200 = vector.extract %slice3A_1199[0] : f32 from vector<1xf32>
        %get3A_1201 = arith.index_cast %select_n3A_219 : i32 to index
        %get3A_1202 = arith.index_cast %add3A_1198 : i32 to index
        %get3A_1203 = arith.constant 0 : index
        %get3A_1204 = tpu.vector_load %arg8[%get3A_1201, %get3A_1202, %get3A_1203] {strides = array<i32>} : memref<3x128x128xf32, #tpu.memory_space<vmem>>, vector<1x1x16xf32>,
        %get3A_1205 = vector.shape_cast %get3A_1204 : vector<1x1x16xf32> to vector<16xf32>
        %mul3A_1206 = vector.broadcast %squeeze3A_1200 : f32 to vector<16xf32>
        %mul3A_1207 = arith.mulf %get3A_1205, %mul3A_1206 : vector<16xf32>
        %swap3A_1208 = arith.index_cast %select_n3A_219 : i32 to index
        %swap3A_1209 = arith.index_cast %add3A_1198 : i32 to index
        %swap3A_1210 = arith.constant 0 : index
        %swap3A_1211 = tpu.vector_load %arg8[%swap3A_1208, %swap3A_1209, %swap3A_1210] {strides = array<i32>} : memref<3x128x128xf32, #tpu.memory_space<vmem>>, vector<1x1x16xf32>,
        %swap3A_1212 = vector.shape_cast %swap3A_1211 : vector<1x1x16xf32> to vector<16xf32>
        %swap3A_1213 = vector.shape_cast %mul3A_1207 : vector<16xf32> to vector<1x1x16xf32>
        tpu.vector_store %arg8[%swap3A_1208, %swap3A_1209, %swap3A_1210], %swap3A_1213 {strides = array<i32>} : memref<3x128x128xf32, #tpu.memory_space<vmem>>, vector<1x1x16xf32>,
        %get3A_1214 = arith.index_cast %select_n3A_219 : i32 to index
        %get3A_1215 = arith.index_cast %add3A_1198 : i32 to index
        %get3A_1216 = arith.constant 16 : index
        %get3A_1217 = tpu.vector_load %arg8[%get3A_1214, %get3A_1215, %get3A_1216] {strides = array<i32>} : memref<3x128x128xf32, #tpu.memory_space<vmem>>, vector<1x1x16xf32>,
        %get3A_1218 = vector.shape_cast %get3A_1217 : vector<1x1x16xf32> to vector<16xf32>
        %mul3A_1219 = vector.broadcast %squeeze3A_1200 : f32 to vector<16xf32>
        %mul3A_1220 = arith.mulf %get3A_1218, %mul3A_1219 : vector<16xf32>
        %swap3A_1221 = arith.index_cast %select_n3A_219 : i32 to index
        %swap3A_1222 = arith.index_cast %add3A_1198 : i32 to index
        %swap3A_1223 = arith.constant 16 : index
        %swap3A_1224 = tpu.vector_load %arg8[%swap3A_1221, %swap3A_1222, %swap3A_1223] {strides = array<i32>} : memref<3x128x128xf32, #tpu.memory_space<vmem>>, vector<1x1x16xf32>,
        %swap3A_1225 = vector.shape_cast %swap3A_1224 : vector<1x1x16xf32> to vector<16xf32>
        %swap3A_1226 = vector.shape_cast %mul3A_1220 : vector<16xf32> to vector<1x1x16xf32>
        tpu.vector_store %arg8[%swap3A_1221, %swap3A_1222, %swap3A_1223], %swap3A_1226 {strides = array<i32>} : memref<3x128x128xf32, #tpu.memory_space<vmem>>, vector<1x1x16xf32>,
        %get3A_1227 = arith.index_cast %select_n3A_219 : i32 to index
        %get3A_1228 = arith.index_cast %add3A_1198 : i32 to index
        %get3A_1229 = arith.constant 32 : index
        %get3A_1230 = tpu.vector_load %arg8[%get3A_1227, %get3A_1228, %get3A_1229] {strides = array<i32>} : memref<3x128x128xf32, #tpu.memory_space<vmem>>, vector<1x1x16xf32>,
        %get3A_1231 = vector.shape_cast %get3A_1230 : vector<1x1x16xf32> to vector<16xf32>
        %mul3A_1232 = vector.broadcast %squeeze3A_1200 : f32 to vector<16xf32>
        %mul3A_1233 = arith.mulf %get3A_1231, %mul3A_1232 : vector<16xf32>
        %swap3A_1234 = arith.index_cast %select_n3A_219 : i32 to index
        %swap3A_1235 = arith.index_cast %add3A_1198 : i32 to index
        %swap3A_1236 = arith.constant 32 : index
        %swap3A_1237 = tpu.vector_load %arg8[%swap3A_1234, %swap3A_1235, %swap3A_1236] {strides = array<i32>} : memref<3x128x128xf32, #tpu.memory_space<vmem>>, vector<1x1x16xf32>,
        %swap3A_1238 = vector.shape_cast %swap3A_1237 : vector<1x1x16xf32> to vector<16xf32>
        %swap3A_1239 = vector.shape_cast %mul3A_1233 : vector<16xf32> to vector<1x1x16xf32>
        tpu.vector_store %arg8[%swap3A_1234, %swap3A_1235, %swap3A_1236], %swap3A_1239 {strides = array<i32>} : memref<3x128x128xf32, #tpu.memory_space<vmem>>, vector<1x1x16xf32>,
        %get3A_1240 = arith.index_cast %select_n3A_219 : i32 to index
        %get3A_1241 = arith.index_cast %add3A_1198 : i32 to index
        %get3A_1242 = arith.constant 48 : index
        %get3A_1243 = tpu.vector_load %arg8[%get3A_1240, %get3A_1241, %get3A_1242] {strides = array<i32>} : memref<3x128x128xf32, #tpu.memory_space<vmem>>, vector<1x1x16xf32>,
        %get3A_1244 = vector.shape_cast %get3A_1243 : vector<1x1x16xf32> to vector<16xf32>
        %mul3A_1245 = vector.broadcast %squeeze3A_1200 : f32 to vector<16xf32>
        %mul3A_1246 = arith.mulf %get3A_1244, %mul3A_1245 : vector<16xf32>
        %swap3A_1247 = arith.index_cast %select_n3A_219 : i32 to index
        %swap3A_1248 = arith.index_cast %add3A_1198 : i32 to index
        %swap3A_1249 = arith.constant 48 : index
        %swap3A_1250 = tpu.vector_load %arg8[%swap3A_1247, %swap3A_1248, %swap3A_1249] {strides = array<i32>} : memref<3x128x128xf32, #tpu.memory_space<vmem>>, vector<1x1x16xf32>,
        %swap3A_1251 = vector.shape_cast %swap3A_1250 : vector<1x1x16xf32> to vector<16xf32>
        %swap3A_1252 = vector.shape_cast %mul3A_1246 : vector<16xf32> to vector<1x1x16xf32>
        tpu.vector_store %arg8[%swap3A_1247, %swap3A_1248, %swap3A_1249], %swap3A_1252 {strides = array<i32>} : memref<3x128x128xf32, #tpu.memory_space<vmem>>, vector<1x1x16xf32>,
        %get3A_1253 = arith.index_cast %select_n3A_219 : i32 to index
        %get3A_1254 = arith.index_cast %add3A_1198 : i32 to index
        %get3A_1255 = arith.constant 64 : index
        %get3A_1256 = tpu.vector_load %arg8[%get3A_1253, %get3A_1254, %get3A_1255] {strides = array<i32>} : memref<3x128x128xf32, #tpu.memory_space<vmem>>, vector<1x1x16xf32>,
        %get3A_1257 = vector.shape_cast %get3A_1256 : vector<1x1x16xf32> to vector<16xf32>
        %mul3A_1258 = vector.broadcast %squeeze3A_1200 : f32 to vector<16xf32>
        %mul3A_1259 = arith.mulf %get3A_1257, %mul3A_1258 : vector<16xf32>
        %swap3A_1260 = arith.index_cast %select_n3A_219 : i32 to index
        %swap3A_1261 = arith.index_cast %add3A_1198 : i32 to index
        %swap3A_1262 = arith.constant 64 : index
        %swap3A_1263 = tpu.vector_load %arg8[%swap3A_1260, %swap3A_1261, %swap3A_1262] {strides = array<i32>} : memref<3x128x128xf32, #tpu.memory_space<vmem>>, vector<1x1x16xf32>,
        %swap3A_1264 = vector.shape_cast %swap3A_1263 : vector<1x1x16xf32> to vector<16xf32>
        %swap3A_1265 = vector.shape_cast %mul3A_1259 : vector<16xf32> to vector<1x1x16xf32>
        tpu.vector_store %arg8[%swap3A_1260, %swap3A_1261, %swap3A_1262], %swap3A_1265 {strides = array<i32>} : memref<3x128x128xf32, #tpu.memory_space<vmem>>, vector<1x1x16xf32>,
        %get3A_1266 = arith.index_cast %select_n3A_219 : i32 to index
        %get3A_1267 = arith.index_cast %add3A_1198 : i32 to index
        %get3A_1268 = arith.constant 80 : index
        %get3A_1269 = tpu.vector_load %arg8[%get3A_1266, %get3A_1267, %get3A_1268] {strides = array<i32>} : memref<3x128x128xf32, #tpu.memory_space<vmem>>, vector<1x1x16xf32>,
        %get3A_1270 = vector.shape_cast %get3A_1269 : vector<1x1x16xf32> to vector<16xf32>
        %mul3A_1271 = vector.broadcast %squeeze3A_1200 : f32 to vector<16xf32>
        %mul3A_1272 = arith.mulf %get3A_1270, %mul3A_1271 : vector<16xf32>
        %swap3A_1273 = arith.index_cast %select_n3A_219 : i32 to index
        %swap3A_1274 = arith.index_cast %add3A_1198 : i32 to index
        %swap3A_1275 = arith.constant 80 : index
        %swap3A_1276 = tpu.vector_load %arg8[%swap3A_1273, %swap3A_1274, %swap3A_1275] {strides = array<i32>} : memref<3x128x128xf32, #tpu.memory_space<vmem>>, vector<1x1x16xf32>,
        %swap3A_1277 = vector.shape_cast %swap3A_1276 : vector<1x1x16xf32> to vector<16xf32>
        %swap3A_1278 = vector.shape_cast %mul3A_1272 : vector<16xf32> to vector<1x1x16xf32>
        tpu.vector_store %arg8[%swap3A_1273, %swap3A_1274, %swap3A_1275], %swap3A_1278 {strides = array<i32>} : memref<3x128x128xf32, #tpu.memory_space<vmem>>, vector<1x1x16xf32>,
        %get3A_1279 = arith.index_cast %select_n3A_219 : i32 to index
        %get3A_1280 = arith.index_cast %add3A_1198 : i32 to index
        %get3A_1281 = arith.constant 96 : index
        %get3A_1282 = tpu.vector_load %arg8[%get3A_1279, %get3A_1280, %get3A_1281] {strides = array<i32>} : memref<3x128x128xf32, #tpu.memory_space<vmem>>, vector<1x1x16xf32>,
        %get3A_1283 = vector.shape_cast %get3A_1282 : vector<1x1x16xf32> to vector<16xf32>
        %mul3A_1284 = vector.broadcast %squeeze3A_1200 : f32 to vector<16xf32>
        %mul3A_1285 = arith.mulf %get3A_1283, %mul3A_1284 : vector<16xf32>
        %swap3A_1286 = arith.index_cast %select_n3A_219 : i32 to index
        %swap3A_1287 = arith.index_cast %add3A_1198 : i32 to index
        %swap3A_1288 = arith.constant 96 : index
        %swap3A_1289 = tpu.vector_load %arg8[%swap3A_1286, %swap3A_1287, %swap3A_1288] {strides = array<i32>} : memref<3x128x128xf32, #tpu.memory_space<vmem>>, vector<1x1x16xf32>,
        %swap3A_1290 = vector.shape_cast %swap3A_1289 : vector<1x1x16xf32> to vector<16xf32>
        %swap3A_1291 = vector.shape_cast %mul3A_1285 : vector<16xf32> to vector<1x1x16xf32>
        tpu.vector_store %arg8[%swap3A_1286, %swap3A_1287, %swap3A_1288], %swap3A_1291 {strides = array<i32>} : memref<3x128x128xf32, #tpu.memory_space<vmem>>, vector<1x1x16xf32>,
        %get3A_1292 = arith.index_cast %select_n3A_219 : i32 to index
        %get3A_1293 = arith.index_cast %add3A_1198 : i32 to index
        %get3A_1294 = arith.constant 112 : index
        %get3A_1295 = tpu.vector_load %arg8[%get3A_1292, %get3A_1293, %get3A_1294] {strides = array<i32>} : memref<3x128x128xf32, #tpu.memory_space<vmem>>, vector<1x1x16xf32>,
        %get3A_1296 = vector.shape_cast %get3A_1295 : vector<1x1x16xf32> to vector<16xf32>
        %mul3A_1297 = vector.broadcast %squeeze3A_1200 : f32 to vector<16xf32>
        %mul3A_1298 = arith.mulf %get3A_1296, %mul3A_1297 : vector<16xf32>
        %swap3A_1299 = arith.index_cast %select_n3A_219 : i32 to index
        %swap3A_1300 = arith.index_cast %add3A_1198 : i32 to index
        %swap3A_1301 = arith.constant 112 : index
        %swap3A_1302 = tpu.vector_load %arg8[%swap3A_1299, %swap3A_1300, %swap3A_1301] {strides = array<i32>} : memref<3x128x128xf32, #tpu.memory_space<vmem>>, vector<1x1x16xf32>,
        %swap3A_1303 = vector.shape_cast %swap3A_1302 : vector<1x1x16xf32> to vector<16xf32>
        %swap3A_1304 = vector.shape_cast %mul3A_1298 : vector<16xf32> to vector<1x1x16xf32>
        tpu.vector_store %arg8[%swap3A_1299, %swap3A_1300, %swap3A_1301], %swap3A_1304 {strides = array<i32>} : memref<3x128x128xf32, #tpu.memory_space<vmem>>, vector<1x1x16xf32>,
        %mul3A_1305 = arith.constant 16 : i32
        %mul3A_1306 = arith.muli %scan3A_296, %mul3A_1305 : i32
        %add3A_1307 = arith.constant 9 : i32
        %add3A_1308 = arith.addi %mul3A_1306, %add3A_1307 : i32
        %slice3A_1309 = vector.extract_strided_slice %get3A_317 {offsets = [9], sizes = [1], strides = [1]} : vector<16xf32> to vector<1xf32>
        %squeeze3A_1310 = vector.extract %slice3A_1309[0] : f32 from vector<1xf32>
        %get3A_1311 = arith.index_cast %select_n3A_219 : i32 to index
        %get3A_1312 = arith.index_cast %add3A_1308 : i32 to index
        %get3A_1313 = arith.constant 0 : index
        %get3A_1314 = tpu.vector_load %arg8[%get3A_1311, %get3A_1312, %get3A_1313] {strides = array<i32>} : memref<3x128x128xf32, #tpu.memory_space<vmem>>, vector<1x1x16xf32>,
        %get3A_1315 = vector.shape_cast %get3A_1314 : vector<1x1x16xf32> to vector<16xf32>
        %mul3A_1316 = vector.broadcast %squeeze3A_1310 : f32 to vector<16xf32>
        %mul3A_1317 = arith.mulf %get3A_1315, %mul3A_1316 : vector<16xf32>
        %swap3A_1318 = arith.index_cast %select_n3A_219 : i32 to index
        %swap3A_1319 = arith.index_cast %add3A_1308 : i32 to index
        %swap3A_1320 = arith.constant 0 : index
        %swap3A_1321 = tpu.vector_load %arg8[%swap3A_1318, %swap3A_1319, %swap3A_1320] {strides = array<i32>} : memref<3x128x128xf32, #tpu.memory_space<vmem>>, vector<1x1x16xf32>,
        %swap3A_1322 = vector.shape_cast %swap3A_1321 : vector<1x1x16xf32> to vector<16xf32>
        %swap3A_1323 = vector.shape_cast %mul3A_1317 : vector<16xf32> to vector<1x1x16xf32>
        tpu.vector_store %arg8[%swap3A_1318, %swap3A_1319, %swap3A_1320], %swap3A_1323 {strides = array<i32>} : memref<3x128x128xf32, #tpu.memory_space<vmem>>, vector<1x1x16xf32>,
        %get3A_1324 = arith.index_cast %select_n3A_219 : i32 to index
        %get3A_1325 = arith.index_cast %add3A_1308 : i32 to index
        %get3A_1326 = arith.constant 16 : index
        %get3A_1327 = tpu.vector_load %arg8[%get3A_1324, %get3A_1325, %get3A_1326] {strides = array<i32>} : memref<3x128x128xf32, #tpu.memory_space<vmem>>, vector<1x1x16xf32>,
        %get3A_1328 = vector.shape_cast %get3A_1327 : vector<1x1x16xf32> to vector<16xf32>
        %mul3A_1329 = vector.broadcast %squeeze3A_1310 : f32 to vector<16xf32>
        %mul3A_1330 = arith.mulf %get3A_1328, %mul3A_1329 : vector<16xf32>
        %swap3A_1331 = arith.index_cast %select_n3A_219 : i32 to index
        %swap3A_1332 = arith.index_cast %add3A_1308 : i32 to index
        %swap3A_1333 = arith.constant 16 : index
        %swap3A_1334 = tpu.vector_load %arg8[%swap3A_1331, %swap3A_1332, %swap3A_1333] {strides = array<i32>} : memref<3x128x128xf32, #tpu.memory_space<vmem>>, vector<1x1x16xf32>,
        %swap3A_1335 = vector.shape_cast %swap3A_1334 : vector<1x1x16xf32> to vector<16xf32>
        %swap3A_1336 = vector.shape_cast %mul3A_1330 : vector<16xf32> to vector<1x1x16xf32>
        tpu.vector_store %arg8[%swap3A_1331, %swap3A_1332, %swap3A_1333], %swap3A_1336 {strides = array<i32>} : memref<3x128x128xf32, #tpu.memory_space<vmem>>, vector<1x1x16xf32>,
        %get3A_1337 = arith.index_cast %select_n3A_219 : i32 to index
        %get3A_1338 = arith.index_cast %add3A_1308 : i32 to index
        %get3A_1339 = arith.constant 32 : index
        %get3A_1340 = tpu.vector_load %arg8[%get3A_1337, %get3A_1338, %get3A_1339] {strides = array<i32>} : memref<3x128x128xf32, #tpu.memory_space<vmem>>, vector<1x1x16xf32>,
        %get3A_1341 = vector.shape_cast %get3A_1340 : vector<1x1x16xf32> to vector<16xf32>
        %mul3A_1342 = vector.broadcast %squeeze3A_1310 : f32 to vector<16xf32>
        %mul3A_1343 = arith.mulf %get3A_1341, %mul3A_1342 : vector<16xf32>
        %swap3A_1344 = arith.index_cast %select_n3A_219 : i32 to index
        %swap3A_1345 = arith.index_cast %add3A_1308 : i32 to index
        %swap3A_1346 = arith.constant 32 : index
        %swap3A_1347 = tpu.vector_load %arg8[%swap3A_1344, %swap3A_1345, %swap3A_1346] {strides = array<i32>} : memref<3x128x128xf32, #tpu.memory_space<vmem>>, vector<1x1x16xf32>,
        %swap3A_1348 = vector.shape_cast %swap3A_1347 : vector<1x1x16xf32> to vector<16xf32>
        %swap3A_1349 = vector.shape_cast %mul3A_1343 : vector<16xf32> to vector<1x1x16xf32>
        tpu.vector_store %arg8[%swap3A_1344, %swap3A_1345, %swap3A_1346], %swap3A_1349 {strides = array<i32>} : memref<3x128x128xf32, #tpu.memory_space<vmem>>, vector<1x1x16xf32>,
        %get3A_1350 = arith.index_cast %select_n3A_219 : i32 to index
        %get3A_1351 = arith.index_cast %add3A_1308 : i32 to index
        %get3A_1352 = arith.constant 48 : index
        %get3A_1353 = tpu.vector_load %arg8[%get3A_1350, %get3A_1351, %get3A_1352] {strides = array<i32>} : memref<3x128x128xf32, #tpu.memory_space<vmem>>, vector<1x1x16xf32>,
        %get3A_1354 = vector.shape_cast %get3A_1353 : vector<1x1x16xf32> to vector<16xf32>
        %mul3A_1355 = vector.broadcast %squeeze3A_1310 : f32 to vector<16xf32>
        %mul3A_1356 = arith.mulf %get3A_1354, %mul3A_1355 : vector<16xf32>
        %swap3A_1357 = arith.index_cast %select_n3A_219 : i32 to index
        %swap3A_1358 = arith.index_cast %add3A_1308 : i32 to index
        %swap3A_1359 = arith.constant 48 : index
        %swap3A_1360 = tpu.vector_load %arg8[%swap3A_1357, %swap3A_1358, %swap3A_1359] {strides = array<i32>} : memref<3x128x128xf32, #tpu.memory_space<vmem>>, vector<1x1x16xf32>,
        %swap3A_1361 = vector.shape_cast %swap3A_1360 : vector<1x1x16xf32> to vector<16xf32>
        %swap3A_1362 = vector.shape_cast %mul3A_1356 : vector<16xf32> to vector<1x1x16xf32>
        tpu.vector_store %arg8[%swap3A_1357, %swap3A_1358, %swap3A_1359], %swap3A_1362 {strides = array<i32>} : memref<3x128x128xf32, #tpu.memory_space<vmem>>, vector<1x1x16xf32>,
        %get3A_1363 = arith.index_cast %select_n3A_219 : i32 to index
        %get3A_1364 = arith.index_cast %add3A_1308 : i32 to index
        %get3A_1365 = arith.constant 64 : index
        %get3A_1366 = tpu.vector_load %arg8[%get3A_1363, %get3A_1364, %get3A_1365] {strides = array<i32>} : memref<3x128x128xf32, #tpu.memory_space<vmem>>, vector<1x1x16xf32>,
        %get3A_1367 = vector.shape_cast %get3A_1366 : vector<1x1x16xf32> to vector<16xf32>
        %mul3A_1368 = vector.broadcast %squeeze3A_1310 : f32 to vector<16xf32>
        %mul3A_1369 = arith.mulf %get3A_1367, %mul3A_1368 : vector<16xf32>
        %swap3A_1370 = arith.index_cast %select_n3A_219 : i32 to index
        %swap3A_1371 = arith.index_cast %add3A_1308 : i32 to index
        %swap3A_1372 = arith.constant 64 : index
        %swap3A_1373 = tpu.vector_load %arg8[%swap3A_1370, %swap3A_1371, %swap3A_1372] {strides = array<i32>} : memref<3x128x128xf32, #tpu.memory_space<vmem>>, vector<1x1x16xf32>,
        %swap3A_1374 = vector.shape_cast %swap3A_1373 : vector<1x1x16xf32> to vector<16xf32>
        %swap3A_1375 = vector.shape_cast %mul3A_1369 : vector<16xf32> to vector<1x1x16xf32>
        tpu.vector_store %arg8[%swap3A_1370, %swap3A_1371, %swap3A_1372], %swap3A_1375 {strides = array<i32>} : memref<3x128x128xf32, #tpu.memory_space<vmem>>, vector<1x1x16xf32>,
        %get3A_1376 = arith.index_cast %select_n3A_219 : i32 to index
        %get3A_1377 = arith.index_cast %add3A_1308 : i32 to index
        %get3A_1378 = arith.constant 80 : index
        %get3A_1379 = tpu.vector_load %arg8[%get3A_1376, %get3A_1377, %get3A_1378] {strides = array<i32>} : memref<3x128x128xf32, #tpu.memory_space<vmem>>, vector<1x1x16xf32>,
        %get3A_1380 = vector.shape_cast %get3A_1379 : vector<1x1x16xf32> to vector<16xf32>
        %mul3A_1381 = vector.broadcast %squeeze3A_1310 : f32 to vector<16xf32>
        %mul3A_1382 = arith.mulf %get3A_1380, %mul3A_1381 : vector<16xf32>
        %swap3A_1383 = arith.index_cast %select_n3A_219 : i32 to index
        %swap3A_1384 = arith.index_cast %add3A_1308 : i32 to index
        %swap3A_1385 = arith.constant 80 : index
        %swap3A_1386 = tpu.vector_load %arg8[%swap3A_1383, %swap3A_1384, %swap3A_1385] {strides = array<i32>} : memref<3x128x128xf32, #tpu.memory_space<vmem>>, vector<1x1x16xf32>,
        %swap3A_1387 = vector.shape_cast %swap3A_1386 : vector<1x1x16xf32> to vector<16xf32>
        %swap3A_1388 = vector.shape_cast %mul3A_1382 : vector<16xf32> to vector<1x1x16xf32>
        tpu.vector_store %arg8[%swap3A_1383, %swap3A_1384, %swap3A_1385], %swap3A_1388 {strides = array<i32>} : memref<3x128x128xf32, #tpu.memory_space<vmem>>, vector<1x1x16xf32>,
        %get3A_1389 = arith.index_cast %select_n3A_219 : i32 to index
        %get3A_1390 = arith.index_cast %add3A_1308 : i32 to index
        %get3A_1391 = arith.constant 96 : index
        %get3A_1392 = tpu.vector_load %arg8[%get3A_1389, %get3A_1390, %get3A_1391] {strides = array<i32>} : memref<3x128x128xf32, #tpu.memory_space<vmem>>, vector<1x1x16xf32>,
        %get3A_1393 = vector.shape_cast %get3A_1392 : vector<1x1x16xf32> to vector<16xf32>
        %mul3A_1394 = vector.broadcast %squeeze3A_1310 : f32 to vector<16xf32>
        %mul3A_1395 = arith.mulf %get3A_1393, %mul3A_1394 : vector<16xf32>
        %swap3A_1396 = arith.index_cast %select_n3A_219 : i32 to index
        %swap3A_1397 = arith.index_cast %add3A_1308 : i32 to index
        %swap3A_1398 = arith.constant 96 : index
        %swap3A_1399 = tpu.vector_load %arg8[%swap3A_1396, %swap3A_1397, %swap3A_1398] {strides = array<i32>} : memref<3x128x128xf32, #tpu.memory_space<vmem>>, vector<1x1x16xf32>,
        %swap3A_1400 = vector.shape_cast %swap3A_1399 : vector<1x1x16xf32> to vector<16xf32>
        %swap3A_1401 = vector.shape_cast %mul3A_1395 : vector<16xf32> to vector<1x1x16xf32>
        tpu.vector_store %arg8[%swap3A_1396, %swap3A_1397, %swap3A_1398], %swap3A_1401 {strides = array<i32>} : memref<3x128x128xf32, #tpu.memory_space<vmem>>, vector<1x1x16xf32>,
        %get3A_1402 = arith.index_cast %select_n3A_219 : i32 to index
        %get3A_1403 = arith.index_cast %add3A_1308 : i32 to index
        %get3A_1404 = arith.constant 112 : index
        %get3A_1405 = tpu.vector_load %arg8[%get3A_1402, %get3A_1403, %get3A_1404] {strides = array<i32>} : memref<3x128x128xf32, #tpu.memory_space<vmem>>, vector<1x1x16xf32>,
        %get3A_1406 = vector.shape_cast %get3A_1405 : vector<1x1x16xf32> to vector<16xf32>
        %mul3A_1407 = vector.broadcast %squeeze3A_1310 : f32 to vector<16xf32>
        %mul3A_1408 = arith.mulf %get3A_1406, %mul3A_1407 : vector<16xf32>
        %swap3A_1409 = arith.index_cast %select_n3A_219 : i32 to index
        %swap3A_1410 = arith.index_cast %add3A_1308 : i32 to index
        %swap3A_1411 = arith.constant 112 : index
        %swap3A_1412 = tpu.vector_load %arg8[%swap3A_1409, %swap3A_1410, %swap3A_1411] {strides = array<i32>} : memref<3x128x128xf32, #tpu.memory_space<vmem>>, vector<1x1x16xf32>,
        %swap3A_1413 = vector.shape_cast %swap3A_1412 : vector<1x1x16xf32> to vector<16xf32>
        %swap3A_1414 = vector.shape_cast %mul3A_1408 : vector<16xf32> to vector<1x1x16xf32>
        tpu.vector_store %arg8[%swap3A_1409, %swap3A_1410, %swap3A_1411], %swap3A_1414 {strides = array<i32>} : memref<3x128x128xf32, #tpu.memory_space<vmem>>, vector<1x1x16xf32>,
        %mul3A_1415 = arith.constant 16 : i32
        %mul3A_1416 = arith.muli %scan3A_296, %mul3A_1415 : i32
        %add3A_1417 = arith.constant 10 : i32
        %add3A_1418 = arith.addi %mul3A_1416, %add3A_1417 : i32
        %slice3A_1419 = vector.extract_strided_slice %get3A_317 {offsets = [10], sizes = [1], strides = [1]} : vector<16xf32> to vector<1xf32>
        %squeeze3A_1420 = vector.extract %slice3A_1419[0] : f32 from vector<1xf32>
        %get3A_1421 = arith.index_cast %select_n3A_219 : i32 to index
        %get3A_1422 = arith.index_cast %add3A_1418 : i32 to index
        %get3A_1423 = arith.constant 0 : index
        %get3A_1424 = tpu.vector_load %arg8[%get3A_1421, %get3A_1422, %get3A_1423] {strides = array<i32>} : memref<3x128x128xf32, #tpu.memory_space<vmem>>, vector<1x1x16xf32>,
        %get3A_1425 = vector.shape_cast %get3A_1424 : vector<1x1x16xf32> to vector<16xf32>
        %mul3A_1426 = vector.broadcast %squeeze3A_1420 : f32 to vector<16xf32>
        %mul3A_1427 = arith.mulf %get3A_1425, %mul3A_1426 : vector<16xf32>
        %swap3A_1428 = arith.index_cast %select_n3A_219 : i32 to index
        %swap3A_1429 = arith.index_cast %add3A_1418 : i32 to index
        %swap3A_1430 = arith.constant 0 : index
        %swap3A_1431 = tpu.vector_load %arg8[%swap3A_1428, %swap3A_1429, %swap3A_1430] {strides = array<i32>} : memref<3x128x128xf32, #tpu.memory_space<vmem>>, vector<1x1x16xf32>,
        %swap3A_1432 = vector.shape_cast %swap3A_1431 : vector<1x1x16xf32> to vector<16xf32>
        %swap3A_1433 = vector.shape_cast %mul3A_1427 : vector<16xf32> to vector<1x1x16xf32>
        tpu.vector_store %arg8[%swap3A_1428, %swap3A_1429, %swap3A_1430], %swap3A_1433 {strides = array<i32>} : memref<3x128x128xf32, #tpu.memory_space<vmem>>, vector<1x1x16xf32>,
        %get3A_1434 = arith.index_cast %select_n3A_219 : i32 to index
        %get3A_1435 = arith.index_cast %add3A_1418 : i32 to index
        %get3A_1436 = arith.constant 16 : index
        %get3A_1437 = tpu.vector_load %arg8[%get3A_1434, %get3A_1435, %get3A_1436] {strides = array<i32>} : memref<3x128x128xf32, #tpu.memory_space<vmem>>, vector<1x1x16xf32>,
        %get3A_1438 = vector.shape_cast %get3A_1437 : vector<1x1x16xf32> to vector<16xf32>
        %mul3A_1439 = vector.broadcast %squeeze3A_1420 : f32 to vector<16xf32>
        %mul3A_1440 = arith.mulf %get3A_1438, %mul3A_1439 : vector<16xf32>
        %swap3A_1441 = arith.index_cast %select_n3A_219 : i32 to index
        %swap3A_1442 = arith.index_cast %add3A_1418 : i32 to index
        %swap3A_1443 = arith.constant 16 : index
        %swap3A_1444 = tpu.vector_load %arg8[%swap3A_1441, %swap3A_1442, %swap3A_1443] {strides = array<i32>} : memref<3x128x128xf32, #tpu.memory_space<vmem>>, vector<1x1x16xf32>,
        %swap3A_1445 = vector.shape_cast %swap3A_1444 : vector<1x1x16xf32> to vector<16xf32>
        %swap3A_1446 = vector.shape_cast %mul3A_1440 : vector<16xf32> to vector<1x1x16xf32>
        tpu.vector_store %arg8[%swap3A_1441, %swap3A_1442, %swap3A_1443], %swap3A_1446 {strides = array<i32>} : memref<3x128x128xf32, #tpu.memory_space<vmem>>, vector<1x1x16xf32>,
        %get3A_1447 = arith.index_cast %select_n3A_219 : i32 to index
        %get3A_1448 = arith.index_cast %add3A_1418 : i32 to index
        %get3A_1449 = arith.constant 32 : index
        %get3A_1450 = tpu.vector_load %arg8[%get3A_1447, %get3A_1448, %get3A_1449] {strides = array<i32>} : memref<3x128x128xf32, #tpu.memory_space<vmem>>, vector<1x1x16xf32>,
        %get3A_1451 = vector.shape_cast %get3A_1450 : vector<1x1x16xf32> to vector<16xf32>
        %mul3A_1452 = vector.broadcast %squeeze3A_1420 : f32 to vector<16xf32>
        %mul3A_1453 = arith.mulf %get3A_1451, %mul3A_1452 : vector<16xf32>
        %swap3A_1454 = arith.index_cast %select_n3A_219 : i32 to index
        %swap3A_1455 = arith.index_cast %add3A_1418 : i32 to index
        %swap3A_1456 = arith.constant 32 : index
        %swap3A_1457 = tpu.vector_load %arg8[%swap3A_1454, %swap3A_1455, %swap3A_1456] {strides = array<i32>} : memref<3x128x128xf32, #tpu.memory_space<vmem>>, vector<1x1x16xf32>,
        %swap3A_1458 = vector.shape_cast %swap3A_1457 : vector<1x1x16xf32> to vector<16xf32>
        %swap3A_1459 = vector.shape_cast %mul3A_1453 : vector<16xf32> to vector<1x1x16xf32>
        tpu.vector_store %arg8[%swap3A_1454, %swap3A_1455, %swap3A_1456], %swap3A_1459 {strides = array<i32>} : memref<3x128x128xf32, #tpu.memory_space<vmem>>, vector<1x1x16xf32>,
        %get3A_1460 = arith.index_cast %select_n3A_219 : i32 to index
        %get3A_1461 = arith.index_cast %add3A_1418 : i32 to index
        %get3A_1462 = arith.constant 48 : index
        %get3A_1463 = tpu.vector_load %arg8[%get3A_1460, %get3A_1461, %get3A_1462] {strides = array<i32>} : memref<3x128x128xf32, #tpu.memory_space<vmem>>, vector<1x1x16xf32>,
        %get3A_1464 = vector.shape_cast %get3A_1463 : vector<1x1x16xf32> to vector<16xf32>
        %mul3A_1465 = vector.broadcast %squeeze3A_1420 : f32 to vector<16xf32>
        %mul3A_1466 = arith.mulf %get3A_1464, %mul3A_1465 : vector<16xf32>
        %swap3A_1467 = arith.index_cast %select_n3A_219 : i32 to index
        %swap3A_1468 = arith.index_cast %add3A_1418 : i32 to index
        %swap3A_1469 = arith.constant 48 : index
        %swap3A_1470 = tpu.vector_load %arg8[%swap3A_1467, %swap3A_1468, %swap3A_1469] {strides = array<i32>} : memref<3x128x128xf32, #tpu.memory_space<vmem>>, vector<1x1x16xf32>,
        %swap3A_1471 = vector.shape_cast %swap3A_1470 : vector<1x1x16xf32> to vector<16xf32>
        %swap3A_1472 = vector.shape_cast %mul3A_1466 : vector<16xf32> to vector<1x1x16xf32>
        tpu.vector_store %arg8[%swap3A_1467, %swap3A_1468, %swap3A_1469], %swap3A_1472 {strides = array<i32>} : memref<3x128x128xf32, #tpu.memory_space<vmem>>, vector<1x1x16xf32>,
        %get3A_1473 = arith.index_cast %select_n3A_219 : i32 to index
        %get3A_1474 = arith.index_cast %add3A_1418 : i32 to index
        %get3A_1475 = arith.constant 64 : index
        %get3A_1476 = tpu.vector_load %arg8[%get3A_1473, %get3A_1474, %get3A_1475] {strides = array<i32>} : memref<3x128x128xf32, #tpu.memory_space<vmem>>, vector<1x1x16xf32>,
        %get3A_1477 = vector.shape_cast %get3A_1476 : vector<1x1x16xf32> to vector<16xf32>
        %mul3A_1478 = vector.broadcast %squeeze3A_1420 : f32 to vector<16xf32>
        %mul3A_1479 = arith.mulf %get3A_1477, %mul3A_1478 : vector<16xf32>
        %swap3A_1480 = arith.index_cast %select_n3A_219 : i32 to index
        %swap3A_1481 = arith.index_cast %add3A_1418 : i32 to index
        %swap3A_1482 = arith.constant 64 : index
        %swap3A_1483 = tpu.vector_load %arg8[%swap3A_1480, %swap3A_1481, %swap3A_1482] {strides = array<i32>} : memref<3x128x128xf32, #tpu.memory_space<vmem>>, vector<1x1x16xf32>,
        %swap3A_1484 = vector.shape_cast %swap3A_1483 : vector<1x1x16xf32> to vector<16xf32>
        %swap3A_1485 = vector.shape_cast %mul3A_1479 : vector<16xf32> to vector<1x1x16xf32>
        tpu.vector_store %arg8[%swap3A_1480, %swap3A_1481, %swap3A_1482], %swap3A_1485 {strides = array<i32>} : memref<3x128x128xf32, #tpu.memory_space<vmem>>, vector<1x1x16xf32>,
        %get3A_1486 = arith.index_cast %select_n3A_219 : i32 to index
        %get3A_1487 = arith.index_cast %add3A_1418 : i32 to index
        %get3A_1488 = arith.constant 80 : index
        %get3A_1489 = tpu.vector_load %arg8[%get3A_1486, %get3A_1487, %get3A_1488] {strides = array<i32>} : memref<3x128x128xf32, #tpu.memory_space<vmem>>, vector<1x1x16xf32>,
        %get3A_1490 = vector.shape_cast %get3A_1489 : vector<1x1x16xf32> to vector<16xf32>
        %mul3A_1491 = vector.broadcast %squeeze3A_1420 : f32 to vector<16xf32>
        %mul3A_1492 = arith.mulf %get3A_1490, %mul3A_1491 : vector<16xf32>
        %swap3A_1493 = arith.index_cast %select_n3A_219 : i32 to index
        %swap3A_1494 = arith.index_cast %add3A_1418 : i32 to index
        %swap3A_1495 = arith.constant 80 : index
        %swap3A_1496 = tpu.vector_load %arg8[%swap3A_1493, %swap3A_1494, %swap3A_1495] {strides = array<i32>} : memref<3x128x128xf32, #tpu.memory_space<vmem>>, vector<1x1x16xf32>,
        %swap3A_1497 = vector.shape_cast %swap3A_1496 : vector<1x1x16xf32> to vector<16xf32>
        %swap3A_1498 = vector.shape_cast %mul3A_1492 : vector<16xf32> to vector<1x1x16xf32>
        tpu.vector_store %arg8[%swap3A_1493, %swap3A_1494, %swap3A_1495], %swap3A_1498 {strides = array<i32>} : memref<3x128x128xf32, #tpu.memory_space<vmem>>, vector<1x1x16xf32>,
        %get3A_1499 = arith.index_cast %select_n3A_219 : i32 to index
        %get3A_1500 = arith.index_cast %add3A_1418 : i32 to index
        %get3A_1501 = arith.constant 96 : index
        %get3A_1502 = tpu.vector_load %arg8[%get3A_1499, %get3A_1500, %get3A_1501] {strides = array<i32>} : memref<3x128x128xf32, #tpu.memory_space<vmem>>, vector<1x1x16xf32>,
        %get3A_1503 = vector.shape_cast %get3A_1502 : vector<1x1x16xf32> to vector<16xf32>
        %mul3A_1504 = vector.broadcast %squeeze3A_1420 : f32 to vector<16xf32>
        %mul3A_1505 = arith.mulf %get3A_1503, %mul3A_1504 : vector<16xf32>
        %swap3A_1506 = arith.index_cast %select_n3A_219 : i32 to index
        %swap3A_1507 = arith.index_cast %add3A_1418 : i32 to index
        %swap3A_1508 = arith.constant 96 : index
        %swap3A_1509 = tpu.vector_load %arg8[%swap3A_1506, %swap3A_1507, %swap3A_1508] {strides = array<i32>} : memref<3x128x128xf32, #tpu.memory_space<vmem>>, vector<1x1x16xf32>,
        %swap3A_1510 = vector.shape_cast %swap3A_1509 : vector<1x1x16xf32> to vector<16xf32>
        %swap3A_1511 = vector.shape_cast %mul3A_1505 : vector<16xf32> to vector<1x1x16xf32>
        tpu.vector_store %arg8[%swap3A_1506, %swap3A_1507, %swap3A_1508], %swap3A_1511 {strides = array<i32>} : memref<3x128x128xf32, #tpu.memory_space<vmem>>, vector<1x1x16xf32>,
        %get3A_1512 = arith.index_cast %select_n3A_219 : i32 to index
        %get3A_1513 = arith.index_cast %add3A_1418 : i32 to index
        %get3A_1514 = arith.constant 112 : index
        %get3A_1515 = tpu.vector_load %arg8[%get3A_1512, %get3A_1513, %get3A_1514] {strides = array<i32>} : memref<3x128x128xf32, #tpu.memory_space<vmem>>, vector<1x1x16xf32>,
        %get3A_1516 = vector.shape_cast %get3A_1515 : vector<1x1x16xf32> to vector<16xf32>
        %mul3A_1517 = vector.broadcast %squeeze3A_1420 : f32 to vector<16xf32>
        %mul3A_1518 = arith.mulf %get3A_1516, %mul3A_1517 : vector<16xf32>
        %swap3A_1519 = arith.index_cast %select_n3A_219 : i32 to index
        %swap3A_1520 = arith.index_cast %add3A_1418 : i32 to index
        %swap3A_1521 = arith.constant 112 : index
        %swap3A_1522 = tpu.vector_load %arg8[%swap3A_1519, %swap3A_1520, %swap3A_1521] {strides = array<i32>} : memref<3x128x128xf32, #tpu.memory_space<vmem>>, vector<1x1x16xf32>,
        %swap3A_1523 = vector.shape_cast %swap3A_1522 : vector<1x1x16xf32> to vector<16xf32>
        %swap3A_1524 = vector.shape_cast %mul3A_1518 : vector<16xf32> to vector<1x1x16xf32>
        tpu.vector_store %arg8[%swap3A_1519, %swap3A_1520, %swap3A_1521], %swap3A_1524 {strides = array<i32>} : memref<3x128x128xf32, #tpu.memory_space<vmem>>, vector<1x1x16xf32>,
        %mul3A_1525 = arith.constant 16 : i32
        %mul3A_1526 = arith.muli %scan3A_296, %mul3A_1525 : i32
        %add3A_1527 = arith.constant 11 : i32
        %add3A_1528 = arith.addi %mul3A_1526, %add3A_1527 : i32
        %slice3A_1529 = vector.extract_strided_slice %get3A_317 {offsets = [11], sizes = [1], strides = [1]} : vector<16xf32> to vector<1xf32>
        %squeeze3A_1530 = vector.extract %slice3A_1529[0] : f32 from vector<1xf32>
        %get3A_1531 = arith.index_cast %select_n3A_219 : i32 to index
        %get3A_1532 = arith.index_cast %add3A_1528 : i32 to index
        %get3A_1533 = arith.constant 0 : index
        %get3A_1534 = tpu.vector_load %arg8[%get3A_1531, %get3A_1532, %get3A_1533] {strides = array<i32>} : memref<3x128x128xf32, #tpu.memory_space<vmem>>, vector<1x1x16xf32>,
        %get3A_1535 = vector.shape_cast %get3A_1534 : vector<1x1x16xf32> to vector<16xf32>
        %mul3A_1536 = vector.broadcast %squeeze3A_1530 : f32 to vector<16xf32>
        %mul3A_1537 = arith.mulf %get3A_1535, %mul3A_1536 : vector<16xf32>
        %swap3A_1538 = arith.index_cast %select_n3A_219 : i32 to index
        %swap3A_1539 = arith.index_cast %add3A_1528 : i32 to index
        %swap3A_1540 = arith.constant 0 : index
        %swap3A_1541 = tpu.vector_load %arg8[%swap3A_1538, %swap3A_1539, %swap3A_1540] {strides = array<i32>} : memref<3x128x128xf32, #tpu.memory_space<vmem>>, vector<1x1x16xf32>,
        %swap3A_1542 = vector.shape_cast %swap3A_1541 : vector<1x1x16xf32> to vector<16xf32>
        %swap3A_1543 = vector.shape_cast %mul3A_1537 : vector<16xf32> to vector<1x1x16xf32>
        tpu.vector_store %arg8[%swap3A_1538, %swap3A_1539, %swap3A_1540], %swap3A_1543 {strides = array<i32>} : memref<3x128x128xf32, #tpu.memory_space<vmem>>, vector<1x1x16xf32>,
        %get3A_1544 = arith.index_cast %select_n3A_219 : i32 to index
        %get3A_1545 = arith.index_cast %add3A_1528 : i32 to index
        %get3A_1546 = arith.constant 16 : index
        %get3A_1547 = tpu.vector_load %arg8[%get3A_1544, %get3A_1545, %get3A_1546] {strides = array<i32>} : memref<3x128x128xf32, #tpu.memory_space<vmem>>, vector<1x1x16xf32>,
        %get3A_1548 = vector.shape_cast %get3A_1547 : vector<1x1x16xf32> to vector<16xf32>
        %mul3A_1549 = vector.broadcast %squeeze3A_1530 : f32 to vector<16xf32>
        %mul3A_1550 = arith.mulf %get3A_1548, %mul3A_1549 : vector<16xf32>
        %swap3A_1551 = arith.index_cast %select_n3A_219 : i32 to index
        %swap3A_1552 = arith.index_cast %add3A_1528 : i32 to index
        %swap3A_1553 = arith.constant 16 : index
        %swap3A_1554 = tpu.vector_load %arg8[%swap3A_1551, %swap3A_1552, %swap3A_1553] {strides = array<i32>} : memref<3x128x128xf32, #tpu.memory_space<vmem>>, vector<1x1x16xf32>,
        %swap3A_1555 = vector.shape_cast %swap3A_1554 : vector<1x1x16xf32> to vector<16xf32>
        %swap3A_1556 = vector.shape_cast %mul3A_1550 : vector<16xf32> to vector<1x1x16xf32>
        tpu.vector_store %arg8[%swap3A_1551, %swap3A_1552, %swap3A_1553], %swap3A_1556 {strides = array<i32>} : memref<3x128x128xf32, #tpu.memory_space<vmem>>, vector<1x1x16xf32>,
        %get3A_1557 = arith.index_cast %select_n3A_219 : i32 to index
        %get3A_1558 = arith.index_cast %add3A_1528 : i32 to index
        %get3A_1559 = arith.constant 32 : index
        %get3A_1560 = tpu.vector_load %arg8[%get3A_1557, %get3A_1558, %get3A_1559] {strides = array<i32>} : memref<3x128x128xf32, #tpu.memory_space<vmem>>, vector<1x1x16xf32>,
        %get3A_1561 = vector.shape_cast %get3A_1560 : vector<1x1x16xf32> to vector<16xf32>
        %mul3A_1562 = vector.broadcast %squeeze3A_1530 : f32 to vector<16xf32>
        %mul3A_1563 = arith.mulf %get3A_1561, %mul3A_1562 : vector<16xf32>
        %swap3A_1564 = arith.index_cast %select_n3A_219 : i32 to index
        %swap3A_1565 = arith.index_cast %add3A_1528 : i32 to index
        %swap3A_1566 = arith.constant 32 : index
        %swap3A_1567 = tpu.vector_load %arg8[%swap3A_1564, %swap3A_1565, %swap3A_1566] {strides = array<i32>} : memref<3x128x128xf32, #tpu.memory_space<vmem>>, vector<1x1x16xf32>,
        %swap3A_1568 = vector.shape_cast %swap3A_1567 : vector<1x1x16xf32> to vector<16xf32>
        %swap3A_1569 = vector.shape_cast %mul3A_1563 : vector<16xf32> to vector<1x1x16xf32>
        tpu.vector_store %arg8[%swap3A_1564, %swap3A_1565, %swap3A_1566], %swap3A_1569 {strides = array<i32>} : memref<3x128x128xf32, #tpu.memory_space<vmem>>, vector<1x1x16xf32>,
        %get3A_1570 = arith.index_cast %select_n3A_219 : i32 to index
        %get3A_1571 = arith.index_cast %add3A_1528 : i32 to index
        %get3A_1572 = arith.constant 48 : index
        %get3A_1573 = tpu.vector_load %arg8[%get3A_1570, %get3A_1571, %get3A_1572] {strides = array<i32>} : memref<3x128x128xf32, #tpu.memory_space<vmem>>, vector<1x1x16xf32>,
        %get3A_1574 = vector.shape_cast %get3A_1573 : vector<1x1x16xf32> to vector<16xf32>
        %mul3A_1575 = vector.broadcast %squeeze3A_1530 : f32 to vector<16xf32>
        %mul3A_1576 = arith.mulf %get3A_1574, %mul3A_1575 : vector<16xf32>
        %swap3A_1577 = arith.index_cast %select_n3A_219 : i32 to index
        %swap3A_1578 = arith.index_cast %add3A_1528 : i32 to index
        %swap3A_1579 = arith.constant 48 : index
        %swap3A_1580 = tpu.vector_load %arg8[%swap3A_1577, %swap3A_1578, %swap3A_1579] {strides = array<i32>} : memref<3x128x128xf32, #tpu.memory_space<vmem>>, vector<1x1x16xf32>,
        %swap3A_1581 = vector.shape_cast %swap3A_1580 : vector<1x1x16xf32> to vector<16xf32>
        %swap3A_1582 = vector.shape_cast %mul3A_1576 : vector<16xf32> to vector<1x1x16xf32>
        tpu.vector_store %arg8[%swap3A_1577, %swap3A_1578, %swap3A_1579], %swap3A_1582 {strides = array<i32>} : memref<3x128x128xf32, #tpu.memory_space<vmem>>, vector<1x1x16xf32>,
        %get3A_1583 = arith.index_cast %select_n3A_219 : i32 to index
        %get3A_1584 = arith.index_cast %add3A_1528 : i32 to index
        %get3A_1585 = arith.constant 64 : index
        %get3A_1586 = tpu.vector_load %arg8[%get3A_1583, %get3A_1584, %get3A_1585] {strides = array<i32>} : memref<3x128x128xf32, #tpu.memory_space<vmem>>, vector<1x1x16xf32>,
        %get3A_1587 = vector.shape_cast %get3A_1586 : vector<1x1x16xf32> to vector<16xf32>
        %mul3A_1588 = vector.broadcast %squeeze3A_1530 : f32 to vector<16xf32>
        %mul3A_1589 = arith.mulf %get3A_1587, %mul3A_1588 : vector<16xf32>
        %swap3A_1590 = arith.index_cast %select_n3A_219 : i32 to index
        %swap3A_1591 = arith.index_cast %add3A_1528 : i32 to index
        %swap3A_1592 = arith.constant 64 : index
        %swap3A_1593 = tpu.vector_load %arg8[%swap3A_1590, %swap3A_1591, %swap3A_1592] {strides = array<i32>} : memref<3x128x128xf32, #tpu.memory_space<vmem>>, vector<1x1x16xf32>,
        %swap3A_1594 = vector.shape_cast %swap3A_1593 : vector<1x1x16xf32> to vector<16xf32>
        %swap3A_1595 = vector.shape_cast %mul3A_1589 : vector<16xf32> to vector<1x1x16xf32>
        tpu.vector_store %arg8[%swap3A_1590, %swap3A_1591, %swap3A_1592], %swap3A_1595 {strides = array<i32>} : memref<3x128x128xf32, #tpu.memory_space<vmem>>, vector<1x1x16xf32>,
        %get3A_1596 = arith.index_cast %select_n3A_219 : i32 to index
        %get3A_1597 = arith.index_cast %add3A_1528 : i32 to index
        %get3A_1598 = arith.constant 80 : index
        %get3A_1599 = tpu.vector_load %arg8[%get3A_1596, %get3A_1597, %get3A_1598] {strides = array<i32>} : memref<3x128x128xf32, #tpu.memory_space<vmem>>, vector<1x1x16xf32>,
        %get3A_1600 = vector.shape_cast %get3A_1599 : vector<1x1x16xf32> to vector<16xf32>
        %mul3A_1601 = vector.broadcast %squeeze3A_1530 : f32 to vector<16xf32>
        %mul3A_1602 = arith.mulf %get3A_1600, %mul3A_1601 : vector<16xf32>
        %swap3A_1603 = arith.index_cast %select_n3A_219 : i32 to index
        %swap3A_1604 = arith.index_cast %add3A_1528 : i32 to index
        %swap3A_1605 = arith.constant 80 : index
        %swap3A_1606 = tpu.vector_load %arg8[%swap3A_1603, %swap3A_1604, %swap3A_1605] {strides = array<i32>} : memref<3x128x128xf32, #tpu.memory_space<vmem>>, vector<1x1x16xf32>,
        %swap3A_1607 = vector.shape_cast %swap3A_1606 : vector<1x1x16xf32> to vector<16xf32>
        %swap3A_1608 = vector.shape_cast %mul3A_1602 : vector<16xf32> to vector<1x1x16xf32>
        tpu.vector_store %arg8[%swap3A_1603, %swap3A_1604, %swap3A_1605], %swap3A_1608 {strides = array<i32>} : memref<3x128x128xf32, #tpu.memory_space<vmem>>, vector<1x1x16xf32>,
        %get3A_1609 = arith.index_cast %select_n3A_219 : i32 to index
        %get3A_1610 = arith.index_cast %add3A_1528 : i32 to index
        %get3A_1611 = arith.constant 96 : index
        %get3A_1612 = tpu.vector_load %arg8[%get3A_1609, %get3A_1610, %get3A_1611] {strides = array<i32>} : memref<3x128x128xf32, #tpu.memory_space<vmem>>, vector<1x1x16xf32>,
        %get3A_1613 = vector.shape_cast %get3A_1612 : vector<1x1x16xf32> to vector<16xf32>
        %mul3A_1614 = vector.broadcast %squeeze3A_1530 : f32 to vector<16xf32>
        %mul3A_1615 = arith.mulf %get3A_1613, %mul3A_1614 : vector<16xf32>
        %swap3A_1616 = arith.index_cast %select_n3A_219 : i32 to index
        %swap3A_1617 = arith.index_cast %add3A_1528 : i32 to index
        %swap3A_1618 = arith.constant 96 : index
        %swap3A_1619 = tpu.vector_load %arg8[%swap3A_1616, %swap3A_1617, %swap3A_1618] {strides = array<i32>} : memref<3x128x128xf32, #tpu.memory_space<vmem>>, vector<1x1x16xf32>,
        %swap3A_1620 = vector.shape_cast %swap3A_1619 : vector<1x1x16xf32> to vector<16xf32>
        %swap3A_1621 = vector.shape_cast %mul3A_1615 : vector<16xf32> to vector<1x1x16xf32>
        tpu.vector_store %arg8[%swap3A_1616, %swap3A_1617, %swap3A_1618], %swap3A_1621 {strides = array<i32>} : memref<3x128x128xf32, #tpu.memory_space<vmem>>, vector<1x1x16xf32>,
        %get3A_1622 = arith.index_cast %select_n3A_219 : i32 to index
        %get3A_1623 = arith.index_cast %add3A_1528 : i32 to index
        %get3A_1624 = arith.constant 112 : index
        %get3A_1625 = tpu.vector_load %arg8[%get3A_1622, %get3A_1623, %get3A_1624] {strides = array<i32>} : memref<3x128x128xf32, #tpu.memory_space<vmem>>, vector<1x1x16xf32>,
        %get3A_1626 = vector.shape_cast %get3A_1625 : vector<1x1x16xf32> to vector<16xf32>
        %mul3A_1627 = vector.broadcast %squeeze3A_1530 : f32 to vector<16xf32>
        %mul3A_1628 = arith.mulf %get3A_1626, %mul3A_1627 : vector<16xf32>
        %swap3A_1629 = arith.index_cast %select_n3A_219 : i32 to index
        %swap3A_1630 = arith.index_cast %add3A_1528 : i32 to index
        %swap3A_1631 = arith.constant 112 : index
        %swap3A_1632 = tpu.vector_load %arg8[%swap3A_1629, %swap3A_1630, %swap3A_1631] {strides = array<i32>} : memref<3x128x128xf32, #tpu.memory_space<vmem>>, vector<1x1x16xf32>,
        %swap3A_1633 = vector.shape_cast %swap3A_1632 : vector<1x1x16xf32> to vector<16xf32>
        %swap3A_1634 = vector.shape_cast %mul3A_1628 : vector<16xf32> to vector<1x1x16xf32>
        tpu.vector_store %arg8[%swap3A_1629, %swap3A_1630, %swap3A_1631], %swap3A_1634 {strides = array<i32>} : memref<3x128x128xf32, #tpu.memory_space<vmem>>, vector<1x1x16xf32>,
        %mul3A_1635 = arith.constant 16 : i32
        %mul3A_1636 = arith.muli %scan3A_296, %mul3A_1635 : i32
        %add3A_1637 = arith.constant 12 : i32
        %add3A_1638 = arith.addi %mul3A_1636, %add3A_1637 : i32
        %slice3A_1639 = vector.extract_strided_slice %get3A_317 {offsets = [12], sizes = [1], strides = [1]} : vector<16xf32> to vector<1xf32>
        %squeeze3A_1640 = vector.extract %slice3A_1639[0] : f32 from vector<1xf32>
        %get3A_1641 = arith.index_cast %select_n3A_219 : i32 to index
        %get3A_1642 = arith.index_cast %add3A_1638 : i32 to index
        %get3A_1643 = arith.constant 0 : index
        %get3A_1644 = tpu.vector_load %arg8[%get3A_1641, %get3A_1642, %get3A_1643] {strides = array<i32>} : memref<3x128x128xf32, #tpu.memory_space<vmem>>, vector<1x1x16xf32>,
        %get3A_1645 = vector.shape_cast %get3A_1644 : vector<1x1x16xf32> to vector<16xf32>
        %mul3A_1646 = vector.broadcast %squeeze3A_1640 : f32 to vector<16xf32>
        %mul3A_1647 = arith.mulf %get3A_1645, %mul3A_1646 : vector<16xf32>
        %swap3A_1648 = arith.index_cast %select_n3A_219 : i32 to index
        %swap3A_1649 = arith.index_cast %add3A_1638 : i32 to index
        %swap3A_1650 = arith.constant 0 : index
        %swap3A_1651 = tpu.vector_load %arg8[%swap3A_1648, %swap3A_1649, %swap3A_1650] {strides = array<i32>} : memref<3x128x128xf32, #tpu.memory_space<vmem>>, vector<1x1x16xf32>,
        %swap3A_1652 = vector.shape_cast %swap3A_1651 : vector<1x1x16xf32> to vector<16xf32>
        %swap3A_1653 = vector.shape_cast %mul3A_1647 : vector<16xf32> to vector<1x1x16xf32>
        tpu.vector_store %arg8[%swap3A_1648, %swap3A_1649, %swap3A_1650], %swap3A_1653 {strides = array<i32>} : memref<3x128x128xf32, #tpu.memory_space<vmem>>, vector<1x1x16xf32>,
        %get3A_1654 = arith.index_cast %select_n3A_219 : i32 to index
        %get3A_1655 = arith.index_cast %add3A_1638 : i32 to index
        %get3A_1656 = arith.constant 16 : index
        %get3A_1657 = tpu.vector_load %arg8[%get3A_1654, %get3A_1655, %get3A_1656] {strides = array<i32>} : memref<3x128x128xf32, #tpu.memory_space<vmem>>, vector<1x1x16xf32>,
        %get3A_1658 = vector.shape_cast %get3A_1657 : vector<1x1x16xf32> to vector<16xf32>
        %mul3A_1659 = vector.broadcast %squeeze3A_1640 : f32 to vector<16xf32>
        %mul3A_1660 = arith.mulf %get3A_1658, %mul3A_1659 : vector<16xf32>
        %swap3A_1661 = arith.index_cast %select_n3A_219 : i32 to index
        %swap3A_1662 = arith.index_cast %add3A_1638 : i32 to index
        %swap3A_1663 = arith.constant 16 : index
        %swap3A_1664 = tpu.vector_load %arg8[%swap3A_1661, %swap3A_1662, %swap3A_1663] {strides = array<i32>} : memref<3x128x128xf32, #tpu.memory_space<vmem>>, vector<1x1x16xf32>,
        %swap3A_1665 = vector.shape_cast %swap3A_1664 : vector<1x1x16xf32> to vector<16xf32>
        %swap3A_1666 = vector.shape_cast %mul3A_1660 : vector<16xf32> to vector<1x1x16xf32>
        tpu.vector_store %arg8[%swap3A_1661, %swap3A_1662, %swap3A_1663], %swap3A_1666 {strides = array<i32>} : memref<3x128x128xf32, #tpu.memory_space<vmem>>, vector<1x1x16xf32>,
        %get3A_1667 = arith.index_cast %select_n3A_219 : i32 to index
        %get3A_1668 = arith.index_cast %add3A_1638 : i32 to index
        %get3A_1669 = arith.constant 32 : index
        %get3A_1670 = tpu.vector_load %arg8[%get3A_1667, %get3A_1668, %get3A_1669] {strides = array<i32>} : memref<3x128x128xf32, #tpu.memory_space<vmem>>, vector<1x1x16xf32>,
        %get3A_1671 = vector.shape_cast %get3A_1670 : vector<1x1x16xf32> to vector<16xf32>
        %mul3A_1672 = vector.broadcast %squeeze3A_1640 : f32 to vector<16xf32>
        %mul3A_1673 = arith.mulf %get3A_1671, %mul3A_1672 : vector<16xf32>
        %swap3A_1674 = arith.index_cast %select_n3A_219 : i32 to index
        %swap3A_1675 = arith.index_cast %add3A_1638 : i32 to index
        %swap3A_1676 = arith.constant 32 : index
        %swap3A_1677 = tpu.vector_load %arg8[%swap3A_1674, %swap3A_1675, %swap3A_1676] {strides = array<i32>} : memref<3x128x128xf32, #tpu.memory_space<vmem>>, vector<1x1x16xf32>,
        %swap3A_1678 = vector.shape_cast %swap3A_1677 : vector<1x1x16xf32> to vector<16xf32>
        %swap3A_1679 = vector.shape_cast %mul3A_1673 : vector<16xf32> to vector<1x1x16xf32>
        tpu.vector_store %arg8[%swap3A_1674, %swap3A_1675, %swap3A_1676], %swap3A_1679 {strides = array<i32>} : memref<3x128x128xf32, #tpu.memory_space<vmem>>, vector<1x1x16xf32>,
        %get3A_1680 = arith.index_cast %select_n3A_219 : i32 to index
        %get3A_1681 = arith.index_cast %add3A_1638 : i32 to index
        %get3A_1682 = arith.constant 48 : index
        %get3A_1683 = tpu.vector_load %arg8[%get3A_1680, %get3A_1681, %get3A_1682] {strides = array<i32>} : memref<3x128x128xf32, #tpu.memory_space<vmem>>, vector<1x1x16xf32>,
        %get3A_1684 = vector.shape_cast %get3A_1683 : vector<1x1x16xf32> to vector<16xf32>
        %mul3A_1685 = vector.broadcast %squeeze3A_1640 : f32 to vector<16xf32>
        %mul3A_1686 = arith.mulf %get3A_1684, %mul3A_1685 : vector<16xf32>
        %swap3A_1687 = arith.index_cast %select_n3A_219 : i32 to index
        %swap3A_1688 = arith.index_cast %add3A_1638 : i32 to index
        %swap3A_1689 = arith.constant 48 : index
        %swap3A_1690 = tpu.vector_load %arg8[%swap3A_1687, %swap3A_1688, %swap3A_1689] {strides = array<i32>} : memref<3x128x128xf32, #tpu.memory_space<vmem>>, vector<1x1x16xf32>,
        %swap3A_1691 = vector.shape_cast %swap3A_1690 : vector<1x1x16xf32> to vector<16xf32>
        %swap3A_1692 = vector.shape_cast %mul3A_1686 : vector<16xf32> to vector<1x1x16xf32>
        tpu.vector_store %arg8[%swap3A_1687, %swap3A_1688, %swap3A_1689], %swap3A_1692 {strides = array<i32>} : memref<3x128x128xf32, #tpu.memory_space<vmem>>, vector<1x1x16xf32>,
        %get3A_1693 = arith.index_cast %select_n3A_219 : i32 to index
        %get3A_1694 = arith.index_cast %add3A_1638 : i32 to index
        %get3A_1695 = arith.constant 64 : index
        %get3A_1696 = tpu.vector_load %arg8[%get3A_1693, %get3A_1694, %get3A_1695] {strides = array<i32>} : memref<3x128x128xf32, #tpu.memory_space<vmem>>, vector<1x1x16xf32>,
        %get3A_1697 = vector.shape_cast %get3A_1696 : vector<1x1x16xf32> to vector<16xf32>
        %mul3A_1698 = vector.broadcast %squeeze3A_1640 : f32 to vector<16xf32>
        %mul3A_1699 = arith.mulf %get3A_1697, %mul3A_1698 : vector<16xf32>
        %swap3A_1700 = arith.index_cast %select_n3A_219 : i32 to index
        %swap3A_1701 = arith.index_cast %add3A_1638 : i32 to index
        %swap3A_1702 = arith.constant 64 : index
        %swap3A_1703 = tpu.vector_load %arg8[%swap3A_1700, %swap3A_1701, %swap3A_1702] {strides = array<i32>} : memref<3x128x128xf32, #tpu.memory_space<vmem>>, vector<1x1x16xf32>,
        %swap3A_1704 = vector.shape_cast %swap3A_1703 : vector<1x1x16xf32> to vector<16xf32>
        %swap3A_1705 = vector.shape_cast %mul3A_1699 : vector<16xf32> to vector<1x1x16xf32>
        tpu.vector_store %arg8[%swap3A_1700, %swap3A_1701, %swap3A_1702], %swap3A_1705 {strides = array<i32>} : memref<3x128x128xf32, #tpu.memory_space<vmem>>, vector<1x1x16xf32>,
        %get3A_1706 = arith.index_cast %select_n3A_219 : i32 to index
        %get3A_1707 = arith.index_cast %add3A_1638 : i32 to index
        %get3A_1708 = arith.constant 80 : index
        %get3A_1709 = tpu.vector_load %arg8[%get3A_1706, %get3A_1707, %get3A_1708] {strides = array<i32>} : memref<3x128x128xf32, #tpu.memory_space<vmem>>, vector<1x1x16xf32>,
        %get3A_1710 = vector.shape_cast %get3A_1709 : vector<1x1x16xf32> to vector<16xf32>
        %mul3A_1711 = vector.broadcast %squeeze3A_1640 : f32 to vector<16xf32>
        %mul3A_1712 = arith.mulf %get3A_1710, %mul3A_1711 : vector<16xf32>
        %swap3A_1713 = arith.index_cast %select_n3A_219 : i32 to index
        %swap3A_1714 = arith.index_cast %add3A_1638 : i32 to index
        %swap3A_1715 = arith.constant 80 : index
        %swap3A_1716 = tpu.vector_load %arg8[%swap3A_1713, %swap3A_1714, %swap3A_1715] {strides = array<i32>} : memref<3x128x128xf32, #tpu.memory_space<vmem>>, vector<1x1x16xf32>,
        %swap3A_1717 = vector.shape_cast %swap3A_1716 : vector<1x1x16xf32> to vector<16xf32>
        %swap3A_1718 = vector.shape_cast %mul3A_1712 : vector<16xf32> to vector<1x1x16xf32>
        tpu.vector_store %arg8[%swap3A_1713, %swap3A_1714, %swap3A_1715], %swap3A_1718 {strides = array<i32>} : memref<3x128x128xf32, #tpu.memory_space<vmem>>, vector<1x1x16xf32>,
        %get3A_1719 = arith.index_cast %select_n3A_219 : i32 to index
        %get3A_1720 = arith.index_cast %add3A_1638 : i32 to index
        %get3A_1721 = arith.constant 96 : index
        %get3A_1722 = tpu.vector_load %arg8[%get3A_1719, %get3A_1720, %get3A_1721] {strides = array<i32>} : memref<3x128x128xf32, #tpu.memory_space<vmem>>, vector<1x1x16xf32>,
        %get3A_1723 = vector.shape_cast %get3A_1722 : vector<1x1x16xf32> to vector<16xf32>
        %mul3A_1724 = vector.broadcast %squeeze3A_1640 : f32 to vector<16xf32>
        %mul3A_1725 = arith.mulf %get3A_1723, %mul3A_1724 : vector<16xf32>
        %swap3A_1726 = arith.index_cast %select_n3A_219 : i32 to index
        %swap3A_1727 = arith.index_cast %add3A_1638 : i32 to index
        %swap3A_1728 = arith.constant 96 : index
        %swap3A_1729 = tpu.vector_load %arg8[%swap3A_1726, %swap3A_1727, %swap3A_1728] {strides = array<i32>} : memref<3x128x128xf32, #tpu.memory_space<vmem>>, vector<1x1x16xf32>,
        %swap3A_1730 = vector.shape_cast %swap3A_1729 : vector<1x1x16xf32> to vector<16xf32>
        %swap3A_1731 = vector.shape_cast %mul3A_1725 : vector<16xf32> to vector<1x1x16xf32>
        tpu.vector_store %arg8[%swap3A_1726, %swap3A_1727, %swap3A_1728], %swap3A_1731 {strides = array<i32>} : memref<3x128x128xf32, #tpu.memory_space<vmem>>, vector<1x1x16xf32>,
        %get3A_1732 = arith.index_cast %select_n3A_219 : i32 to index
        %get3A_1733 = arith.index_cast %add3A_1638 : i32 to index
        %get3A_1734 = arith.constant 112 : index
        %get3A_1735 = tpu.vector_load %arg8[%get3A_1732, %get3A_1733, %get3A_1734] {strides = array<i32>} : memref<3x128x128xf32, #tpu.memory_space<vmem>>, vector<1x1x16xf32>,
        %get3A_1736 = vector.shape_cast %get3A_1735 : vector<1x1x16xf32> to vector<16xf32>
        %mul3A_1737 = vector.broadcast %squeeze3A_1640 : f32 to vector<16xf32>
        %mul3A_1738 = arith.mulf %get3A_1736, %mul3A_1737 : vector<16xf32>
        %swap3A_1739 = arith.index_cast %select_n3A_219 : i32 to index
        %swap3A_1740 = arith.index_cast %add3A_1638 : i32 to index
        %swap3A_1741 = arith.constant 112 : index
        %swap3A_1742 = tpu.vector_load %arg8[%swap3A_1739, %swap3A_1740, %swap3A_1741] {strides = array<i32>} : memref<3x128x128xf32, #tpu.memory_space<vmem>>, vector<1x1x16xf32>,
        %swap3A_1743 = vector.shape_cast %swap3A_1742 : vector<1x1x16xf32> to vector<16xf32>
        %swap3A_1744 = vector.shape_cast %mul3A_1738 : vector<16xf32> to vector<1x1x16xf32>
        tpu.vector_store %arg8[%swap3A_1739, %swap3A_1740, %swap3A_1741], %swap3A_1744 {strides = array<i32>} : memref<3x128x128xf32, #tpu.memory_space<vmem>>, vector<1x1x16xf32>,
        %mul3A_1745 = arith.constant 16 : i32
        %mul3A_1746 = arith.muli %scan3A_296, %mul3A_1745 : i32
        %add3A_1747 = arith.constant 13 : i32
        %add3A_1748 = arith.addi %mul3A_1746, %add3A_1747 : i32
        %slice3A_1749 = vector.extract_strided_slice %get3A_317 {offsets = [13], sizes = [1], strides = [1]} : vector<16xf32> to vector<1xf32>
        %squeeze3A_1750 = vector.extract %slice3A_1749[0] : f32 from vector<1xf32>
        %get3A_1751 = arith.index_cast %select_n3A_219 : i32 to index
        %get3A_1752 = arith.index_cast %add3A_1748 : i32 to index
        %get3A_1753 = arith.constant 0 : index
        %get3A_1754 = tpu.vector_load %arg8[%get3A_1751, %get3A_1752, %get3A_1753] {strides = array<i32>} : memref<3x128x128xf32, #tpu.memory_space<vmem>>, vector<1x1x16xf32>,
        %get3A_1755 = vector.shape_cast %get3A_1754 : vector<1x1x16xf32> to vector<16xf32>
        %mul3A_1756 = vector.broadcast %squeeze3A_1750 : f32 to vector<16xf32>
        %mul3A_1757 = arith.mulf %get3A_1755, %mul3A_1756 : vector<16xf32>
        %swap3A_1758 = arith.index_cast %select_n3A_219 : i32 to index
        %swap3A_1759 = arith.index_cast %add3A_1748 : i32 to index
        %swap3A_1760 = arith.constant 0 : index
        %swap3A_1761 = tpu.vector_load %arg8[%swap3A_1758, %swap3A_1759, %swap3A_1760] {strides = array<i32>} : memref<3x128x128xf32, #tpu.memory_space<vmem>>, vector<1x1x16xf32>,
        %swap3A_1762 = vector.shape_cast %swap3A_1761 : vector<1x1x16xf32> to vector<16xf32>
        %swap3A_1763 = vector.shape_cast %mul3A_1757 : vector<16xf32> to vector<1x1x16xf32>
        tpu.vector_store %arg8[%swap3A_1758, %swap3A_1759, %swap3A_1760], %swap3A_1763 {strides = array<i32>} : memref<3x128x128xf32, #tpu.memory_space<vmem>>, vector<1x1x16xf32>,
        %get3A_1764 = arith.index_cast %select_n3A_219 : i32 to index
        %get3A_1765 = arith.index_cast %add3A_1748 : i32 to index
        %get3A_1766 = arith.constant 16 : index
        %get3A_1767 = tpu.vector_load %arg8[%get3A_1764, %get3A_1765, %get3A_1766] {strides = array<i32>} : memref<3x128x128xf32, #tpu.memory_space<vmem>>, vector<1x1x16xf32>,
        %get3A_1768 = vector.shape_cast %get3A_1767 : vector<1x1x16xf32> to vector<16xf32>
        %mul3A_1769 = vector.broadcast %squeeze3A_1750 : f32 to vector<16xf32>
        %mul3A_1770 = arith.mulf %get3A_1768, %mul3A_1769 : vector<16xf32>
        %swap3A_1771 = arith.index_cast %select_n3A_219 : i32 to index
        %swap3A_1772 = arith.index_cast %add3A_1748 : i32 to index
        %swap3A_1773 = arith.constant 16 : index
        %swap3A_1774 = tpu.vector_load %arg8[%swap3A_1771, %swap3A_1772, %swap3A_1773] {strides = array<i32>} : memref<3x128x128xf32, #tpu.memory_space<vmem>>, vector<1x1x16xf32>,
        %swap3A_1775 = vector.shape_cast %swap3A_1774 : vector<1x1x16xf32> to vector<16xf32>
        %swap3A_1776 = vector.shape_cast %mul3A_1770 : vector<16xf32> to vector<1x1x16xf32>
        tpu.vector_store %arg8[%swap3A_1771, %swap3A_1772, %swap3A_1773], %swap3A_1776 {strides = array<i32>} : memref<3x128x128xf32, #tpu.memory_space<vmem>>, vector<1x1x16xf32>,
        %get3A_1777 = arith.index_cast %select_n3A_219 : i32 to index
        %get3A_1778 = arith.index_cast %add3A_1748 : i32 to index
        %get3A_1779 = arith.constant 32 : index
        %get3A_1780 = tpu.vector_load %arg8[%get3A_1777, %get3A_1778, %get3A_1779] {strides = array<i32>} : memref<3x128x128xf32, #tpu.memory_space<vmem>>, vector<1x1x16xf32>,
        %get3A_1781 = vector.shape_cast %get3A_1780 : vector<1x1x16xf32> to vector<16xf32>
        %mul3A_1782 = vector.broadcast %squeeze3A_1750 : f32 to vector<16xf32>
        %mul3A_1783 = arith.mulf %get3A_1781, %mul3A_1782 : vector<16xf32>
        %swap3A_1784 = arith.index_cast %select_n3A_219 : i32 to index
        %swap3A_1785 = arith.index_cast %add3A_1748 : i32 to index
        %swap3A_1786 = arith.constant 32 : index
        %swap3A_1787 = tpu.vector_load %arg8[%swap3A_1784, %swap3A_1785, %swap3A_1786] {strides = array<i32>} : memref<3x128x128xf32, #tpu.memory_space<vmem>>, vector<1x1x16xf32>,
        %swap3A_1788 = vector.shape_cast %swap3A_1787 : vector<1x1x16xf32> to vector<16xf32>
        %swap3A_1789 = vector.shape_cast %mul3A_1783 : vector<16xf32> to vector<1x1x16xf32>
        tpu.vector_store %arg8[%swap3A_1784, %swap3A_1785, %swap3A_1786], %swap3A_1789 {strides = array<i32>} : memref<3x128x128xf32, #tpu.memory_space<vmem>>, vector<1x1x16xf32>,
        %get3A_1790 = arith.index_cast %select_n3A_219 : i32 to index
        %get3A_1791 = arith.index_cast %add3A_1748 : i32 to index
        %get3A_1792 = arith.constant 48 : index
        %get3A_1793 = tpu.vector_load %arg8[%get3A_1790, %get3A_1791, %get3A_1792] {strides = array<i32>} : memref<3x128x128xf32, #tpu.memory_space<vmem>>, vector<1x1x16xf32>,
        %get3A_1794 = vector.shape_cast %get3A_1793 : vector<1x1x16xf32> to vector<16xf32>
        %mul3A_1795 = vector.broadcast %squeeze3A_1750 : f32 to vector<16xf32>
        %mul3A_1796 = arith.mulf %get3A_1794, %mul3A_1795 : vector<16xf32>
        %swap3A_1797 = arith.index_cast %select_n3A_219 : i32 to index
        %swap3A_1798 = arith.index_cast %add3A_1748 : i32 to index
        %swap3A_1799 = arith.constant 48 : index
        %swap3A_1800 = tpu.vector_load %arg8[%swap3A_1797, %swap3A_1798, %swap3A_1799] {strides = array<i32>} : memref<3x128x128xf32, #tpu.memory_space<vmem>>, vector<1x1x16xf32>,
        %swap3A_1801 = vector.shape_cast %swap3A_1800 : vector<1x1x16xf32> to vector<16xf32>
        %swap3A_1802 = vector.shape_cast %mul3A_1796 : vector<16xf32> to vector<1x1x16xf32>
        tpu.vector_store %arg8[%swap3A_1797, %swap3A_1798, %swap3A_1799], %swap3A_1802 {strides = array<i32>} : memref<3x128x128xf32, #tpu.memory_space<vmem>>, vector<1x1x16xf32>,
        %get3A_1803 = arith.index_cast %select_n3A_219 : i32 to index
        %get3A_1804 = arith.index_cast %add3A_1748 : i32 to index
        %get3A_1805 = arith.constant 64 : index
        %get3A_1806 = tpu.vector_load %arg8[%get3A_1803, %get3A_1804, %get3A_1805] {strides = array<i32>} : memref<3x128x128xf32, #tpu.memory_space<vmem>>, vector<1x1x16xf32>,
        %get3A_1807 = vector.shape_cast %get3A_1806 : vector<1x1x16xf32> to vector<16xf32>
        %mul3A_1808 = vector.broadcast %squeeze3A_1750 : f32 to vector<16xf32>
        %mul3A_1809 = arith.mulf %get3A_1807, %mul3A_1808 : vector<16xf32>
        %swap3A_1810 = arith.index_cast %select_n3A_219 : i32 to index
        %swap3A_1811 = arith.index_cast %add3A_1748 : i32 to index
        %swap3A_1812 = arith.constant 64 : index
        %swap3A_1813 = tpu.vector_load %arg8[%swap3A_1810, %swap3A_1811, %swap3A_1812] {strides = array<i32>} : memref<3x128x128xf32, #tpu.memory_space<vmem>>, vector<1x1x16xf32>,
        %swap3A_1814 = vector.shape_cast %swap3A_1813 : vector<1x1x16xf32> to vector<16xf32>
        %swap3A_1815 = vector.shape_cast %mul3A_1809 : vector<16xf32> to vector<1x1x16xf32>
        tpu.vector_store %arg8[%swap3A_1810, %swap3A_1811, %swap3A_1812], %swap3A_1815 {strides = array<i32>} : memref<3x128x128xf32, #tpu.memory_space<vmem>>, vector<1x1x16xf32>,
        %get3A_1816 = arith.index_cast %select_n3A_219 : i32 to index
        %get3A_1817 = arith.index_cast %add3A_1748 : i32 to index
        %get3A_1818 = arith.constant 80 : index
        %get3A_1819 = tpu.vector_load %arg8[%get3A_1816, %get3A_1817, %get3A_1818] {strides = array<i32>} : memref<3x128x128xf32, #tpu.memory_space<vmem>>, vector<1x1x16xf32>,
        %get3A_1820 = vector.shape_cast %get3A_1819 : vector<1x1x16xf32> to vector<16xf32>
        %mul3A_1821 = vector.broadcast %squeeze3A_1750 : f32 to vector<16xf32>
        %mul3A_1822 = arith.mulf %get3A_1820, %mul3A_1821 : vector<16xf32>
        %swap3A_1823 = arith.index_cast %select_n3A_219 : i32 to index
        %swap3A_1824 = arith.index_cast %add3A_1748 : i32 to index
        %swap3A_1825 = arith.constant 80 : index
        %swap3A_1826 = tpu.vector_load %arg8[%swap3A_1823, %swap3A_1824, %swap3A_1825] {strides = array<i32>} : memref<3x128x128xf32, #tpu.memory_space<vmem>>, vector<1x1x16xf32>,
        %swap3A_1827 = vector.shape_cast %swap3A_1826 : vector<1x1x16xf32> to vector<16xf32>
        %swap3A_1828 = vector.shape_cast %mul3A_1822 : vector<16xf32> to vector<1x1x16xf32>
        tpu.vector_store %arg8[%swap3A_1823, %swap3A_1824, %swap3A_1825], %swap3A_1828 {strides = array<i32>} : memref<3x128x128xf32, #tpu.memory_space<vmem>>, vector<1x1x16xf32>,
        %get3A_1829 = arith.index_cast %select_n3A_219 : i32 to index
        %get3A_1830 = arith.index_cast %add3A_1748 : i32 to index
        %get3A_1831 = arith.constant 96 : index
        %get3A_1832 = tpu.vector_load %arg8[%get3A_1829, %get3A_1830, %get3A_1831] {strides = array<i32>} : memref<3x128x128xf32, #tpu.memory_space<vmem>>, vector<1x1x16xf32>,
        %get3A_1833 = vector.shape_cast %get3A_1832 : vector<1x1x16xf32> to vector<16xf32>
        %mul3A_1834 = vector.broadcast %squeeze3A_1750 : f32 to vector<16xf32>
        %mul3A_1835 = arith.mulf %get3A_1833, %mul3A_1834 : vector<16xf32>
        %swap3A_1836 = arith.index_cast %select_n3A_219 : i32 to index
        %swap3A_1837 = arith.index_cast %add3A_1748 : i32 to index
        %swap3A_1838 = arith.constant 96 : index
        %swap3A_1839 = tpu.vector_load %arg8[%swap3A_1836, %swap3A_1837, %swap3A_1838] {strides = array<i32>} : memref<3x128x128xf32, #tpu.memory_space<vmem>>, vector<1x1x16xf32>,
        %swap3A_1840 = vector.shape_cast %swap3A_1839 : vector<1x1x16xf32> to vector<16xf32>
        %swap3A_1841 = vector.shape_cast %mul3A_1835 : vector<16xf32> to vector<1x1x16xf32>
        tpu.vector_store %arg8[%swap3A_1836, %swap3A_1837, %swap3A_1838], %swap3A_1841 {strides = array<i32>} : memref<3x128x128xf32, #tpu.memory_space<vmem>>, vector<1x1x16xf32>,
        %get3A_1842 = arith.index_cast %select_n3A_219 : i32 to index
        %get3A_1843 = arith.index_cast %add3A_1748 : i32 to index
        %get3A_1844 = arith.constant 112 : index
        %get3A_1845 = tpu.vector_load %arg8[%get3A_1842, %get3A_1843, %get3A_1844] {strides = array<i32>} : memref<3x128x128xf32, #tpu.memory_space<vmem>>, vector<1x1x16xf32>,
        %get3A_1846 = vector.shape_cast %get3A_1845 : vector<1x1x16xf32> to vector<16xf32>
        %mul3A_1847 = vector.broadcast %squeeze3A_1750 : f32 to vector<16xf32>
        %mul3A_1848 = arith.mulf %get3A_1846, %mul3A_1847 : vector<16xf32>
        %swap3A_1849 = arith.index_cast %select_n3A_219 : i32 to index
        %swap3A_1850 = arith.index_cast %add3A_1748 : i32 to index
        %swap3A_1851 = arith.constant 112 : index
        %swap3A_1852 = tpu.vector_load %arg8[%swap3A_1849, %swap3A_1850, %swap3A_1851] {strides = array<i32>} : memref<3x128x128xf32, #tpu.memory_space<vmem>>, vector<1x1x16xf32>,
        %swap3A_1853 = vector.shape_cast %swap3A_1852 : vector<1x1x16xf32> to vector<16xf32>
        %swap3A_1854 = vector.shape_cast %mul3A_1848 : vector<16xf32> to vector<1x1x16xf32>
        tpu.vector_store %arg8[%swap3A_1849, %swap3A_1850, %swap3A_1851], %swap3A_1854 {strides = array<i32>} : memref<3x128x128xf32, #tpu.memory_space<vmem>>, vector<1x1x16xf32>,
        %mul3A_1855 = arith.constant 16 : i32
        %mul3A_1856 = arith.muli %scan3A_296, %mul3A_1855 : i32
        %add3A_1857 = arith.constant 14 : i32
        %add3A_1858 = arith.addi %mul3A_1856, %add3A_1857 : i32
        %slice3A_1859 = vector.extract_strided_slice %get3A_317 {offsets = [14], sizes = [1], strides = [1]} : vector<16xf32> to vector<1xf32>
        %squeeze3A_1860 = vector.extract %slice3A_1859[0] : f32 from vector<1xf32>
        %get3A_1861 = arith.index_cast %select_n3A_219 : i32 to index
        %get3A_1862 = arith.index_cast %add3A_1858 : i32 to index
        %get3A_1863 = arith.constant 0 : index
        %get3A_1864 = tpu.vector_load %arg8[%get3A_1861, %get3A_1862, %get3A_1863] {strides = array<i32>} : memref<3x128x128xf32, #tpu.memory_space<vmem>>, vector<1x1x16xf32>,
        %get3A_1865 = vector.shape_cast %get3A_1864 : vector<1x1x16xf32> to vector<16xf32>
        %mul3A_1866 = vector.broadcast %squeeze3A_1860 : f32 to vector<16xf32>
        %mul3A_1867 = arith.mulf %get3A_1865, %mul3A_1866 : vector<16xf32>
        %swap3A_1868 = arith.index_cast %select_n3A_219 : i32 to index
        %swap3A_1869 = arith.index_cast %add3A_1858 : i32 to index
        %swap3A_1870 = arith.constant 0 : index
        %swap3A_1871 = tpu.vector_load %arg8[%swap3A_1868, %swap3A_1869, %swap3A_1870] {strides = array<i32>} : memref<3x128x128xf32, #tpu.memory_space<vmem>>, vector<1x1x16xf32>,
        %swap3A_1872 = vector.shape_cast %swap3A_1871 : vector<1x1x16xf32> to vector<16xf32>
        %swap3A_1873 = vector.shape_cast %mul3A_1867 : vector<16xf32> to vector<1x1x16xf32>
        tpu.vector_store %arg8[%swap3A_1868, %swap3A_1869, %swap3A_1870], %swap3A_1873 {strides = array<i32>} : memref<3x128x128xf32, #tpu.memory_space<vmem>>, vector<1x1x16xf32>,
        %get3A_1874 = arith.index_cast %select_n3A_219 : i32 to index
        %get3A_1875 = arith.index_cast %add3A_1858 : i32 to index
        %get3A_1876 = arith.constant 16 : index
        %get3A_1877 = tpu.vector_load %arg8[%get3A_1874, %get3A_1875, %get3A_1876] {strides = array<i32>} : memref<3x128x128xf32, #tpu.memory_space<vmem>>, vector<1x1x16xf32>,
        %get3A_1878 = vector.shape_cast %get3A_1877 : vector<1x1x16xf32> to vector<16xf32>
        %mul3A_1879 = vector.broadcast %squeeze3A_1860 : f32 to vector<16xf32>
        %mul3A_1880 = arith.mulf %get3A_1878, %mul3A_1879 : vector<16xf32>
        %swap3A_1881 = arith.index_cast %select_n3A_219 : i32 to index
        %swap3A_1882 = arith.index_cast %add3A_1858 : i32 to index
        %swap3A_1883 = arith.constant 16 : index
        %swap3A_1884 = tpu.vector_load %arg8[%swap3A_1881, %swap3A_1882, %swap3A_1883] {strides = array<i32>} : memref<3x128x128xf32, #tpu.memory_space<vmem>>, vector<1x1x16xf32>,
        %swap3A_1885 = vector.shape_cast %swap3A_1884 : vector<1x1x16xf32> to vector<16xf32>
        %swap3A_1886 = vector.shape_cast %mul3A_1880 : vector<16xf32> to vector<1x1x16xf32>
        tpu.vector_store %arg8[%swap3A_1881, %swap3A_1882, %swap3A_1883], %swap3A_1886 {strides = array<i32>} : memref<3x128x128xf32, #tpu.memory_space<vmem>>, vector<1x1x16xf32>,
        %get3A_1887 = arith.index_cast %select_n3A_219 : i32 to index
        %get3A_1888 = arith.index_cast %add3A_1858 : i32 to index
        %get3A_1889 = arith.constant 32 : index
        %get3A_1890 = tpu.vector_load %arg8[%get3A_1887, %get3A_1888, %get3A_1889] {strides = array<i32>} : memref<3x128x128xf32, #tpu.memory_space<vmem>>, vector<1x1x16xf32>,
        %get3A_1891 = vector.shape_cast %get3A_1890 : vector<1x1x16xf32> to vector<16xf32>
        %mul3A_1892 = vector.broadcast %squeeze3A_1860 : f32 to vector<16xf32>
        %mul3A_1893 = arith.mulf %get3A_1891, %mul3A_1892 : vector<16xf32>
        %swap3A_1894 = arith.index_cast %select_n3A_219 : i32 to index
        %swap3A_1895 = arith.index_cast %add3A_1858 : i32 to index
        %swap3A_1896 = arith.constant 32 : index
        %swap3A_1897 = tpu.vector_load %arg8[%swap3A_1894, %swap3A_1895, %swap3A_1896] {strides = array<i32>} : memref<3x128x128xf32, #tpu.memory_space<vmem>>, vector<1x1x16xf32>,
        %swap3A_1898 = vector.shape_cast %swap3A_1897 : vector<1x1x16xf32> to vector<16xf32>
        %swap3A_1899 = vector.shape_cast %mul3A_1893 : vector<16xf32> to vector<1x1x16xf32>
        tpu.vector_store %arg8[%swap3A_1894, %swap3A_1895, %swap3A_1896], %swap3A_1899 {strides = array<i32>} : memref<3x128x128xf32, #tpu.memory_space<vmem>>, vector<1x1x16xf32>,
        %get3A_1900 = arith.index_cast %select_n3A_219 : i32 to index
        %get3A_1901 = arith.index_cast %add3A_1858 : i32 to index
        %get3A_1902 = arith.constant 48 : index
        %get3A_1903 = tpu.vector_load %arg8[%get3A_1900, %get3A_1901, %get3A_1902] {strides = array<i32>} : memref<3x128x128xf32, #tpu.memory_space<vmem>>, vector<1x1x16xf32>,
        %get3A_1904 = vector.shape_cast %get3A_1903 : vector<1x1x16xf32> to vector<16xf32>
        %mul3A_1905 = vector.broadcast %squeeze3A_1860 : f32 to vector<16xf32>
        %mul3A_1906 = arith.mulf %get3A_1904, %mul3A_1905 : vector<16xf32>
        %swap3A_1907 = arith.index_cast %select_n3A_219 : i32 to index
        %swap3A_1908 = arith.index_cast %add3A_1858 : i32 to index
        %swap3A_1909 = arith.constant 48 : index
        %swap3A_1910 = tpu.vector_load %arg8[%swap3A_1907, %swap3A_1908, %swap3A_1909] {strides = array<i32>} : memref<3x128x128xf32, #tpu.memory_space<vmem>>, vector<1x1x16xf32>,
        %swap3A_1911 = vector.shape_cast %swap3A_1910 : vector<1x1x16xf32> to vector<16xf32>
        %swap3A_1912 = vector.shape_cast %mul3A_1906 : vector<16xf32> to vector<1x1x16xf32>
        tpu.vector_store %arg8[%swap3A_1907, %swap3A_1908, %swap3A_1909], %swap3A_1912 {strides = array<i32>} : memref<3x128x128xf32, #tpu.memory_space<vmem>>, vector<1x1x16xf32>,
        %get3A_1913 = arith.index_cast %select_n3A_219 : i32 to index
        %get3A_1914 = arith.index_cast %add3A_1858 : i32 to index
        %get3A_1915 = arith.constant 64 : index
        %get3A_1916 = tpu.vector_load %arg8[%get3A_1913, %get3A_1914, %get3A_1915] {strides = array<i32>} : memref<3x128x128xf32, #tpu.memory_space<vmem>>, vector<1x1x16xf32>,
        %get3A_1917 = vector.shape_cast %get3A_1916 : vector<1x1x16xf32> to vector<16xf32>
        %mul3A_1918 = vector.broadcast %squeeze3A_1860 : f32 to vector<16xf32>
        %mul3A_1919 = arith.mulf %get3A_1917, %mul3A_1918 : vector<16xf32>
        %swap3A_1920 = arith.index_cast %select_n3A_219 : i32 to index
        %swap3A_1921 = arith.index_cast %add3A_1858 : i32 to index
        %swap3A_1922 = arith.constant 64 : index
        %swap3A_1923 = tpu.vector_load %arg8[%swap3A_1920, %swap3A_1921, %swap3A_1922] {strides = array<i32>} : memref<3x128x128xf32, #tpu.memory_space<vmem>>, vector<1x1x16xf32>,
        %swap3A_1924 = vector.shape_cast %swap3A_1923 : vector<1x1x16xf32> to vector<16xf32>
        %swap3A_1925 = vector.shape_cast %mul3A_1919 : vector<16xf32> to vector<1x1x16xf32>
        tpu.vector_store %arg8[%swap3A_1920, %swap3A_1921, %swap3A_1922], %swap3A_1925 {strides = array<i32>} : memref<3x128x128xf32, #tpu.memory_space<vmem>>, vector<1x1x16xf32>,
        %get3A_1926 = arith.index_cast %select_n3A_219 : i32 to index
        %get3A_1927 = arith.index_cast %add3A_1858 : i32 to index
        %get3A_1928 = arith.constant 80 : index
        %get3A_1929 = tpu.vector_load %arg8[%get3A_1926, %get3A_1927, %get3A_1928] {strides = array<i32>} : memref<3x128x128xf32, #tpu.memory_space<vmem>>, vector<1x1x16xf32>,
        %get3A_1930 = vector.shape_cast %get3A_1929 : vector<1x1x16xf32> to vector<16xf32>
        %mul3A_1931 = vector.broadcast %squeeze3A_1860 : f32 to vector<16xf32>
        %mul3A_1932 = arith.mulf %get3A_1930, %mul3A_1931 : vector<16xf32>
        %swap3A_1933 = arith.index_cast %select_n3A_219 : i32 to index
        %swap3A_1934 = arith.index_cast %add3A_1858 : i32 to index
        %swap3A_1935 = arith.constant 80 : index
        %swap3A_1936 = tpu.vector_load %arg8[%swap3A_1933, %swap3A_1934, %swap3A_1935] {strides = array<i32>} : memref<3x128x128xf32, #tpu.memory_space<vmem>>, vector<1x1x16xf32>,
        %swap3A_1937 = vector.shape_cast %swap3A_1936 : vector<1x1x16xf32> to vector<16xf32>
        %swap3A_1938 = vector.shape_cast %mul3A_1932 : vector<16xf32> to vector<1x1x16xf32>
        tpu.vector_store %arg8[%swap3A_1933, %swap3A_1934, %swap3A_1935], %swap3A_1938 {strides = array<i32>} : memref<3x128x128xf32, #tpu.memory_space<vmem>>, vector<1x1x16xf32>,
        %get3A_1939 = arith.index_cast %select_n3A_219 : i32 to index
        %get3A_1940 = arith.index_cast %add3A_1858 : i32 to index
        %get3A_1941 = arith.constant 96 : index
        %get3A_1942 = tpu.vector_load %arg8[%get3A_1939, %get3A_1940, %get3A_1941] {strides = array<i32>} : memref<3x128x128xf32, #tpu.memory_space<vmem>>, vector<1x1x16xf32>,
        %get3A_1943 = vector.shape_cast %get3A_1942 : vector<1x1x16xf32> to vector<16xf32>
        %mul3A_1944 = vector.broadcast %squeeze3A_1860 : f32 to vector<16xf32>
        %mul3A_1945 = arith.mulf %get3A_1943, %mul3A_1944 : vector<16xf32>
        %swap3A_1946 = arith.index_cast %select_n3A_219 : i32 to index
        %swap3A_1947 = arith.index_cast %add3A_1858 : i32 to index
        %swap3A_1948 = arith.constant 96 : index
        %swap3A_1949 = tpu.vector_load %arg8[%swap3A_1946, %swap3A_1947, %swap3A_1948] {strides = array<i32>} : memref<3x128x128xf32, #tpu.memory_space<vmem>>, vector<1x1x16xf32>,
        %swap3A_1950 = vector.shape_cast %swap3A_1949 : vector<1x1x16xf32> to vector<16xf32>
        %swap3A_1951 = vector.shape_cast %mul3A_1945 : vector<16xf32> to vector<1x1x16xf32>
        tpu.vector_store %arg8[%swap3A_1946, %swap3A_1947, %swap3A_1948], %swap3A_1951 {strides = array<i32>} : memref<3x128x128xf32, #tpu.memory_space<vmem>>, vector<1x1x16xf32>,
        %get3A_1952 = arith.index_cast %select_n3A_219 : i32 to index
        %get3A_1953 = arith.index_cast %add3A_1858 : i32 to index
        %get3A_1954 = arith.constant 112 : index
        %get3A_1955 = tpu.vector_load %arg8[%get3A_1952, %get3A_1953, %get3A_1954] {strides = array<i32>} : memref<3x128x128xf32, #tpu.memory_space<vmem>>, vector<1x1x16xf32>,
        %get3A_1956 = vector.shape_cast %get3A_1955 : vector<1x1x16xf32> to vector<16xf32>
        %mul3A_1957 = vector.broadcast %squeeze3A_1860 : f32 to vector<16xf32>
        %mul3A_1958 = arith.mulf %get3A_1956, %mul3A_1957 : vector<16xf32>
        %swap3A_1959 = arith.index_cast %select_n3A_219 : i32 to index
        %swap3A_1960 = arith.index_cast %add3A_1858 : i32 to index
        %swap3A_1961 = arith.constant 112 : index
        %swap3A_1962 = tpu.vector_load %arg8[%swap3A_1959, %swap3A_1960, %swap3A_1961] {strides = array<i32>} : memref<3x128x128xf32, #tpu.memory_space<vmem>>, vector<1x1x16xf32>,
        %swap3A_1963 = vector.shape_cast %swap3A_1962 : vector<1x1x16xf32> to vector<16xf32>
        %swap3A_1964 = vector.shape_cast %mul3A_1958 : vector<16xf32> to vector<1x1x16xf32>
        tpu.vector_store %arg8[%swap3A_1959, %swap3A_1960, %swap3A_1961], %swap3A_1964 {strides = array<i32>} : memref<3x128x128xf32, #tpu.memory_space<vmem>>, vector<1x1x16xf32>,
        %mul3A_1965 = arith.constant 16 : i32
        %mul3A_1966 = arith.muli %scan3A_296, %mul3A_1965 : i32
        %add3A_1967 = arith.constant 15 : i32
        %add3A_1968 = arith.addi %mul3A_1966, %add3A_1967 : i32
        %slice3A_1969 = vector.extract_strided_slice %get3A_317 {offsets = [15], sizes = [1], strides = [1]} : vector<16xf32> to vector<1xf32>
        %squeeze3A_1970 = vector.extract %slice3A_1969[0] : f32 from vector<1xf32>
        %get3A_1971 = arith.index_cast %select_n3A_219 : i32 to index
        %get3A_1972 = arith.index_cast %add3A_1968 : i32 to index
        %get3A_1973 = arith.constant 0 : index
        %get3A_1974 = tpu.vector_load %arg8[%get3A_1971, %get3A_1972, %get3A_1973] {strides = array<i32>} : memref<3x128x128xf32, #tpu.memory_space<vmem>>, vector<1x1x16xf32>,
        %get3A_1975 = vector.shape_cast %get3A_1974 : vector<1x1x16xf32> to vector<16xf32>
        %mul3A_1976 = vector.broadcast %squeeze3A_1970 : f32 to vector<16xf32>
        %mul3A_1977 = arith.mulf %get3A_1975, %mul3A_1976 : vector<16xf32>
        %swap3A_1978 = arith.index_cast %select_n3A_219 : i32 to index
        %swap3A_1979 = arith.index_cast %add3A_1968 : i32 to index
        %swap3A_1980 = arith.constant 0 : index
        %swap3A_1981 = tpu.vector_load %arg8[%swap3A_1978, %swap3A_1979, %swap3A_1980] {strides = array<i32>} : memref<3x128x128xf32, #tpu.memory_space<vmem>>, vector<1x1x16xf32>,
        %swap3A_1982 = vector.shape_cast %swap3A_1981 : vector<1x1x16xf32> to vector<16xf32>
        %swap3A_1983 = vector.shape_cast %mul3A_1977 : vector<16xf32> to vector<1x1x16xf32>
        tpu.vector_store %arg8[%swap3A_1978, %swap3A_1979, %swap3A_1980], %swap3A_1983 {strides = array<i32>} : memref<3x128x128xf32, #tpu.memory_space<vmem>>, vector<1x1x16xf32>,
        %get3A_1984 = arith.index_cast %select_n3A_219 : i32 to index
        %get3A_1985 = arith.index_cast %add3A_1968 : i32 to index
        %get3A_1986 = arith.constant 16 : index
        %get3A_1987 = tpu.vector_load %arg8[%get3A_1984, %get3A_1985, %get3A_1986] {strides = array<i32>} : memref<3x128x128xf32, #tpu.memory_space<vmem>>, vector<1x1x16xf32>,
        %get3A_1988 = vector.shape_cast %get3A_1987 : vector<1x1x16xf32> to vector<16xf32>
        %mul3A_1989 = vector.broadcast %squeeze3A_1970 : f32 to vector<16xf32>
        %mul3A_1990 = arith.mulf %get3A_1988, %mul3A_1989 : vector<16xf32>
        %swap3A_1991 = arith.index_cast %select_n3A_219 : i32 to index
        %swap3A_1992 = arith.index_cast %add3A_1968 : i32 to index
        %swap3A_1993 = arith.constant 16 : index
        %swap3A_1994 = tpu.vector_load %arg8[%swap3A_1991, %swap3A_1992, %swap3A_1993] {strides = array<i32>} : memref<3x128x128xf32, #tpu.memory_space<vmem>>, vector<1x1x16xf32>,
        %swap3A_1995 = vector.shape_cast %swap3A_1994 : vector<1x1x16xf32> to vector<16xf32>
        %swap3A_1996 = vector.shape_cast %mul3A_1990 : vector<16xf32> to vector<1x1x16xf32>
        tpu.vector_store %arg8[%swap3A_1991, %swap3A_1992, %swap3A_1993], %swap3A_1996 {strides = array<i32>} : memref<3x128x128xf32, #tpu.memory_space<vmem>>, vector<1x1x16xf32>,
        %get3A_1997 = arith.index_cast %select_n3A_219 : i32 to index
        %get3A_1998 = arith.index_cast %add3A_1968 : i32 to index
        %get3A_1999 = arith.constant 32 : index
        %get3A_2000 = tpu.vector_load %arg8[%get3A_1997, %get3A_1998, %get3A_1999] {strides = array<i32>} : memref<3x128x128xf32, #tpu.memory_space<vmem>>, vector<1x1x16xf32>,
        %get3A_2001 = vector.shape_cast %get3A_2000 : vector<1x1x16xf32> to vector<16xf32>
        %mul3A_2002 = vector.broadcast %squeeze3A_1970 : f32 to vector<16xf32>
        %mul3A_2003 = arith.mulf %get3A_2001, %mul3A_2002 : vector<16xf32>
        %swap3A_2004 = arith.index_cast %select_n3A_219 : i32 to index
        %swap3A_2005 = arith.index_cast %add3A_1968 : i32 to index
        %swap3A_2006 = arith.constant 32 : index
        %swap3A_2007 = tpu.vector_load %arg8[%swap3A_2004, %swap3A_2005, %swap3A_2006] {strides = array<i32>} : memref<3x128x128xf32, #tpu.memory_space<vmem>>, vector<1x1x16xf32>,
        %swap3A_2008 = vector.shape_cast %swap3A_2007 : vector<1x1x16xf32> to vector<16xf32>
        %swap3A_2009 = vector.shape_cast %mul3A_2003 : vector<16xf32> to vector<1x1x16xf32>
        tpu.vector_store %arg8[%swap3A_2004, %swap3A_2005, %swap3A_2006], %swap3A_2009 {strides = array<i32>} : memref<3x128x128xf32, #tpu.memory_space<vmem>>, vector<1x1x16xf32>,
        %get3A_2010 = arith.index_cast %select_n3A_219 : i32 to index
        %get3A_2011 = arith.index_cast %add3A_1968 : i32 to index
        %get3A_2012 = arith.constant 48 : index
        %get3A_2013 = tpu.vector_load %arg8[%get3A_2010, %get3A_2011, %get3A_2012] {strides = array<i32>} : memref<3x128x128xf32, #tpu.memory_space<vmem>>, vector<1x1x16xf32>,
        %get3A_2014 = vector.shape_cast %get3A_2013 : vector<1x1x16xf32> to vector<16xf32>
        %mul3A_2015 = vector.broadcast %squeeze3A_1970 : f32 to vector<16xf32>
        %mul3A_2016 = arith.mulf %get3A_2014, %mul3A_2015 : vector<16xf32>
        %swap3A_2017 = arith.index_cast %select_n3A_219 : i32 to index
        %swap3A_2018 = arith.index_cast %add3A_1968 : i32 to index
        %swap3A_2019 = arith.constant 48 : index
        %swap3A_2020 = tpu.vector_load %arg8[%swap3A_2017, %swap3A_2018, %swap3A_2019] {strides = array<i32>} : memref<3x128x128xf32, #tpu.memory_space<vmem>>, vector<1x1x16xf32>,
        %swap3A_2021 = vector.shape_cast %swap3A_2020 : vector<1x1x16xf32> to vector<16xf32>
        %swap3A_2022 = vector.shape_cast %mul3A_2016 : vector<16xf32> to vector<1x1x16xf32>
        tpu.vector_store %arg8[%swap3A_2017, %swap3A_2018, %swap3A_2019], %swap3A_2022 {strides = array<i32>} : memref<3x128x128xf32, #tpu.memory_space<vmem>>, vector<1x1x16xf32>,
        %get3A_2023 = arith.index_cast %select_n3A_219 : i32 to index
        %get3A_2024 = arith.index_cast %add3A_1968 : i32 to index
        %get3A_2025 = arith.constant 64 : index
        %get3A_2026 = tpu.vector_load %arg8[%get3A_2023, %get3A_2024, %get3A_2025] {strides = array<i32>} : memref<3x128x128xf32, #tpu.memory_space<vmem>>, vector<1x1x16xf32>,
        %get3A_2027 = vector.shape_cast %get3A_2026 : vector<1x1x16xf32> to vector<16xf32>
        %mul3A_2028 = vector.broadcast %squeeze3A_1970 : f32 to vector<16xf32>
        %mul3A_2029 = arith.mulf %get3A_2027, %mul3A_2028 : vector<16xf32>
        %swap3A_2030 = arith.index_cast %select_n3A_219 : i32 to index
        %swap3A_2031 = arith.index_cast %add3A_1968 : i32 to index
        %swap3A_2032 = arith.constant 64 : index
        %swap3A_2033 = tpu.vector_load %arg8[%swap3A_2030, %swap3A_2031, %swap3A_2032] {strides = array<i32>} : memref<3x128x128xf32, #tpu.memory_space<vmem>>, vector<1x1x16xf32>,
        %swap3A_2034 = vector.shape_cast %swap3A_2033 : vector<1x1x16xf32> to vector<16xf32>
        %swap3A_2035 = vector.shape_cast %mul3A_2029 : vector<16xf32> to vector<1x1x16xf32>
        tpu.vector_store %arg8[%swap3A_2030, %swap3A_2031, %swap3A_2032], %swap3A_2035 {strides = array<i32>} : memref<3x128x128xf32, #tpu.memory_space<vmem>>, vector<1x1x16xf32>,
        %get3A_2036 = arith.index_cast %select_n3A_219 : i32 to index
        %get3A_2037 = arith.index_cast %add3A_1968 : i32 to index
        %get3A_2038 = arith.constant 80 : index
        %get3A_2039 = tpu.vector_load %arg8[%get3A_2036, %get3A_2037, %get3A_2038] {strides = array<i32>} : memref<3x128x128xf32, #tpu.memory_space<vmem>>, vector<1x1x16xf32>,
        %get3A_2040 = vector.shape_cast %get3A_2039 : vector<1x1x16xf32> to vector<16xf32>
        %mul3A_2041 = vector.broadcast %squeeze3A_1970 : f32 to vector<16xf32>
        %mul3A_2042 = arith.mulf %get3A_2040, %mul3A_2041 : vector<16xf32>
        %swap3A_2043 = arith.index_cast %select_n3A_219 : i32 to index
        %swap3A_2044 = arith.index_cast %add3A_1968 : i32 to index
        %swap3A_2045 = arith.constant 80 : index
        %swap3A_2046 = tpu.vector_load %arg8[%swap3A_2043, %swap3A_2044, %swap3A_2045] {strides = array<i32>} : memref<3x128x128xf32, #tpu.memory_space<vmem>>, vector<1x1x16xf32>,
        %swap3A_2047 = vector.shape_cast %swap3A_2046 : vector<1x1x16xf32> to vector<16xf32>
        %swap3A_2048 = vector.shape_cast %mul3A_2042 : vector<16xf32> to vector<1x1x16xf32>
        tpu.vector_store %arg8[%swap3A_2043, %swap3A_2044, %swap3A_2045], %swap3A_2048 {strides = array<i32>} : memref<3x128x128xf32, #tpu.memory_space<vmem>>, vector<1x1x16xf32>,
        %get3A_2049 = arith.index_cast %select_n3A_219 : i32 to index
        %get3A_2050 = arith.index_cast %add3A_1968 : i32 to index
        %get3A_2051 = arith.constant 96 : index
        %get3A_2052 = tpu.vector_load %arg8[%get3A_2049, %get3A_2050, %get3A_2051] {strides = array<i32>} : memref<3x128x128xf32, #tpu.memory_space<vmem>>, vector<1x1x16xf32>,
        %get3A_2053 = vector.shape_cast %get3A_2052 : vector<1x1x16xf32> to vector<16xf32>
        %mul3A_2054 = vector.broadcast %squeeze3A_1970 : f32 to vector<16xf32>
        %mul3A_2055 = arith.mulf %get3A_2053, %mul3A_2054 : vector<16xf32>
        %swap3A_2056 = arith.index_cast %select_n3A_219 : i32 to index
        %swap3A_2057 = arith.index_cast %add3A_1968 : i32 to index
        %swap3A_2058 = arith.constant 96 : index
        %swap3A_2059 = tpu.vector_load %arg8[%swap3A_2056, %swap3A_2057, %swap3A_2058] {strides = array<i32>} : memref<3x128x128xf32, #tpu.memory_space<vmem>>, vector<1x1x16xf32>,
        %swap3A_2060 = vector.shape_cast %swap3A_2059 : vector<1x1x16xf32> to vector<16xf32>
        %swap3A_2061 = vector.shape_cast %mul3A_2055 : vector<16xf32> to vector<1x1x16xf32>
        tpu.vector_store %arg8[%swap3A_2056, %swap3A_2057, %swap3A_2058], %swap3A_2061 {strides = array<i32>} : memref<3x128x128xf32, #tpu.memory_space<vmem>>, vector<1x1x16xf32>,
        %get3A_2062 = arith.index_cast %select_n3A_219 : i32 to index
        %get3A_2063 = arith.index_cast %add3A_1968 : i32 to index
        %get3A_2064 = arith.constant 112 : index
        %get3A_2065 = tpu.vector_load %arg8[%get3A_2062, %get3A_2063, %get3A_2064] {strides = array<i32>} : memref<3x128x128xf32, #tpu.memory_space<vmem>>, vector<1x1x16xf32>,
        %get3A_2066 = vector.shape_cast %get3A_2065 : vector<1x1x16xf32> to vector<16xf32>
        %mul3A_2067 = vector.broadcast %squeeze3A_1970 : f32 to vector<16xf32>
        %mul3A_2068 = arith.mulf %get3A_2066, %mul3A_2067 : vector<16xf32>
        %swap3A_2069 = arith.index_cast %select_n3A_219 : i32 to index
        %swap3A_2070 = arith.index_cast %add3A_1968 : i32 to index
        %swap3A_2071 = arith.constant 112 : index
        %swap3A_2072 = tpu.vector_load %arg8[%swap3A_2069, %swap3A_2070, %swap3A_2071] {strides = array<i32>} : memref<3x128x128xf32, #tpu.memory_space<vmem>>, vector<1x1x16xf32>,
        %swap3A_2073 = vector.shape_cast %swap3A_2072 : vector<1x1x16xf32> to vector<16xf32>
        %swap3A_2074 = vector.shape_cast %mul3A_2068 : vector<16xf32> to vector<1x1x16xf32>
        tpu.vector_store %arg8[%swap3A_2069, %swap3A_2070, %swap3A_2071], %swap3A_2074 {strides = array<i32>} : memref<3x128x128xf32, #tpu.memory_space<vmem>>, vector<1x1x16xf32>,
      }
      %scan3A_266 = arith.constant 8 : i32
      %jit3A_267 = arith.constant 4 : i32
      %eq3A_268 = arith.constant 0 : i32
      %eq3A_269 = arith.cmpi eq, %jit3A_267, %eq3A_268 : i32
      %jit3A_270 = arith.constant 1 : i32
      %select_n3A_271 = arith.select %eq3A_269, %jit3A_270, %jit3A_267 : i32
      %rem3A_272 = arith.remsi %scan3A_209, %select_n3A_271 : i32
      %ne3A_273 = arith.constant 0 : i32
      %ne3A_274 = arith.cmpi ne, %rem3A_272, %ne3A_273 : i32
      %lt3A_275 = arith.constant 0 : i32
      %lt3A_276 = arith.cmpi slt, %rem3A_272, %lt3A_275 : i32
      %lt3A_277 = arith.constant 0 : i32
      %lt3A_278 = arith.cmpi slt, %select_n3A_271, %lt3A_277 : i32
      %ne3A_279 = arith.xori %lt3A_276, %lt3A_278 : i1
      %and3A_280 = arith.andi %ne3A_279, %ne3A_274 : i1
      %add3A_281 = arith.addi %rem3A_272, %select_n3A_271 : i32
      %select_n3A_282 = arith.select %and3A_280, %add3A_281, %rem3A_272 : i32
      %dma_start3A_283 = arith.constant 1 : i32
      %dma_start3A_284 = arith.constant 0 : i32
      %dma_start3A_285 = arith.constant 0 : i32
      %dma_start3A_286 = tpu.memref_slice %arg8[%select_n3A_219, %dma_start3A_284, %dma_start3A_285] : memref<3x128x128xf32, #tpu.memory_space<vmem>> -> memref<1x128x128xf32, #tpu.memory_space<vmem>>
      %dma_start3A_287 = tpu.memref_squeeze %dma_start3A_286 : memref<1x128x128xf32, #tpu.memory_space<vmem>> -> memref<128x128xf32, #tpu.memory_space<vmem>>
      %dma_start3A_288 = arith.constant 0 : i32
      %dma_start3A_289 = tpu.memref_slice %arg6[%select_n3A_282, %dma_start3A_283, %dma_start3A_288] : memref<4x2x128xi32, #tpu.memory_space<vmem>> -> memref<1x1x128xi32, #tpu.memory_space<vmem>>
      %dma_start3A_290 = tpu.memref_squeeze %dma_start3A_289 : memref<1x1x128xi32, #tpu.memory_space<vmem>> -> memref<128xi32, #tpu.memory_space<vmem>>
      %dma_start3A_291 = arith.constant 0 : i32
      %dma_start3A_292 = arith.constant 0 : i32
      %dma_start3A_293 = tpu.memref_slice %arg9[%dma_start3A_291, %dma_start3A_292] : memref<10000x128xf32, #tpu.memory_space<vmem_shared>> -> memref<10000x128xf32, #tpu.memory_space<vmem_shared>>
      %dma_start3A_294 = tpu.memref_slice %arg13[%select_n3A_219] : memref<3x!tpu.dma_semaphore, #tpu.memory_space<semaphore_mem>> -> memref<1x!tpu.dma_semaphore, #tpu.memory_space<semaphore_mem>>
      %dma_start3A_295 = tpu.memref_squeeze %dma_start3A_294 : memref<1x!tpu.dma_semaphore, #tpu.memory_space<semaphore_mem>> -> memref<!tpu.dma_semaphore, #tpu.memory_space<semaphore_mem>>
      tpu.enqueue_indirect_dma source(%dma_start3A_287 : memref<128x128xf32, #tpu.memory_space<vmem>>) target(%dma_start3A_293 : memref<10000x128xf32, #tpu.memory_space<vmem_shared>>) offsets(%dma_start3A_290 : memref<128xi32, #tpu.memory_space<vmem>>) semaphore(%dma_start3A_295 : memref<!tpu.dma_semaphore, #tpu.memory_space<semaphore_mem>>) {add = true}
    }
    %scan3A_147 = arith.constant 80 : i32
    %dma_wait3A_148 = arith.constant 0 : i32
    %dma_wait3A_149 = arith.constant 0 : i32
    %dma_wait3A_150 = arith.constant 0 : i32
    %dma_wait3A_151 = arith.constant 0 : i32
    %dma_wait3A_152 = tpu.memref_slice %arg8[%dma_wait3A_148, %dma_wait3A_150, %dma_wait3A_151] : memref<3x128x128xf32, #tpu.memory_space<vmem>> -> memref<1x128x128xf32, #tpu.memory_space<vmem>>
    %dma_wait3A_153 = tpu.memref_squeeze %dma_wait3A_152 : memref<1x128x128xf32, #tpu.memory_space<vmem>> -> memref<128x128xf32, #tpu.memory_space<vmem>>
    %dma_wait3A_154 = arith.constant 0 : i32
    %dma_wait3A_155 = arith.constant 0 : i32
    %dma_wait3A_156 = tpu.memref_slice %arg2[%dma_wait3A_154, %dma_wait3A_155] : memref<10000x128xf32, #tpu.memory_space<hbm>> -> memref<128x128xf32, #tpu.memory_space<hbm>>
    %dma_wait3A_157 = tpu.memref_slice %arg13[%dma_wait3A_149] : memref<3x!tpu.dma_semaphore, #tpu.memory_space<semaphore_mem>> -> memref<1x!tpu.dma_semaphore, #tpu.memory_space<semaphore_mem>>
    %dma_wait3A_158 = tpu.memref_squeeze %dma_wait3A_157 : memref<1x!tpu.dma_semaphore, #tpu.memory_space<semaphore_mem>> -> memref<!tpu.dma_semaphore, #tpu.memory_space<semaphore_mem>>
    %dma_wait3A_159 = arith.constant 0 : i32
    %dma_wait3A_160 = arith.constant 0 : i32
    %dma_wait3A_161 = tpu.memref_slice %arg8[%dma_wait3A_148, %dma_wait3A_159, %dma_wait3A_160] : memref<3x128x128xf32, #tpu.memory_space<vmem>> -> memref<1x128x128xf32, #tpu.memory_space<vmem>>
    %dma_wait3A_162 = tpu.memref_squeeze %dma_wait3A_161 : memref<1x128x128xf32, #tpu.memory_space<vmem>> -> memref<128x128xf32, #tpu.memory_space<vmem>>
    %dma_wait3A_163 = arith.constant 0 : i32
    %dma_wait3A_164 = arith.constant 0 : i32
    %dma_wait3A_165 = tpu.memref_slice %arg2[%dma_wait3A_163, %dma_wait3A_164] : memref<10000x128xf32, #tpu.memory_space<hbm>> -> memref<128x128xf32, #tpu.memory_space<hbm>>
    tpu.wait_dma2 semaphore(%dma_wait3A_158 : memref<!tpu.dma_semaphore, #tpu.memory_space<semaphore_mem>>) src(%dma_wait3A_165 : memref<128x128xf32, #tpu.memory_space<hbm>>) dst(%dma_wait3A_162 : memref<128x128xf32, #tpu.memory_space<vmem>>)
    %dma_wait3A_166 = arith.constant 1 : i32
    %dma_wait3A_167 = arith.constant 1 : i32
    %dma_wait3A_168 = arith.constant 0 : i32
    %dma_wait3A_169 = arith.constant 0 : i32
    %dma_wait3A_170 = tpu.memref_slice %arg8[%dma_wait3A_166, %dma_wait3A_168, %dma_wait3A_169] : memref<3x128x128xf32, #tpu.memory_space<vmem>> -> memref<1x128x128xf32, #tpu.memory_space<vmem>>
    %dma_wait3A_171 = tpu.memref_squeeze %dma_wait3A_170 : memref<1x128x128xf32, #tpu.memory_space<vmem>> -> memref<128x128xf32, #tpu.memory_space<vmem>>
    %dma_wait3A_172 = arith.constant 0 : i32
    %dma_wait3A_173 = arith.constant 0 : i32
    %dma_wait3A_174 = tpu.memref_slice %arg2[%dma_wait3A_172, %dma_wait3A_173] : memref<10000x128xf32, #tpu.memory_space<hbm>> -> memref<128x128xf32, #tpu.memory_space<hbm>>
    %dma_wait3A_175 = tpu.memref_slice %arg13[%dma_wait3A_167] : memref<3x!tpu.dma_semaphore, #tpu.memory_space<semaphore_mem>> -> memref<1x!tpu.dma_semaphore, #tpu.memory_space<semaphore_mem>>
    %dma_wait3A_176 = tpu.memref_squeeze %dma_wait3A_175 : memref<1x!tpu.dma_semaphore, #tpu.memory_space<semaphore_mem>> -> memref<!tpu.dma_semaphore, #tpu.memory_space<semaphore_mem>>
    %dma_wait3A_177 = arith.constant 0 : i32
    %dma_wait3A_178 = arith.constant 0 : i32
    %dma_wait3A_179 = tpu.memref_slice %arg8[%dma_wait3A_166, %dma_wait3A_177, %dma_wait3A_178] : memref<3x128x128xf32, #tpu.memory_space<vmem>> -> memref<1x128x128xf32, #tpu.memory_space<vmem>>
    %dma_wait3A_180 = tpu.memref_squeeze %dma_wait3A_179 : memref<1x128x128xf32, #tpu.memory_space<vmem>> -> memref<128x128xf32, #tpu.memory_space<vmem>>
    %dma_wait3A_181 = arith.constant 0 : i32
    %dma_wait3A_182 = arith.constant 0 : i32
    %dma_wait3A_183 = tpu.memref_slice %arg2[%dma_wait3A_181, %dma_wait3A_182] : memref<10000x128xf32, #tpu.memory_space<hbm>> -> memref<128x128xf32, #tpu.memory_space<hbm>>
    tpu.wait_dma2 semaphore(%dma_wait3A_176 : memref<!tpu.dma_semaphore, #tpu.memory_space<semaphore_mem>>) src(%dma_wait3A_183 : memref<128x128xf32, #tpu.memory_space<hbm>>) dst(%dma_wait3A_180 : memref<128x128xf32, #tpu.memory_space<vmem>>)
    %dma_wait3A_184 = arith.constant 2 : i32
    %dma_wait3A_185 = arith.constant 2 : i32
    %dma_wait3A_186 = arith.constant 0 : i32
    %dma_wait3A_187 = arith.constant 0 : i32
    %dma_wait3A_188 = tpu.memref_slice %arg8[%dma_wait3A_184, %dma_wait3A_186, %dma_wait3A_187] : memref<3x128x128xf32, #tpu.memory_space<vmem>> -> memref<1x128x128xf32, #tpu.memory_space<vmem>>
    %dma_wait3A_189 = tpu.memref_squeeze %dma_wait3A_188 : memref<1x128x128xf32, #tpu.memory_space<vmem>> -> memref<128x128xf32, #tpu.memory_space<vmem>>
    %dma_wait3A_190 = arith.constant 0 : i32
    %dma_wait3A_191 = arith.constant 0 : i32
    %dma_wait3A_192 = tpu.memref_slice %arg2[%dma_wait3A_190, %dma_wait3A_191] : memref<10000x128xf32, #tpu.memory_space<hbm>> -> memref<128x128xf32, #tpu.memory_space<hbm>>
    %dma_wait3A_193 = tpu.memref_slice %arg13[%dma_wait3A_185] : memref<3x!tpu.dma_semaphore, #tpu.memory_space<semaphore_mem>> -> memref<1x!tpu.dma_semaphore, #tpu.memory_space<semaphore_mem>>
    %dma_wait3A_194 = tpu.memref_squeeze %dma_wait3A_193 : memref<1x!tpu.dma_semaphore, #tpu.memory_space<semaphore_mem>> -> memref<!tpu.dma_semaphore, #tpu.memory_space<semaphore_mem>>
    %dma_wait3A_195 = arith.constant 0 : i32
    %dma_wait3A_196 = arith.constant 0 : i32
    %dma_wait3A_197 = tpu.memref_slice %arg8[%dma_wait3A_184, %dma_wait3A_195, %dma_wait3A_196] : memref<3x128x128xf32, #tpu.memory_space<vmem>> -> memref<1x128x128xf32, #tpu.memory_space<vmem>>
    %dma_wait3A_198 = tpu.memref_squeeze %dma_wait3A_197 : memref<1x128x128xf32, #tpu.memory_space<vmem>> -> memref<128x128xf32, #tpu.memory_space<vmem>>
    %dma_wait3A_199 = arith.constant 0 : i32
    %dma_wait3A_200 = arith.constant 0 : i32
    %dma_wait3A_201 = tpu.memref_slice %arg2[%dma_wait3A_199, %dma_wait3A_200] : memref<10000x128xf32, #tpu.memory_space<hbm>> -> memref<128x128xf32, #tpu.memory_space<hbm>>
    tpu.wait_dma2 semaphore(%dma_wait3A_194 : memref<!tpu.dma_semaphore, #tpu.memory_space<semaphore_mem>>) src(%dma_wait3A_201 : memref<128x128xf32, #tpu.memory_space<hbm>>) dst(%dma_wait3A_198 : memref<128x128xf32, #tpu.memory_space<vmem>>)
    %barrier3A_202 = arith.constant 0 : index
    tpu.barrier barrier_id(%barrier3A_202)
    %scan3A_203 = arith.constant 0 : i32
    %scan3A_204 = arith.constant 0 : i32
    %scan3A_205 = arith.constant 8 : i32
    %scan3A_206 = arith.addi %scan3A_204, %scan3A_205 : i32
    %scan3A_207 = arith.constant 1 : i32
    scf.for %scan3A_209 = %scan3A_204 to %scan3A_206 step %scan3A_207  : i32 {
      %mul3A_210 = arith.constant 16 : i32
      %mul3A_211 = arith.muli %scan3A_209, %mul3A_210 : i32
      %add3A_212 = arith.addi %arg1, %mul3A_211 : i32
      %lt3A = arith.constant 125 : i32
      %lt3A_213 = arith.cmpi slt, %add3A_212, %lt3A : i32
      %convert_element_type3A_214 = arith.extui %lt3A_213 : i1 to i32
      %cond3A_215 = arith.constant 0 : i32
      %cond3A_216 = arith.cmpi ne, %convert_element_type3A_214, %cond3A_215 : i32
      scf.if %cond3A_216 {
        %mul3A_217 = arith.constant 80 : i32
        %mul3A_218 = arith.muli %add3A_212, %mul3A_217 : i32
        "tpu.region"() ({
          %run_scoped3A = tpu.sem_alloc : memref<!tpu.dma_semaphore, #tpu.memory_space<semaphore_mem>>
          %dma_start3A_219 = arith.constant 0 : i32
          %dma_start3A_220 = tpu.memref_slice %arg5[%arg0, %mul3A_218, %dma_start3A_219] : memref<2x10000x128xf32, #tpu.memory_space<hbm>> -> memref<1x80x128xf32, #tpu.memory_space<hbm>>
          %dma_start3A_221 = tpu.memref_squeeze %dma_start3A_220 : memref<1x80x128xf32, #tpu.memory_space<hbm>> -> memref<80x128xf32, #tpu.memory_space<hbm>>
          %dma_start3A_222 = arith.constant 0 : i32
          %dma_start3A_223 = tpu.memref_slice %arg9[%mul3A_218, %dma_start3A_222] : memref<10000x128xf32, #tpu.memory_space<vmem_shared>> -> memref<80x128xf32, #tpu.memory_space<vmem_shared>>
          tpu.enqueue_dma source(%dma_start3A_223 : memref<80x128xf32, #tpu.memory_space<vmem_shared>>) target(%dma_start3A_221 : memref<80x128xf32, #tpu.memory_space<hbm>>) target_semaphore(%run_scoped3A : memref<!tpu.dma_semaphore, #tpu.memory_space<semaphore_mem>>)
          %dma_wait3A_224 = arith.constant 0 : i32
          %dma_wait3A_225 = tpu.memref_slice %arg5[%arg0, %mul3A_218, %dma_wait3A_224] : memref<2x10000x128xf32, #tpu.memory_space<hbm>> -> memref<1x80x128xf32, #tpu.memory_space<hbm>>
          %dma_wait3A_226 = tpu.memref_squeeze %dma_wait3A_225 : memref<1x80x128xf32, #tpu.memory_space<hbm>> -> memref<80x128xf32, #tpu.memory_space<hbm>>
          %dma_wait3A_227 = arith.constant 0 : i32
          %dma_wait3A_228 = tpu.memref_slice %arg9[%mul3A_218, %dma_wait3A_227] : memref<10000x128xf32, #tpu.memory_space<vmem_shared>> -> memref<80x128xf32, #tpu.memory_space<vmem_shared>>
          tpu.wait_dma2 semaphore(%run_scoped3A : memref<!tpu.dma_semaphore, #tpu.memory_space<semaphore_mem>>) src(%dma_wait3A_228 : memref<80x128xf32, #tpu.memory_space<vmem_shared>>) dst(%dma_wait3A_226 : memref<80x128xf32, #tpu.memory_space<hbm>>)
          tpu.yield
        }) : () -> ()
      } else {
      }
    }
    %scan3A_208 = arith.constant 8 : i32
    return
  }
}

#map = affine_map<(d0, d1) -> (0, 0)>
#map1 = affine_map<(d0, d1) -> (0, 0, 0, 0)>
#map2 = affine_map<(d0, d1) -> (0, 0, 0)>
module attributes {stable_mosaic.version = 14 : i64} {
  func.func @body(%arg0: i32, %arg1: i32, %arg2: memref<10000x128xf32, #tpu.memory_space<hbm>>, %arg3: memref<32x80x2x128xi32, #tpu.memory_space<hbm>>, %arg4: memref<32x80x128xf32, #tpu.memory_space<hbm>>, %arg5: memref<2x10000x128xf32, #tpu.memory_space<hbm>>, %arg6: memref<4x2x128xi32, #tpu.memory_space<vmem>>, %arg7: memref<4x128xf32, #tpu.memory_space<vmem>>, %arg8: memref<3x128x128xf32, #tpu.memory_space<vmem>>, %arg9: memref<10000x128xf32, #tpu.memory_space<vmem_shared>>, %arg10: memref<4x!tpu.dma_semaphore, #tpu.memory_space<semaphore_mem>>, %arg11: memref<4x!tpu.dma_semaphore, #tpu.memory_space<semaphore_mem>>, %arg12: memref<3x!tpu.dma_semaphore, #tpu.memory_space<semaphore_mem>>, %arg13: memref<3x!tpu.dma_semaphore, #tpu.memory_space<semaphore_mem>>) attributes {dimension_semantics = [#tpu.dimension_semantics<core_parallel>, #tpu.dimension_semantics<subcore_parallel>], iteration_bounds = array<i64: 2, 16>, scalar_prefetch = 0 : i64, scratch_operands = 8 : i64, tpu.core_type = #tpu.core_type<sc_vector_subcore>, window_params = [{transform_indices = #map}, {transform_indices = #map1}, {transform_indices = #map2}, {transform_indices = #map2}]} {
    %mul3A = arith.constant 2 : i32
    %mul3A_0 = arith.muli %arg1, %mul3A : i32
    %add3A = arith.addi %mul3A_0, %arg0 : i32
    %scan3A = arith.constant 0 : i32
    %scan3A_1 = arith.constant 0 : i32
    %scan3A_2 = arith.constant 128 : i32
    %scan3A_3 = arith.addi %scan3A_1, %scan3A_2 : i32
    %scan3A_4 = arith.constant 1 : i32
    scf.for %scan3A_209 = %scan3A_1 to %scan3A_3 step %scan3A_4  : i32 {
      %broadcast_in_dim3A = arith.constant 0.000000e+00 : f32
      %broadcast_in_dim3A_210 = vector.broadcast %broadcast_in_dim3A : f32 to vector<16xf32>
      %swap3A = arith.constant 0 : i32
      %swap3A_211 = arith.index_cast %swap3A : i32 to index
      %swap3A_212 = arith.index_cast %scan3A_209 : i32 to index
      %swap3A_213 = arith.constant 0 : index
      %swap3A_214 = tpu.vector_load %arg8[%swap3A_211, %swap3A_212, %swap3A_213] {strides = array<i32>} : memref<3x128x128xf32, #tpu.memory_space<vmem>>, vector<1x1x16xf32>,
      %swap3A_215 = vector.shape_cast %swap3A_214 : vector<1x1x16xf32> to vector<16xf32>
      %swap3A_216 = vector.shape_cast %broadcast_in_dim3A_210 : vector<16xf32> to vector<1x1x16xf32>
      tpu.vector_store %arg8[%swap3A_211, %swap3A_212, %swap3A_213], %swap3A_216 {strides = array<i32>} : memref<3x128x128xf32, #tpu.memory_space<vmem>>, vector<1x1x16xf32>,
      %broadcast_in_dim3A_217 = arith.constant 0.000000e+00 : f32
      %broadcast_in_dim3A_218 = vector.broadcast %broadcast_in_dim3A_217 : f32 to vector<16xf32>
      %swap3A_219 = arith.constant 0 : i32
      %swap3A_220 = arith.index_cast %swap3A_219 : i32 to index
      %swap3A_221 = arith.index_cast %scan3A_209 : i32 to index
      %swap3A_222 = arith.constant 16 : index
      %swap3A_223 = tpu.vector_load %arg8[%swap3A_220, %swap3A_221, %swap3A_222] {strides = array<i32>} : memref<3x128x128xf32, #tpu.memory_space<vmem>>, vector<1x1x16xf32>,
      %swap3A_224 = vector.shape_cast %swap3A_223 : vector<1x1x16xf32> to vector<16xf32>
      %swap3A_225 = vector.shape_cast %broadcast_in_dim3A_218 : vector<16xf32> to vector<1x1x16xf32>
      tpu.vector_store %arg8[%swap3A_220, %swap3A_221, %swap3A_222], %swap3A_225 {strides = array<i32>} : memref<3x128x128xf32, #tpu.memory_space<vmem>>, vector<1x1x16xf32>,
      %broadcast_in_dim3A_226 = arith.constant 0.000000e+00 : f32
      %broadcast_in_dim3A_227 = vector.broadcast %broadcast_in_dim3A_226 : f32 to vector<16xf32>
      %swap3A_228 = arith.constant 0 : i32
      %swap3A_229 = arith.index_cast %swap3A_228 : i32 to index
      %swap3A_230 = arith.index_cast %scan3A_209 : i32 to index
      %swap3A_231 = arith.constant 32 : index
      %swap3A_232 = tpu.vector_load %arg8[%swap3A_229, %swap3A_230, %swap3A_231] {strides = array<i32>} : memref<3x128x128xf32, #tpu.memory_space<vmem>>, vector<1x1x16xf32>,
      %swap3A_233 = vector.shape_cast %swap3A_232 : vector<1x1x16xf32> to vector<16xf32>
      %swap3A_234 = vector.shape_cast %broadcast_in_dim3A_227 : vector<16xf32> to vector<1x1x16xf32>
      tpu.vector_store %arg8[%swap3A_229, %swap3A_230, %swap3A_231], %swap3A_234 {strides = array<i32>} : memref<3x128x128xf32, #tpu.memory_space<vmem>>, vector<1x1x16xf32>,
      %broadcast_in_dim3A_235 = arith.constant 0.000000e+00 : f32
      %broadcast_in_dim3A_236 = vector.broadcast %broadcast_in_dim3A_235 : f32 to vector<16xf32>
      %swap3A_237 = arith.constant 0 : i32
      %swap3A_238 = arith.index_cast %swap3A_237 : i32 to index
      %swap3A_239 = arith.index_cast %scan3A_209 : i32 to index
      %swap3A_240 = arith.constant 48 : index
      %swap3A_241 = tpu.vector_load %arg8[%swap3A_238, %swap3A_239, %swap3A_240] {strides = array<i32>} : memref<3x128x128xf32, #tpu.memory_space<vmem>>, vector<1x1x16xf32>,
      %swap3A_242 = vector.shape_cast %swap3A_241 : vector<1x1x16xf32> to vector<16xf32>
      %swap3A_243 = vector.shape_cast %broadcast_in_dim3A_236 : vector<16xf32> to vector<1x1x16xf32>
      tpu.vector_store %arg8[%swap3A_238, %swap3A_239, %swap3A_240], %swap3A_243 {strides = array<i32>} : memref<3x128x128xf32, #tpu.memory_space<vmem>>, vector<1x1x16xf32>,
      %broadcast_in_dim3A_244 = arith.constant 0.000000e+00 : f32
      %broadcast_in_dim3A_245 = vector.broadcast %broadcast_in_dim3A_244 : f32 to vector<16xf32>
      %swap3A_246 = arith.constant 0 : i32
      %swap3A_247 = arith.index_cast %swap3A_246 : i32 to index
      %swap3A_248 = arith.index_cast %scan3A_209 : i32 to index
      %swap3A_249 = arith.constant 64 : index
      %swap3A_250 = tpu.vector_load %arg8[%swap3A_247, %swap3A_248, %swap3A_249] {strides = array<i32>} : memref<3x128x128xf32, #tpu.memory_space<vmem>>, vector<1x1x16xf32>,
      %swap3A_251 = vector.shape_cast %swap3A_250 : vector<1x1x16xf32> to vector<16xf32>
      %swap3A_252 = vector.shape_cast %broadcast_in_dim3A_245 : vector<16xf32> to vector<1x1x16xf32>
      tpu.vector_store %arg8[%swap3A_247, %swap3A_248, %swap3A_249], %swap3A_252 {strides = array<i32>} : memref<3x128x128xf32, #tpu.memory_space<vmem>>, vector<1x1x16xf32>,
      %broadcast_in_dim3A_253 = arith.constant 0.000000e+00 : f32
      %broadcast_in_dim3A_254 = vector.broadcast %broadcast_in_dim3A_253 : f32 to vector<16xf32>
      %swap3A_255 = arith.constant 0 : i32
      %swap3A_256 = arith.index_cast %swap3A_255 : i32 to index
      %swap3A_257 = arith.index_cast %scan3A_209 : i32 to index
      %swap3A_258 = arith.constant 80 : index
      %swap3A_259 = tpu.vector_load %arg8[%swap3A_256, %swap3A_257, %swap3A_258] {strides = array<i32>} : memref<3x128x128xf32, #tpu.memory_space<vmem>>, vector<1x1x16xf32>,
      %swap3A_260 = vector.shape_cast %swap3A_259 : vector<1x1x16xf32> to vector<16xf32>
      %swap3A_261 = vector.shape_cast %broadcast_in_dim3A_254 : vector<16xf32> to vector<1x1x16xf32>
      tpu.vector_store %arg8[%swap3A_256, %swap3A_257, %swap3A_258], %swap3A_261 {strides = array<i32>} : memref<3x128x128xf32, #tpu.memory_space<vmem>>, vector<1x1x16xf32>,
      %broadcast_in_dim3A_262 = arith.constant 0.000000e+00 : f32
      %broadcast_in_dim3A_263 = vector.broadcast %broadcast_in_dim3A_262 : f32 to vector<16xf32>
      %swap3A_264 = arith.constant 0 : i32
      %swap3A_265 = arith.index_cast %swap3A_264 : i32 to index
      %swap3A_266 = arith.index_cast %scan3A_209 : i32 to index
      %swap3A_267 = arith.constant 96 : index
      %swap3A_268 = tpu.vector_load %arg8[%swap3A_265, %swap3A_266, %swap3A_267] {strides = array<i32>} : memref<3x128x128xf32, #tpu.memory_space<vmem>>, vector<1x1x16xf32>,
      %swap3A_269 = vector.shape_cast %swap3A_268 : vector<1x1x16xf32> to vector<16xf32>
      %swap3A_270 = vector.shape_cast %broadcast_in_dim3A_263 : vector<16xf32> to vector<1x1x16xf32>
      tpu.vector_store %arg8[%swap3A_265, %swap3A_266, %swap3A_267], %swap3A_270 {strides = array<i32>} : memref<3x128x128xf32, #tpu.memory_space<vmem>>, vector<1x1x16xf32>,
      %broadcast_in_dim3A_271 = arith.constant 0.000000e+00 : f32
      %broadcast_in_dim3A_272 = vector.broadcast %broadcast_in_dim3A_271 : f32 to vector<16xf32>
      %swap3A_273 = arith.constant 0 : i32
      %swap3A_274 = arith.index_cast %swap3A_273 : i32 to index
      %swap3A_275 = arith.index_cast %scan3A_209 : i32 to index
      %swap3A_276 = arith.constant 112 : index
      %swap3A_277 = tpu.vector_load %arg8[%swap3A_274, %swap3A_275, %swap3A_276] {strides = array<i32>} : memref<3x128x128xf32, #tpu.memory_space<vmem>>, vector<1x1x16xf32>,
      %swap3A_278 = vector.shape_cast %swap3A_277 : vector<1x1x16xf32> to vector<16xf32>
      %swap3A_279 = vector.shape_cast %broadcast_in_dim3A_272 : vector<16xf32> to vector<1x1x16xf32>
      tpu.vector_store %arg8[%swap3A_274, %swap3A_275, %swap3A_276], %swap3A_279 {strides = array<i32>} : memref<3x128x128xf32, #tpu.memory_space<vmem>>, vector<1x1x16xf32>,
    }
    %scan3A_5 = arith.constant 128 : i32
    %scan3A_6 = arith.constant 0 : i32
    %scan3A_7 = arith.constant 0 : i32
    %scan3A_8 = arith.constant 5 : i32
    %scan3A_9 = arith.addi %scan3A_7, %scan3A_8 : i32
    %scan3A_10 = arith.constant 1 : i32
    scf.for %scan3A_209 = %scan3A_7 to %scan3A_9 step %scan3A_10  : i32 {
      %mul3A_210 = arith.constant 16 : i32
      %mul3A_211 = arith.muli %scan3A_209, %mul3A_210 : i32
      %add3A_212 = arith.addi %arg1, %mul3A_211 : i32
      %lt3A = arith.constant 78 : i32
      %lt3A_213 = arith.cmpi slt, %add3A_212, %lt3A : i32
      %convert_element_type3A_214 = arith.extui %lt3A_213 : i1 to i32
      %cond3A_215 = arith.constant 0 : i32
      %cond3A_216 = arith.cmpi ne, %convert_element_type3A_214, %cond3A_215 : i32
      scf.if %cond3A_216 {
        %mul3A_217 = arith.constant 128 : i32
        %mul3A_218 = arith.muli %add3A_212, %mul3A_217 : i32
        %run_scoped3A = arith.constant 0 : i32
        "tpu.region"() ({
          %run_scoped3A_219 = tpu.sem_alloc : memref<!tpu.dma_semaphore, #tpu.memory_space<semaphore_mem>>
          %dma_start3A_220 = arith.constant 0 : i32
          %dma_start3A_221 = arith.constant 0 : i32
          %dma_start3A_222 = tpu.memref_slice %arg8[%run_scoped3A, %dma_start3A_220, %dma_start3A_221] : memref<3x128x128xf32, #tpu.memory_space<vmem>> -> memref<1x128x128xf32, #tpu.memory_space<vmem>>
          %dma_start3A_223 = tpu.memref_squeeze %dma_start3A_222 : memref<1x128x128xf32, #tpu.memory_space<vmem>> -> memref<128x128xf32, #tpu.memory_space<vmem>>
          %dma_start3A_224 = arith.constant 0 : i32
          %dma_start3A_225 = tpu.memref_slice %arg9[%mul3A_218, %dma_start3A_224] : memref<10000x128xf32, #tpu.memory_space<vmem_shared>> -> memref<128x128xf32, #tpu.memory_space<vmem_shared>>
          %dma_start3A_226 = arith.constant 0 : i32
          %dma_start3A_227 = tpu.memref_slice %arg9[%mul3A_218, %dma_start3A_226] : memref<10000x128xf32, #tpu.memory_space<vmem_shared>> -> memref<128x128xf32, #tpu.memory_space<vmem_shared>>
          %dma_start3A_228 = arith.constant 0 : i32
          %dma_start3A_229 = arith.constant 0 : i32
          %dma_start3A_230 = tpu.memref_slice %arg8[%run_scoped3A, %dma_start3A_228, %dma_start3A_229] : memref<3x128x128xf32, #tpu.memory_space<vmem>> -> memref<1x128x128xf32, #tpu.memory_space<vmem>>
          %dma_start3A_231 = tpu.memref_squeeze %dma_start3A_230 : memref<1x128x128xf32, #tpu.memory_space<vmem>> -> memref<128x128xf32, #tpu.memory_space<vmem>>
          tpu.enqueue_dma source(%dma_start3A_231 : memref<128x128xf32, #tpu.memory_space<vmem>>) target(%dma_start3A_227 : memref<128x128xf32, #tpu.memory_space<vmem_shared>>) target_semaphore(%run_scoped3A_219 : memref<!tpu.dma_semaphore, #tpu.memory_space<semaphore_mem>>)
          %dma_wait3A_232 = arith.constant 0 : i32
          %dma_wait3A_233 = arith.constant 0 : i32
          %dma_wait3A_234 = tpu.memref_slice %arg8[%run_scoped3A, %dma_wait3A_232, %dma_wait3A_233] : memref<3x128x128xf32, #tpu.memory_space<vmem>> -> memref<1x128x128xf32, #tpu.memory_space<vmem>>
          %dma_wait3A_235 = tpu.memref_squeeze %dma_wait3A_234 : memref<1x128x128xf32, #tpu.memory_space<vmem>> -> memref<128x128xf32, #tpu.memory_space<vmem>>
          %dma_wait3A_236 = arith.constant 0 : i32
          %dma_wait3A_237 = tpu.memref_slice %arg9[%mul3A_218, %dma_wait3A_236] : memref<10000x128xf32, #tpu.memory_space<vmem_shared>> -> memref<128x128xf32, #tpu.memory_space<vmem_shared>>
          %dma_wait3A_238 = arith.constant 0 : i32
          %dma_wait3A_239 = tpu.memref_slice %arg9[%mul3A_218, %dma_wait3A_238] : memref<10000x128xf32, #tpu.memory_space<vmem_shared>> -> memref<128x128xf32, #tpu.memory_space<vmem_shared>>
          %dma_wait3A_240 = arith.constant 0 : i32
          %dma_wait3A_241 = arith.constant 0 : i32
          %dma_wait3A_242 = tpu.memref_slice %arg8[%run_scoped3A, %dma_wait3A_240, %dma_wait3A_241] : memref<3x128x128xf32, #tpu.memory_space<vmem>> -> memref<1x128x128xf32, #tpu.memory_space<vmem>>
          %dma_wait3A_243 = tpu.memref_squeeze %dma_wait3A_242 : memref<1x128x128xf32, #tpu.memory_space<vmem>> -> memref<128x128xf32, #tpu.memory_space<vmem>>
          tpu.wait_dma2 semaphore(%run_scoped3A_219 : memref<!tpu.dma_semaphore, #tpu.memory_space<semaphore_mem>>) src(%dma_wait3A_243 : memref<128x128xf32, #tpu.memory_space<vmem>>) dst(%dma_wait3A_239 : memref<128x128xf32, #tpu.memory_space<vmem_shared>>)
          tpu.yield
        }) : () -> ()
      } else {
      }
    }
    %scan3A_11 = arith.constant 5 : i32
    %eq3A = arith.constant 15 : i32
    %eq3A_12 = arith.cmpi eq, %arg1, %eq3A : i32
    %convert_element_type3A = arith.extui %eq3A_12 : i1 to i32
    %cond3A = arith.constant 0 : i32
    %cond3A_13 = arith.cmpi ne, %convert_element_type3A, %cond3A : i32
    scf.if %cond3A_13 {
      %run_scoped3A = arith.constant 0 : i32
      "tpu.region"() ({
        %run_scoped3A_209 = tpu.sem_alloc : memref<!tpu.dma_semaphore, #tpu.memory_space<semaphore_mem>>
        %dma_start3A_210 = arith.constant 0 : i32
        %dma_start3A_211 = arith.constant 0 : i32
        %dma_start3A_212 = tpu.memref_slice %arg8[%run_scoped3A, %dma_start3A_210, %dma_start3A_211] : memref<3x128x128xf32, #tpu.memory_space<vmem>> -> memref<1x16x128xf32, #tpu.memory_space<vmem>>
        %dma_start3A_213 = tpu.memref_squeeze %dma_start3A_212 : memref<1x16x128xf32, #tpu.memory_space<vmem>> -> memref<16x128xf32, #tpu.memory_space<vmem>>
        %dma_start3A_214 = arith.constant 9984 : i32
        %dma_start3A_215 = arith.constant 0 : i32
        %dma_start3A_216 = tpu.memref_slice %arg9[%dma_start3A_214, %dma_start3A_215] : memref<10000x128xf32, #tpu.memory_space<vmem_shared>> -> memref<16x128xf32, #tpu.memory_space<vmem_shared>>
        %dma_start3A_217 = arith.constant 9984 : i32
        %dma_start3A_218 = arith.constant 0 : i32
        %dma_start3A_219 = tpu.memref_slice %arg9[%dma_start3A_217, %dma_start3A_218] : memref<10000x128xf32, #tpu.memory_space<vmem_shared>> -> memref<16x128xf32, #tpu.memory_space<vmem_shared>>
        %dma_start3A_220 = arith.constant 0 : i32
        %dma_start3A_221 = arith.constant 0 : i32
        %dma_start3A_222 = tpu.memref_slice %arg8[%run_scoped3A, %dma_start3A_220, %dma_start3A_221] : memref<3x128x128xf32, #tpu.memory_space<vmem>> -> memref<1x16x128xf32, #tpu.memory_space<vmem>>
        %dma_start3A_223 = tpu.memref_squeeze %dma_start3A_222 : memref<1x16x128xf32, #tpu.memory_space<vmem>> -> memref<16x128xf32, #tpu.memory_space<vmem>>
        tpu.enqueue_dma source(%dma_start3A_223 : memref<16x128xf32, #tpu.memory_space<vmem>>) target(%dma_start3A_219 : memref<16x128xf32, #tpu.memory_space<vmem_shared>>) target_semaphore(%run_scoped3A_209 : memref<!tpu.dma_semaphore, #tpu.memory_space<semaphore_mem>>)
        %dma_wait3A_224 = arith.constant 0 : i32
        %dma_wait3A_225 = arith.constant 0 : i32
        %dma_wait3A_226 = tpu.memref_slice %arg8[%run_scoped3A, %dma_wait3A_224, %dma_wait3A_225] : memref<3x128x128xf32, #tpu.memory_space<vmem>> -> memref<1x16x128xf32, #tpu.memory_space<vmem>>
        %dma_wait3A_227 = tpu.memref_squeeze %dma_wait3A_226 : memref<1x16x128xf32, #tpu.memory_space<vmem>> -> memref<16x128xf32, #tpu.memory_space<vmem>>
        %dma_wait3A_228 = arith.constant 9984 : i32
        %dma_wait3A_229 = arith.constant 0 : i32
        %dma_wait3A_230 = tpu.memref_slice %arg9[%dma_wait3A_228, %dma_wait3A_229] : memref<10000x128xf32, #tpu.memory_space<vmem_shared>> -> memref<16x128xf32, #tpu.memory_space<vmem_shared>>
        %dma_wait3A_231 = arith.constant 9984 : i32
        %dma_wait3A_232 = arith.constant 0 : i32
        %dma_wait3A_233 = tpu.memref_slice %arg9[%dma_wait3A_231, %dma_wait3A_232] : memref<10000x128xf32, #tpu.memory_space<vmem_shared>> -> memref<16x128xf32, #tpu.memory_space<vmem_shared>>
        %dma_wait3A_234 = arith.constant 0 : i32
        %dma_wait3A_235 = arith.constant 0 : i32
        %dma_wait3A_236 = tpu.memref_slice %arg8[%run_scoped3A, %dma_wait3A_234, %dma_wait3A_235] : memref<3x128x128xf32, #tpu.memory_space<vmem>> -> memref<1x16x128xf32, #tpu.memory_space<vmem>>
        %dma_wait3A_237 = tpu.memref_squeeze %dma_wait3A_236 : memref<1x16x128xf32, #tpu.memory_space<vmem>> -> memref<16x128xf32, #tpu.memory_space<vmem>>
        tpu.wait_dma2 semaphore(%run_scoped3A_209 : memref<!tpu.dma_semaphore, #tpu.memory_space<semaphore_mem>>) src(%dma_wait3A_237 : memref<16x128xf32, #tpu.memory_space<vmem>>) dst(%dma_wait3A_233 : memref<16x128xf32, #tpu.memory_space<vmem_shared>>)
        tpu.yield
      }) : () -> ()
    } else {
    }
    %barrier3A = arith.constant 0 : index
    tpu.barrier barrier_id(%barrier3A)
    %dma_start3A = arith.constant 0 : i32
    %dma_start3A_14 = arith.constant 0 : i32
    %dma_start3A_15 = arith.constant 0 : i32
    %dma_start3A_16 = arith.constant 0 : i32
    %dma_start3A_17 = arith.constant 0 : i32
    %dma_start3A_18 = tpu.memref_slice %arg6[%dma_start3A_14, %dma_start3A_16, %dma_start3A_17] : memref<4x2x128xi32, #tpu.memory_space<vmem>> -> memref<1x2x128xi32, #tpu.memory_space<vmem>>
    %dma_start3A_19 = tpu.memref_squeeze %dma_start3A_18 : memref<1x2x128xi32, #tpu.memory_space<vmem>> -> memref<2x128xi32, #tpu.memory_space<vmem>>
    %dma_start3A_20 = arith.constant 0 : i32
    %dma_start3A_21 = arith.constant 0 : i32
    %dma_start3A_22 = tpu.memref_slice %arg3[%add3A, %dma_start3A, %dma_start3A_20, %dma_start3A_21] : memref<32x80x2x128xi32, #tpu.memory_space<hbm>> -> memref<1x1x2x128xi32, #tpu.memory_space<hbm>>
    %dma_start3A_23 = tpu.memref_squeeze %dma_start3A_22 : memref<1x1x2x128xi32, #tpu.memory_space<hbm>> -> memref<2x128xi32, #tpu.memory_space<hbm>>
    %dma_start3A_24 = tpu.memref_slice %arg10[%dma_start3A_15] : memref<4x!tpu.dma_semaphore, #tpu.memory_space<semaphore_mem>> -> memref<1x!tpu.dma_semaphore, #tpu.memory_space<semaphore_mem>>
    %dma_start3A_25 = tpu.memref_squeeze %dma_start3A_24 : memref<1x!tpu.dma_semaphore, #tpu.memory_space<semaphore_mem>> -> memref<!tpu.dma_semaphore, #tpu.memory_space<semaphore_mem>>
    %dma_start3A_26 = arith.constant 0 : i32
    %dma_start3A_27 = arith.constant 0 : i32
    %dma_start3A_28 = tpu.memref_slice %arg6[%dma_start3A_14, %dma_start3A_26, %dma_start3A_27] : memref<4x2x128xi32, #tpu.memory_space<vmem>> -> memref<1x2x128xi32, #tpu.memory_space<vmem>>
    %dma_start3A_29 = tpu.memref_squeeze %dma_start3A_28 : memref<1x2x128xi32, #tpu.memory_space<vmem>> -> memref<2x128xi32, #tpu.memory_space<vmem>>
    %dma_start3A_30 = arith.constant 0 : i32
    %dma_start3A_31 = arith.constant 0 : i32
    %dma_start3A_32 = tpu.memref_slice %arg3[%add3A, %dma_start3A, %dma_start3A_30, %dma_start3A_31] : memref<32x80x2x128xi32, #tpu.memory_space<hbm>> -> memref<1x1x2x128xi32, #tpu.memory_space<hbm>>
    %dma_start3A_33 = tpu.memref_squeeze %dma_start3A_32 : memref<1x1x2x128xi32, #tpu.memory_space<hbm>> -> memref<2x128xi32, #tpu.memory_space<hbm>>
    tpu.enqueue_dma source(%dma_start3A_33 : memref<2x128xi32, #tpu.memory_space<hbm>>) target(%dma_start3A_29 : memref<2x128xi32, #tpu.memory_space<vmem>>) target_semaphore(%dma_start3A_25 : memref<!tpu.dma_semaphore, #tpu.memory_space<semaphore_mem>>)
    %dma_start3A_34 = arith.constant 0 : i32
    %dma_start3A_35 = arith.constant 0 : i32
    %dma_start3A_36 = arith.constant 0 : i32
    %dma_start3A_37 = arith.constant 0 : i32
    %dma_start3A_38 = tpu.memref_slice %arg7[%dma_start3A_35, %dma_start3A_37] : memref<4x128xf32, #tpu.memory_space<vmem>> -> memref<1x128xf32, #tpu.memory_space<vmem>>
    %dma_start3A_39 = tpu.memref_squeeze %dma_start3A_38 : memref<1x128xf32, #tpu.memory_space<vmem>> -> memref<128xf32, #tpu.memory_space<vmem>>
    %dma_start3A_40 = arith.constant 0 : i32
    %dma_start3A_41 = tpu.memref_slice %arg4[%add3A, %dma_start3A_34, %dma_start3A_40] : memref<32x80x128xf32, #tpu.memory_space<hbm>> -> memref<1x1x128xf32, #tpu.memory_space<hbm>>
    %dma_start3A_42 = tpu.memref_squeeze %dma_start3A_41 : memref<1x1x128xf32, #tpu.memory_space<hbm>> -> memref<128xf32, #tpu.memory_space<hbm>>
    %dma_start3A_43 = tpu.memref_slice %arg11[%dma_start3A_36] : memref<4x!tpu.dma_semaphore, #tpu.memory_space<semaphore_mem>> -> memref<1x!tpu.dma_semaphore, #tpu.memory_space<semaphore_mem>>
    %dma_start3A_44 = tpu.memref_squeeze %dma_start3A_43 : memref<1x!tpu.dma_semaphore, #tpu.memory_space<semaphore_mem>> -> memref<!tpu.dma_semaphore, #tpu.memory_space<semaphore_mem>>
    %dma_start3A_45 = arith.constant 0 : i32
    %dma_start3A_46 = tpu.memref_slice %arg7[%dma_start3A_35, %dma_start3A_45] : memref<4x128xf32, #tpu.memory_space<vmem>> -> memref<1x128xf32, #tpu.memory_space<vmem>>
    %dma_start3A_47 = tpu.memref_squeeze %dma_start3A_46 : memref<1x128xf32, #tpu.memory_space<vmem>> -> memref<128xf32, #tpu.memory_space<vmem>>
    %dma_start3A_48 = arith.constant 0 : i32
    %dma_start3A_49 = tpu.memref_slice %arg4[%add3A, %dma_start3A_34, %dma_start3A_48] : memref<32x80x128xf32, #tpu.memory_space<hbm>> -> memref<1x1x128xf32, #tpu.memory_space<hbm>>
    %dma_start3A_50 = tpu.memref_squeeze %dma_start3A_49 : memref<1x1x128xf32, #tpu.memory_space<hbm>> -> memref<128xf32, #tpu.memory_space<hbm>>
    tpu.enqueue_dma source(%dma_start3A_50 : memref<128xf32, #tpu.memory_space<hbm>>) target(%dma_start3A_47 : memref<128xf32, #tpu.memory_space<vmem>>) target_semaphore(%dma_start3A_44 : memref<!tpu.dma_semaphore, #tpu.memory_space<semaphore_mem>>)
    %dma_wait3A = arith.constant 0 : i32
    %dma_wait3A_51 = arith.constant 0 : i32
    %dma_wait3A_52 = arith.constant 0 : i32
    %dma_wait3A_53 = arith.constant 0 : i32
    %dma_wait3A_54 = arith.constant 0 : i32
    %dma_wait3A_55 = tpu.memref_slice %arg6[%dma_wait3A_51, %dma_wait3A_53, %dma_wait3A_54] : memref<4x2x128xi32, #tpu.memory_space<vmem>> -> memref<1x2x128xi32, #tpu.memory_space<vmem>>
    %dma_wait3A_56 = tpu.memref_squeeze %dma_wait3A_55 : memref<1x2x128xi32, #tpu.memory_space<vmem>> -> memref<2x128xi32, #tpu.memory_space<vmem>>
    %dma_wait3A_57 = arith.constant 0 : i32
    %dma_wait3A_58 = arith.constant 0 : i32
    %dma_wait3A_59 = tpu.memref_slice %arg3[%add3A, %dma_wait3A, %dma_wait3A_57, %dma_wait3A_58] : memref<32x80x2x128xi32, #tpu.memory_space<hbm>> -> memref<1x1x2x128xi32, #tpu.memory_space<hbm>>
    %dma_wait3A_60 = tpu.memref_squeeze %dma_wait3A_59 : memref<1x1x2x128xi32, #tpu.memory_space<hbm>> -> memref<2x128xi32, #tpu.memory_space<hbm>>
    %dma_wait3A_61 = tpu.memref_slice %arg10[%dma_wait3A_52] : memref<4x!tpu.dma_semaphore, #tpu.memory_space<semaphore_mem>> -> memref<1x!tpu.dma_semaphore, #tpu.memory_space<semaphore_mem>>
    %dma_wait3A_62 = tpu.memref_squeeze %dma_wait3A_61 : memref<1x!tpu.dma_semaphore, #tpu.memory_space<semaphore_mem>> -> memref<!tpu.dma_semaphore, #tpu.memory_space<semaphore_mem>>
    %dma_wait3A_63 = arith.constant 0 : i32
    %dma_wait3A_64 = arith.constant 0 : i32
    %dma_wait3A_65 = tpu.memref_slice %arg6[%dma_wait3A_51, %dma_wait3A_63, %dma_wait3A_64] : memref<4x2x128xi32, #tpu.memory_space<vmem>> -> memref<1x2x128xi32, #tpu.memory_space<vmem>>
    %dma_wait3A_66 = tpu.memref_squeeze %dma_wait3A_65 : memref<1x2x128xi32, #tpu.memory_space<vmem>> -> memref<2x128xi32, #tpu.memory_space<vmem>>
    %dma_wait3A_67 = arith.constant 0 : i32
    %dma_wait3A_68 = arith.constant 0 : i32
    %dma_wait3A_69 = tpu.memref_slice %arg3[%add3A, %dma_wait3A, %dma_wait3A_67, %dma_wait3A_68] : memref<32x80x2x128xi32, #tpu.memory_space<hbm>> -> memref<1x1x2x128xi32, #tpu.memory_space<hbm>>
    %dma_wait3A_70 = tpu.memref_squeeze %dma_wait3A_69 : memref<1x1x2x128xi32, #tpu.memory_space<hbm>> -> memref<2x128xi32, #tpu.memory_space<hbm>>
    tpu.wait_dma2 semaphore(%dma_wait3A_62 : memref<!tpu.dma_semaphore, #tpu.memory_space<semaphore_mem>>) src(%dma_wait3A_70 : memref<2x128xi32, #tpu.memory_space<hbm>>) dst(%dma_wait3A_66 : memref<2x128xi32, #tpu.memory_space<vmem>>)
    %dma_wait3A_71 = arith.constant 0 : i32
    %dma_wait3A_72 = arith.constant 0 : i32
    %dma_wait3A_73 = arith.constant 0 : i32
    %dma_wait3A_74 = arith.constant 0 : i32
    %dma_wait3A_75 = tpu.memref_slice %arg7[%dma_wait3A_72, %dma_wait3A_74] : memref<4x128xf32, #tpu.memory_space<vmem>> -> memref<1x128xf32, #tpu.memory_space<vmem>>
    %dma_wait3A_76 = tpu.memref_squeeze %dma_wait3A_75 : memref<1x128xf32, #tpu.memory_space<vmem>> -> memref<128xf32, #tpu.memory_space<vmem>>
    %dma_wait3A_77 = arith.constant 0 : i32
    %dma_wait3A_78 = tpu.memref_slice %arg4[%add3A, %dma_wait3A_71, %dma_wait3A_77] : memref<32x80x128xf32, #tpu.memory_space<hbm>> -> memref<1x1x128xf32, #tpu.memory_space<hbm>>
    %dma_wait3A_79 = tpu.memref_squeeze %dma_wait3A_78 : memref<1x1x128xf32, #tpu.memory_space<hbm>> -> memref<128xf32, #tpu.memory_space<hbm>>
    %dma_wait3A_80 = tpu.memref_slice %arg11[%dma_wait3A_73] : memref<4x!tpu.dma_semaphore, #tpu.memory_space<semaphore_mem>> -> memref<1x!tpu.dma_semaphore, #tpu.memory_space<semaphore_mem>>
    %dma_wait3A_81 = tpu.memref_squeeze %dma_wait3A_80 : memref<1x!tpu.dma_semaphore, #tpu.memory_space<semaphore_mem>> -> memref<!tpu.dma_semaphore, #tpu.memory_space<semaphore_mem>>
    %dma_wait3A_82 = arith.constant 0 : i32
    %dma_wait3A_83 = tpu.memref_slice %arg7[%dma_wait3A_72, %dma_wait3A_82] : memref<4x128xf32, #tpu.memory_space<vmem>> -> memref<1x128xf32, #tpu.memory_space<vmem>>
    %dma_wait3A_84 = tpu.memref_squeeze %dma_wait3A_83 : memref<1x128xf32, #tpu.memory_space<vmem>> -> memref<128xf32, #tpu.memory_space<vmem>>
    %dma_wait3A_85 = arith.constant 0 : i32
    %dma_wait3A_86 = tpu.memref_slice %arg4[%add3A, %dma_wait3A_71, %dma_wait3A_85] : memref<32x80x128xf32, #tpu.memory_space<hbm>> -> memref<1x1x128xf32, #tpu.memory_space<hbm>>
    %dma_wait3A_87 = tpu.memref_squeeze %dma_wait3A_86 : memref<1x1x128xf32, #tpu.memory_space<hbm>> -> memref<128xf32, #tpu.memory_space<hbm>>
    tpu.wait_dma2 semaphore(%dma_wait3A_81 : memref<!tpu.dma_semaphore, #tpu.memory_space<semaphore_mem>>) src(%dma_wait3A_87 : memref<128xf32, #tpu.memory_space<hbm>>) dst(%dma_wait3A_84 : memref<128xf32, #tpu.memory_space<vmem>>)
    %dma_start3A_88 = arith.constant 0 : i32
    %dma_start3A_89 = arith.constant 0 : i32
    %dma_start3A_90 = arith.constant 0 : i32
    %dma_start3A_91 = arith.constant 0 : i32
    %dma_start3A_92 = arith.constant 0 : i32
    %dma_start3A_93 = arith.constant 0 : i32
    %dma_start3A_94 = tpu.memref_slice %arg8[%dma_start3A_90, %dma_start3A_92, %dma_start3A_93] : memref<3x128x128xf32, #tpu.memory_space<vmem>> -> memref<1x128x128xf32, #tpu.memory_space<vmem>>
    %dma_start3A_95 = tpu.memref_squeeze %dma_start3A_94 : memref<1x128x128xf32, #tpu.memory_space<vmem>> -> memref<128x128xf32, #tpu.memory_space<vmem>>
    %dma_start3A_96 = arith.constant 0 : i32
    %dma_start3A_97 = tpu.memref_slice %arg6[%dma_start3A_88, %dma_start3A_89, %dma_start3A_96] : memref<4x2x128xi32, #tpu.memory_space<vmem>> -> memref<1x1x128xi32, #tpu.memory_space<vmem>>
    %dma_start3A_98 = tpu.memref_squeeze %dma_start3A_97 : memref<1x1x128xi32, #tpu.memory_space<vmem>> -> memref<128xi32, #tpu.memory_space<vmem>>
    %dma_start3A_99 = arith.constant 0 : i32
    %dma_start3A_100 = arith.constant 0 : i32
    %dma_start3A_101 = tpu.memref_slice %arg2[%dma_start3A_99, %dma_start3A_100] : memref<10000x128xf32, #tpu.memory_space<hbm>> -> memref<10000x128xf32, #tpu.memory_space<hbm>>
    %dma_start3A_102 = tpu.memref_slice %arg12[%dma_start3A_91] : memref<3x!tpu.dma_semaphore, #tpu.memory_space<semaphore_mem>> -> memref<1x!tpu.dma_semaphore, #tpu.memory_space<semaphore_mem>>
    %dma_start3A_103 = tpu.memref_squeeze %dma_start3A_102 : memref<1x!tpu.dma_semaphore, #tpu.memory_space<semaphore_mem>> -> memref<!tpu.dma_semaphore, #tpu.memory_space<semaphore_mem>>
    tpu.enqueue_indirect_dma source(%dma_start3A_101 : memref<10000x128xf32, #tpu.memory_space<hbm>>) target(%dma_start3A_95 : memref<128x128xf32, #tpu.memory_space<vmem>>) offsets(%dma_start3A_98 : memref<128xi32, #tpu.memory_space<vmem>>) semaphore(%dma_start3A_103 : memref<!tpu.dma_semaphore, #tpu.memory_space<semaphore_mem>>)
    %dma_start3A_104 = arith.constant 1 : i32
    %dma_start3A_105 = arith.constant 1 : i32
    %dma_start3A_106 = arith.constant 1 : i32
    %dma_start3A_107 = arith.constant 0 : i32
    %dma_start3A_108 = arith.constant 0 : i32
    %dma_start3A_109 = tpu.memref_slice %arg6[%dma_start3A_105, %dma_start3A_107, %dma_start3A_108] : memref<4x2x128xi32, #tpu.memory_space<vmem>> -> memref<1x2x128xi32, #tpu.memory_space<vmem>>
    %dma_start3A_110 = tpu.memref_squeeze %dma_start3A_109 : memref<1x2x128xi32, #tpu.memory_space<vmem>> -> memref<2x128xi32, #tpu.memory_space<vmem>>
    %dma_start3A_111 = arith.constant 0 : i32
    %dma_start3A_112 = arith.constant 0 : i32
    %dma_start3A_113 = tpu.memref_slice %arg3[%add3A, %dma_start3A_104, %dma_start3A_111, %dma_start3A_112] : memref<32x80x2x128xi32, #tpu.memory_space<hbm>> -> memref<1x1x2x128xi32, #tpu.memory_space<hbm>>
    %dma_start3A_114 = tpu.memref_squeeze %dma_start3A_113 : memref<1x1x2x128xi32, #tpu.memory_space<hbm>> -> memref<2x128xi32, #tpu.memory_space<hbm>>
    %dma_start3A_115 = tpu.memref_slice %arg10[%dma_start3A_106] : memref<4x!tpu.dma_semaphore, #tpu.memory_space<semaphore_mem>> -> memref<1x!tpu.dma_semaphore, #tpu.memory_space<semaphore_mem>>
    %dma_start3A_116 = tpu.memref_squeeze %dma_start3A_115 : memref<1x!tpu.dma_semaphore, #tpu.memory_space<semaphore_mem>> -> memref<!tpu.dma_semaphore, #tpu.memory_space<semaphore_mem>>
    %dma_start3A_117 = arith.constant 0 : i32
    %dma_start3A_118 = arith.constant 0 : i32
    %dma_start3A_119 = tpu.memref_slice %arg6[%dma_start3A_105, %dma_start3A_117, %dma_start3A_118] : memref<4x2x128xi32, #tpu.memory_space<vmem>> -> memref<1x2x128xi32, #tpu.memory_space<vmem>>
    %dma_start3A_120 = tpu.memref_squeeze %dma_start3A_119 : memref<1x2x128xi32, #tpu.memory_space<vmem>> -> memref<2x128xi32, #tpu.memory_space<vmem>>
    %dma_start3A_121 = arith.constant 0 : i32
    %dma_start3A_122 = arith.constant 0 : i32
    %dma_start3A_123 = tpu.memref_slice %arg3[%add3A, %dma_start3A_104, %dma_start3A_121, %dma_start3A_122] : memref<32x80x2x128xi32, #tpu.memory_space<hbm>> -> memref<1x1x2x128xi32, #tpu.memory_space<hbm>>
    %dma_start3A_124 = tpu.memref_squeeze %dma_start3A_123 : memref<1x1x2x128xi32, #tpu.memory_space<hbm>> -> memref<2x128xi32, #tpu.memory_space<hbm>>
    tpu.enqueue_dma source(%dma_start3A_124 : memref<2x128xi32, #tpu.memory_space<hbm>>) target(%dma_start3A_120 : memref<2x128xi32, #tpu.memory_space<vmem>>) target_semaphore(%dma_start3A_116 : memref<!tpu.dma_semaphore, #tpu.memory_space<semaphore_mem>>)
    %dma_start3A_125 = arith.constant 1 : i32
    %dma_start3A_126 = arith.constant 1 : i32
    %dma_start3A_127 = arith.constant 1 : i32
    %dma_start3A_128 = arith.constant 0 : i32
    %dma_start3A_129 = tpu.memref_slice %arg7[%dma_start3A_126, %dma_start3A_128] : memref<4x128xf32, #tpu.memory_space<vmem>> -> memref<1x128xf32, #tpu.memory_space<vmem>>
    %dma_start3A_130 = tpu.memref_squeeze %dma_start3A_129 : memref<1x128xf32, #tpu.memory_space<vmem>> -> memref<128xf32, #tpu.memory_space<vmem>>
    %dma_start3A_131 = arith.constant 0 : i32
    %dma_start3A_132 = tpu.memref_slice %arg4[%add3A, %dma_start3A_125, %dma_start3A_131] : memref<32x80x128xf32, #tpu.memory_space<hbm>> -> memref<1x1x128xf32, #tpu.memory_space<hbm>>
    %dma_start3A_133 = tpu.memref_squeeze %dma_start3A_132 : memref<1x1x128xf32, #tpu.memory_space<hbm>> -> memref<128xf32, #tpu.memory_space<hbm>>
    %dma_start3A_134 = tpu.memref_slice %arg11[%dma_start3A_127] : memref<4x!tpu.dma_semaphore, #tpu.memory_space<semaphore_mem>> -> memref<1x!tpu.dma_semaphore, #tpu.memory_space<semaphore_mem>>
    %dma_start3A_135 = tpu.memref_squeeze %dma_start3A_134 : memref<1x!tpu.dma_semaphore, #tpu.memory_space<semaphore_mem>> -> memref<!tpu.dma_semaphore, #tpu.memory_space<semaphore_mem>>
    %dma_start3A_136 = arith.constant 0 : i32
    %dma_start3A_137 = tpu.memref_slice %arg7[%dma_start3A_126, %dma_start3A_136] : memref<4x128xf32, #tpu.memory_space<vmem>> -> memref<1x128xf32, #tpu.memory_space<vmem>>
    %dma_start3A_138 = tpu.memref_squeeze %dma_start3A_137 : memref<1x128xf32, #tpu.memory_space<vmem>> -> memref<128xf32, #tpu.memory_space<vmem>>
    %dma_start3A_139 = arith.constant 0 : i32
    %dma_start3A_140 = tpu.memref_slice %arg4[%add3A, %dma_start3A_125, %dma_start3A_139] : memref<32x80x128xf32, #tpu.memory_space<hbm>> -> memref<1x1x128xf32, #tpu.memory_space<hbm>>
    %dma_start3A_141 = tpu.memref_squeeze %dma_start3A_140 : memref<1x1x128xf32, #tpu.memory_space<hbm>> -> memref<128xf32, #tpu.memory_space<hbm>>
    tpu.enqueue_dma source(%dma_start3A_141 : memref<128xf32, #tpu.memory_space<hbm>>) target(%dma_start3A_138 : memref<128xf32, #tpu.memory_space<vmem>>) target_semaphore(%dma_start3A_135 : memref<!tpu.dma_semaphore, #tpu.memory_space<semaphore_mem>>)
    %scan3A_142 = arith.constant 0 : i32
    %scan3A_143 = arith.constant 0 : i32
    %scan3A_144 = arith.constant 80 : i32
    %scan3A_145 = arith.addi %scan3A_143, %scan3A_144 : i32
    %scan3A_146 = arith.constant 1 : i32
    scf.for %scan3A_209 = %scan3A_143 to %scan3A_145 step %scan3A_146  : i32 {
      %jit3A = arith.constant 3 : i32
      %eq3A_210 = arith.constant 0 : i32
      %eq3A_211 = arith.cmpi eq, %jit3A, %eq3A_210 : i32
      %jit3A_212 = arith.constant 1 : i32
      %select_n3A = arith.select %eq3A_211, %jit3A_212, %jit3A : i32
      %rem3A = arith.remsi %scan3A_209, %select_n3A : i32
      %ne3A = arith.constant 0 : i32
      %ne3A_213 = arith.cmpi ne, %rem3A, %ne3A : i32
      %lt3A = arith.constant 0 : i32
      %lt3A_214 = arith.cmpi slt, %rem3A, %lt3A : i32
      %lt3A_215 = arith.constant 0 : i32
      %lt3A_216 = arith.cmpi slt, %select_n3A, %lt3A_215 : i32
      %ne3A_217 = arith.xori %lt3A_214, %lt3A_216 : i1
      %and3A = arith.andi %ne3A_217, %ne3A_213 : i1
      %add3A_218 = arith.addi %rem3A, %select_n3A : i32
      %select_n3A_219 = arith.select %and3A, %add3A_218, %rem3A : i32
      %add3A_220 = arith.constant 1 : i32
      %add3A_221 = arith.addi %scan3A_209, %add3A_220 : i32
      %jit3A_222 = arith.constant 3 : i32
      %eq3A_223 = arith.constant 0 : i32
      %eq3A_224 = arith.cmpi eq, %jit3A_222, %eq3A_223 : i32
      %jit3A_225 = arith.constant 1 : i32
      %select_n3A_226 = arith.select %eq3A_224, %jit3A_225, %jit3A_222 : i32
      %rem3A_227 = arith.remsi %add3A_221, %select_n3A_226 : i32
      %ne3A_228 = arith.constant 0 : i32
      %ne3A_229 = arith.cmpi ne, %rem3A_227, %ne3A_228 : i32
      %lt3A_230 = arith.constant 0 : i32
      %lt3A_231 = arith.cmpi slt, %rem3A_227, %lt3A_230 : i32
      %lt3A_232 = arith.constant 0 : i32
      %lt3A_233 = arith.cmpi slt, %select_n3A_226, %lt3A_232 : i32
      %ne3A_234 = arith.xori %lt3A_231, %lt3A_233 : i1
      %and3A_235 = arith.andi %ne3A_234, %ne3A_229 : i1
      %add3A_236 = arith.addi %rem3A_227, %select_n3A_226 : i32
      %select_n3A_237 = arith.select %and3A_235, %add3A_236, %rem3A_227 : i32
      %add3A_238 = arith.constant 1 : i32
      %add3A_239 = arith.addi %scan3A_209, %add3A_238 : i32
      %lt3A_240 = arith.constant 80 : i32
      %lt3A_241 = arith.cmpi slt, %add3A_239, %lt3A_240 : i32
      %convert_element_type3A_242 = arith.extui %lt3A_241 : i1 to i32
      %cond3A_243 = arith.constant 0 : i32
      %cond3A_244 = arith.cmpi ne, %convert_element_type3A_242, %cond3A_243 : i32
      scf.if %cond3A_244 {
        %add3A_296 = arith.constant 1 : i32
        %add3A_297 = arith.addi %scan3A_209, %add3A_296 : i32
        %jit3A_298 = arith.constant 4 : i32
        %eq3A_299 = arith.constant 0 : i32
        %eq3A_300 = arith.cmpi eq, %jit3A_298, %eq3A_299 : i32
        %jit3A_301 = arith.constant 1 : i32
        %select_n3A_302 = arith.select %eq3A_300, %jit3A_301, %jit3A_298 : i32
        %rem3A_303 = arith.remsi %add3A_297, %select_n3A_302 : i32
        %ne3A_304 = arith.constant 0 : i32
        %ne3A_305 = arith.cmpi ne, %rem3A_303, %ne3A_304 : i32
        %lt3A_306 = arith.constant 0 : i32
        %lt3A_307 = arith.cmpi slt, %rem3A_303, %lt3A_306 : i32
        %lt3A_308 = arith.constant 0 : i32
        %lt3A_309 = arith.cmpi slt, %select_n3A_302, %lt3A_308 : i32
        %ne3A_310 = arith.xori %lt3A_307, %lt3A_309 : i1
        %and3A_311 = arith.andi %ne3A_310, %ne3A_305 : i1
        %add3A_312 = arith.addi %rem3A_303, %select_n3A_302 : i32
        %select_n3A_313 = arith.select %and3A_311, %add3A_312, %rem3A_303 : i32
        %dma_wait3A_314 = arith.constant 0 : i32
        %dma_wait3A_315 = arith.constant 0 : i32
        %dma_wait3A_316 = arith.constant 0 : i32
        %dma_wait3A_317 = tpu.memref_slice %arg6[%select_n3A_313, %dma_wait3A_315, %dma_wait3A_316] : memref<4x2x128xi32, #tpu.memory_space<vmem>> -> memref<1x2x128xi32, #tpu.memory_space<vmem>>
        %dma_wait3A_318 = tpu.memref_squeeze %dma_wait3A_317 : memref<1x2x128xi32, #tpu.memory_space<vmem>> -> memref<2x128xi32, #tpu.memory_space<vmem>>
        %dma_wait3A_319 = arith.constant 0 : i32
        %dma_wait3A_320 = arith.constant 0 : i32
        %dma_wait3A_321 = tpu.memref_slice %arg3[%add3A, %dma_wait3A_314, %dma_wait3A_319, %dma_wait3A_320] : memref<32x80x2x128xi32, #tpu.memory_space<hbm>> -> memref<1x1x2x128xi32, #tpu.memory_space<hbm>>
        %dma_wait3A_322 = tpu.memref_squeeze %dma_wait3A_321 : memref<1x1x2x128xi32, #tpu.memory_space<hbm>> -> memref<2x128xi32, #tpu.memory_space<hbm>>
        %dma_wait3A_323 = tpu.memref_slice %arg10[%select_n3A_313] : memref<4x!tpu.dma_semaphore, #tpu.memory_space<semaphore_mem>> -> memref<1x!tpu.dma_semaphore, #tpu.memory_space<semaphore_mem>>
        %dma_wait3A_324 = tpu.memref_squeeze %dma_wait3A_323 : memref<1x!tpu.dma_semaphore, #tpu.memory_space<semaphore_mem>> -> memref<!tpu.dma_semaphore, #tpu.memory_space<semaphore_mem>>
        %dma_wait3A_325 = arith.constant 0 : i32
        %dma_wait3A_326 = arith.constant 0 : i32
        %dma_wait3A_327 = tpu.memref_slice %arg6[%select_n3A_313, %dma_wait3A_325, %dma_wait3A_326] : memref<4x2x128xi32, #tpu.memory_space<vmem>> -> memref<1x2x128xi32, #tpu.memory_space<vmem>>
        %dma_wait3A_328 = tpu.memref_squeeze %dma_wait3A_327 : memref<1x2x128xi32, #tpu.memory_space<vmem>> -> memref<2x128xi32, #tpu.memory_space<vmem>>
        %dma_wait3A_329 = arith.constant 0 : i32
        %dma_wait3A_330 = arith.constant 0 : i32
        %dma_wait3A_331 = tpu.memref_slice %arg3[%add3A, %dma_wait3A_314, %dma_wait3A_329, %dma_wait3A_330] : memref<32x80x2x128xi32, #tpu.memory_space<hbm>> -> memref<1x1x2x128xi32, #tpu.memory_space<hbm>>
        %dma_wait3A_332 = tpu.memref_squeeze %dma_wait3A_331 : memref<1x1x2x128xi32, #tpu.memory_space<hbm>> -> memref<2x128xi32, #tpu.memory_space<hbm>>
        tpu.wait_dma2 semaphore(%dma_wait3A_324 : memref<!tpu.dma_semaphore, #tpu.memory_space<semaphore_mem>>) src(%dma_wait3A_332 : memref<2x128xi32, #tpu.memory_space<hbm>>) dst(%dma_wait3A_328 : memref<2x128xi32, #tpu.memory_space<vmem>>)
        %dma_wait3A_333 = arith.constant 0 : i32
        %dma_wait3A_334 = arith.constant 0 : i32
        %dma_wait3A_335 = tpu.memref_slice %arg7[%select_n3A_313, %dma_wait3A_334] : memref<4x128xf32, #tpu.memory_space<vmem>> -> memref<1x128xf32, #tpu.memory_space<vmem>>
        %dma_wait3A_336 = tpu.memref_squeeze %dma_wait3A_335 : memref<1x128xf32, #tpu.memory_space<vmem>> -> memref<128xf32, #tpu.memory_space<vmem>>
        %dma_wait3A_337 = arith.constant 0 : i32
        %dma_wait3A_338 = tpu.memref_slice %arg4[%add3A, %dma_wait3A_333, %dma_wait3A_337] : memref<32x80x128xf32, #tpu.memory_space<hbm>> -> memref<1x1x128xf32, #tpu.memory_space<hbm>>
        %dma_wait3A_339 = tpu.memref_squeeze %dma_wait3A_338 : memref<1x1x128xf32, #tpu.memory_space<hbm>> -> memref<128xf32, #tpu.memory_space<hbm>>
        %dma_wait3A_340 = tpu.memref_slice %arg11[%select_n3A_313] : memref<4x!tpu.dma_semaphore, #tpu.memory_space<semaphore_mem>> -> memref<1x!tpu.dma_semaphore, #tpu.memory_space<semaphore_mem>>
        %dma_wait3A_341 = tpu.memref_squeeze %dma_wait3A_340 : memref<1x!tpu.dma_semaphore, #tpu.memory_space<semaphore_mem>> -> memref<!tpu.dma_semaphore, #tpu.memory_space<semaphore_mem>>
        %dma_wait3A_342 = arith.constant 0 : i32
        %dma_wait3A_343 = tpu.memref_slice %arg7[%select_n3A_313, %dma_wait3A_342] : memref<4x128xf32, #tpu.memory_space<vmem>> -> memref<1x128xf32, #tpu.memory_space<vmem>>
        %dma_wait3A_344 = tpu.memref_squeeze %dma_wait3A_343 : memref<1x128xf32, #tpu.memory_space<vmem>> -> memref<128xf32, #tpu.memory_space<vmem>>
        %dma_wait3A_345 = arith.constant 0 : i32
        %dma_wait3A_346 = tpu.memref_slice %arg4[%add3A, %dma_wait3A_333, %dma_wait3A_345] : memref<32x80x128xf32, #tpu.memory_space<hbm>> -> memref<1x1x128xf32, #tpu.memory_space<hbm>>
        %dma_wait3A_347 = tpu.memref_squeeze %dma_wait3A_346 : memref<1x1x128xf32, #tpu.memory_space<hbm>> -> memref<128xf32, #tpu.memory_space<hbm>>
        tpu.wait_dma2 semaphore(%dma_wait3A_341 : memref<!tpu.dma_semaphore, #tpu.memory_space<semaphore_mem>>) src(%dma_wait3A_347 : memref<128xf32, #tpu.memory_space<hbm>>) dst(%dma_wait3A_344 : memref<128xf32, #tpu.memory_space<vmem>>)
        %add3A_348 = arith.constant 1 : i32
        %add3A_349 = arith.addi %scan3A_209, %add3A_348 : i32
        %ge3A = arith.constant 3 : i32
        %ge3A_350 = arith.cmpi sge, %add3A_349, %ge3A : i32
        %convert_element_type3A_351 = arith.extui %ge3A_350 : i1 to i32
        %cond3A_352 = arith.constant 0 : i32
        %cond3A_353 = arith.cmpi ne, %convert_element_type3A_351, %cond3A_352 : i32
        scf.if %cond3A_353 {
          %dma_wait3A_392 = arith.constant 0 : i32
          %dma_wait3A_393 = arith.constant 0 : i32
          %dma_wait3A_394 = tpu.memref_slice %arg8[%select_n3A_237, %dma_wait3A_392, %dma_wait3A_393] : memref<3x128x128xf32, #tpu.memory_space<vmem>> -> memref<1x128x128xf32, #tpu.memory_space<vmem>>
          %dma_wait3A_395 = tpu.memref_squeeze %dma_wait3A_394 : memref<1x128x128xf32, #tpu.memory_space<vmem>> -> memref<128x128xf32, #tpu.memory_space<vmem>>
          %dma_wait3A_396 = arith.constant 0 : i32
          %dma_wait3A_397 = arith.constant 0 : i32
          %dma_wait3A_398 = tpu.memref_slice %arg2[%dma_wait3A_396, %dma_wait3A_397] : memref<10000x128xf32, #tpu.memory_space<hbm>> -> memref<128x128xf32, #tpu.memory_space<hbm>>
          %dma_wait3A_399 = tpu.memref_slice %arg13[%select_n3A_237] : memref<3x!tpu.dma_semaphore, #tpu.memory_space<semaphore_mem>> -> memref<1x!tpu.dma_semaphore, #tpu.memory_space<semaphore_mem>>
          %dma_wait3A_400 = tpu.memref_squeeze %dma_wait3A_399 : memref<1x!tpu.dma_semaphore, #tpu.memory_space<semaphore_mem>> -> memref<!tpu.dma_semaphore, #tpu.memory_space<semaphore_mem>>
          %dma_wait3A_401 = arith.constant 0 : i32
          %dma_wait3A_402 = arith.constant 0 : i32
          %dma_wait3A_403 = tpu.memref_slice %arg8[%select_n3A_237, %dma_wait3A_401, %dma_wait3A_402] : memref<3x128x128xf32, #tpu.memory_space<vmem>> -> memref<1x128x128xf32, #tpu.memory_space<vmem>>
          %dma_wait3A_404 = tpu.memref_squeeze %dma_wait3A_403 : memref<1x128x128xf32, #tpu.memory_space<vmem>> -> memref<128x128xf32, #tpu.memory_space<vmem>>
          %dma_wait3A_405 = arith.constant 0 : i32
          %dma_wait3A_406 = arith.constant 0 : i32
          %dma_wait3A_407 = tpu.memref_slice %arg2[%dma_wait3A_405, %dma_wait3A_406] : memref<10000x128xf32, #tpu.memory_space<hbm>> -> memref<128x128xf32, #tpu.memory_space<hbm>>
          tpu.wait_dma2 semaphore(%dma_wait3A_400 : memref<!tpu.dma_semaphore, #tpu.memory_space<semaphore_mem>>) src(%dma_wait3A_407 : memref<128x128xf32, #tpu.memory_space<hbm>>) dst(%dma_wait3A_404 : memref<128x128xf32, #tpu.memory_space<vmem>>)
        } else {
        }
        %add3A_354 = arith.constant 1 : i32
        %add3A_355 = arith.addi %scan3A_209, %add3A_354 : i32
        %jit3A_356 = arith.constant 4 : i32
        %eq3A_357 = arith.constant 0 : i32
        %eq3A_358 = arith.cmpi eq, %jit3A_356, %eq3A_357 : i32
        %jit3A_359 = arith.constant 1 : i32
        %select_n3A_360 = arith.select %eq3A_358, %jit3A_359, %jit3A_356 : i32
        %rem3A_361 = arith.remsi %add3A_355, %select_n3A_360 : i32
        %ne3A_362 = arith.constant 0 : i32
        %ne3A_363 = arith.cmpi ne, %rem3A_361, %ne3A_362 : i32
        %lt3A_364 = arith.constant 0 : i32
        %lt3A_365 = arith.cmpi slt, %rem3A_361, %lt3A_364 : i32
        %lt3A_366 = arith.constant 0 : i32
        %lt3A_367 = arith.cmpi slt, %select_n3A_360, %lt3A_366 : i32
        %ne3A_368 = arith.xori %lt3A_365, %lt3A_367 : i1
        %and3A_369 = arith.andi %ne3A_368, %ne3A_363 : i1
        %add3A_370 = arith.addi %rem3A_361, %select_n3A_360 : i32
        %select_n3A_371 = arith.select %and3A_369, %add3A_370, %rem3A_361 : i32
        %dma_start3A_372 = arith.constant 0 : i32
        %dma_start3A_373 = arith.constant 0 : i32
        %dma_start3A_374 = arith.constant 0 : i32
        %dma_start3A_375 = tpu.memref_slice %arg8[%select_n3A_237, %dma_start3A_373, %dma_start3A_374] : memref<3x128x128xf32, #tpu.memory_space<vmem>> -> memref<1x128x128xf32, #tpu.memory_space<vmem>>
        %dma_start3A_376 = tpu.memref_squeeze %dma_start3A_375 : memref<1x128x128xf32, #tpu.memory_space<vmem>> -> memref<128x128xf32, #tpu.memory_space<vmem>>
        %dma_start3A_377 = arith.constant 0 : i32
        %dma_start3A_378 = tpu.memref_slice %arg6[%select_n3A_371, %dma_start3A_372, %dma_start3A_377] : memref<4x2x128xi32, #tpu.memory_space<vmem>> -> memref<1x1x128xi32, #tpu.memory_space<vmem>>
        %dma_start3A_379 = tpu.memref_squeeze %dma_start3A_378 : memref<1x1x128xi32, #tpu.memory_space<vmem>> -> memref<128xi32, #tpu.memory_space<vmem>>
        %dma_start3A_380 = arith.constant 0 : i32
        %dma_start3A_381 = arith.constant 0 : i32
        %dma_start3A_382 = tpu.memref_slice %arg2[%dma_start3A_380, %dma_start3A_381] : memref<10000x128xf32, #tpu.memory_space<hbm>> -> memref<10000x128xf32, #tpu.memory_space<hbm>>
        %dma_start3A_383 = tpu.memref_slice %arg12[%select_n3A_237] : memref<3x!tpu.dma_semaphore, #tpu.memory_space<semaphore_mem>> -> memref<1x!tpu.dma_semaphore, #tpu.memory_space<semaphore_mem>>
        %dma_start3A_384 = tpu.memref_squeeze %dma_start3A_383 : memref<1x!tpu.dma_semaphore, #tpu.memory_space<semaphore_mem>> -> memref<!tpu.dma_semaphore, #tpu.memory_space<semaphore_mem>>
        tpu.enqueue_indirect_dma source(%dma_start3A_382 : memref<10000x128xf32, #tpu.memory_space<hbm>>) target(%dma_start3A_376 : memref<128x128xf32, #tpu.memory_space<vmem>>) offsets(%dma_start3A_379 : memref<128xi32, #tpu.memory_space<vmem>>) semaphore(%dma_start3A_384 : memref<!tpu.dma_semaphore, #tpu.memory_space<semaphore_mem>>)
        %add3A_385 = arith.constant 2 : i32
        %add3A_386 = arith.addi %scan3A_209, %add3A_385 : i32
        %lt3A_387 = arith.constant 80 : i32
        %lt3A_388 = arith.cmpi slt, %add3A_386, %lt3A_387 : i32
        %convert_element_type3A_389 = arith.extui %lt3A_388 : i1 to i32
        %cond3A_390 = arith.constant 0 : i32
        %cond3A_391 = arith.cmpi ne, %convert_element_type3A_389, %cond3A_390 : i32
        scf.if %cond3A_391 {
          %add3A_392 = arith.constant 2 : i32
          %add3A_393 = arith.addi %scan3A_209, %add3A_392 : i32
          %add3A_394 = arith.constant 2 : i32
          %add3A_395 = arith.addi %scan3A_209, %add3A_394 : i32
          %jit3A_396 = arith.constant 4 : i32
          %eq3A_397 = arith.constant 0 : i32
          %eq3A_398 = arith.cmpi eq, %jit3A_396, %eq3A_397 : i32
          %jit3A_399 = arith.constant 1 : i32
          %select_n3A_400 = arith.select %eq3A_398, %jit3A_399, %jit3A_396 : i32
          %rem3A_401 = arith.remsi %add3A_395, %select_n3A_400 : i32
          %ne3A_402 = arith.constant 0 : i32
          %ne3A_403 = arith.cmpi ne, %rem3A_401, %ne3A_402 : i32
          %lt3A_404 = arith.constant 0 : i32
          %lt3A_405 = arith.cmpi slt, %rem3A_401, %lt3A_404 : i32
          %lt3A_406 = arith.constant 0 : i32
          %lt3A_407 = arith.cmpi slt, %select_n3A_400, %lt3A_406 : i32
          %ne3A_408 = arith.xori %lt3A_405, %lt3A_407 : i1
          %and3A_409 = arith.andi %ne3A_408, %ne3A_403 : i1
          %add3A_410 = arith.addi %rem3A_401, %select_n3A_400 : i32
          %select_n3A_411 = arith.select %and3A_409, %add3A_410, %rem3A_401 : i32
          %dma_start3A_412 = arith.constant 0 : i32
          %dma_start3A_413 = arith.constant 0 : i32
          %dma_start3A_414 = tpu.memref_slice %arg6[%select_n3A_411, %dma_start3A_412, %dma_start3A_413] : memref<4x2x128xi32, #tpu.memory_space<vmem>> -> memref<1x2x128xi32, #tpu.memory_space<vmem>>
          %dma_start3A_415 = tpu.memref_squeeze %dma_start3A_414 : memref<1x2x128xi32, #tpu.memory_space<vmem>> -> memref<2x128xi32, #tpu.memory_space<vmem>>
          %dma_start3A_416 = arith.constant 0 : i32
          %dma_start3A_417 = arith.constant 0 : i32
          %dma_start3A_418 = tpu.memref_slice %arg3[%add3A, %add3A_393, %dma_start3A_416, %dma_start3A_417] : memref<32x80x2x128xi32, #tpu.memory_space<hbm>> -> memref<1x1x2x128xi32, #tpu.memory_space<hbm>>
          %dma_start3A_419 = tpu.memref_squeeze %dma_start3A_418 : memref<1x1x2x128xi32, #tpu.memory_space<hbm>> -> memref<2x128xi32, #tpu.memory_space<hbm>>
          %dma_start3A_420 = tpu.memref_slice %arg10[%select_n3A_411] : memref<4x!tpu.dma_semaphore, #tpu.memory_space<semaphore_mem>> -> memref<1x!tpu.dma_semaphore, #tpu.memory_space<semaphore_mem>>
          %dma_start3A_421 = tpu.memref_squeeze %dma_start3A_420 : memref<1x!tpu.dma_semaphore, #tpu.memory_space<semaphore_mem>> -> memref<!tpu.dma_semaphore, #tpu.memory_space<semaphore_mem>>
          %dma_start3A_422 = arith.constant 0 : i32
          %dma_start3A_423 = arith.constant 0 : i32
          %dma_start3A_424 = tpu.memref_slice %arg6[%select_n3A_411, %dma_start3A_422, %dma_start3A_423] : memref<4x2x128xi32, #tpu.memory_space<vmem>> -> memref<1x2x128xi32, #tpu.memory_space<vmem>>
          %dma_start3A_425 = tpu.memref_squeeze %dma_start3A_424 : memref<1x2x128xi32, #tpu.memory_space<vmem>> -> memref<2x128xi32, #tpu.memory_space<vmem>>
          %dma_start3A_426 = arith.constant 0 : i32
          %dma_start3A_427 = arith.constant 0 : i32
          %dma_start3A_428 = tpu.memref_slice %arg3[%add3A, %add3A_393, %dma_start3A_426, %dma_start3A_427] : memref<32x80x2x128xi32, #tpu.memory_space<hbm>> -> memref<1x1x2x128xi32, #tpu.memory_space<hbm>>
          %dma_start3A_429 = tpu.memref_squeeze %dma_start3A_428 : memref<1x1x2x128xi32, #tpu.memory_space<hbm>> -> memref<2x128xi32, #tpu.memory_space<hbm>>
          tpu.enqueue_dma source(%dma_start3A_429 : memref<2x128xi32, #tpu.memory_space<hbm>>) target(%dma_start3A_425 : memref<2x128xi32, #tpu.memory_space<vmem>>) target_semaphore(%dma_start3A_421 : memref<!tpu.dma_semaphore, #tpu.memory_space<semaphore_mem>>)
          %dma_start3A_430 = arith.constant 0 : i32
          %dma_start3A_431 = tpu.memref_slice %arg7[%select_n3A_411, %dma_start3A_430] : memref<4x128xf32, #tpu.memory_space<vmem>> -> memref<1x128xf32, #tpu.memory_space<vmem>>
          %dma_start3A_432 = tpu.memref_squeeze %dma_start3A_431 : memref<1x128xf32, #tpu.memory_space<vmem>> -> memref<128xf32, #tpu.memory_space<vmem>>
          %dma_start3A_433 = arith.constant 0 : i32
          %dma_start3A_434 = tpu.memref_slice %arg4[%add3A, %add3A_393, %dma_start3A_433] : memref<32x80x128xf32, #tpu.memory_space<hbm>> -> memref<1x1x128xf32, #tpu.memory_space<hbm>>
          %dma_start3A_435 = tpu.memref_squeeze %dma_start3A_434 : memref<1x1x128xf32, #tpu.memory_space<hbm>> -> memref<128xf32, #tpu.memory_space<hbm>>
          %dma_start3A_436 = tpu.memref_slice %arg11[%select_n3A_411] : memref<4x!tpu.dma_semaphore, #tpu.memory_space<semaphore_mem>> -> memref<1x!tpu.dma_semaphore, #tpu.memory_space<semaphore_mem>>
          %dma_start3A_437 = tpu.memref_squeeze %dma_start3A_436 : memref<1x!tpu.dma_semaphore, #tpu.memory_space<semaphore_mem>> -> memref<!tpu.dma_semaphore, #tpu.memory_space<semaphore_mem>>
          %dma_start3A_438 = arith.constant 0 : i32
          %dma_start3A_439 = tpu.memref_slice %arg7[%select_n3A_411, %dma_start3A_438] : memref<4x128xf32, #tpu.memory_space<vmem>> -> memref<1x128xf32, #tpu.memory_space<vmem>>
          %dma_start3A_440 = tpu.memref_squeeze %dma_start3A_439 : memref<1x128xf32, #tpu.memory_space<vmem>> -> memref<128xf32, #tpu.memory_space<vmem>>
          %dma_start3A_441 = arith.constant 0 : i32
          %dma_start3A_442 = tpu.memref_slice %arg4[%add3A, %add3A_393, %dma_start3A_441] : memref<32x80x128xf32, #tpu.memory_space<hbm>> -> memref<1x1x128xf32, #tpu.memory_space<hbm>>
          %dma_start3A_443 = tpu.memref_squeeze %dma_start3A_442 : memref<1x1x128xf32, #tpu.memory_space<hbm>> -> memref<128xf32, #tpu.memory_space<hbm>>
          tpu.enqueue_dma source(%dma_start3A_443 : memref<128xf32, #tpu.memory_space<hbm>>) target(%dma_start3A_440 : memref<128xf32, #tpu.memory_space<vmem>>) target_semaphore(%dma_start3A_437 : memref<!tpu.dma_semaphore, #tpu.memory_space<semaphore_mem>>)
        } else {
        }
      } else {
      }
      %dma_wait3A_245 = arith.constant 0 : i32
      %dma_wait3A_246 = arith.constant 0 : i32
      %dma_wait3A_247 = tpu.memref_slice %arg8[%select_n3A_219, %dma_wait3A_245, %dma_wait3A_246] : memref<3x128x128xf32, #tpu.memory_space<vmem>> -> memref<1x128x128xf32, #tpu.memory_space<vmem>>
      %dma_wait3A_248 = tpu.memref_squeeze %dma_wait3A_247 : memref<1x128x128xf32, #tpu.memory_space<vmem>> -> memref<128x128xf32, #tpu.memory_space<vmem>>
      %dma_wait3A_249 = arith.constant 0 : i32
      %dma_wait3A_250 = arith.constant 0 : i32
      %dma_wait3A_251 = tpu.memref_slice %arg2[%dma_wait3A_249, %dma_wait3A_250] : memref<10000x128xf32, #tpu.memory_space<hbm>> -> memref<128x128xf32, #tpu.memory_space<hbm>>
      %dma_wait3A_252 = tpu.memref_slice %arg12[%select_n3A_219] : memref<3x!tpu.dma_semaphore, #tpu.memory_space<semaphore_mem>> -> memref<1x!tpu.dma_semaphore, #tpu.memory_space<semaphore_mem>>
      %dma_wait3A_253 = tpu.memref_squeeze %dma_wait3A_252 : memref<1x!tpu.dma_semaphore, #tpu.memory_space<semaphore_mem>> -> memref<!tpu.dma_semaphore, #tpu.memory_space<semaphore_mem>>
      %dma_wait3A_254 = arith.constant 0 : i32
      %dma_wait3A_255 = arith.constant 0 : i32
      %dma_wait3A_256 = tpu.memref_slice %arg8[%select_n3A_219, %dma_wait3A_254, %dma_wait3A_255] : memref<3x128x128xf32, #tpu.memory_space<vmem>> -> memref<1x128x128xf32, #tpu.memory_space<vmem>>
      %dma_wait3A_257 = tpu.memref_squeeze %dma_wait3A_256 : memref<1x128x128xf32, #tpu.memory_space<vmem>> -> memref<128x128xf32, #tpu.memory_space<vmem>>
      %dma_wait3A_258 = arith.constant 0 : i32
      %dma_wait3A_259 = arith.constant 0 : i32
      %dma_wait3A_260 = tpu.memref_slice %arg2[%dma_wait3A_258, %dma_wait3A_259] : memref<10000x128xf32, #tpu.memory_space<hbm>> -> memref<128x128xf32, #tpu.memory_space<hbm>>
      tpu.wait_dma2 semaphore(%dma_wait3A_253 : memref<!tpu.dma_semaphore, #tpu.memory_space<semaphore_mem>>) src(%dma_wait3A_260 : memref<128x128xf32, #tpu.memory_space<hbm>>) dst(%dma_wait3A_257 : memref<128x128xf32, #tpu.memory_space<vmem>>)
      %scan3A_261 = arith.constant 0 : i32
      %scan3A_262 = arith.constant 0 : i32
      %scan3A_263 = arith.constant 8 : i32
      %scan3A_264 = arith.addi %scan3A_262, %scan3A_263 : i32
      %scan3A_265 = arith.constant 1 : i32
      scf.for %scan3A_296 = %scan3A_262 to %scan3A_264 step %scan3A_265  : i32 {
        %jit3A_297 = arith.constant 4 : i32
        %eq3A_298 = arith.constant 0 : i32
        %eq3A_299 = arith.cmpi eq, %jit3A_297, %eq3A_298 : i32
        %jit3A_300 = arith.constant 1 : i32
        %select_n3A_301 = arith.select %eq3A_299, %jit3A_300, %jit3A_297 : i32
        %rem3A_302 = arith.remsi %scan3A_209, %select_n3A_301 : i32
        %ne3A_303 = arith.constant 0 : i32
        %ne3A_304 = arith.cmpi ne, %rem3A_302, %ne3A_303 : i32
        %lt3A_305 = arith.constant 0 : i32
        %lt3A_306 = arith.cmpi slt, %rem3A_302, %lt3A_305 : i32
        %lt3A_307 = arith.constant 0 : i32
        %lt3A_308 = arith.cmpi slt, %select_n3A_301, %lt3A_307 : i32
        %ne3A_309 = arith.xori %lt3A_306, %lt3A_308 : i1
        %and3A_310 = arith.andi %ne3A_309, %ne3A_304 : i1
        %add3A_311 = arith.addi %rem3A_302, %select_n3A_301 : i32
        %select_n3A_312 = arith.select %and3A_310, %add3A_311, %rem3A_302 : i32
        %mul3A_313 = arith.constant 16 : i32
        %mul3A_314 = arith.muli %scan3A_296, %mul3A_313 : i32
        %get3A = arith.index_cast %select_n3A_312 : i32 to index
        %get3A_315 = arith.index_cast %mul3A_314 : i32 to index
        %get3A_316 = tpu.vector_load %arg7[%get3A, %get3A_315] {strides = array<i32>} : memref<4x128xf32, #tpu.memory_space<vmem>>, vector<1x16xf32>,
        %get3A_317 = vector.shape_cast %get3A_316 : vector<1x16xf32> to vector<16xf32>
        %mul3A_318 = arith.constant 16 : i32
        %mul3A_319 = arith.muli %scan3A_296, %mul3A_318 : i32
        %add3A_320 = arith.constant 0 : i32
        %add3A_321 = arith.addi %mul3A_319, %add3A_320 : i32
        %slice3A = vector.extract_strided_slice %get3A_317 {offsets = [0], sizes = [1], strides = [1]} : vector<16xf32> to vector<1xf32>
        %squeeze3A = vector.extract %slice3A[0] : f32 from vector<1xf32>
        %get3A_322 = arith.index_cast %select_n3A_219 : i32 to index
        %get3A_323 = arith.index_cast %add3A_321 : i32 to index
        %get3A_324 = arith.constant 0 : index
        %get3A_325 = tpu.vector_load %arg8[%get3A_322, %get3A_323, %get3A_324] {strides = array<i32>} : memref<3x128x128xf32, #tpu.memory_space<vmem>>, vector<1x1x16xf32>,
        %get3A_326 = vector.shape_cast %get3A_325 : vector<1x1x16xf32> to vector<16xf32>
        %mul3A_327 = vector.broadcast %squeeze3A : f32 to vector<16xf32>
        %mul3A_328 = arith.mulf %get3A_326, %mul3A_327 : vector<16xf32>
        %swap3A = arith.index_cast %select_n3A_219 : i32 to index
        %swap3A_329 = arith.index_cast %add3A_321 : i32 to index
        %swap3A_330 = arith.constant 0 : index
        %swap3A_331 = tpu.vector_load %arg8[%swap3A, %swap3A_329, %swap3A_330] {strides = array<i32>} : memref<3x128x128xf32, #tpu.memory_space<vmem>>, vector<1x1x16xf32>,
        %swap3A_332 = vector.shape_cast %swap3A_331 : vector<1x1x16xf32> to vector<16xf32>
        %swap3A_333 = vector.shape_cast %mul3A_328 : vector<16xf32> to vector<1x1x16xf32>
        tpu.vector_store %arg8[%swap3A, %swap3A_329, %swap3A_330], %swap3A_333 {strides = array<i32>} : memref<3x128x128xf32, #tpu.memory_space<vmem>>, vector<1x1x16xf32>,
        %get3A_334 = arith.index_cast %select_n3A_219 : i32 to index
        %get3A_335 = arith.index_cast %add3A_321 : i32 to index
        %get3A_336 = arith.constant 16 : index
        %get3A_337 = tpu.vector_load %arg8[%get3A_334, %get3A_335, %get3A_336] {strides = array<i32>} : memref<3x128x128xf32, #tpu.memory_space<vmem>>, vector<1x1x16xf32>,
        %get3A_338 = vector.shape_cast %get3A_337 : vector<1x1x16xf32> to vector<16xf32>
        %mul3A_339 = vector.broadcast %squeeze3A : f32 to vector<16xf32>
        %mul3A_340 = arith.mulf %get3A_338, %mul3A_339 : vector<16xf32>
        %swap3A_341 = arith.index_cast %select_n3A_219 : i32 to index
        %swap3A_342 = arith.index_cast %add3A_321 : i32 to index
        %swap3A_343 = arith.constant 16 : index
        %swap3A_344 = tpu.vector_load %arg8[%swap3A_341, %swap3A_342, %swap3A_343] {strides = array<i32>} : memref<3x128x128xf32, #tpu.memory_space<vmem>>, vector<1x1x16xf32>,
        %swap3A_345 = vector.shape_cast %swap3A_344 : vector<1x1x16xf32> to vector<16xf32>
        %swap3A_346 = vector.shape_cast %mul3A_340 : vector<16xf32> to vector<1x1x16xf32>
        tpu.vector_store %arg8[%swap3A_341, %swap3A_342, %swap3A_343], %swap3A_346 {strides = array<i32>} : memref<3x128x128xf32, #tpu.memory_space<vmem>>, vector<1x1x16xf32>,
        %get3A_347 = arith.index_cast %select_n3A_219 : i32 to index
        %get3A_348 = arith.index_cast %add3A_321 : i32 to index
        %get3A_349 = arith.constant 32 : index
        %get3A_350 = tpu.vector_load %arg8[%get3A_347, %get3A_348, %get3A_349] {strides = array<i32>} : memref<3x128x128xf32, #tpu.memory_space<vmem>>, vector<1x1x16xf32>,
        %get3A_351 = vector.shape_cast %get3A_350 : vector<1x1x16xf32> to vector<16xf32>
        %mul3A_352 = vector.broadcast %squeeze3A : f32 to vector<16xf32>
        %mul3A_353 = arith.mulf %get3A_351, %mul3A_352 : vector<16xf32>
        %swap3A_354 = arith.index_cast %select_n3A_219 : i32 to index
        %swap3A_355 = arith.index_cast %add3A_321 : i32 to index
        %swap3A_356 = arith.constant 32 : index
        %swap3A_357 = tpu.vector_load %arg8[%swap3A_354, %swap3A_355, %swap3A_356] {strides = array<i32>} : memref<3x128x128xf32, #tpu.memory_space<vmem>>, vector<1x1x16xf32>,
        %swap3A_358 = vector.shape_cast %swap3A_357 : vector<1x1x16xf32> to vector<16xf32>
        %swap3A_359 = vector.shape_cast %mul3A_353 : vector<16xf32> to vector<1x1x16xf32>
        tpu.vector_store %arg8[%swap3A_354, %swap3A_355, %swap3A_356], %swap3A_359 {strides = array<i32>} : memref<3x128x128xf32, #tpu.memory_space<vmem>>, vector<1x1x16xf32>,
        %mul3A_360 = arith.constant 16 : i32
        %mul3A_361 = arith.muli %scan3A_296, %mul3A_360 : i32
        %add3A_362 = arith.constant 1 : i32
        %add3A_363 = arith.addi %mul3A_361, %add3A_362 : i32
        %slice3A_364 = vector.extract_strided_slice %get3A_317 {offsets = [1], sizes = [1], strides = [1]} : vector<16xf32> to vector<1xf32>
        %squeeze3A_365 = vector.extract %slice3A_364[0] : f32 from vector<1xf32>
        %get3A_366 = arith.index_cast %select_n3A_219 : i32 to index
        %get3A_367 = arith.index_cast %add3A_363 : i32 to index
        %get3A_368 = arith.constant 0 : index
        %get3A_369 = tpu.vector_load %arg8[%get3A_366, %get3A_367, %get3A_368] {strides = array<i32>} : memref<3x128x128xf32, #tpu.memory_space<vmem>>, vector<1x1x16xf32>,
        %get3A_370 = vector.shape_cast %get3A_369 : vector<1x1x16xf32> to vector<16xf32>
        %mul3A_371 = vector.broadcast %squeeze3A_365 : f32 to vector<16xf32>
        %mul3A_372 = arith.mulf %get3A_370, %mul3A_371 : vector<16xf32>
        %swap3A_373 = arith.index_cast %select_n3A_219 : i32 to index
        %swap3A_374 = arith.index_cast %add3A_363 : i32 to index
        %swap3A_375 = arith.constant 0 : index
        %swap3A_376 = tpu.vector_load %arg8[%swap3A_373, %swap3A_374, %swap3A_375] {strides = array<i32>} : memref<3x128x128xf32, #tpu.memory_space<vmem>>, vector<1x1x16xf32>,
        %swap3A_377 = vector.shape_cast %swap3A_376 : vector<1x1x16xf32> to vector<16xf32>
        %swap3A_378 = vector.shape_cast %mul3A_372 : vector<16xf32> to vector<1x1x16xf32>
        tpu.vector_store %arg8[%swap3A_373, %swap3A_374, %swap3A_375], %swap3A_378 {strides = array<i32>} : memref<3x128x128xf32, #tpu.memory_space<vmem>>, vector<1x1x16xf32>,
        %get3A_379 = arith.index_cast %select_n3A_219 : i32 to index
        %get3A_380 = arith.index_cast %add3A_363 : i32 to index
        %get3A_381 = arith.constant 16 : index
        %get3A_382 = tpu.vector_load %arg8[%get3A_379, %get3A_380, %get3A_381] {strides = array<i32>} : memref<3x128x128xf32, #tpu.memory_space<vmem>>, vector<1x1x16xf32>,
        %get3A_383 = vector.shape_cast %get3A_382 : vector<1x1x16xf32> to vector<16xf32>
        %mul3A_384 = vector.broadcast %squeeze3A_365 : f32 to vector<16xf32>
        %mul3A_385 = arith.mulf %get3A_383, %mul3A_384 : vector<16xf32>
        %swap3A_386 = arith.index_cast %select_n3A_219 : i32 to index
        %swap3A_387 = arith.index_cast %add3A_363 : i32 to index
        %swap3A_388 = arith.constant 16 : index
        %swap3A_389 = tpu.vector_load %arg8[%swap3A_386, %swap3A_387, %swap3A_388] {strides = array<i32>} : memref<3x128x128xf32, #tpu.memory_space<vmem>>, vector<1x1x16xf32>,
        %swap3A_390 = vector.shape_cast %swap3A_389 : vector<1x1x16xf32> to vector<16xf32>
        %swap3A_391 = vector.shape_cast %mul3A_385 : vector<16xf32> to vector<1x1x16xf32>
        tpu.vector_store %arg8[%swap3A_386, %swap3A_387, %swap3A_388], %swap3A_391 {strides = array<i32>} : memref<3x128x128xf32, #tpu.memory_space<vmem>>, vector<1x1x16xf32>,
        %get3A_392 = arith.index_cast %select_n3A_219 : i32 to index
        %get3A_393 = arith.index_cast %add3A_363 : i32 to index
        %get3A_394 = arith.constant 32 : index
        %get3A_395 = tpu.vector_load %arg8[%get3A_392, %get3A_393, %get3A_394] {strides = array<i32>} : memref<3x128x128xf32, #tpu.memory_space<vmem>>, vector<1x1x16xf32>,
        %get3A_396 = vector.shape_cast %get3A_395 : vector<1x1x16xf32> to vector<16xf32>
        %mul3A_397 = vector.broadcast %squeeze3A_365 : f32 to vector<16xf32>
        %mul3A_398 = arith.mulf %get3A_396, %mul3A_397 : vector<16xf32>
        %swap3A_399 = arith.index_cast %select_n3A_219 : i32 to index
        %swap3A_400 = arith.index_cast %add3A_363 : i32 to index
        %swap3A_401 = arith.constant 32 : index
        %swap3A_402 = tpu.vector_load %arg8[%swap3A_399, %swap3A_400, %swap3A_401] {strides = array<i32>} : memref<3x128x128xf32, #tpu.memory_space<vmem>>, vector<1x1x16xf32>,
        %swap3A_403 = vector.shape_cast %swap3A_402 : vector<1x1x16xf32> to vector<16xf32>
        %swap3A_404 = vector.shape_cast %mul3A_398 : vector<16xf32> to vector<1x1x16xf32>
        tpu.vector_store %arg8[%swap3A_399, %swap3A_400, %swap3A_401], %swap3A_404 {strides = array<i32>} : memref<3x128x128xf32, #tpu.memory_space<vmem>>, vector<1x1x16xf32>,
        %mul3A_405 = arith.constant 16 : i32
        %mul3A_406 = arith.muli %scan3A_296, %mul3A_405 : i32
        %add3A_407 = arith.constant 2 : i32
        %add3A_408 = arith.addi %mul3A_406, %add3A_407 : i32
        %slice3A_409 = vector.extract_strided_slice %get3A_317 {offsets = [2], sizes = [1], strides = [1]} : vector<16xf32> to vector<1xf32>
        %squeeze3A_410 = vector.extract %slice3A_409[0] : f32 from vector<1xf32>
        %get3A_411 = arith.index_cast %select_n3A_219 : i32 to index
        %get3A_412 = arith.index_cast %add3A_408 : i32 to index
        %get3A_413 = arith.constant 0 : index
        %get3A_414 = tpu.vector_load %arg8[%get3A_411, %get3A_412, %get3A_413] {strides = array<i32>} : memref<3x128x128xf32, #tpu.memory_space<vmem>>, vector<1x1x16xf32>,
        %get3A_415 = vector.shape_cast %get3A_414 : vector<1x1x16xf32> to vector<16xf32>
        %mul3A_416 = vector.broadcast %squeeze3A_410 : f32 to vector<16xf32>
        %mul3A_417 = arith.mulf %get3A_415, %mul3A_416 : vector<16xf32>
        %swap3A_418 = arith.index_cast %select_n3A_219 : i32 to index
        %swap3A_419 = arith.index_cast %add3A_408 : i32 to index
        %swap3A_420 = arith.constant 0 : index
        %swap3A_421 = tpu.vector_load %arg8[%swap3A_418, %swap3A_419, %swap3A_420] {strides = array<i32>} : memref<3x128x128xf32, #tpu.memory_space<vmem>>, vector<1x1x16xf32>,
        %swap3A_422 = vector.shape_cast %swap3A_421 : vector<1x1x16xf32> to vector<16xf32>
        %swap3A_423 = vector.shape_cast %mul3A_417 : vector<16xf32> to vector<1x1x16xf32>
        tpu.vector_store %arg8[%swap3A_418, %swap3A_419, %swap3A_420], %swap3A_423 {strides = array<i32>} : memref<3x128x128xf32, #tpu.memory_space<vmem>>, vector<1x1x16xf32>,
        %get3A_424 = arith.index_cast %select_n3A_219 : i32 to index
        %get3A_425 = arith.index_cast %add3A_408 : i32 to index
        %get3A_426 = arith.constant 16 : index
        %get3A_427 = tpu.vector_load %arg8[%get3A_424, %get3A_425, %get3A_426] {strides = array<i32>} : memref<3x128x128xf32, #tpu.memory_space<vmem>>, vector<1x1x16xf32>,
        %get3A_428 = vector.shape_cast %get3A_427 : vector<1x1x16xf32> to vector<16xf32>
        %mul3A_429 = vector.broadcast %squeeze3A_410 : f32 to vector<16xf32>
        %mul3A_430 = arith.mulf %get3A_428, %mul3A_429 : vector<16xf32>
        %swap3A_431 = arith.index_cast %select_n3A_219 : i32 to index
        %swap3A_432 = arith.index_cast %add3A_408 : i32 to index
        %swap3A_433 = arith.constant 16 : index
        %swap3A_434 = tpu.vector_load %arg8[%swap3A_431, %swap3A_432, %swap3A_433] {strides = array<i32>} : memref<3x128x128xf32, #tpu.memory_space<vmem>>, vector<1x1x16xf32>,
        %swap3A_435 = vector.shape_cast %swap3A_434 : vector<1x1x16xf32> to vector<16xf32>
        %swap3A_436 = vector.shape_cast %mul3A_430 : vector<16xf32> to vector<1x1x16xf32>
        tpu.vector_store %arg8[%swap3A_431, %swap3A_432, %swap3A_433], %swap3A_436 {strides = array<i32>} : memref<3x128x128xf32, #tpu.memory_space<vmem>>, vector<1x1x16xf32>,
        %get3A_437 = arith.index_cast %select_n3A_219 : i32 to index
        %get3A_438 = arith.index_cast %add3A_408 : i32 to index
        %get3A_439 = arith.constant 32 : index
        %get3A_440 = tpu.vector_load %arg8[%get3A_437, %get3A_438, %get3A_439] {strides = array<i32>} : memref<3x128x128xf32, #tpu.memory_space<vmem>>, vector<1x1x16xf32>,
        %get3A_441 = vector.shape_cast %get3A_440 : vector<1x1x16xf32> to vector<16xf32>
        %mul3A_442 = vector.broadcast %squeeze3A_410 : f32 to vector<16xf32>
        %mul3A_443 = arith.mulf %get3A_441, %mul3A_442 : vector<16xf32>
        %swap3A_444 = arith.index_cast %select_n3A_219 : i32 to index
        %swap3A_445 = arith.index_cast %add3A_408 : i32 to index
        %swap3A_446 = arith.constant 32 : index
        %swap3A_447 = tpu.vector_load %arg8[%swap3A_444, %swap3A_445, %swap3A_446] {strides = array<i32>} : memref<3x128x128xf32, #tpu.memory_space<vmem>>, vector<1x1x16xf32>,
        %swap3A_448 = vector.shape_cast %swap3A_447 : vector<1x1x16xf32> to vector<16xf32>
        %swap3A_449 = vector.shape_cast %mul3A_443 : vector<16xf32> to vector<1x1x16xf32>
        tpu.vector_store %arg8[%swap3A_444, %swap3A_445, %swap3A_446], %swap3A_449 {strides = array<i32>} : memref<3x128x128xf32, #tpu.memory_space<vmem>>, vector<1x1x16xf32>,
        %mul3A_450 = arith.constant 16 : i32
        %mul3A_451 = arith.muli %scan3A_296, %mul3A_450 : i32
        %add3A_452 = arith.constant 3 : i32
        %add3A_453 = arith.addi %mul3A_451, %add3A_452 : i32
        %slice3A_454 = vector.extract_strided_slice %get3A_317 {offsets = [3], sizes = [1], strides = [1]} : vector<16xf32> to vector<1xf32>
        %squeeze3A_455 = vector.extract %slice3A_454[0] : f32 from vector<1xf32>
        %get3A_456 = arith.index_cast %select_n3A_219 : i32 to index
        %get3A_457 = arith.index_cast %add3A_453 : i32 to index
        %get3A_458 = arith.constant 0 : index
        %get3A_459 = tpu.vector_load %arg8[%get3A_456, %get3A_457, %get3A_458] {strides = array<i32>} : memref<3x128x128xf32, #tpu.memory_space<vmem>>, vector<1x1x16xf32>,
        %get3A_460 = vector.shape_cast %get3A_459 : vector<1x1x16xf32> to vector<16xf32>
        %mul3A_461 = vector.broadcast %squeeze3A_455 : f32 to vector<16xf32>
        %mul3A_462 = arith.mulf %get3A_460, %mul3A_461 : vector<16xf32>
        %swap3A_463 = arith.index_cast %select_n3A_219 : i32 to index
        %swap3A_464 = arith.index_cast %add3A_453 : i32 to index
        %swap3A_465 = arith.constant 0 : index
        %swap3A_466 = tpu.vector_load %arg8[%swap3A_463, %swap3A_464, %swap3A_465] {strides = array<i32>} : memref<3x128x128xf32, #tpu.memory_space<vmem>>, vector<1x1x16xf32>,
        %swap3A_467 = vector.shape_cast %swap3A_466 : vector<1x1x16xf32> to vector<16xf32>
        %swap3A_468 = vector.shape_cast %mul3A_462 : vector<16xf32> to vector<1x1x16xf32>
        tpu.vector_store %arg8[%swap3A_463, %swap3A_464, %swap3A_465], %swap3A_468 {strides = array<i32>} : memref<3x128x128xf32, #tpu.memory_space<vmem>>, vector<1x1x16xf32>,
        %get3A_469 = arith.index_cast %select_n3A_219 : i32 to index
        %get3A_470 = arith.index_cast %add3A_453 : i32 to index
        %get3A_471 = arith.constant 16 : index
        %get3A_472 = tpu.vector_load %arg8[%get3A_469, %get3A_470, %get3A_471] {strides = array<i32>} : memref<3x128x128xf32, #tpu.memory_space<vmem>>, vector<1x1x16xf32>,
        %get3A_473 = vector.shape_cast %get3A_472 : vector<1x1x16xf32> to vector<16xf32>
        %mul3A_474 = vector.broadcast %squeeze3A_455 : f32 to vector<16xf32>
        %mul3A_475 = arith.mulf %get3A_473, %mul3A_474 : vector<16xf32>
        %swap3A_476 = arith.index_cast %select_n3A_219 : i32 to index
        %swap3A_477 = arith.index_cast %add3A_453 : i32 to index
        %swap3A_478 = arith.constant 16 : index
        %swap3A_479 = tpu.vector_load %arg8[%swap3A_476, %swap3A_477, %swap3A_478] {strides = array<i32>} : memref<3x128x128xf32, #tpu.memory_space<vmem>>, vector<1x1x16xf32>,
        %swap3A_480 = vector.shape_cast %swap3A_479 : vector<1x1x16xf32> to vector<16xf32>
        %swap3A_481 = vector.shape_cast %mul3A_475 : vector<16xf32> to vector<1x1x16xf32>
        tpu.vector_store %arg8[%swap3A_476, %swap3A_477, %swap3A_478], %swap3A_481 {strides = array<i32>} : memref<3x128x128xf32, #tpu.memory_space<vmem>>, vector<1x1x16xf32>,
        %get3A_482 = arith.index_cast %select_n3A_219 : i32 to index
        %get3A_483 = arith.index_cast %add3A_453 : i32 to index
        %get3A_484 = arith.constant 32 : index
        %get3A_485 = tpu.vector_load %arg8[%get3A_482, %get3A_483, %get3A_484] {strides = array<i32>} : memref<3x128x128xf32, #tpu.memory_space<vmem>>, vector<1x1x16xf32>,
        %get3A_486 = vector.shape_cast %get3A_485 : vector<1x1x16xf32> to vector<16xf32>
        %mul3A_487 = vector.broadcast %squeeze3A_455 : f32 to vector<16xf32>
        %mul3A_488 = arith.mulf %get3A_486, %mul3A_487 : vector<16xf32>
        %swap3A_489 = arith.index_cast %select_n3A_219 : i32 to index
        %swap3A_490 = arith.index_cast %add3A_453 : i32 to index
        %swap3A_491 = arith.constant 32 : index
        %swap3A_492 = tpu.vector_load %arg8[%swap3A_489, %swap3A_490, %swap3A_491] {strides = array<i32>} : memref<3x128x128xf32, #tpu.memory_space<vmem>>, vector<1x1x16xf32>,
        %swap3A_493 = vector.shape_cast %swap3A_492 : vector<1x1x16xf32> to vector<16xf32>
        %swap3A_494 = vector.shape_cast %mul3A_488 : vector<16xf32> to vector<1x1x16xf32>
        tpu.vector_store %arg8[%swap3A_489, %swap3A_490, %swap3A_491], %swap3A_494 {strides = array<i32>} : memref<3x128x128xf32, #tpu.memory_space<vmem>>, vector<1x1x16xf32>,
        %mul3A_495 = arith.constant 16 : i32
        %mul3A_496 = arith.muli %scan3A_296, %mul3A_495 : i32
        %add3A_497 = arith.constant 4 : i32
        %add3A_498 = arith.addi %mul3A_496, %add3A_497 : i32
        %slice3A_499 = vector.extract_strided_slice %get3A_317 {offsets = [4], sizes = [1], strides = [1]} : vector<16xf32> to vector<1xf32>
        %squeeze3A_500 = vector.extract %slice3A_499[0] : f32 from vector<1xf32>
        %get3A_501 = arith.index_cast %select_n3A_219 : i32 to index
        %get3A_502 = arith.index_cast %add3A_498 : i32 to index
        %get3A_503 = arith.constant 0 : index
        %get3A_504 = tpu.vector_load %arg8[%get3A_501, %get3A_502, %get3A_503] {strides = array<i32>} : memref<3x128x128xf32, #tpu.memory_space<vmem>>, vector<1x1x16xf32>,
        %get3A_505 = vector.shape_cast %get3A_504 : vector<1x1x16xf32> to vector<16xf32>
        %mul3A_506 = vector.broadcast %squeeze3A_500 : f32 to vector<16xf32>
        %mul3A_507 = arith.mulf %get3A_505, %mul3A_506 : vector<16xf32>
        %swap3A_508 = arith.index_cast %select_n3A_219 : i32 to index
        %swap3A_509 = arith.index_cast %add3A_498 : i32 to index
        %swap3A_510 = arith.constant 0 : index
        %swap3A_511 = tpu.vector_load %arg8[%swap3A_508, %swap3A_509, %swap3A_510] {strides = array<i32>} : memref<3x128x128xf32, #tpu.memory_space<vmem>>, vector<1x1x16xf32>,
        %swap3A_512 = vector.shape_cast %swap3A_511 : vector<1x1x16xf32> to vector<16xf32>
        %swap3A_513 = vector.shape_cast %mul3A_507 : vector<16xf32> to vector<1x1x16xf32>
        tpu.vector_store %arg8[%swap3A_508, %swap3A_509, %swap3A_510], %swap3A_513 {strides = array<i32>} : memref<3x128x128xf32, #tpu.memory_space<vmem>>, vector<1x1x16xf32>,
        %get3A_514 = arith.index_cast %select_n3A_219 : i32 to index
        %get3A_515 = arith.index_cast %add3A_498 : i32 to index
        %get3A_516 = arith.constant 16 : index
        %get3A_517 = tpu.vector_load %arg8[%get3A_514, %get3A_515, %get3A_516] {strides = array<i32>} : memref<3x128x128xf32, #tpu.memory_space<vmem>>, vector<1x1x16xf32>,
        %get3A_518 = vector.shape_cast %get3A_517 : vector<1x1x16xf32> to vector<16xf32>
        %mul3A_519 = vector.broadcast %squeeze3A_500 : f32 to vector<16xf32>
        %mul3A_520 = arith.mulf %get3A_518, %mul3A_519 : vector<16xf32>
        %swap3A_521 = arith.index_cast %select_n3A_219 : i32 to index
        %swap3A_522 = arith.index_cast %add3A_498 : i32 to index
        %swap3A_523 = arith.constant 16 : index
        %swap3A_524 = tpu.vector_load %arg8[%swap3A_521, %swap3A_522, %swap3A_523] {strides = array<i32>} : memref<3x128x128xf32, #tpu.memory_space<vmem>>, vector<1x1x16xf32>,
        %swap3A_525 = vector.shape_cast %swap3A_524 : vector<1x1x16xf32> to vector<16xf32>
        %swap3A_526 = vector.shape_cast %mul3A_520 : vector<16xf32> to vector<1x1x16xf32>
        tpu.vector_store %arg8[%swap3A_521, %swap3A_522, %swap3A_523], %swap3A_526 {strides = array<i32>} : memref<3x128x128xf32, #tpu.memory_space<vmem>>, vector<1x1x16xf32>,
        %get3A_527 = arith.index_cast %select_n3A_219 : i32 to index
        %get3A_528 = arith.index_cast %add3A_498 : i32 to index
        %get3A_529 = arith.constant 32 : index
        %get3A_530 = tpu.vector_load %arg8[%get3A_527, %get3A_528, %get3A_529] {strides = array<i32>} : memref<3x128x128xf32, #tpu.memory_space<vmem>>, vector<1x1x16xf32>,
        %get3A_531 = vector.shape_cast %get3A_530 : vector<1x1x16xf32> to vector<16xf32>
        %mul3A_532 = vector.broadcast %squeeze3A_500 : f32 to vector<16xf32>
        %mul3A_533 = arith.mulf %get3A_531, %mul3A_532 : vector<16xf32>
        %swap3A_534 = arith.index_cast %select_n3A_219 : i32 to index
        %swap3A_535 = arith.index_cast %add3A_498 : i32 to index
        %swap3A_536 = arith.constant 32 : index
        %swap3A_537 = tpu.vector_load %arg8[%swap3A_534, %swap3A_535, %swap3A_536] {strides = array<i32>} : memref<3x128x128xf32, #tpu.memory_space<vmem>>, vector<1x1x16xf32>,
        %swap3A_538 = vector.shape_cast %swap3A_537 : vector<1x1x16xf32> to vector<16xf32>
        %swap3A_539 = vector.shape_cast %mul3A_533 : vector<16xf32> to vector<1x1x16xf32>
        tpu.vector_store %arg8[%swap3A_534, %swap3A_535, %swap3A_536], %swap3A_539 {strides = array<i32>} : memref<3x128x128xf32, #tpu.memory_space<vmem>>, vector<1x1x16xf32>,
        %mul3A_540 = arith.constant 16 : i32
        %mul3A_541 = arith.muli %scan3A_296, %mul3A_540 : i32
        %add3A_542 = arith.constant 5 : i32
        %add3A_543 = arith.addi %mul3A_541, %add3A_542 : i32
        %slice3A_544 = vector.extract_strided_slice %get3A_317 {offsets = [5], sizes = [1], strides = [1]} : vector<16xf32> to vector<1xf32>
        %squeeze3A_545 = vector.extract %slice3A_544[0] : f32 from vector<1xf32>
        %get3A_546 = arith.index_cast %select_n3A_219 : i32 to index
        %get3A_547 = arith.index_cast %add3A_543 : i32 to index
        %get3A_548 = arith.constant 0 : index
        %get3A_549 = tpu.vector_load %arg8[%get3A_546, %get3A_547, %get3A_548] {strides = array<i32>} : memref<3x128x128xf32, #tpu.memory_space<vmem>>, vector<1x1x16xf32>,
        %get3A_550 = vector.shape_cast %get3A_549 : vector<1x1x16xf32> to vector<16xf32>
        %mul3A_551 = vector.broadcast %squeeze3A_545 : f32 to vector<16xf32>
        %mul3A_552 = arith.mulf %get3A_550, %mul3A_551 : vector<16xf32>
        %swap3A_553 = arith.index_cast %select_n3A_219 : i32 to index
        %swap3A_554 = arith.index_cast %add3A_543 : i32 to index
        %swap3A_555 = arith.constant 0 : index
        %swap3A_556 = tpu.vector_load %arg8[%swap3A_553, %swap3A_554, %swap3A_555] {strides = array<i32>} : memref<3x128x128xf32, #tpu.memory_space<vmem>>, vector<1x1x16xf32>,
        %swap3A_557 = vector.shape_cast %swap3A_556 : vector<1x1x16xf32> to vector<16xf32>
        %swap3A_558 = vector.shape_cast %mul3A_552 : vector<16xf32> to vector<1x1x16xf32>
        tpu.vector_store %arg8[%swap3A_553, %swap3A_554, %swap3A_555], %swap3A_558 {strides = array<i32>} : memref<3x128x128xf32, #tpu.memory_space<vmem>>, vector<1x1x16xf32>,
        %get3A_559 = arith.index_cast %select_n3A_219 : i32 to index
        %get3A_560 = arith.index_cast %add3A_543 : i32 to index
        %get3A_561 = arith.constant 16 : index
        %get3A_562 = tpu.vector_load %arg8[%get3A_559, %get3A_560, %get3A_561] {strides = array<i32>} : memref<3x128x128xf32, #tpu.memory_space<vmem>>, vector<1x1x16xf32>,
        %get3A_563 = vector.shape_cast %get3A_562 : vector<1x1x16xf32> to vector<16xf32>
        %mul3A_564 = vector.broadcast %squeeze3A_545 : f32 to vector<16xf32>
        %mul3A_565 = arith.mulf %get3A_563, %mul3A_564 : vector<16xf32>
        %swap3A_566 = arith.index_cast %select_n3A_219 : i32 to index
        %swap3A_567 = arith.index_cast %add3A_543 : i32 to index
        %swap3A_568 = arith.constant 16 : index
        %swap3A_569 = tpu.vector_load %arg8[%swap3A_566, %swap3A_567, %swap3A_568] {strides = array<i32>} : memref<3x128x128xf32, #tpu.memory_space<vmem>>, vector<1x1x16xf32>,
        %swap3A_570 = vector.shape_cast %swap3A_569 : vector<1x1x16xf32> to vector<16xf32>
        %swap3A_571 = vector.shape_cast %mul3A_565 : vector<16xf32> to vector<1x1x16xf32>
        tpu.vector_store %arg8[%swap3A_566, %swap3A_567, %swap3A_568], %swap3A_571 {strides = array<i32>} : memref<3x128x128xf32, #tpu.memory_space<vmem>>, vector<1x1x16xf32>,
        %get3A_572 = arith.index_cast %select_n3A_219 : i32 to index
        %get3A_573 = arith.index_cast %add3A_543 : i32 to index
        %get3A_574 = arith.constant 32 : index
        %get3A_575 = tpu.vector_load %arg8[%get3A_572, %get3A_573, %get3A_574] {strides = array<i32>} : memref<3x128x128xf32, #tpu.memory_space<vmem>>, vector<1x1x16xf32>,
        %get3A_576 = vector.shape_cast %get3A_575 : vector<1x1x16xf32> to vector<16xf32>
        %mul3A_577 = vector.broadcast %squeeze3A_545 : f32 to vector<16xf32>
        %mul3A_578 = arith.mulf %get3A_576, %mul3A_577 : vector<16xf32>
        %swap3A_579 = arith.index_cast %select_n3A_219 : i32 to index
        %swap3A_580 = arith.index_cast %add3A_543 : i32 to index
        %swap3A_581 = arith.constant 32 : index
        %swap3A_582 = tpu.vector_load %arg8[%swap3A_579, %swap3A_580, %swap3A_581] {strides = array<i32>} : memref<3x128x128xf32, #tpu.memory_space<vmem>>, vector<1x1x16xf32>,
        %swap3A_583 = vector.shape_cast %swap3A_582 : vector<1x1x16xf32> to vector<16xf32>
        %swap3A_584 = vector.shape_cast %mul3A_578 : vector<16xf32> to vector<1x1x16xf32>
        tpu.vector_store %arg8[%swap3A_579, %swap3A_580, %swap3A_581], %swap3A_584 {strides = array<i32>} : memref<3x128x128xf32, #tpu.memory_space<vmem>>, vector<1x1x16xf32>,
        %mul3A_585 = arith.constant 16 : i32
        %mul3A_586 = arith.muli %scan3A_296, %mul3A_585 : i32
        %add3A_587 = arith.constant 6 : i32
        %add3A_588 = arith.addi %mul3A_586, %add3A_587 : i32
        %slice3A_589 = vector.extract_strided_slice %get3A_317 {offsets = [6], sizes = [1], strides = [1]} : vector<16xf32> to vector<1xf32>
        %squeeze3A_590 = vector.extract %slice3A_589[0] : f32 from vector<1xf32>
        %get3A_591 = arith.index_cast %select_n3A_219 : i32 to index
        %get3A_592 = arith.index_cast %add3A_588 : i32 to index
        %get3A_593 = arith.constant 0 : index
        %get3A_594 = tpu.vector_load %arg8[%get3A_591, %get3A_592, %get3A_593] {strides = array<i32>} : memref<3x128x128xf32, #tpu.memory_space<vmem>>, vector<1x1x16xf32>,
        %get3A_595 = vector.shape_cast %get3A_594 : vector<1x1x16xf32> to vector<16xf32>
        %mul3A_596 = vector.broadcast %squeeze3A_590 : f32 to vector<16xf32>
        %mul3A_597 = arith.mulf %get3A_595, %mul3A_596 : vector<16xf32>
        %swap3A_598 = arith.index_cast %select_n3A_219 : i32 to index
        %swap3A_599 = arith.index_cast %add3A_588 : i32 to index
        %swap3A_600 = arith.constant 0 : index
        %swap3A_601 = tpu.vector_load %arg8[%swap3A_598, %swap3A_599, %swap3A_600] {strides = array<i32>} : memref<3x128x128xf32, #tpu.memory_space<vmem>>, vector<1x1x16xf32>,
        %swap3A_602 = vector.shape_cast %swap3A_601 : vector<1x1x16xf32> to vector<16xf32>
        %swap3A_603 = vector.shape_cast %mul3A_597 : vector<16xf32> to vector<1x1x16xf32>
        tpu.vector_store %arg8[%swap3A_598, %swap3A_599, %swap3A_600], %swap3A_603 {strides = array<i32>} : memref<3x128x128xf32, #tpu.memory_space<vmem>>, vector<1x1x16xf32>,
        %get3A_604 = arith.index_cast %select_n3A_219 : i32 to index
        %get3A_605 = arith.index_cast %add3A_588 : i32 to index
        %get3A_606 = arith.constant 16 : index
        %get3A_607 = tpu.vector_load %arg8[%get3A_604, %get3A_605, %get3A_606] {strides = array<i32>} : memref<3x128x128xf32, #tpu.memory_space<vmem>>, vector<1x1x16xf32>,
        %get3A_608 = vector.shape_cast %get3A_607 : vector<1x1x16xf32> to vector<16xf32>
        %mul3A_609 = vector.broadcast %squeeze3A_590 : f32 to vector<16xf32>
        %mul3A_610 = arith.mulf %get3A_608, %mul3A_609 : vector<16xf32>
        %swap3A_611 = arith.index_cast %select_n3A_219 : i32 to index
        %swap3A_612 = arith.index_cast %add3A_588 : i32 to index
        %swap3A_613 = arith.constant 16 : index
        %swap3A_614 = tpu.vector_load %arg8[%swap3A_611, %swap3A_612, %swap3A_613] {strides = array<i32>} : memref<3x128x128xf32, #tpu.memory_space<vmem>>, vector<1x1x16xf32>,
        %swap3A_615 = vector.shape_cast %swap3A_614 : vector<1x1x16xf32> to vector<16xf32>
        %swap3A_616 = vector.shape_cast %mul3A_610 : vector<16xf32> to vector<1x1x16xf32>
        tpu.vector_store %arg8[%swap3A_611, %swap3A_612, %swap3A_613], %swap3A_616 {strides = array<i32>} : memref<3x128x128xf32, #tpu.memory_space<vmem>>, vector<1x1x16xf32>,
        %get3A_617 = arith.index_cast %select_n3A_219 : i32 to index
        %get3A_618 = arith.index_cast %add3A_588 : i32 to index
        %get3A_619 = arith.constant 32 : index
        %get3A_620 = tpu.vector_load %arg8[%get3A_617, %get3A_618, %get3A_619] {strides = array<i32>} : memref<3x128x128xf32, #tpu.memory_space<vmem>>, vector<1x1x16xf32>,
        %get3A_621 = vector.shape_cast %get3A_620 : vector<1x1x16xf32> to vector<16xf32>
        %mul3A_622 = vector.broadcast %squeeze3A_590 : f32 to vector<16xf32>
        %mul3A_623 = arith.mulf %get3A_621, %mul3A_622 : vector<16xf32>
        %swap3A_624 = arith.index_cast %select_n3A_219 : i32 to index
        %swap3A_625 = arith.index_cast %add3A_588 : i32 to index
        %swap3A_626 = arith.constant 32 : index
        %swap3A_627 = tpu.vector_load %arg8[%swap3A_624, %swap3A_625, %swap3A_626] {strides = array<i32>} : memref<3x128x128xf32, #tpu.memory_space<vmem>>, vector<1x1x16xf32>,
        %swap3A_628 = vector.shape_cast %swap3A_627 : vector<1x1x16xf32> to vector<16xf32>
        %swap3A_629 = vector.shape_cast %mul3A_623 : vector<16xf32> to vector<1x1x16xf32>
        tpu.vector_store %arg8[%swap3A_624, %swap3A_625, %swap3A_626], %swap3A_629 {strides = array<i32>} : memref<3x128x128xf32, #tpu.memory_space<vmem>>, vector<1x1x16xf32>,
        %mul3A_630 = arith.constant 16 : i32
        %mul3A_631 = arith.muli %scan3A_296, %mul3A_630 : i32
        %add3A_632 = arith.constant 7 : i32
        %add3A_633 = arith.addi %mul3A_631, %add3A_632 : i32
        %slice3A_634 = vector.extract_strided_slice %get3A_317 {offsets = [7], sizes = [1], strides = [1]} : vector<16xf32> to vector<1xf32>
        %squeeze3A_635 = vector.extract %slice3A_634[0] : f32 from vector<1xf32>
        %get3A_636 = arith.index_cast %select_n3A_219 : i32 to index
        %get3A_637 = arith.index_cast %add3A_633 : i32 to index
        %get3A_638 = arith.constant 0 : index
        %get3A_639 = tpu.vector_load %arg8[%get3A_636, %get3A_637, %get3A_638] {strides = array<i32>} : memref<3x128x128xf32, #tpu.memory_space<vmem>>, vector<1x1x16xf32>,
        %get3A_640 = vector.shape_cast %get3A_639 : vector<1x1x16xf32> to vector<16xf32>
        %mul3A_641 = vector.broadcast %squeeze3A_635 : f32 to vector<16xf32>
        %mul3A_642 = arith.mulf %get3A_640, %mul3A_641 : vector<16xf32>
        %swap3A_643 = arith.index_cast %select_n3A_219 : i32 to index
        %swap3A_644 = arith.index_cast %add3A_633 : i32 to index
        %swap3A_645 = arith.constant 0 : index
        %swap3A_646 = tpu.vector_load %arg8[%swap3A_643, %swap3A_644, %swap3A_645] {strides = array<i32>} : memref<3x128x128xf32, #tpu.memory_space<vmem>>, vector<1x1x16xf32>,
        %swap3A_647 = vector.shape_cast %swap3A_646 : vector<1x1x16xf32> to vector<16xf32>
        %swap3A_648 = vector.shape_cast %mul3A_642 : vector<16xf32> to vector<1x1x16xf32>
        tpu.vector_store %arg8[%swap3A_643, %swap3A_644, %swap3A_645], %swap3A_648 {strides = array<i32>} : memref<3x128x128xf32, #tpu.memory_space<vmem>>, vector<1x1x16xf32>,
        %get3A_649 = arith.index_cast %select_n3A_219 : i32 to index
        %get3A_650 = arith.index_cast %add3A_633 : i32 to index
        %get3A_651 = arith.constant 16 : index
        %get3A_652 = tpu.vector_load %arg8[%get3A_649, %get3A_650, %get3A_651] {strides = array<i32>} : memref<3x128x128xf32, #tpu.memory_space<vmem>>, vector<1x1x16xf32>,
        %get3A_653 = vector.shape_cast %get3A_652 : vector<1x1x16xf32> to vector<16xf32>
        %mul3A_654 = vector.broadcast %squeeze3A_635 : f32 to vector<16xf32>
        %mul3A_655 = arith.mulf %get3A_653, %mul3A_654 : vector<16xf32>
        %swap3A_656 = arith.index_cast %select_n3A_219 : i32 to index
        %swap3A_657 = arith.index_cast %add3A_633 : i32 to index
        %swap3A_658 = arith.constant 16 : index
        %swap3A_659 = tpu.vector_load %arg8[%swap3A_656, %swap3A_657, %swap3A_658] {strides = array<i32>} : memref<3x128x128xf32, #tpu.memory_space<vmem>>, vector<1x1x16xf32>,
        %swap3A_660 = vector.shape_cast %swap3A_659 : vector<1x1x16xf32> to vector<16xf32>
        %swap3A_661 = vector.shape_cast %mul3A_655 : vector<16xf32> to vector<1x1x16xf32>
        tpu.vector_store %arg8[%swap3A_656, %swap3A_657, %swap3A_658], %swap3A_661 {strides = array<i32>} : memref<3x128x128xf32, #tpu.memory_space<vmem>>, vector<1x1x16xf32>,
        %get3A_662 = arith.index_cast %select_n3A_219 : i32 to index
        %get3A_663 = arith.index_cast %add3A_633 : i32 to index
        %get3A_664 = arith.constant 32 : index
        %get3A_665 = tpu.vector_load %arg8[%get3A_662, %get3A_663, %get3A_664] {strides = array<i32>} : memref<3x128x128xf32, #tpu.memory_space<vmem>>, vector<1x1x16xf32>,
        %get3A_666 = vector.shape_cast %get3A_665 : vector<1x1x16xf32> to vector<16xf32>
        %mul3A_667 = vector.broadcast %squeeze3A_635 : f32 to vector<16xf32>
        %mul3A_668 = arith.mulf %get3A_666, %mul3A_667 : vector<16xf32>
        %swap3A_669 = arith.index_cast %select_n3A_219 : i32 to index
        %swap3A_670 = arith.index_cast %add3A_633 : i32 to index
        %swap3A_671 = arith.constant 32 : index
        %swap3A_672 = tpu.vector_load %arg8[%swap3A_669, %swap3A_670, %swap3A_671] {strides = array<i32>} : memref<3x128x128xf32, #tpu.memory_space<vmem>>, vector<1x1x16xf32>,
        %swap3A_673 = vector.shape_cast %swap3A_672 : vector<1x1x16xf32> to vector<16xf32>
        %swap3A_674 = vector.shape_cast %mul3A_668 : vector<16xf32> to vector<1x1x16xf32>
        tpu.vector_store %arg8[%swap3A_669, %swap3A_670, %swap3A_671], %swap3A_674 {strides = array<i32>} : memref<3x128x128xf32, #tpu.memory_space<vmem>>, vector<1x1x16xf32>,
        %mul3A_675 = arith.constant 16 : i32
        %mul3A_676 = arith.muli %scan3A_296, %mul3A_675 : i32
        %add3A_677 = arith.constant 8 : i32
        %add3A_678 = arith.addi %mul3A_676, %add3A_677 : i32
        %slice3A_679 = vector.extract_strided_slice %get3A_317 {offsets = [8], sizes = [1], strides = [1]} : vector<16xf32> to vector<1xf32>
        %squeeze3A_680 = vector.extract %slice3A_679[0] : f32 from vector<1xf32>
        %get3A_681 = arith.index_cast %select_n3A_219 : i32 to index
        %get3A_682 = arith.index_cast %add3A_678 : i32 to index
        %get3A_683 = arith.constant 0 : index
        %get3A_684 = tpu.vector_load %arg8[%get3A_681, %get3A_682, %get3A_683] {strides = array<i32>} : memref<3x128x128xf32, #tpu.memory_space<vmem>>, vector<1x1x16xf32>,
        %get3A_685 = vector.shape_cast %get3A_684 : vector<1x1x16xf32> to vector<16xf32>
        %mul3A_686 = vector.broadcast %squeeze3A_680 : f32 to vector<16xf32>
        %mul3A_687 = arith.mulf %get3A_685, %mul3A_686 : vector<16xf32>
        %swap3A_688 = arith.index_cast %select_n3A_219 : i32 to index
        %swap3A_689 = arith.index_cast %add3A_678 : i32 to index
        %swap3A_690 = arith.constant 0 : index
        %swap3A_691 = tpu.vector_load %arg8[%swap3A_688, %swap3A_689, %swap3A_690] {strides = array<i32>} : memref<3x128x128xf32, #tpu.memory_space<vmem>>, vector<1x1x16xf32>,
        %swap3A_692 = vector.shape_cast %swap3A_691 : vector<1x1x16xf32> to vector<16xf32>
        %swap3A_693 = vector.shape_cast %mul3A_687 : vector<16xf32> to vector<1x1x16xf32>
        tpu.vector_store %arg8[%swap3A_688, %swap3A_689, %swap3A_690], %swap3A_693 {strides = array<i32>} : memref<3x128x128xf32, #tpu.memory_space<vmem>>, vector<1x1x16xf32>,
        %get3A_694 = arith.index_cast %select_n3A_219 : i32 to index
        %get3A_695 = arith.index_cast %add3A_678 : i32 to index
        %get3A_696 = arith.constant 16 : index
        %get3A_697 = tpu.vector_load %arg8[%get3A_694, %get3A_695, %get3A_696] {strides = array<i32>} : memref<3x128x128xf32, #tpu.memory_space<vmem>>, vector<1x1x16xf32>,
        %get3A_698 = vector.shape_cast %get3A_697 : vector<1x1x16xf32> to vector<16xf32>
        %mul3A_699 = vector.broadcast %squeeze3A_680 : f32 to vector<16xf32>
        %mul3A_700 = arith.mulf %get3A_698, %mul3A_699 : vector<16xf32>
        %swap3A_701 = arith.index_cast %select_n3A_219 : i32 to index
        %swap3A_702 = arith.index_cast %add3A_678 : i32 to index
        %swap3A_703 = arith.constant 16 : index
        %swap3A_704 = tpu.vector_load %arg8[%swap3A_701, %swap3A_702, %swap3A_703] {strides = array<i32>} : memref<3x128x128xf32, #tpu.memory_space<vmem>>, vector<1x1x16xf32>,
        %swap3A_705 = vector.shape_cast %swap3A_704 : vector<1x1x16xf32> to vector<16xf32>
        %swap3A_706 = vector.shape_cast %mul3A_700 : vector<16xf32> to vector<1x1x16xf32>
        tpu.vector_store %arg8[%swap3A_701, %swap3A_702, %swap3A_703], %swap3A_706 {strides = array<i32>} : memref<3x128x128xf32, #tpu.memory_space<vmem>>, vector<1x1x16xf32>,
        %get3A_707 = arith.index_cast %select_n3A_219 : i32 to index
        %get3A_708 = arith.index_cast %add3A_678 : i32 to index
        %get3A_709 = arith.constant 32 : index
        %get3A_710 = tpu.vector_load %arg8[%get3A_707, %get3A_708, %get3A_709] {strides = array<i32>} : memref<3x128x128xf32, #tpu.memory_space<vmem>>, vector<1x1x16xf32>,
        %get3A_711 = vector.shape_cast %get3A_710 : vector<1x1x16xf32> to vector<16xf32>
        %mul3A_712 = vector.broadcast %squeeze3A_680 : f32 to vector<16xf32>
        %mul3A_713 = arith.mulf %get3A_711, %mul3A_712 : vector<16xf32>
        %swap3A_714 = arith.index_cast %select_n3A_219 : i32 to index
        %swap3A_715 = arith.index_cast %add3A_678 : i32 to index
        %swap3A_716 = arith.constant 32 : index
        %swap3A_717 = tpu.vector_load %arg8[%swap3A_714, %swap3A_715, %swap3A_716] {strides = array<i32>} : memref<3x128x128xf32, #tpu.memory_space<vmem>>, vector<1x1x16xf32>,
        %swap3A_718 = vector.shape_cast %swap3A_717 : vector<1x1x16xf32> to vector<16xf32>
        %swap3A_719 = vector.shape_cast %mul3A_713 : vector<16xf32> to vector<1x1x16xf32>
        tpu.vector_store %arg8[%swap3A_714, %swap3A_715, %swap3A_716], %swap3A_719 {strides = array<i32>} : memref<3x128x128xf32, #tpu.memory_space<vmem>>, vector<1x1x16xf32>,
        %mul3A_720 = arith.constant 16 : i32
        %mul3A_721 = arith.muli %scan3A_296, %mul3A_720 : i32
        %add3A_722 = arith.constant 9 : i32
        %add3A_723 = arith.addi %mul3A_721, %add3A_722 : i32
        %slice3A_724 = vector.extract_strided_slice %get3A_317 {offsets = [9], sizes = [1], strides = [1]} : vector<16xf32> to vector<1xf32>
        %squeeze3A_725 = vector.extract %slice3A_724[0] : f32 from vector<1xf32>
        %get3A_726 = arith.index_cast %select_n3A_219 : i32 to index
        %get3A_727 = arith.index_cast %add3A_723 : i32 to index
        %get3A_728 = arith.constant 0 : index
        %get3A_729 = tpu.vector_load %arg8[%get3A_726, %get3A_727, %get3A_728] {strides = array<i32>} : memref<3x128x128xf32, #tpu.memory_space<vmem>>, vector<1x1x16xf32>,
        %get3A_730 = vector.shape_cast %get3A_729 : vector<1x1x16xf32> to vector<16xf32>
        %mul3A_731 = vector.broadcast %squeeze3A_725 : f32 to vector<16xf32>
        %mul3A_732 = arith.mulf %get3A_730, %mul3A_731 : vector<16xf32>
        %swap3A_733 = arith.index_cast %select_n3A_219 : i32 to index
        %swap3A_734 = arith.index_cast %add3A_723 : i32 to index
        %swap3A_735 = arith.constant 0 : index
        %swap3A_736 = tpu.vector_load %arg8[%swap3A_733, %swap3A_734, %swap3A_735] {strides = array<i32>} : memref<3x128x128xf32, #tpu.memory_space<vmem>>, vector<1x1x16xf32>,
        %swap3A_737 = vector.shape_cast %swap3A_736 : vector<1x1x16xf32> to vector<16xf32>
        %swap3A_738 = vector.shape_cast %mul3A_732 : vector<16xf32> to vector<1x1x16xf32>
        tpu.vector_store %arg8[%swap3A_733, %swap3A_734, %swap3A_735], %swap3A_738 {strides = array<i32>} : memref<3x128x128xf32, #tpu.memory_space<vmem>>, vector<1x1x16xf32>,
        %get3A_739 = arith.index_cast %select_n3A_219 : i32 to index
        %get3A_740 = arith.index_cast %add3A_723 : i32 to index
        %get3A_741 = arith.constant 16 : index
        %get3A_742 = tpu.vector_load %arg8[%get3A_739, %get3A_740, %get3A_741] {strides = array<i32>} : memref<3x128x128xf32, #tpu.memory_space<vmem>>, vector<1x1x16xf32>,
        %get3A_743 = vector.shape_cast %get3A_742 : vector<1x1x16xf32> to vector<16xf32>
        %mul3A_744 = vector.broadcast %squeeze3A_725 : f32 to vector<16xf32>
        %mul3A_745 = arith.mulf %get3A_743, %mul3A_744 : vector<16xf32>
        %swap3A_746 = arith.index_cast %select_n3A_219 : i32 to index
        %swap3A_747 = arith.index_cast %add3A_723 : i32 to index
        %swap3A_748 = arith.constant 16 : index
        %swap3A_749 = tpu.vector_load %arg8[%swap3A_746, %swap3A_747, %swap3A_748] {strides = array<i32>} : memref<3x128x128xf32, #tpu.memory_space<vmem>>, vector<1x1x16xf32>,
        %swap3A_750 = vector.shape_cast %swap3A_749 : vector<1x1x16xf32> to vector<16xf32>
        %swap3A_751 = vector.shape_cast %mul3A_745 : vector<16xf32> to vector<1x1x16xf32>
        tpu.vector_store %arg8[%swap3A_746, %swap3A_747, %swap3A_748], %swap3A_751 {strides = array<i32>} : memref<3x128x128xf32, #tpu.memory_space<vmem>>, vector<1x1x16xf32>,
        %get3A_752 = arith.index_cast %select_n3A_219 : i32 to index
        %get3A_753 = arith.index_cast %add3A_723 : i32 to index
        %get3A_754 = arith.constant 32 : index
        %get3A_755 = tpu.vector_load %arg8[%get3A_752, %get3A_753, %get3A_754] {strides = array<i32>} : memref<3x128x128xf32, #tpu.memory_space<vmem>>, vector<1x1x16xf32>,
        %get3A_756 = vector.shape_cast %get3A_755 : vector<1x1x16xf32> to vector<16xf32>
        %mul3A_757 = vector.broadcast %squeeze3A_725 : f32 to vector<16xf32>
        %mul3A_758 = arith.mulf %get3A_756, %mul3A_757 : vector<16xf32>
        %swap3A_759 = arith.index_cast %select_n3A_219 : i32 to index
        %swap3A_760 = arith.index_cast %add3A_723 : i32 to index
        %swap3A_761 = arith.constant 32 : index
        %swap3A_762 = tpu.vector_load %arg8[%swap3A_759, %swap3A_760, %swap3A_761] {strides = array<i32>} : memref<3x128x128xf32, #tpu.memory_space<vmem>>, vector<1x1x16xf32>,
        %swap3A_763 = vector.shape_cast %swap3A_762 : vector<1x1x16xf32> to vector<16xf32>
        %swap3A_764 = vector.shape_cast %mul3A_758 : vector<16xf32> to vector<1x1x16xf32>
        tpu.vector_store %arg8[%swap3A_759, %swap3A_760, %swap3A_761], %swap3A_764 {strides = array<i32>} : memref<3x128x128xf32, #tpu.memory_space<vmem>>, vector<1x1x16xf32>,
        %mul3A_765 = arith.constant 16 : i32
        %mul3A_766 = arith.muli %scan3A_296, %mul3A_765 : i32
        %add3A_767 = arith.constant 10 : i32
        %add3A_768 = arith.addi %mul3A_766, %add3A_767 : i32
        %slice3A_769 = vector.extract_strided_slice %get3A_317 {offsets = [10], sizes = [1], strides = [1]} : vector<16xf32> to vector<1xf32>
        %squeeze3A_770 = vector.extract %slice3A_769[0] : f32 from vector<1xf32>
        %get3A_771 = arith.index_cast %select_n3A_219 : i32 to index
        %get3A_772 = arith.index_cast %add3A_768 : i32 to index
        %get3A_773 = arith.constant 0 : index
        %get3A_774 = tpu.vector_load %arg8[%get3A_771, %get3A_772, %get3A_773] {strides = array<i32>} : memref<3x128x128xf32, #tpu.memory_space<vmem>>, vector<1x1x16xf32>,
        %get3A_775 = vector.shape_cast %get3A_774 : vector<1x1x16xf32> to vector<16xf32>
        %mul3A_776 = vector.broadcast %squeeze3A_770 : f32 to vector<16xf32>
        %mul3A_777 = arith.mulf %get3A_775, %mul3A_776 : vector<16xf32>
        %swap3A_778 = arith.index_cast %select_n3A_219 : i32 to index
        %swap3A_779 = arith.index_cast %add3A_768 : i32 to index
        %swap3A_780 = arith.constant 0 : index
        %swap3A_781 = tpu.vector_load %arg8[%swap3A_778, %swap3A_779, %swap3A_780] {strides = array<i32>} : memref<3x128x128xf32, #tpu.memory_space<vmem>>, vector<1x1x16xf32>,
        %swap3A_782 = vector.shape_cast %swap3A_781 : vector<1x1x16xf32> to vector<16xf32>
        %swap3A_783 = vector.shape_cast %mul3A_777 : vector<16xf32> to vector<1x1x16xf32>
        tpu.vector_store %arg8[%swap3A_778, %swap3A_779, %swap3A_780], %swap3A_783 {strides = array<i32>} : memref<3x128x128xf32, #tpu.memory_space<vmem>>, vector<1x1x16xf32>,
        %get3A_784 = arith.index_cast %select_n3A_219 : i32 to index
        %get3A_785 = arith.index_cast %add3A_768 : i32 to index
        %get3A_786 = arith.constant 16 : index
        %get3A_787 = tpu.vector_load %arg8[%get3A_784, %get3A_785, %get3A_786] {strides = array<i32>} : memref<3x128x128xf32, #tpu.memory_space<vmem>>, vector<1x1x16xf32>,
        %get3A_788 = vector.shape_cast %get3A_787 : vector<1x1x16xf32> to vector<16xf32>
        %mul3A_789 = vector.broadcast %squeeze3A_770 : f32 to vector<16xf32>
        %mul3A_790 = arith.mulf %get3A_788, %mul3A_789 : vector<16xf32>
        %swap3A_791 = arith.index_cast %select_n3A_219 : i32 to index
        %swap3A_792 = arith.index_cast %add3A_768 : i32 to index
        %swap3A_793 = arith.constant 16 : index
        %swap3A_794 = tpu.vector_load %arg8[%swap3A_791, %swap3A_792, %swap3A_793] {strides = array<i32>} : memref<3x128x128xf32, #tpu.memory_space<vmem>>, vector<1x1x16xf32>,
        %swap3A_795 = vector.shape_cast %swap3A_794 : vector<1x1x16xf32> to vector<16xf32>
        %swap3A_796 = vector.shape_cast %mul3A_790 : vector<16xf32> to vector<1x1x16xf32>
        tpu.vector_store %arg8[%swap3A_791, %swap3A_792, %swap3A_793], %swap3A_796 {strides = array<i32>} : memref<3x128x128xf32, #tpu.memory_space<vmem>>, vector<1x1x16xf32>,
        %get3A_797 = arith.index_cast %select_n3A_219 : i32 to index
        %get3A_798 = arith.index_cast %add3A_768 : i32 to index
        %get3A_799 = arith.constant 32 : index
        %get3A_800 = tpu.vector_load %arg8[%get3A_797, %get3A_798, %get3A_799] {strides = array<i32>} : memref<3x128x128xf32, #tpu.memory_space<vmem>>, vector<1x1x16xf32>,
        %get3A_801 = vector.shape_cast %get3A_800 : vector<1x1x16xf32> to vector<16xf32>
        %mul3A_802 = vector.broadcast %squeeze3A_770 : f32 to vector<16xf32>
        %mul3A_803 = arith.mulf %get3A_801, %mul3A_802 : vector<16xf32>
        %swap3A_804 = arith.index_cast %select_n3A_219 : i32 to index
        %swap3A_805 = arith.index_cast %add3A_768 : i32 to index
        %swap3A_806 = arith.constant 32 : index
        %swap3A_807 = tpu.vector_load %arg8[%swap3A_804, %swap3A_805, %swap3A_806] {strides = array<i32>} : memref<3x128x128xf32, #tpu.memory_space<vmem>>, vector<1x1x16xf32>,
        %swap3A_808 = vector.shape_cast %swap3A_807 : vector<1x1x16xf32> to vector<16xf32>
        %swap3A_809 = vector.shape_cast %mul3A_803 : vector<16xf32> to vector<1x1x16xf32>
        tpu.vector_store %arg8[%swap3A_804, %swap3A_805, %swap3A_806], %swap3A_809 {strides = array<i32>} : memref<3x128x128xf32, #tpu.memory_space<vmem>>, vector<1x1x16xf32>,
        %mul3A_810 = arith.constant 16 : i32
        %mul3A_811 = arith.muli %scan3A_296, %mul3A_810 : i32
        %add3A_812 = arith.constant 11 : i32
        %add3A_813 = arith.addi %mul3A_811, %add3A_812 : i32
        %slice3A_814 = vector.extract_strided_slice %get3A_317 {offsets = [11], sizes = [1], strides = [1]} : vector<16xf32> to vector<1xf32>
        %squeeze3A_815 = vector.extract %slice3A_814[0] : f32 from vector<1xf32>
        %get3A_816 = arith.index_cast %select_n3A_219 : i32 to index
        %get3A_817 = arith.index_cast %add3A_813 : i32 to index
        %get3A_818 = arith.constant 0 : index
        %get3A_819 = tpu.vector_load %arg8[%get3A_816, %get3A_817, %get3A_818] {strides = array<i32>} : memref<3x128x128xf32, #tpu.memory_space<vmem>>, vector<1x1x16xf32>,
        %get3A_820 = vector.shape_cast %get3A_819 : vector<1x1x16xf32> to vector<16xf32>
        %mul3A_821 = vector.broadcast %squeeze3A_815 : f32 to vector<16xf32>
        %mul3A_822 = arith.mulf %get3A_820, %mul3A_821 : vector<16xf32>
        %swap3A_823 = arith.index_cast %select_n3A_219 : i32 to index
        %swap3A_824 = arith.index_cast %add3A_813 : i32 to index
        %swap3A_825 = arith.constant 0 : index
        %swap3A_826 = tpu.vector_load %arg8[%swap3A_823, %swap3A_824, %swap3A_825] {strides = array<i32>} : memref<3x128x128xf32, #tpu.memory_space<vmem>>, vector<1x1x16xf32>,
        %swap3A_827 = vector.shape_cast %swap3A_826 : vector<1x1x16xf32> to vector<16xf32>
        %swap3A_828 = vector.shape_cast %mul3A_822 : vector<16xf32> to vector<1x1x16xf32>
        tpu.vector_store %arg8[%swap3A_823, %swap3A_824, %swap3A_825], %swap3A_828 {strides = array<i32>} : memref<3x128x128xf32, #tpu.memory_space<vmem>>, vector<1x1x16xf32>,
        %get3A_829 = arith.index_cast %select_n3A_219 : i32 to index
        %get3A_830 = arith.index_cast %add3A_813 : i32 to index
        %get3A_831 = arith.constant 16 : index
        %get3A_832 = tpu.vector_load %arg8[%get3A_829, %get3A_830, %get3A_831] {strides = array<i32>} : memref<3x128x128xf32, #tpu.memory_space<vmem>>, vector<1x1x16xf32>,
        %get3A_833 = vector.shape_cast %get3A_832 : vector<1x1x16xf32> to vector<16xf32>
        %mul3A_834 = vector.broadcast %squeeze3A_815 : f32 to vector<16xf32>
        %mul3A_835 = arith.mulf %get3A_833, %mul3A_834 : vector<16xf32>
        %swap3A_836 = arith.index_cast %select_n3A_219 : i32 to index
        %swap3A_837 = arith.index_cast %add3A_813 : i32 to index
        %swap3A_838 = arith.constant 16 : index
        %swap3A_839 = tpu.vector_load %arg8[%swap3A_836, %swap3A_837, %swap3A_838] {strides = array<i32>} : memref<3x128x128xf32, #tpu.memory_space<vmem>>, vector<1x1x16xf32>,
        %swap3A_840 = vector.shape_cast %swap3A_839 : vector<1x1x16xf32> to vector<16xf32>
        %swap3A_841 = vector.shape_cast %mul3A_835 : vector<16xf32> to vector<1x1x16xf32>
        tpu.vector_store %arg8[%swap3A_836, %swap3A_837, %swap3A_838], %swap3A_841 {strides = array<i32>} : memref<3x128x128xf32, #tpu.memory_space<vmem>>, vector<1x1x16xf32>,
        %get3A_842 = arith.index_cast %select_n3A_219 : i32 to index
        %get3A_843 = arith.index_cast %add3A_813 : i32 to index
        %get3A_844 = arith.constant 32 : index
        %get3A_845 = tpu.vector_load %arg8[%get3A_842, %get3A_843, %get3A_844] {strides = array<i32>} : memref<3x128x128xf32, #tpu.memory_space<vmem>>, vector<1x1x16xf32>,
        %get3A_846 = vector.shape_cast %get3A_845 : vector<1x1x16xf32> to vector<16xf32>
        %mul3A_847 = vector.broadcast %squeeze3A_815 : f32 to vector<16xf32>
        %mul3A_848 = arith.mulf %get3A_846, %mul3A_847 : vector<16xf32>
        %swap3A_849 = arith.index_cast %select_n3A_219 : i32 to index
        %swap3A_850 = arith.index_cast %add3A_813 : i32 to index
        %swap3A_851 = arith.constant 32 : index
        %swap3A_852 = tpu.vector_load %arg8[%swap3A_849, %swap3A_850, %swap3A_851] {strides = array<i32>} : memref<3x128x128xf32, #tpu.memory_space<vmem>>, vector<1x1x16xf32>,
        %swap3A_853 = vector.shape_cast %swap3A_852 : vector<1x1x16xf32> to vector<16xf32>
        %swap3A_854 = vector.shape_cast %mul3A_848 : vector<16xf32> to vector<1x1x16xf32>
        tpu.vector_store %arg8[%swap3A_849, %swap3A_850, %swap3A_851], %swap3A_854 {strides = array<i32>} : memref<3x128x128xf32, #tpu.memory_space<vmem>>, vector<1x1x16xf32>,
        %mul3A_855 = arith.constant 16 : i32
        %mul3A_856 = arith.muli %scan3A_296, %mul3A_855 : i32
        %add3A_857 = arith.constant 12 : i32
        %add3A_858 = arith.addi %mul3A_856, %add3A_857 : i32
        %slice3A_859 = vector.extract_strided_slice %get3A_317 {offsets = [12], sizes = [1], strides = [1]} : vector<16xf32> to vector<1xf32>
        %squeeze3A_860 = vector.extract %slice3A_859[0] : f32 from vector<1xf32>
        %get3A_861 = arith.index_cast %select_n3A_219 : i32 to index
        %get3A_862 = arith.index_cast %add3A_858 : i32 to index
        %get3A_863 = arith.constant 0 : index
        %get3A_864 = tpu.vector_load %arg8[%get3A_861, %get3A_862, %get3A_863] {strides = array<i32>} : memref<3x128x128xf32, #tpu.memory_space<vmem>>, vector<1x1x16xf32>,
        %get3A_865 = vector.shape_cast %get3A_864 : vector<1x1x16xf32> to vector<16xf32>
        %mul3A_866 = vector.broadcast %squeeze3A_860 : f32 to vector<16xf32>
        %mul3A_867 = arith.mulf %get3A_865, %mul3A_866 : vector<16xf32>
        %swap3A_868 = arith.index_cast %select_n3A_219 : i32 to index
        %swap3A_869 = arith.index_cast %add3A_858 : i32 to index
        %swap3A_870 = arith.constant 0 : index
        %swap3A_871 = tpu.vector_load %arg8[%swap3A_868, %swap3A_869, %swap3A_870] {strides = array<i32>} : memref<3x128x128xf32, #tpu.memory_space<vmem>>, vector<1x1x16xf32>,
        %swap3A_872 = vector.shape_cast %swap3A_871 : vector<1x1x16xf32> to vector<16xf32>
        %swap3A_873 = vector.shape_cast %mul3A_867 : vector<16xf32> to vector<1x1x16xf32>
        tpu.vector_store %arg8[%swap3A_868, %swap3A_869, %swap3A_870], %swap3A_873 {strides = array<i32>} : memref<3x128x128xf32, #tpu.memory_space<vmem>>, vector<1x1x16xf32>,
        %get3A_874 = arith.index_cast %select_n3A_219 : i32 to index
        %get3A_875 = arith.index_cast %add3A_858 : i32 to index
        %get3A_876 = arith.constant 16 : index
        %get3A_877 = tpu.vector_load %arg8[%get3A_874, %get3A_875, %get3A_876] {strides = array<i32>} : memref<3x128x128xf32, #tpu.memory_space<vmem>>, vector<1x1x16xf32>,
        %get3A_878 = vector.shape_cast %get3A_877 : vector<1x1x16xf32> to vector<16xf32>
        %mul3A_879 = vector.broadcast %squeeze3A_860 : f32 to vector<16xf32>
        %mul3A_880 = arith.mulf %get3A_878, %mul3A_879 : vector<16xf32>
        %swap3A_881 = arith.index_cast %select_n3A_219 : i32 to index
        %swap3A_882 = arith.index_cast %add3A_858 : i32 to index
        %swap3A_883 = arith.constant 16 : index
        %swap3A_884 = tpu.vector_load %arg8[%swap3A_881, %swap3A_882, %swap3A_883] {strides = array<i32>} : memref<3x128x128xf32, #tpu.memory_space<vmem>>, vector<1x1x16xf32>,
        %swap3A_885 = vector.shape_cast %swap3A_884 : vector<1x1x16xf32> to vector<16xf32>
        %swap3A_886 = vector.shape_cast %mul3A_880 : vector<16xf32> to vector<1x1x16xf32>
        tpu.vector_store %arg8[%swap3A_881, %swap3A_882, %swap3A_883], %swap3A_886 {strides = array<i32>} : memref<3x128x128xf32, #tpu.memory_space<vmem>>, vector<1x1x16xf32>,
        %get3A_887 = arith.index_cast %select_n3A_219 : i32 to index
        %get3A_888 = arith.index_cast %add3A_858 : i32 to index
        %get3A_889 = arith.constant 32 : index
        %get3A_890 = tpu.vector_load %arg8[%get3A_887, %get3A_888, %get3A_889] {strides = array<i32>} : memref<3x128x128xf32, #tpu.memory_space<vmem>>, vector<1x1x16xf32>,
        %get3A_891 = vector.shape_cast %get3A_890 : vector<1x1x16xf32> to vector<16xf32>
        %mul3A_892 = vector.broadcast %squeeze3A_860 : f32 to vector<16xf32>
        %mul3A_893 = arith.mulf %get3A_891, %mul3A_892 : vector<16xf32>
        %swap3A_894 = arith.index_cast %select_n3A_219 : i32 to index
        %swap3A_895 = arith.index_cast %add3A_858 : i32 to index
        %swap3A_896 = arith.constant 32 : index
        %swap3A_897 = tpu.vector_load %arg8[%swap3A_894, %swap3A_895, %swap3A_896] {strides = array<i32>} : memref<3x128x128xf32, #tpu.memory_space<vmem>>, vector<1x1x16xf32>,
        %swap3A_898 = vector.shape_cast %swap3A_897 : vector<1x1x16xf32> to vector<16xf32>
        %swap3A_899 = vector.shape_cast %mul3A_893 : vector<16xf32> to vector<1x1x16xf32>
        tpu.vector_store %arg8[%swap3A_894, %swap3A_895, %swap3A_896], %swap3A_899 {strides = array<i32>} : memref<3x128x128xf32, #tpu.memory_space<vmem>>, vector<1x1x16xf32>,
        %mul3A_900 = arith.constant 16 : i32
        %mul3A_901 = arith.muli %scan3A_296, %mul3A_900 : i32
        %add3A_902 = arith.constant 13 : i32
        %add3A_903 = arith.addi %mul3A_901, %add3A_902 : i32
        %slice3A_904 = vector.extract_strided_slice %get3A_317 {offsets = [13], sizes = [1], strides = [1]} : vector<16xf32> to vector<1xf32>
        %squeeze3A_905 = vector.extract %slice3A_904[0] : f32 from vector<1xf32>
        %get3A_906 = arith.index_cast %select_n3A_219 : i32 to index
        %get3A_907 = arith.index_cast %add3A_903 : i32 to index
        %get3A_908 = arith.constant 0 : index
        %get3A_909 = tpu.vector_load %arg8[%get3A_906, %get3A_907, %get3A_908] {strides = array<i32>} : memref<3x128x128xf32, #tpu.memory_space<vmem>>, vector<1x1x16xf32>,
        %get3A_910 = vector.shape_cast %get3A_909 : vector<1x1x16xf32> to vector<16xf32>
        %mul3A_911 = vector.broadcast %squeeze3A_905 : f32 to vector<16xf32>
        %mul3A_912 = arith.mulf %get3A_910, %mul3A_911 : vector<16xf32>
        %swap3A_913 = arith.index_cast %select_n3A_219 : i32 to index
        %swap3A_914 = arith.index_cast %add3A_903 : i32 to index
        %swap3A_915 = arith.constant 0 : index
        %swap3A_916 = tpu.vector_load %arg8[%swap3A_913, %swap3A_914, %swap3A_915] {strides = array<i32>} : memref<3x128x128xf32, #tpu.memory_space<vmem>>, vector<1x1x16xf32>,
        %swap3A_917 = vector.shape_cast %swap3A_916 : vector<1x1x16xf32> to vector<16xf32>
        %swap3A_918 = vector.shape_cast %mul3A_912 : vector<16xf32> to vector<1x1x16xf32>
        tpu.vector_store %arg8[%swap3A_913, %swap3A_914, %swap3A_915], %swap3A_918 {strides = array<i32>} : memref<3x128x128xf32, #tpu.memory_space<vmem>>, vector<1x1x16xf32>,
        %get3A_919 = arith.index_cast %select_n3A_219 : i32 to index
        %get3A_920 = arith.index_cast %add3A_903 : i32 to index
        %get3A_921 = arith.constant 16 : index
        %get3A_922 = tpu.vector_load %arg8[%get3A_919, %get3A_920, %get3A_921] {strides = array<i32>} : memref<3x128x128xf32, #tpu.memory_space<vmem>>, vector<1x1x16xf32>,
        %get3A_923 = vector.shape_cast %get3A_922 : vector<1x1x16xf32> to vector<16xf32>
        %mul3A_924 = vector.broadcast %squeeze3A_905 : f32 to vector<16xf32>
        %mul3A_925 = arith.mulf %get3A_923, %mul3A_924 : vector<16xf32>
        %swap3A_926 = arith.index_cast %select_n3A_219 : i32 to index
        %swap3A_927 = arith.index_cast %add3A_903 : i32 to index
        %swap3A_928 = arith.constant 16 : index
        %swap3A_929 = tpu.vector_load %arg8[%swap3A_926, %swap3A_927, %swap3A_928] {strides = array<i32>} : memref<3x128x128xf32, #tpu.memory_space<vmem>>, vector<1x1x16xf32>,
        %swap3A_930 = vector.shape_cast %swap3A_929 : vector<1x1x16xf32> to vector<16xf32>
        %swap3A_931 = vector.shape_cast %mul3A_925 : vector<16xf32> to vector<1x1x16xf32>
        tpu.vector_store %arg8[%swap3A_926, %swap3A_927, %swap3A_928], %swap3A_931 {strides = array<i32>} : memref<3x128x128xf32, #tpu.memory_space<vmem>>, vector<1x1x16xf32>,
        %get3A_932 = arith.index_cast %select_n3A_219 : i32 to index
        %get3A_933 = arith.index_cast %add3A_903 : i32 to index
        %get3A_934 = arith.constant 32 : index
        %get3A_935 = tpu.vector_load %arg8[%get3A_932, %get3A_933, %get3A_934] {strides = array<i32>} : memref<3x128x128xf32, #tpu.memory_space<vmem>>, vector<1x1x16xf32>,
        %get3A_936 = vector.shape_cast %get3A_935 : vector<1x1x16xf32> to vector<16xf32>
        %mul3A_937 = vector.broadcast %squeeze3A_905 : f32 to vector<16xf32>
        %mul3A_938 = arith.mulf %get3A_936, %mul3A_937 : vector<16xf32>
        %swap3A_939 = arith.index_cast %select_n3A_219 : i32 to index
        %swap3A_940 = arith.index_cast %add3A_903 : i32 to index
        %swap3A_941 = arith.constant 32 : index
        %swap3A_942 = tpu.vector_load %arg8[%swap3A_939, %swap3A_940, %swap3A_941] {strides = array<i32>} : memref<3x128x128xf32, #tpu.memory_space<vmem>>, vector<1x1x16xf32>,
        %swap3A_943 = vector.shape_cast %swap3A_942 : vector<1x1x16xf32> to vector<16xf32>
        %swap3A_944 = vector.shape_cast %mul3A_938 : vector<16xf32> to vector<1x1x16xf32>
        tpu.vector_store %arg8[%swap3A_939, %swap3A_940, %swap3A_941], %swap3A_944 {strides = array<i32>} : memref<3x128x128xf32, #tpu.memory_space<vmem>>, vector<1x1x16xf32>,
        %mul3A_945 = arith.constant 16 : i32
        %mul3A_946 = arith.muli %scan3A_296, %mul3A_945 : i32
        %add3A_947 = arith.constant 14 : i32
        %add3A_948 = arith.addi %mul3A_946, %add3A_947 : i32
        %slice3A_949 = vector.extract_strided_slice %get3A_317 {offsets = [14], sizes = [1], strides = [1]} : vector<16xf32> to vector<1xf32>
        %squeeze3A_950 = vector.extract %slice3A_949[0] : f32 from vector<1xf32>
        %get3A_951 = arith.index_cast %select_n3A_219 : i32 to index
        %get3A_952 = arith.index_cast %add3A_948 : i32 to index
        %get3A_953 = arith.constant 0 : index
        %get3A_954 = tpu.vector_load %arg8[%get3A_951, %get3A_952, %get3A_953] {strides = array<i32>} : memref<3x128x128xf32, #tpu.memory_space<vmem>>, vector<1x1x16xf32>,
        %get3A_955 = vector.shape_cast %get3A_954 : vector<1x1x16xf32> to vector<16xf32>
        %mul3A_956 = vector.broadcast %squeeze3A_950 : f32 to vector<16xf32>
        %mul3A_957 = arith.mulf %get3A_955, %mul3A_956 : vector<16xf32>
        %swap3A_958 = arith.index_cast %select_n3A_219 : i32 to index
        %swap3A_959 = arith.index_cast %add3A_948 : i32 to index
        %swap3A_960 = arith.constant 0 : index
        %swap3A_961 = tpu.vector_load %arg8[%swap3A_958, %swap3A_959, %swap3A_960] {strides = array<i32>} : memref<3x128x128xf32, #tpu.memory_space<vmem>>, vector<1x1x16xf32>,
        %swap3A_962 = vector.shape_cast %swap3A_961 : vector<1x1x16xf32> to vector<16xf32>
        %swap3A_963 = vector.shape_cast %mul3A_957 : vector<16xf32> to vector<1x1x16xf32>
        tpu.vector_store %arg8[%swap3A_958, %swap3A_959, %swap3A_960], %swap3A_963 {strides = array<i32>} : memref<3x128x128xf32, #tpu.memory_space<vmem>>, vector<1x1x16xf32>,
        %get3A_964 = arith.index_cast %select_n3A_219 : i32 to index
        %get3A_965 = arith.index_cast %add3A_948 : i32 to index
        %get3A_966 = arith.constant 16 : index
        %get3A_967 = tpu.vector_load %arg8[%get3A_964, %get3A_965, %get3A_966] {strides = array<i32>} : memref<3x128x128xf32, #tpu.memory_space<vmem>>, vector<1x1x16xf32>,
        %get3A_968 = vector.shape_cast %get3A_967 : vector<1x1x16xf32> to vector<16xf32>
        %mul3A_969 = vector.broadcast %squeeze3A_950 : f32 to vector<16xf32>
        %mul3A_970 = arith.mulf %get3A_968, %mul3A_969 : vector<16xf32>
        %swap3A_971 = arith.index_cast %select_n3A_219 : i32 to index
        %swap3A_972 = arith.index_cast %add3A_948 : i32 to index
        %swap3A_973 = arith.constant 16 : index
        %swap3A_974 = tpu.vector_load %arg8[%swap3A_971, %swap3A_972, %swap3A_973] {strides = array<i32>} : memref<3x128x128xf32, #tpu.memory_space<vmem>>, vector<1x1x16xf32>,
        %swap3A_975 = vector.shape_cast %swap3A_974 : vector<1x1x16xf32> to vector<16xf32>
        %swap3A_976 = vector.shape_cast %mul3A_970 : vector<16xf32> to vector<1x1x16xf32>
        tpu.vector_store %arg8[%swap3A_971, %swap3A_972, %swap3A_973], %swap3A_976 {strides = array<i32>} : memref<3x128x128xf32, #tpu.memory_space<vmem>>, vector<1x1x16xf32>,
        %get3A_977 = arith.index_cast %select_n3A_219 : i32 to index
        %get3A_978 = arith.index_cast %add3A_948 : i32 to index
        %get3A_979 = arith.constant 32 : index
        %get3A_980 = tpu.vector_load %arg8[%get3A_977, %get3A_978, %get3A_979] {strides = array<i32>} : memref<3x128x128xf32, #tpu.memory_space<vmem>>, vector<1x1x16xf32>,
        %get3A_981 = vector.shape_cast %get3A_980 : vector<1x1x16xf32> to vector<16xf32>
        %mul3A_982 = vector.broadcast %squeeze3A_950 : f32 to vector<16xf32>
        %mul3A_983 = arith.mulf %get3A_981, %mul3A_982 : vector<16xf32>
        %swap3A_984 = arith.index_cast %select_n3A_219 : i32 to index
        %swap3A_985 = arith.index_cast %add3A_948 : i32 to index
        %swap3A_986 = arith.constant 32 : index
        %swap3A_987 = tpu.vector_load %arg8[%swap3A_984, %swap3A_985, %swap3A_986] {strides = array<i32>} : memref<3x128x128xf32, #tpu.memory_space<vmem>>, vector<1x1x16xf32>,
        %swap3A_988 = vector.shape_cast %swap3A_987 : vector<1x1x16xf32> to vector<16xf32>
        %swap3A_989 = vector.shape_cast %mul3A_983 : vector<16xf32> to vector<1x1x16xf32>
        tpu.vector_store %arg8[%swap3A_984, %swap3A_985, %swap3A_986], %swap3A_989 {strides = array<i32>} : memref<3x128x128xf32, #tpu.memory_space<vmem>>, vector<1x1x16xf32>,
        %mul3A_990 = arith.constant 16 : i32
        %mul3A_991 = arith.muli %scan3A_296, %mul3A_990 : i32
        %add3A_992 = arith.constant 15 : i32
        %add3A_993 = arith.addi %mul3A_991, %add3A_992 : i32
        %slice3A_994 = vector.extract_strided_slice %get3A_317 {offsets = [15], sizes = [1], strides = [1]} : vector<16xf32> to vector<1xf32>
        %squeeze3A_995 = vector.extract %slice3A_994[0] : f32 from vector<1xf32>
        %get3A_996 = arith.index_cast %select_n3A_219 : i32 to index
        %get3A_997 = arith.index_cast %add3A_993 : i32 to index
        %get3A_998 = arith.constant 0 : index
        %get3A_999 = tpu.vector_load %arg8[%get3A_996, %get3A_997, %get3A_998] {strides = array<i32>} : memref<3x128x128xf32, #tpu.memory_space<vmem>>, vector<1x1x16xf32>,
        %get3A_1000 = vector.shape_cast %get3A_999 : vector<1x1x16xf32> to vector<16xf32>
        %mul3A_1001 = vector.broadcast %squeeze3A_995 : f32 to vector<16xf32>
        %mul3A_1002 = arith.mulf %get3A_1000, %mul3A_1001 : vector<16xf32>
        %swap3A_1003 = arith.index_cast %select_n3A_219 : i32 to index
        %swap3A_1004 = arith.index_cast %add3A_993 : i32 to index
        %swap3A_1005 = arith.constant 0 : index
        %swap3A_1006 = tpu.vector_load %arg8[%swap3A_1003, %swap3A_1004, %swap3A_1005] {strides = array<i32>} : memref<3x128x128xf32, #tpu.memory_space<vmem>>, vector<1x1x16xf32>,
        %swap3A_1007 = vector.shape_cast %swap3A_1006 : vector<1x1x16xf32> to vector<16xf32>
        %swap3A_1008 = vector.shape_cast %mul3A_1002 : vector<16xf32> to vector<1x1x16xf32>
        tpu.vector_store %arg8[%swap3A_1003, %swap3A_1004, %swap3A_1005], %swap3A_1008 {strides = array<i32>} : memref<3x128x128xf32, #tpu.memory_space<vmem>>, vector<1x1x16xf32>,
        %get3A_1009 = arith.index_cast %select_n3A_219 : i32 to index
        %get3A_1010 = arith.index_cast %add3A_993 : i32 to index
        %get3A_1011 = arith.constant 16 : index
        %get3A_1012 = tpu.vector_load %arg8[%get3A_1009, %get3A_1010, %get3A_1011] {strides = array<i32>} : memref<3x128x128xf32, #tpu.memory_space<vmem>>, vector<1x1x16xf32>,
        %get3A_1013 = vector.shape_cast %get3A_1012 : vector<1x1x16xf32> to vector<16xf32>
        %mul3A_1014 = vector.broadcast %squeeze3A_995 : f32 to vector<16xf32>
        %mul3A_1015 = arith.mulf %get3A_1013, %mul3A_1014 : vector<16xf32>
        %swap3A_1016 = arith.index_cast %select_n3A_219 : i32 to index
        %swap3A_1017 = arith.index_cast %add3A_993 : i32 to index
        %swap3A_1018 = arith.constant 16 : index
        %swap3A_1019 = tpu.vector_load %arg8[%swap3A_1016, %swap3A_1017, %swap3A_1018] {strides = array<i32>} : memref<3x128x128xf32, #tpu.memory_space<vmem>>, vector<1x1x16xf32>,
        %swap3A_1020 = vector.shape_cast %swap3A_1019 : vector<1x1x16xf32> to vector<16xf32>
        %swap3A_1021 = vector.shape_cast %mul3A_1015 : vector<16xf32> to vector<1x1x16xf32>
        tpu.vector_store %arg8[%swap3A_1016, %swap3A_1017, %swap3A_1018], %swap3A_1021 {strides = array<i32>} : memref<3x128x128xf32, #tpu.memory_space<vmem>>, vector<1x1x16xf32>,
        %get3A_1022 = arith.index_cast %select_n3A_219 : i32 to index
        %get3A_1023 = arith.index_cast %add3A_993 : i32 to index
        %get3A_1024 = arith.constant 32 : index
        %get3A_1025 = tpu.vector_load %arg8[%get3A_1022, %get3A_1023, %get3A_1024] {strides = array<i32>} : memref<3x128x128xf32, #tpu.memory_space<vmem>>, vector<1x1x16xf32>,
        %get3A_1026 = vector.shape_cast %get3A_1025 : vector<1x1x16xf32> to vector<16xf32>
        %mul3A_1027 = vector.broadcast %squeeze3A_995 : f32 to vector<16xf32>
        %mul3A_1028 = arith.mulf %get3A_1026, %mul3A_1027 : vector<16xf32>
        %swap3A_1029 = arith.index_cast %select_n3A_219 : i32 to index
        %swap3A_1030 = arith.index_cast %add3A_993 : i32 to index
        %swap3A_1031 = arith.constant 32 : index
        %swap3A_1032 = tpu.vector_load %arg8[%swap3A_1029, %swap3A_1030, %swap3A_1031] {strides = array<i32>} : memref<3x128x128xf32, #tpu.memory_space<vmem>>, vector<1x1x16xf32>,
        %swap3A_1033 = vector.shape_cast %swap3A_1032 : vector<1x1x16xf32> to vector<16xf32>
        %swap3A_1034 = vector.shape_cast %mul3A_1028 : vector<16xf32> to vector<1x1x16xf32>
        tpu.vector_store %arg8[%swap3A_1029, %swap3A_1030, %swap3A_1031], %swap3A_1034 {strides = array<i32>} : memref<3x128x128xf32, #tpu.memory_space<vmem>>, vector<1x1x16xf32>,
      }
      %scan3A_266 = arith.constant 8 : i32
      %jit3A_267 = arith.constant 4 : i32
      %eq3A_268 = arith.constant 0 : i32
      %eq3A_269 = arith.cmpi eq, %jit3A_267, %eq3A_268 : i32
      %jit3A_270 = arith.constant 1 : i32
      %select_n3A_271 = arith.select %eq3A_269, %jit3A_270, %jit3A_267 : i32
      %rem3A_272 = arith.remsi %scan3A_209, %select_n3A_271 : i32
      %ne3A_273 = arith.constant 0 : i32
      %ne3A_274 = arith.cmpi ne, %rem3A_272, %ne3A_273 : i32
      %lt3A_275 = arith.constant 0 : i32
      %lt3A_276 = arith.cmpi slt, %rem3A_272, %lt3A_275 : i32
      %lt3A_277 = arith.constant 0 : i32
      %lt3A_278 = arith.cmpi slt, %select_n3A_271, %lt3A_277 : i32
      %ne3A_279 = arith.xori %lt3A_276, %lt3A_278 : i1
      %and3A_280 = arith.andi %ne3A_279, %ne3A_274 : i1
      %add3A_281 = arith.addi %rem3A_272, %select_n3A_271 : i32
      %select_n3A_282 = arith.select %and3A_280, %add3A_281, %rem3A_272 : i32
      %dma_start3A_283 = arith.constant 1 : i32
      %dma_start3A_284 = arith.constant 0 : i32
      %dma_start3A_285 = arith.constant 0 : i32
      %dma_start3A_286 = tpu.memref_slice %arg8[%select_n3A_219, %dma_start3A_284, %dma_start3A_285] : memref<3x128x128xf32, #tpu.memory_space<vmem>> -> memref<1x128x128xf32, #tpu.memory_space<vmem>>
      %dma_start3A_287 = tpu.memref_squeeze %dma_start3A_286 : memref<1x128x128xf32, #tpu.memory_space<vmem>> -> memref<128x128xf32, #tpu.memory_space<vmem>>
      %dma_start3A_288 = arith.constant 0 : i32
      %dma_start3A_289 = tpu.memref_slice %arg6[%select_n3A_282, %dma_start3A_283, %dma_start3A_288] : memref<4x2x128xi32, #tpu.memory_space<vmem>> -> memref<1x1x128xi32, #tpu.memory_space<vmem>>
      %dma_start3A_290 = tpu.memref_squeeze %dma_start3A_289 : memref<1x1x128xi32, #tpu.memory_space<vmem>> -> memref<128xi32, #tpu.memory_space<vmem>>
      %dma_start3A_291 = arith.constant 0 : i32
      %dma_start3A_292 = arith.constant 0 : i32
      %dma_start3A_293 = tpu.memref_slice %arg9[%dma_start3A_291, %dma_start3A_292] : memref<10000x128xf32, #tpu.memory_space<vmem_shared>> -> memref<10000x128xf32, #tpu.memory_space<vmem_shared>>
      %dma_start3A_294 = tpu.memref_slice %arg13[%select_n3A_219] : memref<3x!tpu.dma_semaphore, #tpu.memory_space<semaphore_mem>> -> memref<1x!tpu.dma_semaphore, #tpu.memory_space<semaphore_mem>>
      %dma_start3A_295 = tpu.memref_squeeze %dma_start3A_294 : memref<1x!tpu.dma_semaphore, #tpu.memory_space<semaphore_mem>> -> memref<!tpu.dma_semaphore, #tpu.memory_space<semaphore_mem>>
      tpu.enqueue_indirect_dma source(%dma_start3A_287 : memref<128x128xf32, #tpu.memory_space<vmem>>) target(%dma_start3A_293 : memref<10000x128xf32, #tpu.memory_space<vmem_shared>>) offsets(%dma_start3A_290 : memref<128xi32, #tpu.memory_space<vmem>>) semaphore(%dma_start3A_295 : memref<!tpu.dma_semaphore, #tpu.memory_space<semaphore_mem>>) {add = true}
    }
    %scan3A_147 = arith.constant 80 : i32
    %dma_wait3A_148 = arith.constant 0 : i32
    %dma_wait3A_149 = arith.constant 0 : i32
    %dma_wait3A_150 = arith.constant 0 : i32
    %dma_wait3A_151 = arith.constant 0 : i32
    %dma_wait3A_152 = tpu.memref_slice %arg8[%dma_wait3A_148, %dma_wait3A_150, %dma_wait3A_151] : memref<3x128x128xf32, #tpu.memory_space<vmem>> -> memref<1x128x128xf32, #tpu.memory_space<vmem>>
    %dma_wait3A_153 = tpu.memref_squeeze %dma_wait3A_152 : memref<1x128x128xf32, #tpu.memory_space<vmem>> -> memref<128x128xf32, #tpu.memory_space<vmem>>
    %dma_wait3A_154 = arith.constant 0 : i32
    %dma_wait3A_155 = arith.constant 0 : i32
    %dma_wait3A_156 = tpu.memref_slice %arg2[%dma_wait3A_154, %dma_wait3A_155] : memref<10000x128xf32, #tpu.memory_space<hbm>> -> memref<128x128xf32, #tpu.memory_space<hbm>>
    %dma_wait3A_157 = tpu.memref_slice %arg13[%dma_wait3A_149] : memref<3x!tpu.dma_semaphore, #tpu.memory_space<semaphore_mem>> -> memref<1x!tpu.dma_semaphore, #tpu.memory_space<semaphore_mem>>
    %dma_wait3A_158 = tpu.memref_squeeze %dma_wait3A_157 : memref<1x!tpu.dma_semaphore, #tpu.memory_space<semaphore_mem>> -> memref<!tpu.dma_semaphore, #tpu.memory_space<semaphore_mem>>
    %dma_wait3A_159 = arith.constant 0 : i32
    %dma_wait3A_160 = arith.constant 0 : i32
    %dma_wait3A_161 = tpu.memref_slice %arg8[%dma_wait3A_148, %dma_wait3A_159, %dma_wait3A_160] : memref<3x128x128xf32, #tpu.memory_space<vmem>> -> memref<1x128x128xf32, #tpu.memory_space<vmem>>
    %dma_wait3A_162 = tpu.memref_squeeze %dma_wait3A_161 : memref<1x128x128xf32, #tpu.memory_space<vmem>> -> memref<128x128xf32, #tpu.memory_space<vmem>>
    %dma_wait3A_163 = arith.constant 0 : i32
    %dma_wait3A_164 = arith.constant 0 : i32
    %dma_wait3A_165 = tpu.memref_slice %arg2[%dma_wait3A_163, %dma_wait3A_164] : memref<10000x128xf32, #tpu.memory_space<hbm>> -> memref<128x128xf32, #tpu.memory_space<hbm>>
    tpu.wait_dma2 semaphore(%dma_wait3A_158 : memref<!tpu.dma_semaphore, #tpu.memory_space<semaphore_mem>>) src(%dma_wait3A_165 : memref<128x128xf32, #tpu.memory_space<hbm>>) dst(%dma_wait3A_162 : memref<128x128xf32, #tpu.memory_space<vmem>>)
    %dma_wait3A_166 = arith.constant 1 : i32
    %dma_wait3A_167 = arith.constant 1 : i32
    %dma_wait3A_168 = arith.constant 0 : i32
    %dma_wait3A_169 = arith.constant 0 : i32
    %dma_wait3A_170 = tpu.memref_slice %arg8[%dma_wait3A_166, %dma_wait3A_168, %dma_wait3A_169] : memref<3x128x128xf32, #tpu.memory_space<vmem>> -> memref<1x128x128xf32, #tpu.memory_space<vmem>>
    %dma_wait3A_171 = tpu.memref_squeeze %dma_wait3A_170 : memref<1x128x128xf32, #tpu.memory_space<vmem>> -> memref<128x128xf32, #tpu.memory_space<vmem>>
    %dma_wait3A_172 = arith.constant 0 : i32
    %dma_wait3A_173 = arith.constant 0 : i32
    %dma_wait3A_174 = tpu.memref_slice %arg2[%dma_wait3A_172, %dma_wait3A_173] : memref<10000x128xf32, #tpu.memory_space<hbm>> -> memref<128x128xf32, #tpu.memory_space<hbm>>
    %dma_wait3A_175 = tpu.memref_slice %arg13[%dma_wait3A_167] : memref<3x!tpu.dma_semaphore, #tpu.memory_space<semaphore_mem>> -> memref<1x!tpu.dma_semaphore, #tpu.memory_space<semaphore_mem>>
    %dma_wait3A_176 = tpu.memref_squeeze %dma_wait3A_175 : memref<1x!tpu.dma_semaphore, #tpu.memory_space<semaphore_mem>> -> memref<!tpu.dma_semaphore, #tpu.memory_space<semaphore_mem>>
    %dma_wait3A_177 = arith.constant 0 : i32
    %dma_wait3A_178 = arith.constant 0 : i32
    %dma_wait3A_179 = tpu.memref_slice %arg8[%dma_wait3A_166, %dma_wait3A_177, %dma_wait3A_178] : memref<3x128x128xf32, #tpu.memory_space<vmem>> -> memref<1x128x128xf32, #tpu.memory_space<vmem>>
    %dma_wait3A_180 = tpu.memref_squeeze %dma_wait3A_179 : memref<1x128x128xf32, #tpu.memory_space<vmem>> -> memref<128x128xf32, #tpu.memory_space<vmem>>
    %dma_wait3A_181 = arith.constant 0 : i32
    %dma_wait3A_182 = arith.constant 0 : i32
    %dma_wait3A_183 = tpu.memref_slice %arg2[%dma_wait3A_181, %dma_wait3A_182] : memref<10000x128xf32, #tpu.memory_space<hbm>> -> memref<128x128xf32, #tpu.memory_space<hbm>>
    tpu.wait_dma2 semaphore(%dma_wait3A_176 : memref<!tpu.dma_semaphore, #tpu.memory_space<semaphore_mem>>) src(%dma_wait3A_183 : memref<128x128xf32, #tpu.memory_space<hbm>>) dst(%dma_wait3A_180 : memref<128x128xf32, #tpu.memory_space<vmem>>)
    %dma_wait3A_184 = arith.constant 2 : i32
    %dma_wait3A_185 = arith.constant 2 : i32
    %dma_wait3A_186 = arith.constant 0 : i32
    %dma_wait3A_187 = arith.constant 0 : i32
    %dma_wait3A_188 = tpu.memref_slice %arg8[%dma_wait3A_184, %dma_wait3A_186, %dma_wait3A_187] : memref<3x128x128xf32, #tpu.memory_space<vmem>> -> memref<1x128x128xf32, #tpu.memory_space<vmem>>
    %dma_wait3A_189 = tpu.memref_squeeze %dma_wait3A_188 : memref<1x128x128xf32, #tpu.memory_space<vmem>> -> memref<128x128xf32, #tpu.memory_space<vmem>>
    %dma_wait3A_190 = arith.constant 0 : i32
    %dma_wait3A_191 = arith.constant 0 : i32
    %dma_wait3A_192 = tpu.memref_slice %arg2[%dma_wait3A_190, %dma_wait3A_191] : memref<10000x128xf32, #tpu.memory_space<hbm>> -> memref<128x128xf32, #tpu.memory_space<hbm>>
    %dma_wait3A_193 = tpu.memref_slice %arg13[%dma_wait3A_185] : memref<3x!tpu.dma_semaphore, #tpu.memory_space<semaphore_mem>> -> memref<1x!tpu.dma_semaphore, #tpu.memory_space<semaphore_mem>>
    %dma_wait3A_194 = tpu.memref_squeeze %dma_wait3A_193 : memref<1x!tpu.dma_semaphore, #tpu.memory_space<semaphore_mem>> -> memref<!tpu.dma_semaphore, #tpu.memory_space<semaphore_mem>>
    %dma_wait3A_195 = arith.constant 0 : i32
    %dma_wait3A_196 = arith.constant 0 : i32
    %dma_wait3A_197 = tpu.memref_slice %arg8[%dma_wait3A_184, %dma_wait3A_195, %dma_wait3A_196] : memref<3x128x128xf32, #tpu.memory_space<vmem>> -> memref<1x128x128xf32, #tpu.memory_space<vmem>>
    %dma_wait3A_198 = tpu.memref_squeeze %dma_wait3A_197 : memref<1x128x128xf32, #tpu.memory_space<vmem>> -> memref<128x128xf32, #tpu.memory_space<vmem>>
    %dma_wait3A_199 = arith.constant 0 : i32
    %dma_wait3A_200 = arith.constant 0 : i32
    %dma_wait3A_201 = tpu.memref_slice %arg2[%dma_wait3A_199, %dma_wait3A_200] : memref<10000x128xf32, #tpu.memory_space<hbm>> -> memref<128x128xf32, #tpu.memory_space<hbm>>
    tpu.wait_dma2 semaphore(%dma_wait3A_194 : memref<!tpu.dma_semaphore, #tpu.memory_space<semaphore_mem>>) src(%dma_wait3A_201 : memref<128x128xf32, #tpu.memory_space<hbm>>) dst(%dma_wait3A_198 : memref<128x128xf32, #tpu.memory_space<vmem>>)
    %barrier3A_202 = arith.constant 0 : index
    tpu.barrier barrier_id(%barrier3A_202)
    %scan3A_203 = arith.constant 0 : i32
    %scan3A_204 = arith.constant 0 : i32
    %scan3A_205 = arith.constant 8 : i32
    %scan3A_206 = arith.addi %scan3A_204, %scan3A_205 : i32
    %scan3A_207 = arith.constant 1 : i32
    scf.for %scan3A_209 = %scan3A_204 to %scan3A_206 step %scan3A_207  : i32 {
      %mul3A_210 = arith.constant 16 : i32
      %mul3A_211 = arith.muli %scan3A_209, %mul3A_210 : i32
      %add3A_212 = arith.addi %arg1, %mul3A_211 : i32
      %lt3A = arith.constant 125 : i32
      %lt3A_213 = arith.cmpi slt, %add3A_212, %lt3A : i32
      %convert_element_type3A_214 = arith.extui %lt3A_213 : i1 to i32
      %cond3A_215 = arith.constant 0 : i32
      %cond3A_216 = arith.cmpi ne, %convert_element_type3A_214, %cond3A_215 : i32
      scf.if %cond3A_216 {
        %mul3A_217 = arith.constant 80 : i32
        %mul3A_218 = arith.muli %add3A_212, %mul3A_217 : i32
        "tpu.region"() ({
          %run_scoped3A = tpu.sem_alloc : memref<!tpu.dma_semaphore, #tpu.memory_space<semaphore_mem>>
          %dma_start3A_219 = arith.constant 0 : i32
          %dma_start3A_220 = tpu.memref_slice %arg5[%arg0, %mul3A_218, %dma_start3A_219] : memref<2x10000x128xf32, #tpu.memory_space<hbm>> -> memref<1x80x128xf32, #tpu.memory_space<hbm>>
          %dma_start3A_221 = tpu.memref_squeeze %dma_start3A_220 : memref<1x80x128xf32, #tpu.memory_space<hbm>> -> memref<80x128xf32, #tpu.memory_space<hbm>>
          %dma_start3A_222 = arith.constant 0 : i32
          %dma_start3A_223 = tpu.memref_slice %arg9[%mul3A_218, %dma_start3A_222] : memref<10000x128xf32, #tpu.memory_space<vmem_shared>> -> memref<80x128xf32, #tpu.memory_space<vmem_shared>>
          tpu.enqueue_dma source(%dma_start3A_223 : memref<80x128xf32, #tpu.memory_space<vmem_shared>>) target(%dma_start3A_221 : memref<80x128xf32, #tpu.memory_space<hbm>>) target_semaphore(%run_scoped3A : memref<!tpu.dma_semaphore, #tpu.memory_space<semaphore_mem>>)
          %dma_wait3A_224 = arith.constant 0 : i32
          %dma_wait3A_225 = tpu.memref_slice %arg5[%arg0, %mul3A_218, %dma_wait3A_224] : memref<2x10000x128xf32, #tpu.memory_space<hbm>> -> memref<1x80x128xf32, #tpu.memory_space<hbm>>
          %dma_wait3A_226 = tpu.memref_squeeze %dma_wait3A_225 : memref<1x80x128xf32, #tpu.memory_space<hbm>> -> memref<80x128xf32, #tpu.memory_space<hbm>>
          %dma_wait3A_227 = arith.constant 0 : i32
          %dma_wait3A_228 = tpu.memref_slice %arg9[%mul3A_218, %dma_wait3A_227] : memref<10000x128xf32, #tpu.memory_space<vmem_shared>> -> memref<80x128xf32, #tpu.memory_space<vmem_shared>>
          tpu.wait_dma2 semaphore(%run_scoped3A : memref<!tpu.dma_semaphore, #tpu.memory_space<semaphore_mem>>) src(%dma_wait3A_228 : memref<80x128xf32, #tpu.memory_space<vmem_shared>>) dst(%dma_wait3A_226 : memref<80x128xf32, #tpu.memory_space<hbm>>)
          tpu.yield
        }) : () -> ()
      } else {
      }
    }
    %scan3A_208 = arith.constant 8 : i32
    return
  }
}

module attributes {stable_mosaic.version = 14 : i64} {
  func.func @_tc1_body(%arg0: i32, %arg1: memref<1000x128xf32, #tpu.memory_space<vmem>>, %arg2: memref<1000x128xf32, #tpu.memory_space<vmem>>, %arg3: memref<1000x128xf32, #tpu.memory_space<vmem>>, %arg4: memref<128x256xf32, #tpu.memory_space<vmem>>, %arg5: memref<1x256xf32, #tpu.memory_space<vmem>>, %arg6: memref<128x256xf32, #tpu.memory_space<vmem>>, %arg7: memref<256x128xf32, #tpu.memory_space<vmem>>, %arg8: memref<256x128xf32, #tpu.memory_space<vmem>>, %arg9: memref<1000x128xf32, #tpu.memory_space<vmem>>, %arg10: memref<1000x128xf32, #tpu.memory_space<vmem>>) attributes {dimension_semantics = [#tpu.dimension_semantics<arbitrary>], iteration_bounds = array<i64: 10>, scalar_prefetch = 0 : i64, scratch_operands = 0 : i64, tpu.core_type = #tpu.core_type<tc>, window_params = [{transform_indices = @transform_0, window_bounds = array<i64: 1000, 128>}, {transform_indices = @transform_1, window_bounds = array<i64: 1000, 128>}, {transform_indices = @transform_2, window_bounds = array<i64: 1000, 128>}, {pipeline_mode = #tpu.pipeline_mode<synchronous>, transform_indices = @transform_3, window_bounds = array<i64: 128, 256>}, {pipeline_mode = #tpu.pipeline_mode<synchronous>, transform_indices = @transform_4, window_bounds = array<i64: 1, 256>}, {pipeline_mode = #tpu.pipeline_mode<synchronous>, transform_indices = @transform_5, window_bounds = array<i64: 128, 256>}, {pipeline_mode = #tpu.pipeline_mode<synchronous>, transform_indices = @transform_6, window_bounds = array<i64: 256, 128>}, {pipeline_mode = #tpu.pipeline_mode<synchronous>, transform_indices = @transform_7, window_bounds = array<i64: 256, 128>}, {transform_indices = @transform_8, window_bounds = array<i64: 1000, 128>}, {transform_indices = @transform_9, window_bounds = array<i64: 1000, 128>}]} {
    %get3A = arith.constant 0 : index
    %get3A_0 = arith.constant 0 : index
    %get3A_1 = vector.load %arg2[%get3A, %get3A_0] : memref<1000x128xf32, #tpu.memory_space<vmem>>, vector<1000x128xf32>
    %get3A_2 = arith.constant 0 : index
    %get3A_3 = arith.constant 0 : index
    %get3A_4 = vector.load %arg3[%get3A_2, %get3A_3] : memref<1000x128xf32, #tpu.memory_space<vmem>>, vector<1000x128xf32>
    %add3A = arith.addf %get3A_1, %get3A_4 : vector<1000x128xf32>
    %get3A_5 = arith.constant 0 : index
    %get3A_6 = arith.constant 0 : index
    %get3A_7 = vector.load %arg4[%get3A_5, %get3A_6] : memref<128x256xf32, #tpu.memory_space<vmem>>, vector<128x256xf32>
    %dot_general3A = arith.constant dense<0.000000e+00> : vector<1000x256xf32>
    %dot_general3A_8 = tpu.matmul %add3A, %get3A_7, %dot_general3A {dimension_numbers = #tpu.dot_dimension_numbers<[1], [0], [0], [1], [0, 0, 1, 1], [], []>, transpose_lhs_hint = false} : vector<1000x128xf32>, vector<128x256xf32>, vector<1000x256xf32> -> vector<1000x256xf32>
    %get3A_9 = arith.constant 0 : index
    %get3A_10 = arith.constant 0 : index
    %get3A_11 = vector.load %arg1[%get3A_9, %get3A_10] : memref<1000x128xf32, #tpu.memory_space<vmem>>, vector<1000x128xf32>
    %get3A_12 = arith.constant 0 : index
    %get3A_13 = arith.constant 0 : index
    %get3A_14 = vector.load %arg6[%get3A_12, %get3A_13] : memref<128x256xf32, #tpu.memory_space<vmem>>, vector<128x256xf32>
    %dot_general3A_15 = arith.constant dense<0.000000e+00> : vector<1000x256xf32>
    %dot_general3A_16 = tpu.matmul %get3A_11, %get3A_14, %dot_general3A_15 {dimension_numbers = #tpu.dot_dimension_numbers<[1], [0], [0], [1], [0, 0, 1, 1], [], []>, transpose_lhs_hint = false} : vector<1000x128xf32>, vector<128x256xf32>, vector<1000x256xf32> -> vector<1000x256xf32>
    %add3A_17 = arith.addf %dot_general3A_8, %dot_general3A_16 : vector<1000x256xf32>
    %get3A_18 = arith.constant 0 : index
    %get3A_19 = arith.constant 0 : index
    %get3A_20 = vector.load %arg5[%get3A_18, %get3A_19] : memref<1x256xf32, #tpu.memory_space<vmem>>, vector<1x256xf32>
    %add3A_21 = vector.broadcast %get3A_20 : vector<1x256xf32> to vector<1000x256xf32>
    %add3A_22 = arith.addf %add3A_17, %add3A_21 : vector<1000x256xf32>
    %max3A = arith.constant 0.000000e+00 : f32
    %max3A_23 = vector.broadcast %max3A : f32 to vector<1000x256xf32>
    %max3A_24 = arith.maximumf %add3A_22, %max3A_23 : vector<1000x256xf32>
    %get3A_25 = arith.constant 0 : index
    %get3A_26 = arith.constant 0 : index
    %get3A_27 = vector.load %arg7[%get3A_25, %get3A_26] : memref<256x128xf32, #tpu.memory_space<vmem>>, vector<256x128xf32>
    %dot_general3A_28 = arith.constant dense<0.000000e+00> : vector<1000x128xf32>
    %dot_general3A_29 = tpu.matmul %max3A_24, %get3A_27, %dot_general3A_28 {dimension_numbers = #tpu.dot_dimension_numbers<[1], [0], [0], [1], [0, 0, 1, 1], [], []>, transpose_lhs_hint = false} : vector<1000x256xf32>, vector<256x128xf32>, vector<1000x128xf32> -> vector<1000x128xf32>
    %swap3A = arith.constant 0 : index
    %swap3A_30 = arith.constant 0 : index
    %swap3A_31 = vector.load %arg9[%swap3A, %swap3A_30] : memref<1000x128xf32, #tpu.memory_space<vmem>>, vector<1000x128xf32>
    tpu.vector_store %arg9[%swap3A, %swap3A_30], %dot_general3A_29 {strides = array<i32>} : memref<1000x128xf32, #tpu.memory_space<vmem>>, vector<1000x128xf32>,
    %get3A_32 = arith.constant 0 : index
    %get3A_33 = arith.constant 0 : index
    %get3A_34 = vector.load %arg8[%get3A_32, %get3A_33] : memref<256x128xf32, #tpu.memory_space<vmem>>, vector<256x128xf32>
    %dot_general3A_35 = arith.constant dense<0.000000e+00> : vector<1000x128xf32>
    %dot_general3A_36 = tpu.matmul %max3A_24, %get3A_34, %dot_general3A_35 {dimension_numbers = #tpu.dot_dimension_numbers<[1], [0], [0], [1], [0, 0, 1, 1], [], []>, transpose_lhs_hint = false} : vector<1000x256xf32>, vector<256x128xf32>, vector<1000x128xf32> -> vector<1000x128xf32>
    %swap3A_37 = arith.constant 0 : index
    %swap3A_38 = arith.constant 0 : index
    %swap3A_39 = vector.load %arg10[%swap3A_37, %swap3A_38] : memref<1000x128xf32, #tpu.memory_space<vmem>>, vector<1000x128xf32>
    tpu.vector_store %arg10[%swap3A_37, %swap3A_38], %dot_general3A_36 {strides = array<i32>} : memref<1000x128xf32, #tpu.memory_space<vmem>>, vector<1000x128xf32>,
    return
  }
  func.func @transform_0(%arg0: i32) -> (i32, i32) {
    %c0_i32 = arith.constant 0 : i32
    %c0_i32_0 = arith.constant 0 : i32
    return %arg0, %c0_i32 : i32, i32
  }
  func.func @transform_1(%arg0: i32) -> (i32, i32) {
    %c0_i32 = arith.constant 0 : i32
    %c0_i32_0 = arith.constant 0 : i32
    return %arg0, %c0_i32 : i32, i32
  }
  func.func @transform_2(%arg0: i32) -> (i32, i32) {
    %c0_i32 = arith.constant 0 : i32
    %c0_i32_0 = arith.constant 0 : i32
    return %arg0, %c0_i32 : i32, i32
  }
  func.func @transform_3(%arg0: i32) -> (i32, i32) {
    %c0_i32 = arith.constant 0 : i32
    %c0_i32_0 = arith.constant 0 : i32
    %c0_i32_1 = arith.constant 0 : i32
    return %c0_i32, %c0_i32_0 : i32, i32
  }
  func.func @transform_4(%arg0: i32) -> (i32, i32) {
    %c0_i32 = arith.constant 0 : i32
    %c0_i32_0 = arith.constant 0 : i32
    %c0_i32_1 = arith.constant 0 : i32
    return %c0_i32, %c0_i32_0 : i32, i32
  }
  func.func @transform_5(%arg0: i32) -> (i32, i32) {
    %c0_i32 = arith.constant 0 : i32
    %c0_i32_0 = arith.constant 0 : i32
    %c0_i32_1 = arith.constant 0 : i32
    return %c0_i32, %c0_i32_0 : i32, i32
  }
  func.func @transform_6(%arg0: i32) -> (i32, i32) {
    %c0_i32 = arith.constant 0 : i32
    %c0_i32_0 = arith.constant 0 : i32
    %c0_i32_1 = arith.constant 0 : i32
    return %c0_i32, %c0_i32_0 : i32, i32
  }
  func.func @transform_7(%arg0: i32) -> (i32, i32) {
    %c0_i32 = arith.constant 0 : i32
    %c0_i32_0 = arith.constant 0 : i32
    %c0_i32_1 = arith.constant 0 : i32
    return %c0_i32, %c0_i32_0 : i32, i32
  }
  func.func @transform_8(%arg0: i32) -> (i32, i32) {
    %c0_i32 = arith.constant 0 : i32
    %c0_i32_0 = arith.constant 0 : i32
    return %arg0, %c0_i32 : i32, i32
  }
  func.func @transform_9(%arg0: i32) -> (i32, i32) {
    %c0_i32 = arith.constant 0 : i32
    %c0_i32_0 = arith.constant 0 : i32
    return %arg0, %c0_i32 : i32, i32
  }
}

module attributes {stable_mosaic.version = 14 : i64} {
  func.func @_tc2_body(%arg0: i32, %arg1: memref<1000x128xf32, #tpu.memory_space<vmem>>, %arg2: memref<1000x128xf32, #tpu.memory_space<vmem>>, %arg3: memref<1000x128xf32, #tpu.memory_space<vmem>>, %arg4: memref<1x128xf32, #tpu.memory_space<vmem>>, %arg5: memref<1000x128xf32, #tpu.memory_space<vmem>>) attributes {dimension_semantics = [#tpu.dimension_semantics<arbitrary>], iteration_bounds = array<i64: 10>, scalar_prefetch = 0 : i64, scratch_operands = 0 : i64, tpu.core_type = #tpu.core_type<tc>, window_params = [{transform_indices = @transform_0, window_bounds = array<i64: 1000, 128>}, {transform_indices = @transform_1, window_bounds = array<i64: 1000, 128>}, {transform_indices = @transform_2, window_bounds = array<i64: 1000, 128>}, {pipeline_mode = #tpu.pipeline_mode<synchronous>, transform_indices = @transform_3, window_bounds = array<i64: 1, 128>}, {transform_indices = @transform_4, window_bounds = array<i64: 1000, 128>}]} {
    %get3A = arith.constant 0 : index
    %get3A_0 = arith.constant 0 : index
    %get3A_1 = vector.load %arg1[%get3A, %get3A_0] : memref<1000x128xf32, #tpu.memory_space<vmem>>, vector<1000x128xf32>
    %get3A_2 = arith.constant 0 : index
    %get3A_3 = arith.constant 0 : index
    %get3A_4 = vector.load %arg2[%get3A_2, %get3A_3] : memref<1000x128xf32, #tpu.memory_space<vmem>>, vector<1000x128xf32>
    %add3A = arith.addf %get3A_1, %get3A_4 : vector<1000x128xf32>
    %get3A_5 = arith.constant 0 : index
    %get3A_6 = arith.constant 0 : index
    %get3A_7 = vector.load %arg3[%get3A_5, %get3A_6] : memref<1000x128xf32, #tpu.memory_space<vmem>>, vector<1000x128xf32>
    %add3A_8 = arith.addf %add3A, %get3A_7 : vector<1000x128xf32>
    %get3A_9 = arith.constant 0 : index
    %get3A_10 = arith.constant 0 : index
    %get3A_11 = vector.load %arg4[%get3A_9, %get3A_10] : memref<1x128xf32, #tpu.memory_space<vmem>>, vector<1x128xf32>
    %add3A_12 = vector.broadcast %get3A_11 : vector<1x128xf32> to vector<1000x128xf32>
    %add3A_13 = arith.addf %add3A_8, %add3A_12 : vector<1000x128xf32>
    %swap3A = arith.constant 0 : index
    %swap3A_14 = arith.constant 0 : index
    %swap3A_15 = vector.load %arg5[%swap3A, %swap3A_14] : memref<1000x128xf32, #tpu.memory_space<vmem>>, vector<1000x128xf32>
    tpu.vector_store %arg5[%swap3A, %swap3A_14], %add3A_13 {strides = array<i32>} : memref<1000x128xf32, #tpu.memory_space<vmem>>, vector<1000x128xf32>,
    return
  }
  func.func @transform_0(%arg0: i32) -> (i32, i32) {
    %c0_i32 = arith.constant 0 : i32
    %c0_i32_0 = arith.constant 0 : i32
    return %arg0, %c0_i32 : i32, i32
  }
  func.func @transform_1(%arg0: i32) -> (i32, i32) {
    %c0_i32 = arith.constant 0 : i32
    %c0_i32_0 = arith.constant 0 : i32
    return %arg0, %c0_i32 : i32, i32
  }
  func.func @transform_2(%arg0: i32) -> (i32, i32) {
    %c0_i32 = arith.constant 0 : i32
    %c0_i32_0 = arith.constant 0 : i32
    return %arg0, %c0_i32 : i32, i32
  }
  func.func @transform_3(%arg0: i32) -> (i32, i32) {
    %c0_i32 = arith.constant 0 : i32
    %c0_i32_0 = arith.constant 0 : i32
    %c0_i32_1 = arith.constant 0 : i32
    return %c0_i32, %c0_i32_0 : i32, i32
  }
  func.func @transform_4(%arg0: i32) -> (i32, i32) {
    %c0_i32 = arith.constant 0 : i32
    %c0_i32_0 = arith.constant 0 : i32
    return %arg0, %c0_i32 : i32, i32
  }
}

</mosaic_0001>

<sc_bundles>
// kernel: kernel.6.cloned.1.call-start
scs
__scs_entry_jumppad:
0x0: {  	(pc) =	sbr.rel $0x88, $3  }
0x1: {  	(tag) =	ssettag $0x0;
	lr =	simm.s32 $0x1  }
0x2: {  	[smem:$0x3F98] =	sst lr;
	_ =	strace $0xD0000000  }
0x3: {  	_ = 	snop  }
0x4: {  	_ = 	snop  }
0x5: {  	_ = 	snop  }
0x6: {  	_ = 	snop  }
0x7: {  	_ = 	snop  }
__scs_overlays_trampoline_lowered:
0x8: {  	[smem:$0x3FA7] =	sst s0  }
0x9: {  	[smem:$0x3FA8] =	sst s1  }
0xa: {  	[smem:$0x3FA9] =	sst s2  }
0xb: {  	[smem:$0x3FAA] =	sst s3  }
0xc: {  	[smem:$0x3FAB] =	sst s4  }
0xd: {  	[smem:$0x3FAC] =	sst s5  }
0xe: {  	[smem:$0x3FAD] =	sst s6  }
0xf: {  	[smem:$0x3FAE] =	sst s7  }
0x10: {  	[smem:$0x3FAF] =	sst s8  }
0x11: {  	[smem:$0x3FB0] =	sst s9;
	s0 =	simm.s32 @!p0 $0x0  }
0x12: {  	s1 =	sld [smem:$0x3F96];
	s0 =	simm.s32 @p0 $0x1  }
0x13: {  	[smem:$0x3FB1] =	sst s0;
	s0 =	simm.s32 @!p1 $0x0  }
0x14: {  	s2 =	sld [smem:$0x3F95];
	s0 =	simm.s32 @p1 $0x1  }
0x15: {  	[smem:$0x3FB2] =	sst s0;
	s0 =	simm.s32 @!p2 $0x0  }
0x16: {  	s3 =	sld [smem:$0x3FDB];
	s0 =	simm.s32 @p2 $0x1  }
0x17: {  	s4 =	simm.s32 $0x1BF5;
	[smem:$0x3FB4] =	sst s0  }
0x18: {  	s0 =	sld [smem:$0x3F97];
	_ =	swait.ge [sflag:s4], $0x0  }
0x19: {  	s7 =	sld [smem:$0x3F98]  }
0x1a: {  	s8 =	sadd.s32 $0xFFFFE003, lr  }
0x1b: {  	s9 =	sadd.s32 $0xFFFFFEF7, lr;
	s5 =	simm.s32 $0xFFFFFFFF;
	p2 =	slt.u32 s8, $0xFFFFF086  }
0x1c: {  	p1 =	slt.u32 s9, $0xF7A;
	s5 =	simm.s32 @!p2 $0x0  }
0x1d: {  	s5 =	simm.s32 @p1 $0x1;
	p0 =	seq.s32 s7, s2  }
0x1e: {  	s7 =	smul.u32 @!p0 $0xF7A, s2;
	p2 =	seq.s32 @!p0 s5, $0x0  }
0x1f: {  	s9 =	smul.u32 $0xF7A, s1;
	s8 =	simm.s32 @!p0 $0x1BF5;
	p2 =	por !p2, p0  }
0x20: {  	[sflag:s8] =	ssyncset.s32 @!p0 $0xFFFFF086;
	s6 =	sadd.s32 @!p0 s3, s7;
	s7 =	simm.s32 @!p0 $0x108  }
0x21: {  	s3 =	sadd.s32 s3, s9;
	s6 =	sadd.s32 @!p0 $0x88, s6;
	s7 =	simm.s32 @p2 $0x1082  }
0x22: {  	[simem:s7], [sflag:s8] =	dma.local @!p0 [hbm:s6], $0xF7A  }
0x23: {  	s9 =	sor.u32 $0xD0000000, s2;
	s6 =	simm.s32 $0x108;
	_ =	swait.ge @!p0 [sflag:s8], $0x0  }
0x24: {  	s3 =	sadd.s32 $0x88, s3;
	s6 =	simm.s32 @!p1 $0x1082;
	[sflag:s4] =	ssyncset.s32 $0xFFFFF086  }
0x25: {  	[simem:s6], [sflag:s4] =	dma.local [hbm:s3], $0xF7A  }
0x26: {  	[smem:$0x3F98] =	sst s1;
	(tag) =	ssettag s2;
	_ =	strace s9  }
0x27: {  	s1 =	sld [smem:$0x3FA8]  }
0x28: {  	s2 =	sld [smem:$0x3FA9]  }
0x29: {  	s4 =	sld [smem:$0x3FAB]  }
0x2a: {  	p0 =	seq.s32 s5, $0x0;
	s5 =	sld [smem:$0x3FAC]  }
0x2b: {  	s6 =	sld [smem:$0x3FAD]  }
0x2c: {  	s7 =	sld [smem:$0x3FAE]  }
0x2d: {  	s3 =	simm.s32 $0x108;
	s8 =	sld [smem:$0x3FAF]  }
0x2e: {  	s3 =	simm.s32 @!p0 $0x1082;
	s9 =	sld [smem:$0x3FB0]  }
0x2f: {  	lr =	sadd.s32 s0, s3;
	s0 =	sld [smem:$0x3FA7]  }
0x30: {  	s3 =	sld [smem:$0x3FAA]  }
0x31: {  	[smem:$0x3FB3] =	sst s10  }
0x32: {  	s10 =	sld [smem:$0x3FB1];
	_ =	sdelay $0x3  }
0x33: {  	p0 =	seq.s32 s10, $0x1;
	s10 =	sld [smem:$0x3FB3];
	_ =	sdelay $0x3  }
0x34: {  	[smem:$0x3FB3] =	sst s10  }
0x35: {  	s10 =	sld [smem:$0x3FB2];
	_ =	sdelay $0x3  }
0x36: {  	p1 =	seq.s32 s10, $0x1;
	s10 =	sld [smem:$0x3FB3];
	_ =	sdelay $0x3  }
0x37: {  	[smem:$0x3FB3] =	sst s10  }
0x38: {  	s10 =	sld [smem:$0x3FB4]  }
0x39: {  	_ = 	snop;
	(pc) =	sbr.ind lr, $3  }
0x3a: {  	_ = 	snop  }
0x3b: {  	_ = 	snop  }
0x3c: {  	p2 =	seq.s32 s10, $0x1;
	s10 =	sld [smem:$0x3FB3]  }
0x3d: {  	_ =	shalt  }
0x3e: {  	_ =	shalt  }
0x3f: {  	_ =	shalt  }
0x40: {  	_ =	shalt  }
0x41: {  	_ =	shalt  }
0x42: {  	_ =	shalt  }
0x43: {  	_ =	shalt  }
0x44: {  	_ =	shalt  }
0x45: {  	_ =	shalt  }
0x46: {  	_ =	shalt  }
0x47: {  	_ =	shalt  }
0x48: {  	_ =	shalt  }
0x49: {  	_ =	shalt  }
0x4a: {  	_ =	shalt  }
0x4b: {  	_ =	shalt  }
0x4c: {  	_ =	shalt  }
0x4d: {  	_ =	shalt  }
0x4e: {  	_ =	shalt  }
0x4f: {  	_ =	shalt  }
0x50: {  	_ =	shalt  }
0x51: {  	_ =	shalt  }
0x52: {  	_ =	shalt  }
0x53: {  	_ =	shalt  }
0x54: {  	_ =	shalt  }
0x55: {  	_ =	shalt  }
0x56: {  	_ =	shalt  }
0x57: {  	_ =	shalt  }
0x58: {  	_ =	shalt  }
0x59: {  	_ =	shalt  }
0x5a: {  	_ =	shalt  }
0x5b: {  	_ =	shalt  }
0x5c: {  	_ =	shalt  }
0x5d: {  	_ =	shalt  }
0x5e: {  	_ =	shalt  }
0x5f: {  	_ =	shalt  }
0x60: {  	_ =	shalt  }
0x61: {  	_ =	shalt  }
0x62: {  	_ =	shalt  }
0x63: {  	_ =	shalt  }
0x64: {  	_ =	shalt  }
0x65: {  	_ =	shalt  }
0x66: {  	_ =	shalt  }
0x67: {  	_ =	shalt  }
0x68: {  	_ =	shalt  }
0x69: {  	_ =	shalt  }
0x6a: {  	_ =	shalt  }
0x6b: {  	_ =	shalt  }
0x6c: {  	_ =	shalt  }
0x6d: {  	_ =	shalt  }
0x6e: {  	_ =	shalt  }
0x6f: {  	_ =	shalt  }
0x70: {  	_ =	shalt  }
0x71: {  	_ =	shalt  }
0x72: {  	_ =	shalt  }
0x73: {  	_ =	shalt  }
0x74: {  	_ =	shalt  }
0x75: {  	_ =	shalt  }
0x76: {  	_ =	shalt  }
0x77: {  	_ =	shalt  }
0x78: {  	_ =	shalt  }
0x79: {  	_ =	shalt  }
0x7a: {  	_ =	shalt  }
0x7b: {  	_ =	shalt  }
0x7c: {  	_ =	shalt  }
0x7d: {  	_ =	shalt  }
0x7e: {  	_ =	shalt  }
0x7f: {  	_ =	shalt  }
0x80: {  	_ =	shalt  }
0x81: {  	_ =	shalt  }
0x82: {  	_ =	shalt  }
0x83: {  	_ =	shalt  }
0x84: {  	_ =	shalt  }
0x85: {  	_ =	shalt  }
0x86: {  	_ =	shalt  }
0x87: {  	_ =	shalt  }
.Lfunc_end0:
.L_simem_size_0:
called_computation_lowered:
.L_overlay_start_0:
0x88: {  	s2 =	sld [smem:$0x3FD9]  }
0x89: {  	s3 =	sld [smem:$0x3FFE];
	_ =	sdelay $0x1  }
0x8a: {  	s1 =	srdreg.scid  }
0x8b: {  	s0 =	sand.u32 $0x1, s1  }
0x8c: {  	s17 =	sshll.u32 s0, $0xA;
	s2 =	sadd.s32 s3, s2  }
0x8d: {  	s2 =	sadd.s32 s2, s17  }
0x8e: {  	[smem:$0x3FBF] =	sst s2  }
0x8f: {  	_ = 	snop  }
0x90: {  	s2 =	sld [smem:$0x3FC9]  }
0x91: {  	s18 =	sld [smem:$0x3FD0];
	(tm) =	ssettm $0x1  }
0x92: {  	s4 =	sld [smem:$0x3FFB];
	_ =	sdelay $0x3  }
0x93: {  	_ =	strace s4  }
0x94: {  	s4 =	sld [smem:$0x3FFC];
	_ =	sdelay $0x3  }
0x95: {  	_ =	strace s4  }
0x96: {  	s4 =	sld [smem:$0x3FFD];
	_ =	sdelay $0x3  }
0x97: {  	_ =	strace s4  }
0x98: {  	_ =	strace $0x8FFFFFFF  }
0x99: {  	s19 =	sld [smem:$0x3FDB];
	_ =	sdelay $0x1  }
0x9a: {  	s5 =	simm.s32 $_scs_section_size  }
0x9b: {  	s6 =	simm.s32 $_size__tile_overlayer_lowered;
	s7 =	simm.s32 $_tile_overlayer_lowered  }
0x9c: {  	s22 =	simm.s32 $0x1BFF;
	s21 =	sshll.u32 s7, $0x1;
	s4 =	sadd.s32 s5, s19  }
0x9d: {  	s8 =	simm.s32 $0x0;
	s20 =	sshll.u32 s6, $0x1;
	s6 =	sadd.s32 s21, s4  }
0x9e: {  	[timem:s8], [sflag:s22] =	dma.local [hbm:s6], s20  }
0x9f: {  	_ =	swait.ge [sflag:s22], s20  }
0xa0: {  	s5 =	ssub.s32 $0x0, s20;
	[sflag:s22] =	ssyncset.done $0x0  }
0xa1: {  	[sflag:s22] =	ssyncadd.s32 s5;
	_ =	sdelay $0x1  }
0xa2: {  	s23 =	simm.s32 $0x1B8B  }
0xa3: {  	_ =	swait.ge [sflag:s23], $0x1  }
0xa4: {  	[sflag:s23] =	ssyncset.done $0x0  }
0xa5: {  	s25 =	simm.s32 $0x1B8E;
	s24 =	sld [smem:$0x3FFE];
	[sflag:s23] =	ssyncadd.s32 $0xFFFFFFFF  }
0xa6: {  	s26 =	simm.s32 $execute0_lowered;
	[smem:$0x3FD2] =	sst s25  }
0xa7: {  	s6 =	sshll.u32 s26, $0x1;
	_ =	strace $0x80000046;
	[dreg:$0x1] =	wrdreg $0xFFFFFFFF  }
0xa8: {  	s28 =	simm.s32 $_size_execute0_lowered;
	s4 =	sadd.s32 s4, s6;
	[dreg:$0x0] =	wrdreg $0x0  }
0xa9: {  	s6 =	sshll.u32 s28, $0x1;
	[dreg:$0x2] =	wrdreg s4  }
0xaa: {  	[dreg:$0x3] =	wrdreg s6  }
0xab: {  	[dreg:$0x4] =	wrdreg $0xC0  }
0xac: {  	_ =	task [dreg:s8], $0x5FFFF  }
0xad: {  	[dreg:$0x1] =	wrdreg $0xFFFFFFFF  }
0xae: {  	[dreg:$0x0] =	wrdreg $0x60  }
0xaf: {  	[dreg:$0x2] =	wrdreg s2  }
0xb0: {  	[dreg:$0x3] =	wrdreg s24  }
0xb1: {  	[dreg:$0x4] =	wrdreg s18  }
0xb2: {  	[dreg:$0x5] =	wrdreg $0xC6000  }
0xb3: {  	[dreg:$0x6] =	wrdreg $0x9  }
0xb4: {  	_ =	task.clear_ibuf [dreg:s8], $0x7FFFF;
	_ =	strace $0x90000046  }
0xb5: {  	s29 =	simm.s32 $0x9;
	_ =	strace $0x80000048  }
0xb6: {  	_ =	swait.ge [sflag:s29], $0x1  }
0xb7: {  	[sflag:s29] =	ssyncadd.s32 $0xFFFFFFFF  }
0xb8: {  	_ =	strace $0x90000048  }
0xb9: {  	_ =	sfence  }
0xba: {  	s30 =	sld [smem:$0x0];
	_ =	sdelay $0x2  }
0xbb: {  	s31 =	sshll.u32 s1, $0xD;
	s1 =	sshrl.u32 s1, $0x2  }
0xbc: {  	s3 =	sand.u32 $0x4000, s31;
	s1 =	sadd.s32 s1, s30  }
0xbd: {  	s0 =	sor.u32 s3, s0;
	s1 =	sshll.u32 s1, $0x11  }
0xbe: {  	s0 =	sor.u32 s1, s0  }
0xbf: {  	s0 =	sadd.s32 $0x8F2B, s0  }
0xc0: {  	[sflag:s0] =	ssyncadd.remote.s32 $0x1  }
0xc1: {  	_ =	sfence.sel $0xFFFF  }
0xc2: {  	[dreg:$0x0] =	wrdreg $0xFFFFFFFF;
	(pc) =	sbr.abs _section_cstart, $3  }
0xc3: {  	[dreg:$0x1] =	wrdreg $0xFFFFFFFF  }
0xc4: {  	_ =	task.clear_ibuf [dreg:s8], $0x2FFFF;
	_ =	strace $0x9FFFFFFF  }
0xc5: {  	(tm) =	ssettm $0x7FFFFFFF  }
tec
execute0_lowered:
.L_overlay_start_1:
0x0: {  	(tag) =	ssettag $0x1  }
0x1: {  	s1 =	rddreg [dreg:$0x0]  }
0x2: {  	s0 =	rddreg [dreg:$0x1]  }
0x3: {  	s2 =	rddreg [dreg:$0x2]  }
0x4: {  	s3 =	rddreg [dreg:$0x3]  }
0x5: {  	s5 =	srdreg.scid;
	s25 =	stileid.u32  }
0x6: {  	s4 =	simm.s32 $0x0;
	s5 =	sand.u32 $0x1, s5;
	s8 =	smul.u32 $0x2800, s25  }
0x7: {  	[smem:$0x7FF] =	sst s4;
	s9 =	sor.u32 $0x10, s25;
	s7 =	smul.u32 $0x138800, s5  }
0x8: {  	s6 =	sadd.s32 $0x1A00, s0;
	s11 =	sor.u32 $0x20, s25;
	s12 =	smul.u32 $0x2800, s9  }
0x9: {  	s0 =	sadd.s32 $0x15A00, s0;
	s14 =	sor.u32 $0x30, s25;
	s15 =	smul.u32 $0x2800, s11  }
0xa: {  	s17 =	sshll.u32 s25, $0x1;
	s19 =	sor.u32 $0x50, s25;
	s16 =	smul.u32 $0x2800, s14  }
0xb: {  	s20 =	sor.u32 $0x60, s25;
	s22 =	sor.u32 $0x70, s25;
	s26 =	smul.u32 $0x2800, s19  }
0xc: {  	s10 =	ssub.s32 $0x2, s5;
	s5 =	sor.u32 s5, s17;
	s28 =	smul.u32 $0x2800, s20  }
0xd: {  	s23 =	smul.u32 $0x2800, s22;
	p1 =	sgt.u32 s22, $0x7C;
	s13 =	sshrl.u32 s10, $0x1  }
0xe: {  	s10 =	ssub.s32 s10, s13;
	s13 =	sor.u32 $0x40, s25;
	s21 =	sadd.s32 s7, s8  }
0xf: {  	s12 =	sadd.s32 s7, s12;
	s15 =	sadd.s32 s7, s15;
	s16 =	sadd.s32 s7, s16  }
0x10: {  	s17 =	sadd.s32 s7, s26;
	s24 =	sadd.s32 s7, s28;
	s8 =	smul.u32 $0x2800, s5  }
0x11: {  	s23 =	sadd.s32 s7, s23;
	s18 =	smul.u32 $0x2800, s13;
	s29 =	sshrl.u32 s21, $0x3  }
0x12: {  	s12 =	sshrl.u32 s12, $0x3;
	s15 =	sshrl.u32 s15, $0x3;
	s16 =	sshrl.u32 s16, $0x3  }
0x13: {  	s26 =	sshrl.u32 s17, $0x3;
	s28 =	sshrl.u32 s24, $0x3;
	s17 =	sshll.u32 s25, $0xE  }
0x14: {  	s10 =	smax.u32 s10, $0x1;
	s24 =	sshll.u32 s14, $0xE;
	p0 =	sgt.u32 s13, $0x4D  }
0x15: {  	s12 =	sadd.s32 s0, s12;
	p2 =	sne.s32 @p0 s25, $0xF;
	s18 =	sadd.s32 s7, s18  }
0x16: {  	s7 =	smul.u32 $0x5000, s5;
	s5 =	sadd.s32 s0, s29;
	[dreg:$0x6] =	wrdreg s12  }
0x17: {  	s29 =	sshrl.u32 s23, $0x3;
	s23 =	sshll.u32 s11, $0xE;
	s11 =	smul.u32 $0xA000, s11  }
0x18: {  	s12 =	sshll.u32 s13, $0xE;
	[dreg:$0x5] =	wrdreg s5;
	s5 =	sadd.s32 s0, s15  }
0x19: {  	p2 =	por p2, !p0;
	s18 =	sshrl.u32 s18, $0x3;
	[dreg:$0x7] =	wrdreg s5  }
0x1a: {  	s5 =	sadd.s32 s0, s16;
	s21 =	sadd.s32 s0, s18;
	s15 =	sshrl.u32 s7, $0x3  }
0x1b: {  	s16 =	sshrl.u32 s8, $0x3;
	s18 =	sshll.u32 s9, $0xE;
	[dreg:$0x8] =	wrdreg s5  }
0x1c: {  	[dreg:$0x9] =	wrdreg s21;
	s5 =	sadd.s32 s0, s26;
	s15 =	sadd.s32 s6, s15  }
0x1d: {  	s16 =	sadd.s32 s2, s16;
	s21 =	sadd.s32 s18, s3;
	s26 =	smul.u32 $0xA000, s25  }
0x1e: {  	s18 =	smul.u32 $0xA000, s13;
	[dreg:$0xa] =	wrdreg s5;
	s5 =	sadd.s32 s0, s28  }
0x1f: {  	s0 =	sadd.s32 s0, s29;
	s29 =	smul.u32 $0xA000, s9;
	[dreg:$0xb] =	wrdreg s5  }
0x20: {  	s28 =	sadd.s32 s24, s3;
	s24 =	smul.u32 $0xA000, s22;
	[dreg:$0xc] =	wrdreg s0  }
0x21: {  	s0 =	sadd.s32 s17, s3;
	_ =	strace $0x80000047;
	[dreg:$0xd] =	wrdreg s10  }
0x22: {  	s30 =	smov.u32 s15;
	s31 =	smov.u32 s16;
	[dreg:$0xe] =	wrdreg s0  }
0x23: {  	s22 =	simm.s32 $0x0;
	s9 =	sshrl.u32 s26, $0x2;
	[dreg:$0xf] =	wrdreg s21  }
0x24: {  	s17 =	smul.u32 $0xA000, s14;
	s0 =	sadd.s32 s23, s3;
	[dreg:$0x11] =	wrdreg s28  }
0x25: {  	s10 =	sadd.s32 s12, s3;
	s5 =	sadd.s32 s9, s3;
	s21 =	smul.u32 $0xA000, s19  }
0x26: {  	s9 =	sshrl.u32 s11, $0x2;
	s23 =	smul.u32 $0xA000, s20;
	s11 =	sshrl.u32 s18, $0x2  }
0x27: {  	s14 =	sshrl.u32 s24, $0x2;
	s19 =	simm.s32 $0xC;
	[dreg:$0x10] =	wrdreg s0  }
0x28: {  	s20 =	simm.s32 $0xD;
	[dreg:$0x12] =	wrdreg s10;
	s0 =	sshrl.u32 s29, $0x2  }
0x29: {  	s9 =	sadd.s32 s9, s3;
	s10 =	sshrl.u32 s17, $0x2;
	s11 =	sadd.s32 s11, s3  }
0x2a: {  	s14 =	sadd.s32 s14, s3;
	s5 =	sshrl.u32 s5, $0x3;
	s0 =	sadd.s32 s0, s3  }
0x2b: {  	s10 =	sadd.s32 s10, s3;
	s12 =	sshrl.u32 s21, $0x2;
	s13 =	sshrl.u32 s23, $0x2  }
0x2c: {  	[dreg:$0x13] =	wrdreg s5;
	s25 =	sshrl.u32 s9, $0x3;
	s28 =	sshrl.u32 s11, $0x3  }
0x2d: {  	s5 =	sshrl.u32 @!p1 s14, $0x3;
	s9 =	sadd.s32 $0x138000, s3;
	s11 =	sadd.s32 $0x10, s16  }
0x2e: {  	s14 =	simm.s32 $0x1;
	s16 =	simm.s32 $0x80;
	s21 =	simm.s32 $0xE  }
0x2f: {  	s12 =	sadd.s32 s12, s3;
	s13 =	sadd.s32 s13, s3;
	[dreg:$0x15] =	wrdreg s25  }
0x30: {  	s0 =	sshrl.u32 s0, $0x3;
	s26 =	sshrl.u32 s10, $0x3;
	[dreg:$0x17] =	wrdreg s28  }
0x31: {  	s10 =	sadd.s32 $0x20, s15;
	s15 =	simm.s32 $0x5;
	[dreg:$0x14] =	wrdreg s0  }
0x32: {  	[dreg:$0x16] =	wrdreg s26;
	s29 =	sshrl.u32 s12, $0x3;
	s0 =	sshrl.u32 s13, $0x3  }
0x33: {  	v0 =	vimm.f32 $0.0e+00;
	s12 =	simm.s32 $0x600;
	s13 =	simm.s32 $0xF;
	[dreg:$0x18] =	wrdreg s29  }
.LBB2_1:
0x34: {  	s17 =	simm.s32 $0x0;
	s18 =	simm.s32 $0x200  }
.LBB2_2:
0x35: {  	p3 =	sne.s32 s18, $0xFE00;
	[tilespmem:s17+$0x670] =	vst v0  }
0x36: {  	[tilespmem:s17+$0x600] =	vst v0  }
0x37: {  	[tilespmem:s17+$0x610] =	vst v0  }
.Ltmp0:
0x38: {  	[tilespmem:s17+$0x620] =	vst v0;
	(pc) =	sbr.rel @p3 .LBB2_2-.Ltmp0, $4  }
0x39: {  	[tilespmem:s17+$0x630] =	vst v0  }
0x3a: {  	[tilespmem:s17+$0x640] =	vst v0  }
0x3b: {  	[tilespmem:s17+$0x650] =	vst v0  }
0x3c: {  	[tilespmem:s17+$0x660] =	vst v0;
	s17 =	sshra.s32 s18, $0x2;
	s18 =	sadd.s32 $0x200, s18  }
0x3d: {  	[tilespmem:s17+$0x670] =	vst v0  }
0x3e: {  	[tilespmem:s17+$0x600] =	vst v0  }
0x3f: {  	[tilespmem:s17+$0x610] =	vst v0  }
0x40: {  	[tilespmem:s17+$0x620] =	vst v0  }
0x41: {  	[tilespmem:s17+$0x630] =	vst v0  }
0x42: {  	[tilespmem:s17+$0x640] =	vst v0  }
0x43: {  	[tilespmem:s17+$0x650] =	vst v0  }
0x44: {  	[tilespmem:s17+$0x660] =	vst v0;
	s18 =	rddreg [dreg:$0xe]  }
0x45: {  	[spmem:s18] =	stream.linear.scatter [tilespmem:s12], [sflag:$0xF], $0x4000, $0x38;
	[tilespmem:$0x1FE80] =	vst v63  }
0x46: {  	_ =	swait.ge [sflag:s13], $0x4000  }
0x47: {  	[sflag:s13] =	ssyncset.done $0x0  }
0x48: {  	s23 =	rddreg [dreg:$0xf];
	[sflag:s13] =	ssyncadd.s32 $0xFFFFC000  }
0x49: {  	[spmem:s23] =	stream.linear.scatter [tilespmem:s12], [sflag:$0xF], $0x4000, $0x38;
	[tilespmem:$0x1FE80] =	vst v63  }
0x4a: {  	_ =	swait.ge [sflag:s13], $0x4000  }
0x4b: {  	[sflag:s13] =	ssyncset.done $0x0  }
0x4c: {  	s24 =	rddreg [dreg:$0x10];
	[sflag:s13] =	ssyncadd.s32 $0xFFFFC000  }
0x4d: {  	[spmem:s24] =	stream.linear.scatter [tilespmem:s12], [sflag:$0xF], $0x4000, $0x38;
	[tilespmem:$0x1FE80] =	vst v63  }
0x4e: {  	_ =	swait.ge [sflag:s13], $0x4000  }
0x4f: {  	[sflag:s13] =	ssyncset.done $0x0  }
0x50: {  	s25 =	rddreg [dreg:$0x11];
	[sflag:s13] =	ssyncadd.s32 $0xFFFFC000  }
0x51: {  	[spmem:s25] =	stream.linear.scatter [tilespmem:s12], [sflag:$0xF], $0x4000, $0x38;
	[tilespmem:$0x1FE80] =	vst v63  }
0x52: {  	_ =	swait.ge [sflag:s13], $0x4000  }
0x53: {  	[sflag:s13] =	ssyncset.done $0x0  }
0x54: {  	s17 =	simm.s32 @!p2 $0x600;
	[sflag:s13] =	ssyncadd.s32 $0xFFFFC000  }
0x55: {  	[spmem:s9] =	stream.linear.scatter @!p2 [tilespmem:s17], [sflag:$0xF], $0x800, $0x38;
	[tilespmem:$0x1FE80] =	vst v63  }
0x56: {  	s17 =	simm.s32 @!p2 $0xF  }
0x57: {  	_ =	swait.ge @!p2 [sflag:s17], $0x800  }
0x58: {  	[sflag:s17] =	ssyncset.done @!p2 $0x0  }
0x59: {  	s18 =	rddreg [dreg:$0x12];
	[sflag:s17] =	ssyncadd.s32 @!p2 $0xFFFFF800;
	s17 =	simm.s32 @!p0 $0x600  }
0x5a: {  	[spmem:s18] =	stream.linear.scatter @!p0 [tilespmem:s17], [sflag:$0xF], $0x4000, $0x38;
	[tilespmem:$0x1FE80] =	vst v63  }
0x5b: {  	s17 =	simm.s32 @!p0 $0xF  }
0x5c: {  	_ =	swait.ge @!p0 [sflag:s17], $0x4000  }
0x5d: {  	[sflag:s17] =	ssyncset.done @!p0 $0x0  }
0x5e: {  	[sflag:s17] =	ssyncadd.s32 @!p0 $0xFFFFC000  }
0x5f: {  	s23 =	simm.s32 $0x0;
	[bflag:$0x0] =	sbarrier.arrive $0xFFFF  }
0x60: {  	[tilespmem:s23], [sflag:$0x1] =	stream.linear.gather [hbm4b:s30+s23], $0x100, $0x38;
	[tilespmem:$0x1FE80] =	vst v63  }
0x61: {  	s26 =	simm.s32 $0x400  }
0x62: {  	[tilespmem:s26], [sflag:$0x5] =	stream.linear.gather [hbm4b:s31+s23], $0x80, $0x38;
	[tilespmem:$0x1FE80] =	vst v63  }
0x63: {  	_ =	swait.ge [sflag:s14], $0x100  }
0x64: {  	[sflag:s14] =	ssyncset.done $0x0  }
0x65: {  	[sflag:s14] =	ssyncadd.s32 $0xFFFFFF00  }
0x66: {  	_ =	swait.ge [sflag:s15], $0x80  }
0x67: {  	[sflag:s15] =	ssyncset.done $0x0  }
0x68: {  	[sflag:s15] =	ssyncadd.s32 $0xFFFFFF80  }
0x69: {  	[tilespmem:s12], [sflag:$0x9] =	stream.indirect.gather [hbm4b:s1+s16], $0x80, s23, s16, $0xb8;
	[tilespmem:$0x1FE80] =	vst v63  }
0x6a: {  	s28 =	simm.s32 $0x100  }
0x6b: {  	[tilespmem:s28], [sflag:$0x2] =	stream.linear.gather [hbm4b:s10+s23], $0x100, $0x38;
	[tilespmem:$0x1FE80] =	vst v63  }
0x6c: {  	s29 =	simm.s32 $0x480  }
0x6d: {  	[tilespmem:s29], [sflag:$0x6] =	stream.linear.gather [hbm4b:s11+s23], $0x80, $0x38;
	[tilespmem:$0x1FE80] =	vst v63  }
.LBB2_4:
0x6e: {  	p3 =	seq.s32 s23, $0x4F  }
.Ltmp1:
0x6f: {  	_ = 	snop;
	(pc) =	sbr.rel @p3 .LBB2_9-.Ltmp1, $2  }
0x70: {  	_ =	sdelay $0x2  }
0x71: {  	s17 =	smul.u32 $0xAB, s23;
	s24 =	sadd.s32 $0x1, s23  }
0x72: {  	s18 =	sand.u32 $0x3, s24  }
0x73: {  	s25 =	sadd.s32 $0xAB, s17;
	s26 =	sadd.s32 $0x1, s18  }
0x74: {  	p3 =	sgt.u32 s23, $0x1;
	s25 =	sshrl.u32 s25, $0x9;
	_ =	swait.ge [sflag:s26], $0x100  }
.Ltmp2:
0x75: {  	s25 =	sand.u32 $0x7F, s25;
	[sflag:s26] =	ssyncset.done $0x0;
	(pc) =	sbr.rel @!p3 .LBB2_6-.Ltmp2, $4  }
0x76: {  	s29 =	sadd.s32 $0x5, s18;
	s25 =	smul.u32 $0x3, s25;
	[sflag:s26] =	ssyncadd.s32 $0xFFFFFF00  }
0x77: {  	_ =	swait.ge [sflag:s29], $0x80  }
0x78: {  	s25 =	ssub.s32 s24, s25;
	[sflag:s29] =	ssyncset.done $0x0  }
0x79: {  	s25 =	sand.u32 $0xFF, s25;
	[sflag:s29] =	ssyncadd.s32 $0xFFFFFF80  }
0x7a: {  	p3 =	sgt.u32 s23, $0x4D  }
.Ltmp3:
0x7b: {  	s26 =	sadd.s32 $0xC, s25;
	(pc) =	sbr.rel @p3 .LBB2_9-.Ltmp3, $4  }
.Ltmp4:
0x7c: {  	_ =	swait.ge [sflag:s26], $0x4000;
	(pc) =	sbr.rel @!p3 .LBB2_8-.Ltmp4, $4  }
0x7d: {  	s28 =	sshll.u32 s25, $0xE;
	s18 =	sshll.u32 s18, $0x8;
	[sflag:s26] =	ssyncset.done $0x0  }
0x7e: {  	s29 =	sadd.s32 $0x9, s25;
	[sflag:s26] =	ssyncadd.s32 $0xFFFFC000;
	s26 =	sor.u32 $0x600, s28  }
0x7f: {  	[tilespmem:s26], [sflag:s29] =	stream.indirect.gather [hbm4b:s1+s16], $0x80, s18, s16, $0xb8;
	[tilespmem:$0x1FE80] =	vst v63  }
0x80: {  	_ = 	snop  }
.LBB2_6:
0x81: {  	s18 =	sshll.u32 s25, $0xE;
	s26 =	sshll.u32 s24, $0x8  }
0x82: {  	s29 =	sadd.s32 $0x9, s25;
	s18 =	sor.u32 $0x600, s18;
	s26 =	sand.u32 $0x3FFFFF00, s26  }
0x83: {  	[tilespmem:s18], [sflag:s29] =	stream.indirect.gather [hbm4b:s1+s16], $0x80, s26, s16, $0xb8;
	[tilespmem:$0x1FE80] =	vst v63  }
.LBB2_8:
0x84: {  	s18 =	sadd.s32 $0x2, s23  }
0x85: {  	s25 =	sshll.u32 s18, $0x8  }
0x86: {  	s25 =	sadd.s32 s7, s25  }
0x87: {  	s26 =	sand.u32 $0x3, s18;
	s18 =	sshll.u32 s18, $0x7;
	s25 =	sshrl.u32 s25, $0x3  }
0x88: {  	s28 =	sshll.u32 s26, $0x8;
	s29 =	sadd.s32 $0x1, s26;
	s25 =	sadd.s32 s6, s25  }
0x89: {  	[tilespmem:s28], [sflag:s29] =	stream.linear.gather [hbm4b:s25+s4], $0x100, $0x38;
	[tilespmem:$0x1FE80] =	vst v63  }
0x8a: {  	s28 =	sand.u32 $0x7C00, s18  }
0x8b: {  	s18 =	sand.u32 $0x380, s18;
	s25 =	sadd.s32 s8, s28  }
0x8c: {  	s18 =	sor.u32 s18, s25  }
0x8d: {  	s29 =	sshll.u32 s26, $0x7;
	s18 =	sshrl.u32 s18, $0x3  }
0x8e: {  	s26 =	sadd.s32 $0x5, s26;
	s25 =	sor.u32 $0x400, s29;
	s18 =	sadd.s32 s2, s18  }
0x8f: {  	[tilespmem:s25], [sflag:s26] =	stream.linear.gather [hbm4b:s18+s4], $0x80, $0x38;
	[tilespmem:$0x1FE80] =	vst v63  }
.LBB2_9:
0x90: {  	_ = 	snop  }
0x91: {  	s17 =	sshrl.u32 s17, $0x9  }
0x92: {  	s17 =	sand.u32 $0x7F, s17  }
0x93: {  	s17 =	smul.u32 $0x3, s17;
	_ =	sdelay $0x1  }
0x94: {  	s18 =	sshll.u32 s23, $0x7;
	s17 =	ssub.s32 s23, s17  }
0x95: {  	s18 =	sand.u32 $0x180, s18;
	s17 =	sand.u32 $0xFF, s17  }
0x96: {  	s28 =	sor.u32 $0x400, s18;
	s25 =	sadd.s32 $0x9, s17  }
0x97: {  	v1 =	vmov s28;
	s26 =	sshll.u32 s17, $0xE;
	_ =	swait.ge [sflag:s25], $0x4000  }
0x98: {  	s18 =	sor.u32 $0x600, s26;
	[sflag:s25] =	ssyncset.done $0x0  }
0x99: {  	v2 =	vmov s18;
	[sflag:s25] =	ssyncadd.s32 $0xFFFFC000;
	s25 =	simm.s32 $0x0  }
.LBB2_10:
0x9a: {  	s26 =	sshll.u32 s25, $0x4  }
0x9b: {  	s26 =	sand.u32 $0x3FFFFFF0, s26  }
0x9c: {  	s29 =	sshll.u32 s25, $0xD;
	v3 =	vld.idx.msk [tilespmem:v1+s26+$0x0 ss:$0x1], $0xffff  }
0x9d: {  	s26 =	sshra.s32 s29, $0x2  }
0x9e: {  	v4 =	vld.idx.msk [tilespmem:v2+s26+$0x0 ss:$0x1], $0xffff;
	_ =	sdelay $0x2  }
0x9f: {  	v5 =	vbroadcast v3, $0x0;
	_ =	sdelay $0x1  }
0xa0: {  	v4 =	vmul.f32 v5, v4;
	_ =	sdelay $0x1  }
0xa1: {  	[tilespmem:v2+s26+$0x0 ss:$0x1] =	vst.idx.msk $0xffff, v4  }
0xa2: {  	v4 =	vld.idx.msk [tilespmem:v2+s26+$0x10 ss:$0x1], $0xffff;
	_ =	sdelay $0x4  }
0xa3: {  	v4 =	vmul.f32 v4, v5;
	_ =	sdelay $0x1  }
0xa4: {  	[tilespmem:v2+s26+$0x10 ss:$0x1] =	vst.idx.msk $0xffff, v4  }
0xa5: {  	v4 =	vld.idx.msk [tilespmem:v2+s26+$0x20 ss:$0x1], $0xffff;
	_ =	sdelay $0x4  }
0xa6: {  	v4 =	vmul.f32 v4, v5;
	_ =	sdelay $0x1  }
0xa7: {  	[tilespmem:v2+s26+$0x20 ss:$0x1] =	vst.idx.msk $0xffff, v4  }
0xa8: {  	v4 =	vld.idx.msk [tilespmem:v2+s26+$0x30 ss:$0x1], $0xffff;
	_ =	sdelay $0x4  }
0xa9: {  	v4 =	vmul.f32 v4, v5;
	_ =	sdelay $0x1  }
0xaa: {  	[tilespmem:v2+s26+$0x30 ss:$0x1] =	vst.idx.msk $0xffff, v4  }
0xab: {  	v4 =	vld.idx.msk [tilespmem:v2+s26+$0x40 ss:$0x1], $0xffff;
	_ =	sdelay $0x4  }
0xac: {  	v4 =	vmul.f32 v4, v5;
	_ =	sdelay $0x1  }
0xad: {  	[tilespmem:v2+s26+$0x40 ss:$0x1] =	vst.idx.msk $0xffff, v4  }
0xae: {  	v4 =	vld.idx.msk [tilespmem:v2+s26+$0x50 ss:$0x1], $0xffff;
	_ =	sdelay $0x4  }
0xaf: {  	v4 =	vmul.f32 v4, v5;
	_ =	sdelay $0x1  }
0xb0: {  	[tilespmem:v2+s26+$0x50 ss:$0x1] =	vst.idx.msk $0xffff, v4  }
0xb1: {  	v4 =	vld.idx.msk [tilespmem:v2+s26+$0x60 ss:$0x1], $0xffff;
	_ =	sdelay $0x4  }
0xb2: {  	v4 =	vmul.f32 v4, v5;
	_ =	sdelay $0x1  }
0xb3: {  	[tilespmem:v2+s26+$0x60 ss:$0x1] =	vst.idx.msk $0xffff, v4  }
0xb4: {  	v4 =	vld.idx.msk [tilespmem:v2+s26+$0x70 ss:$0x1], $0xffff;
	_ =	sdelay $0x4  }
0xb5: {  	v4 =	vmul.f32 v4, v5;
	_ =	sdelay $0x1  }
0xb6: {  	[tilespmem:v2+s26+$0x70 ss:$0x1] =	vst.idx.msk $0xffff, v4  }
0xb7: {  	v4 =	vld.idx.msk [tilespmem:v2+s26+$0x80 ss:$0x1], $0xffff;
	_ =	sdelay $0x2  }
0xb8: {  	v50 =	vbroadcast v3, $0x1;
	_ =	sdelay $0x1  }
0xb9: {  	v4 =	vmul.f32 v4, v50;
	_ =	sdelay $0x1  }
0xba: {  	[tilespmem:v2+s26+$0x80 ss:$0x1] =	vst.idx.msk $0xffff, v4  }
0xbb: {  	v4 =	vld.idx.msk [tilespmem:v2+s26+$0x90 ss:$0x1], $0xffff;
	_ =	sdelay $0x4  }
0xbc: {  	v4 =	vmul.f32 v4, v50;
	_ =	sdelay $0x1  }
0xbd: {  	[tilespmem:v2+s26+$0x90 ss:$0x1] =	vst.idx.msk $0xffff, v4  }
0xbe: {  	v4 =	vld.idx.msk [tilespmem:v2+s26+$0xA0 ss:$0x1], $0xffff;
	_ =	sdelay $0x4  }
0xbf: {  	v4 =	vmul.f32 v4, v50;
	_ =	sdelay $0x1  }
0xc0: {  	[tilespmem:v2+s26+$0xA0 ss:$0x1] =	vst.idx.msk $0xffff, v4  }
0xc1: {  	v4 =	vld.idx.msk [tilespmem:v2+s26+$0xB0 ss:$0x1], $0xffff;
	_ =	sdelay $0x4  }
0xc2: {  	v4 =	vmul.f32 v4, v50;
	_ =	sdelay $0x1  }
0xc3: {  	[tilespmem:v2+s26+$0xB0 ss:$0x1] =	vst.idx.msk $0xffff, v4  }
0xc4: {  	v4 =	vld.idx.msk [tilespmem:v2+s26+$0xC0 ss:$0x1], $0xffff;
	_ =	sdelay $0x4  }
0xc5: {  	v4 =	vmul.f32 v4, v50;
	_ =	sdelay $0x1  }
0xc6: {  	[tilespmem:v2+s26+$0xC0 ss:$0x1] =	vst.idx.msk $0xffff, v4  }
0xc7: {  	v4 =	vld.idx.msk [tilespmem:v2+s26+$0xD0 ss:$0x1], $0xffff;
	_ =	sdelay $0x4  }
0xc8: {  	v4 =	vmul.f32 v4, v50;
	_ =	sdelay $0x1  }
0xc9: {  	[tilespmem:v2+s26+$0xD0 ss:$0x1] =	vst.idx.msk $0xffff, v4  }
0xca: {  	v4 =	vld.idx.msk [tilespmem:v2+s26+$0xE0 ss:$0x1], $0xffff;
	_ =	sdelay $0x4  }
0xcb: {  	v4 =	vmul.f32 v4, v50;
	_ =	sdelay $0x1  }
0xcc: {  	[tilespmem:v2+s26+$0xE0 ss:$0x1] =	vst.idx.msk $0xffff, v4  }
0xcd: {  	v4 =	vld.idx.msk [tilespmem:v2+s26+$0xF0 ss:$0x1], $0xffff;
	_ =	sdelay $0x4  }
0xce: {  	v4 =	vmul.f32 v4, v50;
	_ =	sdelay $0x1  }
0xcf: {  	[tilespmem:v2+s26+$0xF0 ss:$0x1] =	vst.idx.msk $0xffff, v4  }
0xd0: {  	v4 =	vld.idx.msk [tilespmem:v2+s26+$0x100 ss:$0x1], $0xffff;
	_ =	sdelay $0x2  }
0xd1: {  	v51 =	vbroadcast v3, $0x2;
	_ =	sdelay $0x1  }
0xd2: {  	v4 =	vmul.f32 v4, v51;
	_ =	sdelay $0x1  }
0xd3: {  	[tilespmem:v2+s26+$0x100 ss:$0x1] =	vst.idx.msk $0xffff, v4  }
0xd4: {  	v4 =	vld.idx.msk [tilespmem:v2+s26+$0x110 ss:$0x1], $0xffff;
	_ =	sdelay $0x4  }
0xd5: {  	v4 =	vmul.f32 v4, v51;
	_ =	sdelay $0x1  }
0xd6: {  	[tilespmem:v2+s26+$0x110 ss:$0x1] =	vst.idx.msk $0xffff, v4  }
0xd7: {  	v4 =	vld.idx.msk [tilespmem:v2+s26+$0x120 ss:$0x1], $0xffff;
	_ =	sdelay $0x4  }
0xd8: {  	v4 =	vmul.f32 v4, v51;
	_ =	sdelay $0x1  }
0xd9: {  	[tilespmem:v2+s26+$0x120 ss:$0x1] =	vst.idx.msk $0xffff, v4  }
0xda: {  	v4 =	vld.idx.msk [tilespmem:v2+s26+$0x130 ss:$0x1], $0xffff;
	_ =	sdelay $0x4  }
0xdb: {  	v4 =	vmul.f32 v4, v51;
	_ =	sdelay $0x1  }
0xdc: {  	[tilespmem:v2+s26+$0x130 ss:$0x1] =	vst.idx.msk $0xffff, v4  }
0xdd: {  	v4 =	vld.idx.msk [tilespmem:v2+s26+$0x140 ss:$0x1], $0xffff;
	_ =	sdelay $0x4  }
0xde: {  	v4 =	vmul.f32 v4, v51;
	_ =	sdelay $0x1  }
0xdf: {  	[tilespmem:v2+s26+$0x140 ss:$0x1] =	vst.idx.msk $0xffff, v4  }
0xe0: {  	v4 =	vld.idx.msk [tilespmem:v2+s26+$0x150 ss:$0x1], $0xffff;
	_ =	sdelay $0x4  }
0xe1: {  	v4 =	vmul.f32 v4, v51;
	_ =	sdelay $0x1  }
0xe2: {  	[tilespmem:v2+s26+$0x150 ss:$0x1] =	vst.idx.msk $0xffff, v4  }
0xe3: {  	v4 =	vld.idx.msk [tilespmem:v2+s26+$0x160 ss:$0x1], $0xffff;
	_ =	sdelay $0x4  }
0xe4: {  	v4 =	vmul.f32 v4, v51;
	_ =	sdelay $0x1  }
0xe5: {  	[tilespmem:v2+s26+$0x160 ss:$0x1] =	vst.idx.msk $0xffff, v4  }
0xe6: {  	v4 =	vld.idx.msk [tilespmem:v2+s26+$0x170 ss:$0x1], $0xffff;
	_ =	sdelay $0x4  }
0xe7: {  	v4 =	vmul.f32 v4, v51;
	_ =	sdelay $0x1  }
0xe8: {  	[tilespmem:v2+s26+$0x170 ss:$0x1] =	vst.idx.msk $0xffff, v4  }
0xe9: {  	v4 =	vld.idx.msk [tilespmem:v2+s26+$0x180 ss:$0x1], $0xffff;
	_ =	sdelay $0x2  }
0xea: {  	v52 =	vbroadcast v3, $0x3;
	_ =	sdelay $0x1  }
0xeb: {  	v4 =	vmul.f32 v4, v52;
	_ =	sdelay $0x1  }
0xec: {  	[tilespmem:v2+s26+$0x180 ss:$0x1] =	vst.idx.msk $0xffff, v4  }
0xed: {  	v4 =	vld.idx.msk [tilespmem:v2+s26+$0x190 ss:$0x1], $0xffff;
	_ =	sdelay $0x4  }
0xee: {  	v4 =	vmul.f32 v4, v52;
	_ =	sdelay $0x1  }
0xef: {  	[tilespmem:v2+s26+$0x190 ss:$0x1] =	vst.idx.msk $0xffff, v4  }
0xf0: {  	v4 =	vld.idx.msk [tilespmem:v2+s26+$0x1A0 ss:$0x1], $0xffff;
	_ =	sdelay $0x4  }
0xf1: {  	v4 =	vmul.f32 v4, v52;
	_ =	sdelay $0x1  }
0xf2: {  	[tilespmem:v2+s26+$0x1A0 ss:$0x1] =	vst.idx.msk $0xffff, v4  }
0xf3: {  	v4 =	vld.idx.msk [tilespmem:v2+s26+$0x1B0 ss:$0x1], $0xffff;
	_ =	sdelay $0x4  }
0xf4: {  	v4 =	vmul.f32 v4, v52;
	_ =	sdelay $0x1  }
0xf5: {  	[tilespmem:v2+s26+$0x1B0 ss:$0x1] =	vst.idx.msk $0xffff, v4  }
0xf6: {  	v4 =	vld.idx.msk [tilespmem:v2+s26+$0x1C0 ss:$0x1], $0xffff;
	_ =	sdelay $0x4  }
0xf7: {  	v4 =	vmul.f32 v4, v52;
	_ =	sdelay $0x1  }
0xf8: {  	[tilespmem:v2+s26+$0x1C0 ss:$0x1] =	vst.idx.msk $0xffff, v4  }
0xf9: {  	v4 =	vld.idx.msk [tilespmem:v2+s26+$0x1D0 ss:$0x1], $0xffff;
	_ =	sdelay $0x4  }
0xfa: {  	v4 =	vmul.f32 v4, v52;
	_ =	sdelay $0x1  }
0xfb: {  	[tilespmem:v2+s26+$0x1D0 ss:$0x1] =	vst.idx.msk $0xffff, v4  }
0xfc: {  	v4 =	vld.idx.msk [tilespmem:v2+s26+$0x1E0 ss:$0x1], $0xffff;
	_ =	sdelay $0x4  }
0xfd: {  	v4 =	vmul.f32 v4, v52;
	_ =	sdelay $0x1  }
0xfe: {  	[tilespmem:v2+s26+$0x1E0 ss:$0x1] =	vst.idx.msk $0xffff, v4  }
0xff: {  	v4 =	vld.idx.msk [tilespmem:v2+s26+$0x1F0 ss:$0x1], $0xffff;
	_ =	sdelay $0x4  }
0x100: {  	v4 =	vmul.f32 v4, v52;
	_ =	sdelay $0x1  }
0x101: {  	[tilespmem:v2+s26+$0x1F0 ss:$0x1] =	vst.idx.msk $0xffff, v4  }
0x102: {  	v4 =	vld.idx.msk [tilespmem:v2+s26+$0x200 ss:$0x1], $0xffff;
	_ =	sdelay $0x2  }
0x103: {  	v53 =	vbroadcast v3, $0x4;
	_ =	sdelay $0x1  }
0x104: {  	v4 =	vmul.f32 v4, v53;
	_ =	sdelay $0x1  }
0x105: {  	[tilespmem:v2+s26+$0x200 ss:$0x1] =	vst.idx.msk $0xffff, v4  }
0x106: {  	v4 =	vld.idx.msk [tilespmem:v2+s26+$0x210 ss:$0x1], $0xffff;
	_ =	sdelay $0x4  }
0x107: {  	v4 =	vmul.f32 v4, v53;
	_ =	sdelay $0x1  }
0x108: {  	[tilespmem:v2+s26+$0x210 ss:$0x1] =	vst.idx.msk $0xffff, v4  }
0x109: {  	v4 =	vld.idx.msk [tilespmem:v2+s26+$0x220 ss:$0x1], $0xffff;
	_ =	sdelay $0x4  }
0x10a: {  	v4 =	vmul.f32 v4, v53;
	_ =	sdelay $0x1  }
0x10b: {  	[tilespmem:v2+s26+$0x220 ss:$0x1] =	vst.idx.msk $0xffff, v4  }
0x10c: {  	v4 =	vld.idx.msk [tilespmem:v2+s26+$0x230 ss:$0x1], $0xffff;
	_ =	sdelay $0x4  }
0x10d: {  	v4 =	vmul.f32 v4, v53;
	_ =	sdelay $0x1  }
0x10e: {  	[tilespmem:v2+s26+$0x230 ss:$0x1] =	vst.idx.msk $0xffff, v4  }
0x10f: {  	v4 =	vld.idx.msk [tilespmem:v2+s26+$0x240 ss:$0x1], $0xffff;
	_ =	sdelay $0x4  }
0x110: {  	v4 =	vmul.f32 v4, v53;
	_ =	sdelay $0x1  }
0x111: {  	[tilespmem:v2+s26+$0x240 ss:$0x1] =	vst.idx.msk $0xffff, v4  }
0x112: {  	v4 =	vld.idx.msk [tilespmem:v2+s26+$0x250 ss:$0x1], $0xffff;
	_ =	sdelay $0x4  }
0x113: {  	v4 =	vmul.f32 v4, v53;
	_ =	sdelay $0x1  }
0x114: {  	[tilespmem:v2+s26+$0x250 ss:$0x1] =	vst.idx.msk $0xffff, v4  }
0x115: {  	v4 =	vld.idx.msk [tilespmem:v2+s26+$0x260 ss:$0x1], $0xffff;
	_ =	sdelay $0x4  }
0x116: {  	v4 =	vmul.f32 v4, v53;
	_ =	sdelay $0x1  }
0x117: {  	[tilespmem:v2+s26+$0x260 ss:$0x1] =	vst.idx.msk $0xffff, v4  }
0x118: {  	v4 =	vld.idx.msk [tilespmem:v2+s26+$0x270 ss:$0x1], $0xffff;
	_ =	sdelay $0x4  }
0x119: {  	v4 =	vmul.f32 v4, v53;
	_ =	sdelay $0x1  }
0x11a: {  	[tilespmem:v2+s26+$0x270 ss:$0x1] =	vst.idx.msk $0xffff, v4  }
0x11b: {  	v4 =	vld.idx.msk [tilespmem:v2+s26+$0x280 ss:$0x1], $0xffff;
	_ =	sdelay $0x2  }
0x11c: {  	v54 =	vbroadcast v3, $0x5;
	_ =	sdelay $0x1  }
0x11d: {  	v4 =	vmul.f32 v4, v54;
	_ =	sdelay $0x1  }
0x11e: {  	[tilespmem:v2+s26+$0x280 ss:$0x1] =	vst.idx.msk $0xffff, v4  }
0x11f: {  	v4 =	vld.idx.msk [tilespmem:v2+s26+$0x290 ss:$0x1], $0xffff;
	_ =	sdelay $0x4  }
0x120: {  	v4 =	vmul.f32 v4, v54;
	_ =	sdelay $0x1  }
0x121: {  	[tilespmem:v2+s26+$0x290 ss:$0x1] =	vst.idx.msk $0xffff, v4  }
0x122: {  	v4 =	vld.idx.msk [tilespmem:v2+s26+$0x2A0 ss:$0x1], $0xffff;
	_ =	sdelay $0x4  }
0x123: {  	v4 =	vmul.f32 v4, v54;
	_ =	sdelay $0x1  }
0x124: {  	[tilespmem:v2+s26+$0x2A0 ss:$0x1] =	vst.idx.msk $0xffff, v4  }
0x125: {  	v4 =	vld.idx.msk [tilespmem:v2+s26+$0x2B0 ss:$0x1], $0xffff;
	_ =	sdelay $0x4  }
0x126: {  	v4 =	vmul.f32 v4, v54;
	_ =	sdelay $0x1  }
0x127: {  	[tilespmem:v2+s26+$0x2B0 ss:$0x1] =	vst.idx.msk $0xffff, v4  }
0x128: {  	v4 =	vld.idx.msk [tilespmem:v2+s26+$0x2C0 ss:$0x1], $0xffff;
	_ =	sdelay $0x4  }
0x129: {  	v4 =	vmul.f32 v4, v54;
	_ =	sdelay $0x1  }
0x12a: {  	[tilespmem:v2+s26+$0x2C0 ss:$0x1] =	vst.idx.msk $0xffff, v4  }
0x12b: {  	v4 =	vld.idx.msk [tilespmem:v2+s26+$0x2D0 ss:$0x1], $0xffff;
	_ =	sdelay $0x4  }
0x12c: {  	v4 =	vmul.f32 v4, v54;
	_ =	sdelay $0x1  }
0x12d: {  	[tilespmem:v2+s26+$0x2D0 ss:$0x1] =	vst.idx.msk $0xffff, v4  }
0x12e: {  	v4 =	vld.idx.msk [tilespmem:v2+s26+$0x2E0 ss:$0x1], $0xffff;
	_ =	sdelay $0x4  }
0x12f: {  	v4 =	vmul.f32 v4, v54;
	_ =	sdelay $0x1  }
0x130: {  	[tilespmem:v2+s26+$0x2E0 ss:$0x1] =	vst.idx.msk $0xffff, v4  }
0x131: {  	v4 =	vld.idx.msk [tilespmem:v2+s26+$0x2F0 ss:$0x1], $0xffff;
	_ =	sdelay $0x4  }
0x132: {  	v4 =	vmul.f32 v4, v54;
	_ =	sdelay $0x1  }
0x133: {  	[tilespmem:v2+s26+$0x2F0 ss:$0x1] =	vst.idx.msk $0xffff, v4  }
0x134: {  	v4 =	vld.idx.msk [tilespmem:v2+s26+$0x300 ss:$0x1], $0xffff;
	_ =	sdelay $0x2  }
0x135: {  	v55 =	vbroadcast v3, $0x6;
	_ =	sdelay $0x1  }
0x136: {  	v4 =	vmul.f32 v4, v55;
	_ =	sdelay $0x1  }
0x137: {  	[tilespmem:v2+s26+$0x300 ss:$0x1] =	vst.idx.msk $0xffff, v4  }
0x138: {  	v4 =	vld.idx.msk [tilespmem:v2+s26+$0x310 ss:$0x1], $0xffff;
	_ =	sdelay $0x4  }
0x139: {  	v4 =	vmul.f32 v4, v55;
	_ =	sdelay $0x1  }
0x13a: {  	[tilespmem:v2+s26+$0x310 ss:$0x1] =	vst.idx.msk $0xffff, v4  }
0x13b: {  	v4 =	vld.idx.msk [tilespmem:v2+s26+$0x320 ss:$0x1], $0xffff;
	_ =	sdelay $0x4  }
0x13c: {  	v4 =	vmul.f32 v4, v55;
	_ =	sdelay $0x1  }
0x13d: {  	[tilespmem:v2+s26+$0x320 ss:$0x1] =	vst.idx.msk $0xffff, v4  }
0x13e: {  	v4 =	vld.idx.msk [tilespmem:v2+s26+$0x330 ss:$0x1], $0xffff;
	_ =	sdelay $0x4  }
0x13f: {  	v4 =	vmul.f32 v4, v55;
	_ =	sdelay $0x1  }
0x140: {  	[tilespmem:v2+s26+$0x330 ss:$0x1] =	vst.idx.msk $0xffff, v4  }
0x141: {  	v4 =	vld.idx.msk [tilespmem:v2+s26+$0x340 ss:$0x1], $0xffff;
	_ =	sdelay $0x4  }
0x142: {  	v4 =	vmul.f32 v4, v55;
	_ =	sdelay $0x1  }
0x143: {  	[tilespmem:v2+s26+$0x340 ss:$0x1] =	vst.idx.msk $0xffff, v4  }
0x144: {  	v4 =	vld.idx.msk [tilespmem:v2+s26+$0x350 ss:$0x1], $0xffff;
	_ =	sdelay $0x4  }
0x145: {  	v4 =	vmul.f32 v4, v55;
	_ =	sdelay $0x1  }
0x146: {  	[tilespmem:v2+s26+$0x350 ss:$0x1] =	vst.idx.msk $0xffff, v4  }
0x147: {  	v4 =	vld.idx.msk [tilespmem:v2+s26+$0x360 ss:$0x1], $0xffff;
	_ =	sdelay $0x4  }
0x148: {  	v4 =	vmul.f32 v4, v55;
	_ =	sdelay $0x1  }
0x149: {  	[tilespmem:v2+s26+$0x360 ss:$0x1] =	vst.idx.msk $0xffff, v4  }
0x14a: {  	v4 =	vld.idx.msk [tilespmem:v2+s26+$0x370 ss:$0x1], $0xffff;
	_ =	sdelay $0x4  }
0x14b: {  	v4 =	vmul.f32 v4, v55;
	_ =	sdelay $0x1  }
0x14c: {  	[tilespmem:v2+s26+$0x370 ss:$0x1] =	vst.idx.msk $0xffff, v4  }
0x14d: {  	v4 =	vld.idx.msk [tilespmem:v2+s26+$0x380 ss:$0x1], $0xffff;
	_ =	sdelay $0x2  }
0x14e: {  	v56 =	vbroadcast v3, $0x7;
	_ =	sdelay $0x1  }
0x14f: {  	v4 =	vmul.f32 v4, v56;
	_ =	sdelay $0x1  }
0x150: {  	[tilespmem:v2+s26+$0x380 ss:$0x1] =	vst.idx.msk $0xffff, v4  }
0x151: {  	v4 =	vld.idx.msk [tilespmem:v2+s26+$0x390 ss:$0x1], $0xffff;
	_ =	sdelay $0x4  }
0x152: {  	v4 =	vmul.f32 v4, v56;
	_ =	sdelay $0x1  }
0x153: {  	[tilespmem:v2+s26+$0x390 ss:$0x1] =	vst.idx.msk $0xffff, v4  }
0x154: {  	v4 =	vld.idx.msk [tilespmem:v2+s26+$0x3A0 ss:$0x1], $0xffff;
	_ =	sdelay $0x4  }
0x155: {  	v4 =	vmul.f32 v4, v56;
	_ =	sdelay $0x1  }
0x156: {  	[tilespmem:v2+s26+$0x3A0 ss:$0x1] =	vst.idx.msk $0xffff, v4  }
0x157: {  	v4 =	vld.idx.msk [tilespmem:v2+s26+$0x3B0 ss:$0x1], $0xffff;
	_ =	sdelay $0x4  }
0x158: {  	v4 =	vmul.f32 v4, v56;
	_ =	sdelay $0x1  }
0x159: {  	[tilespmem:v2+s26+$0x3B0 ss:$0x1] =	vst.idx.msk $0xffff, v4  }
0x15a: {  	v4 =	vld.idx.msk [tilespmem:v2+s26+$0x3C0 ss:$0x1], $0xffff;
	_ =	sdelay $0x4  }
0x15b: {  	v4 =	vmul.f32 v4, v56;
	_ =	sdelay $0x1  }
0x15c: {  	[tilespmem:v2+s26+$0x3C0 ss:$0x1] =	vst.idx.msk $0xffff, v4  }
0x15d: {  	v4 =	vld.idx.msk [tilespmem:v2+s26+$0x3D0 ss:$0x1], $0xffff;
	_ =	sdelay $0x4  }
0x15e: {  	v4 =	vmul.f32 v4, v56;
	_ =	sdelay $0x1  }
0x15f: {  	[tilespmem:v2+s26+$0x3D0 ss:$0x1] =	vst.idx.msk $0xffff, v4  }
0x160: {  	v4 =	vld.idx.msk [tilespmem:v2+s26+$0x3E0 ss:$0x1], $0xffff;
	_ =	sdelay $0x4  }
0x161: {  	v4 =	vmul.f32 v4, v56;
	_ =	sdelay $0x1  }
0x162: {  	[tilespmem:v2+s26+$0x3E0 ss:$0x1] =	vst.idx.msk $0xffff, v4  }
0x163: {  	v4 =	vld.idx.msk [tilespmem:v2+s26+$0x3F0 ss:$0x1], $0xffff;
	_ =	sdelay $0x4  }
0x164: {  	v4 =	vmul.f32 v4, v56;
	_ =	sdelay $0x1  }
0x165: {  	[tilespmem:v2+s26+$0x3F0 ss:$0x1] =	vst.idx.msk $0xffff, v4  }
0x166: {  	v4 =	vld.idx.msk [tilespmem:v2+s26+$0x400 ss:$0x1], $0xffff;
	_ =	sdelay $0x2  }
0x167: {  	v57 =	vbroadcast v3, $0x8;
	_ =	sdelay $0x1  }
0x168: {  	v4 =	vmul.f32 v4, v57;
	_ =	sdelay $0x1  }
0x169: {  	[tilespmem:v2+s26+$0x400 ss:$0x1] =	vst.idx.msk $0xffff, v4  }
0x16a: {  	v4 =	vld.idx.msk [tilespmem:v2+s26+$0x410 ss:$0x1], $0xffff;
	_ =	sdelay $0x4  }
0x16b: {  	v4 =	vmul.f32 v4, v57;
	_ =	sdelay $0x1  }
0x16c: {  	[tilespmem:v2+s26+$0x410 ss:$0x1] =	vst.idx.msk $0xffff, v4  }
0x16d: {  	v4 =	vld.idx.msk [tilespmem:v2+s26+$0x420 ss:$0x1], $0xffff;
	_ =	sdelay $0x4  }
0x16e: {  	v4 =	vmul.f32 v4, v57;
	_ =	sdelay $0x1  }
0x16f: {  	[tilespmem:v2+s26+$0x420 ss:$0x1] =	vst.idx.msk $0xffff, v4  }
0x170: {  	v4 =	vld.idx.msk [tilespmem:v2+s26+$0x430 ss:$0x1], $0xffff;
	_ =	sdelay $0x4  }
0x171: {  	v4 =	vmul.f32 v4, v57;
	_ =	sdelay $0x1  }
0x172: {  	[tilespmem:v2+s26+$0x430 ss:$0x1] =	vst.idx.msk $0xffff, v4  }
0x173: {  	v4 =	vld.idx.msk [tilespmem:v2+s26+$0x440 ss:$0x1], $0xffff;
	_ =	sdelay $0x4  }
0x174: {  	v4 =	vmul.f32 v4, v57;
	_ =	sdelay $0x1  }
0x175: {  	[tilespmem:v2+s26+$0x440 ss:$0x1] =	vst.idx.msk $0xffff, v4  }
0x176: {  	v4 =	vld.idx.msk [tilespmem:v2+s26+$0x450 ss:$0x1], $0xffff;
	_ =	sdelay $0x4  }
0x177: {  	v4 =	vmul.f32 v4, v57;
	_ =	sdelay $0x1  }
0x178: {  	[tilespmem:v2+s26+$0x450 ss:$0x1] =	vst.idx.msk $0xffff, v4  }
0x179: {  	v4 =	vld.idx.msk [tilespmem:v2+s26+$0x460 ss:$0x1], $0xffff;
	_ =	sdelay $0x4  }
0x17a: {  	v4 =	vmul.f32 v4, v57;
	_ =	sdelay $0x1  }
0x17b: {  	[tilespmem:v2+s26+$0x460 ss:$0x1] =	vst.idx.msk $0xffff, v4  }
0x17c: {  	v4 =	vld.idx.msk [tilespmem:v2+s26+$0x470 ss:$0x1], $0xffff;
	_ =	sdelay $0x4  }
0x17d: {  	v4 =	vmul.f32 v4, v57;
	_ =	sdelay $0x1  }
0x17e: {  	[tilespmem:v2+s26+$0x470 ss:$0x1] =	vst.idx.msk $0xffff, v4  }
0x17f: {  	v4 =	vld.idx.msk [tilespmem:v2+s26+$0x480 ss:$0x1], $0xffff;
	_ =	sdelay $0x2  }
0x180: {  	v58 =	vbroadcast v3, $0x9;
	_ =	sdelay $0x1  }
0x181: {  	v4 =	vmul.f32 v4, v58;
	_ =	sdelay $0x1  }
0x182: {  	[tilespmem:v2+s26+$0x480 ss:$0x1] =	vst.idx.msk $0xffff, v4  }
0x183: {  	v4 =	vld.idx.msk [tilespmem:v2+s26+$0x490 ss:$0x1], $0xffff;
	_ =	sdelay $0x4  }
0x184: {  	v4 =	vmul.f32 v4, v58;
	_ =	sdelay $0x1  }
0x185: {  	[tilespmem:v2+s26+$0x490 ss:$0x1] =	vst.idx.msk $0xffff, v4  }
0x186: {  	v4 =	vld.idx.msk [tilespmem:v2+s26+$0x4A0 ss:$0x1], $0xffff;
	_ =	sdelay $0x4  }
0x187: {  	v4 =	vmul.f32 v4, v58;
	_ =	sdelay $0x1  }
0x188: {  	[tilespmem:v2+s26+$0x4A0 ss:$0x1] =	vst.idx.msk $0xffff, v4  }
0x189: {  	v4 =	vld.idx.msk [tilespmem:v2+s26+$0x4B0 ss:$0x1], $0xffff;
	_ =	sdelay $0x4  }
0x18a: {  	v4 =	vmul.f32 v4, v58;
	_ =	sdelay $0x1  }
0x18b: {  	[tilespmem:v2+s26+$0x4B0 ss:$0x1] =	vst.idx.msk $0xffff, v4  }
0x18c: {  	v4 =	vld.idx.msk [tilespmem:v2+s26+$0x4C0 ss:$0x1], $0xffff;
	_ =	sdelay $0x4  }
0x18d: {  	v4 =	vmul.f32 v4, v58;
	_ =	sdelay $0x1  }
0x18e: {  	[tilespmem:v2+s26+$0x4C0 ss:$0x1] =	vst.idx.msk $0xffff, v4  }
0x18f: {  	v4 =	vld.idx.msk [tilespmem:v2+s26+$0x4D0 ss:$0x1], $0xffff;
	_ =	sdelay $0x4  }
0x190: {  	v4 =	vmul.f32 v4, v58;
	_ =	sdelay $0x1  }
0x191: {  	[tilespmem:v2+s26+$0x4D0 ss:$0x1] =	vst.idx.msk $0xffff, v4  }
0x192: {  	v4 =	vld.idx.msk [tilespmem:v2+s26+$0x4E0 ss:$0x1], $0xffff;
	_ =	sdelay $0x4  }
0x193: {  	v4 =	vmul.f32 v4, v58;
	_ =	sdelay $0x1  }
0x194: {  	[tilespmem:v2+s26+$0x4E0 ss:$0x1] =	vst.idx.msk $0xffff, v4  }
0x195: {  	v4 =	vld.idx.msk [tilespmem:v2+s26+$0x4F0 ss:$0x1], $0xffff;
	_ =	sdelay $0x4  }
0x196: {  	v4 =	vmul.f32 v4, v58;
	_ =	sdelay $0x1  }
0x197: {  	[tilespmem:v2+s26+$0x4F0 ss:$0x1] =	vst.idx.msk $0xffff, v4  }
0x198: {  	v4 =	vld.idx.msk [tilespmem:v2+s26+$0x500 ss:$0x1], $0xffff;
	_ =	sdelay $0x2  }
0x199: {  	v59 =	vbroadcast v3, $0xA;
	_ =	sdelay $0x1  }
0x19a: {  	v4 =	vmul.f32 v4, v59;
	_ =	sdelay $0x1  }
0x19b: {  	[tilespmem:v2+s26+$0x500 ss:$0x1] =	vst.idx.msk $0xffff, v4  }
0x19c: {  	v4 =	vld.idx.msk [tilespmem:v2+s26+$0x510 ss:$0x1], $0xffff;
	_ =	sdelay $0x4  }
0x19d: {  	v4 =	vmul.f32 v4, v59;
	_ =	sdelay $0x1  }
0x19e: {  	[tilespmem:v2+s26+$0x510 ss:$0x1] =	vst.idx.msk $0xffff, v4  }
0x19f: {  	v4 =	vld.idx.msk [tilespmem:v2+s26+$0x520 ss:$0x1], $0xffff;
	_ =	sdelay $0x4  }
0x1a0: {  	v4 =	vmul.f32 v4, v59;
	_ =	sdelay $0x1  }
0x1a1: {  	[tilespmem:v2+s26+$0x520 ss:$0x1] =	vst.idx.msk $0xffff, v4  }
0x1a2: {  	v4 =	vld.idx.msk [tilespmem:v2+s26+$0x530 ss:$0x1], $0xffff;
	_ =	sdelay $0x4  }
0x1a3: {  	v4 =	vmul.f32 v4, v59;
	_ =	sdelay $0x1  }
0x1a4: {  	[tilespmem:v2+s26+$0x530 ss:$0x1] =	vst.idx.msk $0xffff, v4  }
0x1a5: {  	v4 =	vld.idx.msk [tilespmem:v2+s26+$0x540 ss:$0x1], $0xffff;
	_ =	sdelay $0x4  }
0x1a6: {  	v4 =	vmul.f32 v4, v59;
	_ =	sdelay $0x1  }
0x1a7: {  	[tilespmem:v2+s26+$0x540 ss:$0x1] =	vst.idx.msk $0xffff, v4  }
0x1a8: {  	v4 =	vld.idx.msk [tilespmem:v2+s26+$0x550 ss:$0x1], $0xffff;
	_ =	sdelay $0x4  }
0x1a9: {  	v4 =	vmul.f32 v4, v59;
	_ =	sdelay $0x1  }
0x1aa: {  	[tilespmem:v2+s26+$0x550 ss:$0x1] =	vst.idx.msk $0xffff, v4  }
0x1ab: {  	v4 =	vld.idx.msk [tilespmem:v2+s26+$0x560 ss:$0x1], $0xffff;
	_ =	sdelay $0x4  }
0x1ac: {  	v4 =	vmul.f32 v4, v59;
	_ =	sdelay $0x1  }
0x1ad: {  	[tilespmem:v2+s26+$0x560 ss:$0x1] =	vst.idx.msk $0xffff, v4  }
0x1ae: {  	v4 =	vld.idx.msk [tilespmem:v2+s26+$0x570 ss:$0x1], $0xffff;
	_ =	sdelay $0x4  }
0x1af: {  	v4 =	vmul.f32 v4, v59;
	_ =	sdelay $0x1  }
0x1b0: {  	[tilespmem:v2+s26+$0x570 ss:$0x1] =	vst.idx.msk $0xffff, v4  }
0x1b1: {  	v4 =	vld.idx.msk [tilespmem:v2+s26+$0x580 ss:$0x1], $0xffff;
	_ =	sdelay $0x2  }
0x1b2: {  	v60 =	vbroadcast v3, $0xB;
	_ =	sdelay $0x1  }
0x1b3: {  	v4 =	vmul.f32 v4, v60;
	_ =	sdelay $0x1  }
0x1b4: {  	[tilespmem:v2+s26+$0x580 ss:$0x1] =	vst.idx.msk $0xffff, v4  }
0x1b5: {  	v4 =	vld.idx.msk [tilespmem:v2+s26+$0x590 ss:$0x1], $0xffff;
	_ =	sdelay $0x4  }
0x1b6: {  	v4 =	vmul.f32 v4, v60;
	_ =	sdelay $0x1  }
0x1b7: {  	[tilespmem:v2+s26+$0x590 ss:$0x1] =	vst.idx.msk $0xffff, v4  }
0x1b8: {  	v4 =	vld.idx.msk [tilespmem:v2+s26+$0x5A0 ss:$0x1], $0xffff;
	_ =	sdelay $0x4  }
0x1b9: {  	v4 =	vmul.f32 v4, v60;
	_ =	sdelay $0x1  }
0x1ba: {  	[tilespmem:v2+s26+$0x5A0 ss:$0x1] =	vst.idx.msk $0xffff, v4  }
0x1bb: {  	v4 =	vld.idx.msk [tilespmem:v2+s26+$0x5B0 ss:$0x1], $0xffff;
	_ =	sdelay $0x4  }
0x1bc: {  	v4 =	vmul.f32 v4, v60;
	_ =	sdelay $0x1  }
0x1bd: {  	[tilespmem:v2+s26+$0x5B0 ss:$0x1] =	vst.idx.msk $0xffff, v4  }
0x1be: {  	v4 =	vld.idx.msk [tilespmem:v2+s26+$0x5C0 ss:$0x1], $0xffff;
	_ =	sdelay $0x4  }
0x1bf: {  	v4 =	vmul.f32 v4, v60;
	_ =	sdelay $0x1  }
0x1c0: {  	[tilespmem:v2+s26+$0x5C0 ss:$0x1] =	vst.idx.msk $0xffff, v4  }
0x1c1: {  	v4 =	vld.idx.msk [tilespmem:v2+s26+$0x5D0 ss:$0x1], $0xffff;
	_ =	sdelay $0x4  }
0x1c2: {  	v4 =	vmul.f32 v4, v60;
	_ =	sdelay $0x1  }
0x1c3: {  	[tilespmem:v2+s26+$0x5D0 ss:$0x1] =	vst.idx.msk $0xffff, v4  }
0x1c4: {  	v4 =	vld.idx.msk [tilespmem:v2+s26+$0x5E0 ss:$0x1], $0xffff;
	_ =	sdelay $0x4  }
0x1c5: {  	v4 =	vmul.f32 v4, v60;
	_ =	sdelay $0x1  }
0x1c6: {  	[tilespmem:v2+s26+$0x5E0 ss:$0x1] =	vst.idx.msk $0xffff, v4  }
0x1c7: {  	v4 =	vld.idx.msk [tilespmem:v2+s26+$0x5F0 ss:$0x1], $0xffff;
	_ =	sdelay $0x4  }
0x1c8: {  	v4 =	vmul.f32 v4, v60;
	_ =	sdelay $0x1  }
0x1c9: {  	[tilespmem:v2+s26+$0x5F0 ss:$0x1] =	vst.idx.msk $0xffff, v4  }
0x1ca: {  	v4 =	vld.idx.msk [tilespmem:v2+s26+$0x600 ss:$0x1], $0xffff;
	_ =	sdelay $0x2  }
0x1cb: {  	v61 =	vbroadcast v3, $0xC;
	_ =	sdelay $0x1  }
0x1cc: {  	v4 =	vmul.f32 v4, v61;
	_ =	sdelay $0x1  }
0x1cd: {  	[tilespmem:v2+s26+$0x600 ss:$0x1] =	vst.idx.msk $0xffff, v4  }
0x1ce: {  	v4 =	vld.idx.msk [tilespmem:v2+s26+$0x610 ss:$0x1], $0xffff;
	_ =	sdelay $0x4  }
0x1cf: {  	v4 =	vmul.f32 v4, v61;
	_ =	sdelay $0x1  }
0x1d0: {  	[tilespmem:v2+s26+$0x610 ss:$0x1] =	vst.idx.msk $0xffff, v4  }
0x1d1: {  	v4 =	vld.idx.msk [tilespmem:v2+s26+$0x620 ss:$0x1], $0xffff;
	_ =	sdelay $0x4  }
0x1d2: {  	v4 =	vmul.f32 v4, v61;
	_ =	sdelay $0x1  }
0x1d3: {  	[tilespmem:v2+s26+$0x620 ss:$0x1] =	vst.idx.msk $0xffff, v4  }
0x1d4: {  	v4 =	vld.idx.msk [tilespmem:v2+s26+$0x630 ss:$0x1], $0xffff;
	_ =	sdelay $0x4  }
0x1d5: {  	v4 =	vmul.f32 v4, v61;
	_ =	sdelay $0x1  }
0x1d6: {  	[tilespmem:v2+s26+$0x630 ss:$0x1] =	vst.idx.msk $0xffff, v4  }
0x1d7: {  	v4 =	vld.idx.msk [tilespmem:v2+s26+$0x640 ss:$0x1], $0xffff;
	_ =	sdelay $0x4  }
0x1d8: {  	v4 =	vmul.f32 v4, v61;
	_ =	sdelay $0x1  }
0x1d9: {  	[tilespmem:v2+s26+$0x640 ss:$0x1] =	vst.idx.msk $0xffff, v4  }
0x1da: {  	v4 =	vld.idx.msk [tilespmem:v2+s26+$0x650 ss:$0x1], $0xffff;
	_ =	sdelay $0x4  }
0x1db: {  	v4 =	vmul.f32 v4, v61;
	_ =	sdelay $0x1  }
0x1dc: {  	[tilespmem:v2+s26+$0x650 ss:$0x1] =	vst.idx.msk $0xffff, v4  }
0x1dd: {  	v4 =	vld.idx.msk [tilespmem:v2+s26+$0x660 ss:$0x1], $0xffff;
	_ =	sdelay $0x4  }
0x1de: {  	v4 =	vmul.f32 v4, v61;
	_ =	sdelay $0x1  }
0x1df: {  	[tilespmem:v2+s26+$0x660 ss:$0x1] =	vst.idx.msk $0xffff, v4  }
0x1e0: {  	v4 =	vld.idx.msk [tilespmem:v2+s26+$0x670 ss:$0x1], $0xffff;
	_ =	sdelay $0x4  }
0x1e1: {  	v4 =	vmul.f32 v4, v61;
	_ =	sdelay $0x1  }
0x1e2: {  	[tilespmem:v2+s26+$0x670 ss:$0x1] =	vst.idx.msk $0xffff, v4  }
0x1e3: {  	v4 =	vld.idx.msk [tilespmem:v2+s26+$0x680 ss:$0x1], $0xffff;
	_ =	sdelay $0x2  }
0x1e4: {  	v62 =	vbroadcast v3, $0xD;
	_ =	sdelay $0x1  }
0x1e5: {  	v4 =	vmul.f32 v4, v62;
	_ =	sdelay $0x1  }
0x1e6: {  	[tilespmem:v2+s26+$0x680 ss:$0x1] =	vst.idx.msk $0xffff, v4  }
0x1e7: {  	v4 =	vld.idx.msk [tilespmem:v2+s26+$0x690 ss:$0x1], $0xffff;
	_ =	sdelay $0x4  }
0x1e8: {  	v4 =	vmul.f32 v4, v62;
	_ =	sdelay $0x1  }
0x1e9: {  	[tilespmem:v2+s26+$0x690 ss:$0x1] =	vst.idx.msk $0xffff, v4  }
0x1ea: {  	v4 =	vld.idx.msk [tilespmem:v2+s26+$0x6A0 ss:$0x1], $0xffff;
	_ =	sdelay $0x4  }
0x1eb: {  	v4 =	vmul.f32 v4, v62;
	_ =	sdelay $0x1  }
0x1ec: {  	[tilespmem:v2+s26+$0x6A0 ss:$0x1] =	vst.idx.msk $0xffff, v4  }
0x1ed: {  	v4 =	vld.idx.msk [tilespmem:v2+s26+$0x6B0 ss:$0x1], $0xffff;
	_ =	sdelay $0x4  }
0x1ee: {  	v4 =	vmul.f32 v4, v62;
	_ =	sdelay $0x1  }
0x1ef: {  	[tilespmem:v2+s26+$0x6B0 ss:$0x1] =	vst.idx.msk $0xffff, v4  }
0x1f0: {  	v4 =	vld.idx.msk [tilespmem:v2+s26+$0x6C0 ss:$0x1], $0xffff;
	_ =	sdelay $0x4  }
0x1f1: {  	v4 =	vmul.f32 v4, v62;
	_ =	sdelay $0x1  }
0x1f2: {  	[tilespmem:v2+s26+$0x6C0 ss:$0x1] =	vst.idx.msk $0xffff, v4  }
0x1f3: {  	v4 =	vld.idx.msk [tilespmem:v2+s26+$0x6D0 ss:$0x1], $0xffff;
	_ =	sdelay $0x4  }
0x1f4: {  	v4 =	vmul.f32 v4, v62;
	_ =	sdelay $0x1  }
0x1f5: {  	[tilespmem:v2+s26+$0x6D0 ss:$0x1] =	vst.idx.msk $0xffff, v4  }
0x1f6: {  	v4 =	vld.idx.msk [tilespmem:v2+s26+$0x6E0 ss:$0x1], $0xffff;
	_ =	sdelay $0x4  }
0x1f7: {  	v4 =	vmul.f32 v4, v62;
	_ =	sdelay $0x1  }
0x1f8: {  	[tilespmem:v2+s26+$0x6E0 ss:$0x1] =	vst.idx.msk $0xffff, v4  }
0x1f9: {  	v4 =	vld.idx.msk [tilespmem:v2+s26+$0x6F0 ss:$0x1], $0xffff;
	_ =	sdelay $0x4  }
0x1fa: {  	v4 =	vmul.f32 v4, v62;
	_ =	sdelay $0x1  }
0x1fb: {  	[tilespmem:v2+s26+$0x6F0 ss:$0x1] =	vst.idx.msk $0xffff, v4  }
0x1fc: {  	v4 =	vld.idx.msk [tilespmem:v2+s26+$0x700 ss:$0x1], $0xffff;
	_ =	sdelay $0x2  }
0x1fd: {  	v63 =	vbroadcast v3, $0xE;
	_ =	sdelay $0x1  }
0x1fe: {  	v4 =	vmul.f32 v4, v63;
	_ =	sdelay $0x1  }
0x1ff: {  	[tilespmem:v2+s26+$0x700 ss:$0x1] =	vst.idx.msk $0xffff, v4  }
0x200: {  	v4 =	vld.idx.msk [tilespmem:v2+s26+$0x710 ss:$0x1], $0xffff;
	_ =	sdelay $0x4  }
0x201: {  	v4 =	vmul.f32 v4, v63;
	_ =	sdelay $0x1  }
0x202: {  	[tilespmem:v2+s26+$0x710 ss:$0x1] =	vst.idx.msk $0xffff, v4  }
0x203: {  	v4 =	vld.idx.msk [tilespmem:v2+s26+$0x720 ss:$0x1], $0xffff;
	_ =	sdelay $0x4  }
0x204: {  	v4 =	vmul.f32 v4, v63;
	_ =	sdelay $0x1  }
0x205: {  	[tilespmem:v2+s26+$0x720 ss:$0x1] =	vst.idx.msk $0xffff, v4  }
0x206: {  	v4 =	vld.idx.msk [tilespmem:v2+s26+$0x730 ss:$0x1], $0xffff;
	_ =	sdelay $0x4  }
0x207: {  	v4 =	vmul.f32 v4, v63;
	_ =	sdelay $0x1  }
0x208: {  	[tilespmem:v2+s26+$0x730 ss:$0x1] =	vst.idx.msk $0xffff, v4  }
0x209: {  	v4 =	vld.idx.msk [tilespmem:v2+s26+$0x740 ss:$0x1], $0xffff;
	_ =	sdelay $0x4  }
0x20a: {  	v4 =	vmul.f32 v4, v63;
	_ =	sdelay $0x1  }
0x20b: {  	[tilespmem:v2+s26+$0x740 ss:$0x1] =	vst.idx.msk $0xffff, v4  }
0x20c: {  	v4 =	vld.idx.msk [tilespmem:v2+s26+$0x750 ss:$0x1], $0xffff;
	_ =	sdelay $0x4  }
0x20d: {  	v4 =	vmul.f32 v4, v63;
	_ =	sdelay $0x1  }
0x20e: {  	[tilespmem:v2+s26+$0x750 ss:$0x1] =	vst.idx.msk $0xffff, v4  }
0x20f: {  	v4 =	vld.idx.msk [tilespmem:v2+s26+$0x760 ss:$0x1], $0xffff;
	_ =	sdelay $0x4  }
0x210: {  	v4 =	vmul.f32 v4, v63;
	_ =	sdelay $0x1  }
0x211: {  	[tilespmem:v2+s26+$0x760 ss:$0x1] =	vst.idx.msk $0xffff, v4  }
0x212: {  	v4 =	vld.idx.msk [tilespmem:v2+s26+$0x770 ss:$0x1], $0xffff;
	_ =	sdelay $0x4  }
0x213: {  	v4 =	vmul.f32 v4, v63;
	_ =	sdelay $0x1  }
0x214: {  	[tilespmem:v2+s26+$0x770 ss:$0x1] =	vst.idx.msk $0xffff, v4  }
0x215: {  	v4 =	vld.idx.msk [tilespmem:v2+s26+$0x780 ss:$0x1], $0xffff;
	_ =	sdelay $0x2  }
0x216: {  	v3 =	vbroadcast v3, $0xF;
	_ =	sdelay $0x1  }
0x217: {  	v4 =	vmul.f32 v4, v3;
	_ =	sdelay $0x1  }
0x218: {  	[tilespmem:v2+s26+$0x780 ss:$0x1] =	vst.idx.msk $0xffff, v4  }
0x219: {  	v4 =	vld.idx.msk [tilespmem:v2+s26+$0x790 ss:$0x1], $0xffff;
	_ =	sdelay $0x4  }
0x21a: {  	v4 =	vmul.f32 v4, v3;
	_ =	sdelay $0x1  }
0x21b: {  	[tilespmem:v2+s26+$0x790 ss:$0x1] =	vst.idx.msk $0xffff, v4  }
0x21c: {  	v4 =	vld.idx.msk [tilespmem:v2+s26+$0x7A0 ss:$0x1], $0xffff;
	_ =	sdelay $0x4  }
0x21d: {  	v4 =	vmul.f32 v4, v3;
	_ =	sdelay $0x1  }
0x21e: {  	[tilespmem:v2+s26+$0x7A0 ss:$0x1] =	vst.idx.msk $0xffff, v4  }
0x21f: {  	v4 =	vld.idx.msk [tilespmem:v2+s26+$0x7B0 ss:$0x1], $0xffff;
	_ =	sdelay $0x4  }
0x220: {  	v4 =	vmul.f32 v4, v3;
	_ =	sdelay $0x1  }
0x221: {  	[tilespmem:v2+s26+$0x7B0 ss:$0x1] =	vst.idx.msk $0xffff, v4  }
0x222: {  	v4 =	vld.idx.msk [tilespmem:v2+s26+$0x7C0 ss:$0x1], $0xffff;
	_ =	sdelay $0x4  }
0x223: {  	v4 =	vmul.f32 v4, v3;
	_ =	sdelay $0x1  }
0x224: {  	[tilespmem:v2+s26+$0x7C0 ss:$0x1] =	vst.idx.msk $0xffff, v4  }
0x225: {  	v4 =	vld.idx.msk [tilespmem:v2+s26+$0x7D0 ss:$0x1], $0xffff;
	_ =	sdelay $0x4  }
0x226: {  	v4 =	vmul.f32 v4, v3;
	_ =	sdelay $0x1  }
0x227: {  	[tilespmem:v2+s26+$0x7D0 ss:$0x1] =	vst.idx.msk $0xffff, v4  }
0x228: {  	v4 =	vld.idx.msk [tilespmem:v2+s26+$0x7E0 ss:$0x1], $0xffff;
	_ =	sdelay $0x4  }
0x229: {  	v4 =	vmul.f32 v4, v3;
	_ =	sdelay $0x1  }
0x22a: {  	[tilespmem:v2+s26+$0x7E0 ss:$0x1] =	vst.idx.msk $0xffff, v4  }
0x22b: {  	v4 =	vld.idx.msk [tilespmem:v2+s26+$0x7F0 ss:$0x1], $0xffff;
	_ =	sdelay $0x1  }
0x22c: {  	p3 =	sne.s32 s25, $0x7  }
.Ltmp5:
0x22d: {  	_ = 	snop;
	(pc) =	sbr.rel @p3 .LBB2_10-.Ltmp5, $3  }
0x22e: {  	_ = 	snop  }
0x22f: {  	v3 =	vmul.f32 v4, v3;
	_ =	sdelay $0x1  }
0x230: {  	s25 =	sadd.s32 $0x1, s25;
	[tilespmem:v2+s26+$0x7F0 ss:$0x1] =	vst.idx.msk $0xffff, v3  }
0x231: {  	p3 =	sne.s32 s24, $0x50  }
.Ltmp6:
0x232: {  	s23 =	sshll.u32 s23, $0x8;
	(pc) =	sbr.rel @p3 .LBB2_4-.Ltmp6, $4  }
0x233: {  	s23 =	sand.u32 $0x300, s23  }
0x234: {  	s17 =	sadd.s32 $0xC, s17;
	s23 =	sor.u32 $0x80, s23  }
0x235: {  	[spmem:s3] =	stream.indirect.scatter.add.f32 [tilespmem:s18], [sflag:s17], $0x80, s23, s16, $0xb8;
	[tilespmem:$0x1FE80] =	vst v63  }
0x236: {  	s23 =	smov.u32 s24  }
0x237: {  	_ =	swait.ge [sflag:s19], $0x4000  }
0x238: {  	[sflag:s19] =	ssyncset.done $0x0  }
0x239: {  	[sflag:s19] =	ssyncadd.s32 $0xFFFFC000  }
0x23a: {  	_ =	swait.ge [sflag:s20], $0x4000  }
0x23b: {  	[sflag:s20] =	ssyncset.done $0x0  }
0x23c: {  	[sflag:s20] =	ssyncadd.s32 $0xFFFFC000  }
0x23d: {  	_ =	swait.ge [sflag:s21], $0x4000  }
0x23e: {  	[sflag:s21] =	ssyncset.done $0x0  }
0x23f: {  	[sflag:s21] =	ssyncadd.s32 $0xFFFFC000  }
0x240: {  	s17 =	stileid.u32;
	[bflag:$0x0] =	sbarrier.arrive $0xFFFF  }
0x241: {  	s17 =	sshll.u32 s17, $0x6;
	s18 =	rddreg [dreg:$0x5]  }
0x242: {  	s17 =	sor.u32 $0x1C0F, s17;
	s23 =	rddreg [dreg:$0x13]  }
0x243: {  	[hbm:s18], [sflag:s17] =	dma.local [spmem:s23], $0x500  }
0x244: {  	_ =	swait.ge [sflag:s13], $0x500  }
0x245: {  	[sflag:s13] =	ssyncset.done $0x0;
	s23 =	rddreg [dreg:$0x6]  }
0x246: {  	s24 =	rddreg [dreg:$0x14];
	[sflag:s13] =	ssyncadd.s32 $0xFFFFFB00  }
0x247: {  	[hbm:s23], [sflag:s17] =	dma.local [spmem:s24], $0x500  }
0x248: {  	_ =	swait.ge [sflag:s13], $0x500  }
0x249: {  	[sflag:s13] =	ssyncset.done $0x0;
	s25 =	rddreg [dreg:$0x7]  }
0x24a: {  	s26 =	rddreg [dreg:$0x15];
	[sflag:s13] =	ssyncadd.s32 $0xFFFFFB00  }
0x24b: {  	[hbm:s25], [sflag:s17] =	dma.local [spmem:s26], $0x500  }
0x24c: {  	_ =	swait.ge [sflag:s13], $0x500  }
0x24d: {  	[sflag:s13] =	ssyncset.done $0x0;
	s28 =	rddreg [dreg:$0x8]  }
0x24e: {  	s29 =	rddreg [dreg:$0x16];
	[sflag:s13] =	ssyncadd.s32 $0xFFFFFB00  }
0x24f: {  	[hbm:s28], [sflag:s17] =	dma.local [spmem:s29], $0x500  }
0x250: {  	_ =	swait.ge [sflag:s13], $0x500  }
0x251: {  	[sflag:s13] =	ssyncset.done $0x0;
	s23 =	rddreg [dreg:$0x9]  }
0x252: {  	s24 =	rddreg [dreg:$0x17];
	[sflag:s13] =	ssyncadd.s32 $0xFFFFFB00  }
0x253: {  	[hbm:s23], [sflag:s17] =	dma.local [spmem:s24], $0x500  }
0x254: {  	_ =	swait.ge [sflag:s13], $0x500  }
0x255: {  	[sflag:s13] =	ssyncset.done $0x0;
	s25 =	rddreg [dreg:$0xa]  }
0x256: {  	s26 =	rddreg [dreg:$0x18];
	[sflag:s13] =	ssyncadd.s32 $0xFFFFFB00  }
0x257: {  	[hbm:s25], [sflag:s17] =	dma.local [spmem:s26], $0x500  }
0x258: {  	_ =	swait.ge [sflag:s13], $0x500  }
0x259: {  	[sflag:s13] =	ssyncset.done $0x0  }
0x25a: {  	s28 =	rddreg [dreg:$0xb];
	[sflag:s13] =	ssyncadd.s32 $0xFFFFFB00  }
0x25b: {  	[hbm:s28], [sflag:s17] =	dma.local [spmem:s0], $0x500  }
0x25c: {  	_ =	swait.ge [sflag:s13], $0x500  }
0x25d: {  	[sflag:s13] =	ssyncset.done $0x0  }
0x25e: {  	s18 =	rddreg [dreg:$0xc];
	[sflag:s13] =	ssyncadd.s32 $0xFFFFFB00  }
0x25f: {  	[hbm:s18], [sflag:s17] =	dma.local @!p1 [spmem:s5], $0x500  }
0x260: {  	s17 =	simm.s32 @!p1 $0xF  }
0x261: {  	_ =	swait.ge @!p1 [sflag:s17], $0x500  }
0x262: {  	s22 =	sadd.s32 $0x1, s22;
	s29 =	rddreg [dreg:$0xd]  }
0x263: {  	p3 =	sne.s32 s22, s29  }
.Ltmp7:
0x264: {  	_ = 	snop;
	(pc) =	sbr.rel @p3 .LBB2_1-.Ltmp7, $3  }
0x265: {  	_ =	sdelay $0x1  }
0x266: {  	[sflag:s17] =	ssyncset.done @!p1 $0x0  }
0x267: {  	[sflag:s17] =	ssyncadd.s32 @!p1 $0xFFFFFB00  }
0x268: {  	_ =	sfence.sel $0x180000  }
0x269: {  	[bflag:$0x0] =	sbarrier.arrive $0xFFFF  }
0x26a: {  	_ =	strace $0x90000047  }
0x26b: {  	s0 =	stileid.u32;
	[bflag:$0x2] =	sbarrier.arrive $0xFFFF  }
0x26c: {  	p0 =	sne.s32 s0, $0x0;
	s0 =	rddreg [dreg:$0x4]  }
0x26d: {  	s0 =	sadd.s32 @!p0 $0x100000, s0  }
0x26e: {  	[sflag:s0] =	ssyncadd.tile.s32 @!p0 $0x1;
	_ =	shalt  }
.Lfunc_end2:
_tile_overlayer_lowered:
.L_overlay_start_2:
0x26f: {  	(tag) =	ssettag $0x2  }
0x270: {  	s0 =	rddreg [dreg:$0x0];
	s2 =	stileid.u32  }
0x271: {  	s1 =	rddreg [dreg:$0x1];
	p0 =	sne.s32 s2, $0x0  }
0x272: {  	s3 =	rddreg [dreg:$0x2];
	[bflag:$0x3] =	sbarrier.arrive $0xFFFF;
	s2 =	simm.s32 @!p0 $0x1C0F  }
0x273: {  	[timem:s3], [sflag:s2] =	dma.local @!p0 [hbm:s0], s1  }
0x274: {  	s0 =	simm.s32 @!p0 $0xF  }
0x275: {  	_ =	swait.ge @!p0 [sflag:s0], s1  }
0x276: {  	s1 =	ssub.s32 @!p0 $0x0, s1;
	[sflag:s0] =	ssyncset.done @!p0 $0x0  }
0x277: {  	[sflag:s0] =	ssyncadd.s32 @!p0 s1  }
0x278: {  	[bflag:$0x3] =	sbarrier.arrive $0xFFFF  }
0x279: {  	_ =	shalt  }

// kernel: kernel.9.cloned.1.call-start
scs
__scs_entry_jumppad:
0x0: {  	(pc) =	sbr.rel $0x88, $3  }
0x1: {  	(tag) =	ssettag $0x0;
	lr =	simm.s32 $0x1  }
0x2: {  	[smem:$0x3F98] =	sst lr;
	_ =	strace $0xD0000000  }
0x3: {  	_ = 	snop  }
0x4: {  	_ = 	snop  }
0x5: {  	_ = 	snop  }
0x6: {  	_ = 	snop  }
0x7: {  	_ = 	snop  }
__scs_overlays_trampoline_lowered:
0x8: {  	[smem:$0x3FA7] =	sst s0  }
0x9: {  	[smem:$0x3FA8] =	sst s1  }
0xa: {  	[smem:$0x3FA9] =	sst s2  }
0xb: {  	[smem:$0x3FAA] =	sst s3  }
0xc: {  	[smem:$0x3FAB] =	sst s4  }
0xd: {  	[smem:$0x3FAC] =	sst s5  }
0xe: {  	[smem:$0x3FAD] =	sst s6  }
0xf: {  	[smem:$0x3FAE] =	sst s7  }
0x10: {  	[smem:$0x3FAF] =	sst s8  }
0x11: {  	[smem:$0x3FB0] =	sst s9;
	s0 =	simm.s32 @!p0 $0x0  }
0x12: {  	s1 =	sld [smem:$0x3F96];
	s0 =	simm.s32 @p0 $0x1  }
0x13: {  	[smem:$0x3FB1] =	sst s0;
	s0 =	simm.s32 @!p1 $0x0  }
0x14: {  	s2 =	sld [smem:$0x3F95];
	s0 =	simm.s32 @p1 $0x1  }
0x15: {  	[smem:$0x3FB2] =	sst s0;
	s0 =	simm.s32 @!p2 $0x0  }
0x16: {  	s3 =	sld [smem:$0x3FDB];
	s0 =	simm.s32 @p2 $0x1  }
0x17: {  	s4 =	simm.s32 $0x1BF5;
	[smem:$0x3FB4] =	sst s0  }
0x18: {  	s0 =	sld [smem:$0x3F97];
	_ =	swait.ge [sflag:s4], $0x0  }
0x19: {  	s7 =	sld [smem:$0x3F98]  }
0x1a: {  	s8 =	sadd.s32 $0xFFFFE003, lr  }
0x1b: {  	s9 =	sadd.s32 $0xFFFFFEF7, lr;
	s5 =	simm.s32 $0xFFFFFFFF;
	p2 =	slt.u32 s8, $0xFFFFF086  }
0x1c: {  	p1 =	slt.u32 s9, $0xF7A;
	s5 =	simm.s32 @!p2 $0x0  }
0x1d: {  	s5 =	simm.s32 @p1 $0x1;
	p0 =	seq.s32 s7, s2  }
0x1e: {  	s7 =	smul.u32 @!p0 $0xF7A, s2;
	p2 =	seq.s32 @!p0 s5, $0x0  }
0x1f: {  	s9 =	smul.u32 $0xF7A, s1;
	s8 =	simm.s32 @!p0 $0x1BF5;
	p2 =	por !p2, p0  }
0x20: {  	[sflag:s8] =	ssyncset.s32 @!p0 $0xFFFFF086;
	s6 =	sadd.s32 @!p0 s3, s7;
	s7 =	simm.s32 @!p0 $0x108  }
0x21: {  	s3 =	sadd.s32 s3, s9;
	s6 =	sadd.s32 @!p0 $0x88, s6;
	s7 =	simm.s32 @p2 $0x1082  }
0x22: {  	[simem:s7], [sflag:s8] =	dma.local @!p0 [hbm:s6], $0xF7A  }
0x23: {  	s9 =	sor.u32 $0xD0000000, s2;
	s6 =	simm.s32 $0x108;
	_ =	swait.ge @!p0 [sflag:s8], $0x0  }
0x24: {  	s3 =	sadd.s32 $0x88, s3;
	s6 =	simm.s32 @!p1 $0x1082;
	[sflag:s4] =	ssyncset.s32 $0xFFFFF086  }
0x25: {  	[simem:s6], [sflag:s4] =	dma.local [hbm:s3], $0xF7A  }
0x26: {  	[smem:$0x3F98] =	sst s1;
	(tag) =	ssettag s2;
	_ =	strace s9  }
0x27: {  	s1 =	sld [smem:$0x3FA8]  }
0x28: {  	s2 =	sld [smem:$0x3FA9]  }
0x29: {  	s4 =	sld [smem:$0x3FAB]  }
0x2a: {  	p0 =	seq.s32 s5, $0x0;
	s5 =	sld [smem:$0x3FAC]  }
0x2b: {  	s6 =	sld [smem:$0x3FAD]  }
0x2c: {  	s7 =	sld [smem:$0x3FAE]  }
0x2d: {  	s3 =	simm.s32 $0x108;
	s8 =	sld [smem:$0x3FAF]  }
0x2e: {  	s3 =	simm.s32 @!p0 $0x1082;
	s9 =	sld [smem:$0x3FB0]  }
0x2f: {  	lr =	sadd.s32 s0, s3;
	s0 =	sld [smem:$0x3FA7]  }
0x30: {  	s3 =	sld [smem:$0x3FAA]  }
0x31: {  	[smem:$0x3FB3] =	sst s10  }
0x32: {  	s10 =	sld [smem:$0x3FB1];
	_ =	sdelay $0x3  }
0x33: {  	p0 =	seq.s32 s10, $0x1;
	s10 =	sld [smem:$0x3FB3];
	_ =	sdelay $0x3  }
0x34: {  	[smem:$0x3FB3] =	sst s10  }
0x35: {  	s10 =	sld [smem:$0x3FB2];
	_ =	sdelay $0x3  }
0x36: {  	p1 =	seq.s32 s10, $0x1;
	s10 =	sld [smem:$0x3FB3];
	_ =	sdelay $0x3  }
0x37: {  	[smem:$0x3FB3] =	sst s10  }
0x38: {  	s10 =	sld [smem:$0x3FB4]  }
0x39: {  	_ = 	snop;
	(pc) =	sbr.ind lr, $3  }
0x3a: {  	_ = 	snop  }
0x3b: {  	_ = 	snop  }
0x3c: {  	p2 =	seq.s32 s10, $0x1;
	s10 =	sld [smem:$0x3FB3]  }
0x3d: {  	_ =	shalt  }
0x3e: {  	_ =	shalt  }
0x3f: {  	_ =	shalt  }
0x40: {  	_ =	shalt  }
0x41: {  	_ =	shalt  }
0x42: {  	_ =	shalt  }
0x43: {  	_ =	shalt  }
0x44: {  	_ =	shalt  }
0x45: {  	_ =	shalt  }
0x46: {  	_ =	shalt  }
0x47: {  	_ =	shalt  }
0x48: {  	_ =	shalt  }
0x49: {  	_ =	shalt  }
0x4a: {  	_ =	shalt  }
0x4b: {  	_ =	shalt  }
0x4c: {  	_ =	shalt  }
0x4d: {  	_ =	shalt  }
0x4e: {  	_ =	shalt  }
0x4f: {  	_ =	shalt  }
0x50: {  	_ =	shalt  }
0x51: {  	_ =	shalt  }
0x52: {  	_ =	shalt  }
0x53: {  	_ =	shalt  }
0x54: {  	_ =	shalt  }
0x55: {  	_ =	shalt  }
0x56: {  	_ =	shalt  }
0x57: {  	_ =	shalt  }
0x58: {  	_ =	shalt  }
0x59: {  	_ =	shalt  }
0x5a: {  	_ =	shalt  }
0x5b: {  	_ =	shalt  }
0x5c: {  	_ =	shalt  }
0x5d: {  	_ =	shalt  }
0x5e: {  	_ =	shalt  }
0x5f: {  	_ =	shalt  }
0x60: {  	_ =	shalt  }
0x61: {  	_ =	shalt  }
0x62: {  	_ =	shalt  }
0x63: {  	_ =	shalt  }
0x64: {  	_ =	shalt  }
0x65: {  	_ =	shalt  }
0x66: {  	_ =	shalt  }
0x67: {  	_ =	shalt  }
0x68: {  	_ =	shalt  }
0x69: {  	_ =	shalt  }
0x6a: {  	_ =	shalt  }
0x6b: {  	_ =	shalt  }
0x6c: {  	_ =	shalt  }
0x6d: {  	_ =	shalt  }
0x6e: {  	_ =	shalt  }
0x6f: {  	_ =	shalt  }
0x70: {  	_ =	shalt  }
0x71: {  	_ =	shalt  }
0x72: {  	_ =	shalt  }
0x73: {  	_ =	shalt  }
0x74: {  	_ =	shalt  }
0x75: {  	_ =	shalt  }
0x76: {  	_ =	shalt  }
0x77: {  	_ =	shalt  }
0x78: {  	_ =	shalt  }
0x79: {  	_ =	shalt  }
0x7a: {  	_ =	shalt  }
0x7b: {  	_ =	shalt  }
0x7c: {  	_ =	shalt  }
0x7d: {  	_ =	shalt  }
0x7e: {  	_ =	shalt  }
0x7f: {  	_ =	shalt  }
0x80: {  	_ =	shalt  }
0x81: {  	_ =	shalt  }
0x82: {  	_ =	shalt  }
0x83: {  	_ =	shalt  }
0x84: {  	_ =	shalt  }
0x85: {  	_ =	shalt  }
0x86: {  	_ =	shalt  }
0x87: {  	_ =	shalt  }
.Lfunc_end0:
.L_simem_size_0:
called_computation.1_lowered:
.L_overlay_start_0:
0x88: {  	s2 =	sld [smem:$0x3FD9]  }
0x89: {  	s3 =	sld [smem:$0x3FFE];
	_ =	sdelay $0x1  }
0x8a: {  	s1 =	srdreg.scid  }
0x8b: {  	s0 =	sand.u32 $0x1, s1  }
0x8c: {  	s17 =	sshll.u32 s0, $0xA;
	s2 =	sadd.s32 s3, s2  }
0x8d: {  	s2 =	sadd.s32 s2, s17  }
0x8e: {  	[smem:$0x3FBF] =	sst s2  }
0x8f: {  	_ = 	snop  }
0x90: {  	s2 =	sld [smem:$0x3FD0];
	(tm) =	ssettm $0x1  }
0x91: {  	s18 =	sld [smem:$0x3FFB];
	_ =	sdelay $0x3  }
0x92: {  	_ =	strace s18  }
0x93: {  	s3 =	sld [smem:$0x3FFC];
	_ =	sdelay $0x3  }
0x94: {  	_ =	strace s3  }
0x95: {  	s3 =	sld [smem:$0x3FFD];
	_ =	sdelay $0x3  }
0x96: {  	_ =	strace s3  }
0x97: {  	_ =	strace $0x8FFFFFFF  }
0x98: {  	s19 =	sld [smem:$0x3FDB];
	_ =	sdelay $0x1  }
0x99: {  	s4 =	simm.s32 $_scs_section_size  }
0x9a: {  	s5 =	simm.s32 $_size__tile_overlayer_lowered;
	s6 =	simm.s32 $_tile_overlayer_lowered  }
0x9b: {  	s22 =	simm.s32 $0x1BFF;
	s21 =	sshll.u32 s6, $0x1;
	s3 =	sadd.s32 s4, s19  }
0x9c: {  	s7 =	simm.s32 $0x0;
	s20 =	sshll.u32 s5, $0x1;
	s5 =	sadd.s32 s21, s3  }
0x9d: {  	[timem:s7], [sflag:s22] =	dma.local [hbm:s5], s20  }
0x9e: {  	_ =	swait.ge [sflag:s22], s20  }
0x9f: {  	s4 =	ssub.s32 $0x0, s20;
	[sflag:s22] =	ssyncset.done $0x0  }
0xa0: {  	[sflag:s22] =	ssyncadd.s32 s4;
	_ =	sdelay $0x1  }
0xa1: {  	s23 =	simm.s32 $0x1B8B  }
0xa2: {  	_ =	swait.ge [sflag:s23], $0x1  }
0xa3: {  	[sflag:s23] =	ssyncset.done $0x0  }
0xa4: {  	s25 =	simm.s32 $0x1B8E;
	s24 =	sld [smem:$0x3FFE];
	[sflag:s23] =	ssyncadd.s32 $0xFFFFFFFF  }
0xa5: {  	s26 =	simm.s32 $execute0_lowered;
	[smem:$0x3FD2] =	sst s25  }
0xa6: {  	s5 =	sshll.u32 s26, $0x1;
	_ =	strace $0x80000049;
	[dreg:$0x1] =	wrdreg $0xFFFFFFFF  }
0xa7: {  	s28 =	simm.s32 $_size_execute0_lowered;
	s3 =	sadd.s32 s3, s5;
	[dreg:$0x0] =	wrdreg $0x0  }
0xa8: {  	s5 =	sshll.u32 s28, $0x1;
	[dreg:$0x2] =	wrdreg s3  }
0xa9: {  	[dreg:$0x3] =	wrdreg s5  }
0xaa: {  	[dreg:$0x4] =	wrdreg $0xC0  }
0xab: {  	_ =	task [dreg:s7], $0x5FFFF  }
0xac: {  	[dreg:$0x1] =	wrdreg $0xFFFFFFFF  }
0xad: {  	[dreg:$0x0] =	wrdreg $0x60  }
0xae: {  	[dreg:$0x2] =	wrdreg s24  }
0xaf: {  	[dreg:$0x3] =	wrdreg s2  }
0xb0: {  	[dreg:$0x4] =	wrdreg $0xC6000  }
0xb1: {  	[dreg:$0x5] =	wrdreg $0x9  }
0xb2: {  	_ =	task.clear_ibuf [dreg:s7], $0x6FFFF;
	_ =	strace $0x90000049  }
0xb3: {  	s29 =	simm.s32 $0x9;
	_ =	strace $0x8000004B  }
0xb4: {  	_ =	swait.ge [sflag:s29], $0x1  }
0xb5: {  	[sflag:s29] =	ssyncadd.s32 $0xFFFFFFFF  }
0xb6: {  	_ =	strace $0x9000004B  }
0xb7: {  	_ =	sfence  }
0xb8: {  	s30 =	sld [smem:$0x0];
	_ =	sdelay $0x2  }
0xb9: {  	s31 =	sshll.u32 s1, $0xD;
	s1 =	sshrl.u32 s1, $0x2  }
0xba: {  	s3 =	sand.u32 $0x4000, s31;
	s1 =	sadd.s32 s1, s30  }
0xbb: {  	s0 =	sor.u32 s3, s0;
	s1 =	sshll.u32 s1, $0x11  }
0xbc: {  	s0 =	sor.u32 s1, s0  }
0xbd: {  	s0 =	sadd.s32 $0x8F2B, s0  }
0xbe: {  	[sflag:s0] =	ssyncadd.remote.s32 $0x1  }
0xbf: {  	_ =	sfence.sel $0xFFFF  }
0xc0: {  	[dreg:$0x0] =	wrdreg $0xFFFFFFFF;
	(pc) =	sbr.abs _section_cstart, $3  }
0xc1: {  	[dreg:$0x1] =	wrdreg $0xFFFFFFFF  }
0xc2: {  	_ =	task.clear_ibuf [dreg:s7], $0x2FFFF;
	_ =	strace $0x9FFFFFFF  }
0xc3: {  	(tm) =	ssettm $0x7FFFFFFF  }
tec
execute0_lowered:
.L_overlay_start_1:
0x0: {  	(tag) =	ssettag $0x1  }
0x1: {  	s0 =	rddreg [dreg:$0x0]  }
0x2: {  	s1 =	rddreg [dreg:$0x1]  }
0x3: {  	s2 =	rddreg [dreg:$0x2]  }
0x4: {  	s4 =	srdreg.scid;
	s25 =	stileid.u32  }
0x5: {  	s3 =	simm.s32 $0x0;
	s4 =	sand.u32 $0x1, s4;
	s7 =	smul.u32 $0x2800, s25  }
0x6: {  	[smem:$0x7FF] =	sst s3;
	s9 =	sor.u32 $0x10, s25;
	s6 =	smul.u32 $0x138800, s4  }
0x7: {  	s5 =	sadd.s32 $0x1A00, s0;
	s11 =	sor.u32 $0x20, s25;
	s12 =	smul.u32 $0x2800, s9  }
0x8: {  	s8 =	sadd.s32 $0x63E00, s0;
	s14 =	sor.u32 $0x30, s25;
	s15 =	smul.u32 $0x2800, s11  }
0x9: {  	s17 =	sshll.u32 s25, $0x1;
	s19 =	sor.u32 $0x50, s25;
	s16 =	smul.u32 $0x2800, s14  }
0xa: {  	s20 =	sor.u32 $0x60, s25;
	s22 =	sor.u32 $0x70, s25;
	s29 =	smul.u32 $0x2800, s19  }
0xb: {  	_ =	strace $0x8000004A;
	s10 =	ssub.s32 $0x2, s4;
	s30 =	smul.u32 $0x2800, s20  }
0xc: {  	s4 =	sor.u32 s4, s17;
	s23 =	smul.u32 $0x2800, s22;
	s13 =	sshrl.u32 s10, $0x1  }
0xd: {  	p1 =	sgt.u32 s22, $0x7C;
	s10 =	ssub.s32 s10, s13;
	s13 =	sor.u32 $0x40, s25  }
0xe: {  	s21 =	sadd.s32 s6, s7;
	s12 =	sadd.s32 s6, s12;
	s15 =	sadd.s32 s6, s15  }
0xf: {  	s16 =	sadd.s32 s6, s16;
	s17 =	sadd.s32 s6, s29;
	s7 =	smul.u32 $0x2800, s4  }
0x10: {  	s24 =	sadd.s32 s6, s30;
	s23 =	sadd.s32 s6, s23;
	s18 =	smul.u32 $0x2800, s13  }
0x11: {  	s31 =	sshrl.u32 s21, $0x3;
	s12 =	sshrl.u32 s12, $0x3;
	s15 =	sshrl.u32 s15, $0x3  }
0x12: {  	s21 =	sshrl.u32 s16, $0x3;
	s29 =	sshrl.u32 s17, $0x3;
	s30 =	sshrl.u32 s24, $0x3  }
0x13: {  	s16 =	sadd.s32 $0x15A00, s0;
	p0 =	sgt.u32 s13, $0x4D;
	s12 =	sadd.s32 s8, s12  }
0x14: {  	s17 =	sshrl.u32 s7, $0x3;
	p2 =	sne.s32 @p0 s25, $0xF;
	s18 =	sadd.s32 s6, s18  }
0x15: {  	s6 =	smul.u32 $0x5000, s4;
	s4 =	sadd.s32 s8, s31;
	[dreg:$0x5] =	wrdreg s12  }
0x16: {  	s31 =	sshrl.u32 s23, $0x3;
	s17 =	sadd.s32 s1, s17;
	s23 =	smax.u32 s10, $0x1  }
0x17: {  	p2 =	por p2, !p0;
	[dreg:$0x4] =	wrdreg s4;
	s4 =	sadd.s32 s8, s15  }
0x18: {  	s26 =	sshrl.u32 s18, $0x3;
	s12 =	sadd.s32 s8, s31;
	s31 =	smul.u32 $0xA000, s9  }
0x19: {  	s18 =	sshll.u32 s25, $0xE;
	[dreg:$0xc] =	wrdreg s23;
	s23 =	smul.u32 $0xA000, s20  }
0x1a: {  	s20 =	simm.s32 $0xD;
	[dreg:$0x6] =	wrdreg s4;
	s4 =	sadd.s32 s8, s21  }
0x1b: {  	s28 =	sadd.s32 s8, s26;
	[dreg:$0xb] =	wrdreg s12;
	s15 =	sshrl.u32 s6, $0x3  }
0x1c: {  	s21 =	sshll.u32 s9, $0xE;
	s0 =	sadd.s32 s18, s2;
	s26 =	sshll.u32 s11, $0xE  }
0x1d: {  	s11 =	smul.u32 $0xA000, s11;
	s12 =	sshll.u32 s13, $0xE;
	[dreg:$0x7] =	wrdreg s4  }
0x1e: {  	s18 =	smul.u32 $0xA000, s13;
	[dreg:$0x8] =	wrdreg s28;
	s4 =	sadd.s32 s8, s29  }
0x1f: {  	s15 =	sadd.s32 s5, s15;
	[dreg:$0xd] =	wrdreg s0;
	s24 =	sadd.s32 s21, s2  }
0x20: {  	s28 =	sshll.u32 s14, $0xE;
	s29 =	smul.u32 $0xA000, s25;
	s0 =	sadd.s32 s26, s2  }
0x21: {  	s9 =	sadd.s32 s12, s2;
	s14 =	smul.u32 $0xA000, s14;
	[dreg:$0x9] =	wrdreg s4  }
0x22: {  	s21 =	smul.u32 $0xA000, s19;
	s12 =	sshrl.u32 s23, $0x2;
	[dreg:$0xe] =	wrdreg s24  }
0x23: {  	s19 =	simm.s32 $0xC;
	s4 =	sadd.s32 s8, s30;
	[dreg:$0xf] =	wrdreg s0  }
0x24: {  	s30 =	sadd.s32 s28, s2;
	[dreg:$0x11] =	wrdreg s9;
	s0 =	sshrl.u32 s31, $0x2  }
0x25: {  	s8 =	sshrl.u32 s11, $0x2;
	s24 =	smul.u32 $0xA000, s22;
	[dreg:$0xa] =	wrdreg s4  }
0x26: {  	s12 =	sadd.s32 s12, s2;
	s22 =	simm.s32 $0x0;
	[dreg:$0x10] =	wrdreg s30  }
0x27: {  	s10 =	sshrl.u32 s29, $0x2;
	s0 =	sadd.s32 s0, s2;
	s8 =	sadd.s32 s8, s2  }
0x28: {  	s9 =	sshrl.u32 s14, $0x2;
	s11 =	sshrl.u32 s21, $0x2;
	s31 =	sshrl.u32 s12, $0x3  }
0x29: {  	s12 =	simm.s32 $0xF;
	s14 =	simm.s32 $0x5;
	s21 =	simm.s32 $0xE  }
0x2a: {  	s4 =	sadd.s32 s10, s2;
	s10 =	sshrl.u32 s18, $0x2;
	s9 =	sadd.s32 s9, s2  }
0x2b: {  	s11 =	sadd.s32 s11, s2;
	s13 =	sshrl.u32 s24, $0x2;
	s0 =	sshrl.u32 s0, $0x3  }
0x2c: {  	s26 =	sshrl.u32 s8, $0x3;
	[dreg:$0x18] =	wrdreg s31;
	s8 =	sadd.s32 $0x138000, s2  }
0x2d: {  	s10 =	sadd.s32 s10, s2;
	s13 =	sadd.s32 s13, s2;
	[dreg:$0x13] =	wrdreg s0  }
0x2e: {  	s4 =	sshrl.u32 s4, $0x3;
	[dreg:$0x14] =	wrdreg s26;
	s28 =	sshrl.u32 s9, $0x3  }
0x2f: {  	s30 =	sshrl.u32 s11, $0x3;
	s9 =	sadd.s32 $0x20, s15;
	[dreg:$0x12] =	wrdreg s4  }
0x30: {  	s11 =	simm.s32 $0x600;
	[dreg:$0x15] =	wrdreg s28;
	s29 =	sshrl.u32 s10, $0x3  }
0x31: {  	[dreg:$0x17] =	wrdreg s30;
	s0 =	sshrl.u32 @!p1 s13, $0x3;
	s4 =	smov.u32 s17  }
0x32: {  	s10 =	sadd.s32 $0x10, s17;
	s13 =	simm.s32 $0x1;
	[dreg:$0x16] =	wrdreg s29  }
0x33: {  	v0 =	vimm.f32 $0.0e+00;
	[dreg:$0x19] =	wrdreg s0;
	s0 =	smov.u32 s15;
	s15 =	simm.s32 $0x80  }
.LBB2_1:
0x34: {  	s17 =	simm.s32 $0x0;
	s18 =	simm.s32 $0x200  }
.LBB2_2:
0x35: {  	p3 =	sne.s32 s18, $0xFE00;
	[tilespmem:s17+$0x670] =	vst v0  }
0x36: {  	[tilespmem:s17+$0x600] =	vst v0  }
0x37: {  	[tilespmem:s17+$0x610] =	vst v0  }
.Ltmp0:
0x38: {  	[tilespmem:s17+$0x620] =	vst v0;
	(pc) =	sbr.rel @p3 .LBB2_2-.Ltmp0, $4  }
0x39: {  	[tilespmem:s17+$0x630] =	vst v0  }
0x3a: {  	[tilespmem:s17+$0x640] =	vst v0  }
0x3b: {  	[tilespmem:s17+$0x650] =	vst v0  }
0x3c: {  	[tilespmem:s17+$0x660] =	vst v0;
	s17 =	sshra.s32 s18, $0x2;
	s18 =	sadd.s32 $0x200, s18  }
0x3d: {  	[tilespmem:s17+$0x670] =	vst v0  }
0x3e: {  	[tilespmem:s17+$0x600] =	vst v0  }
0x3f: {  	[tilespmem:s17+$0x610] =	vst v0  }
0x40: {  	[tilespmem:s17+$0x620] =	vst v0  }
0x41: {  	[tilespmem:s17+$0x630] =	vst v0  }
0x42: {  	[tilespmem:s17+$0x640] =	vst v0  }
0x43: {  	[tilespmem:s17+$0x650] =	vst v0  }
0x44: {  	[tilespmem:s17+$0x660] =	vst v0;
	s24 =	rddreg [dreg:$0xd]  }
0x45: {  	[spmem:s24] =	stream.linear.scatter [tilespmem:s11], [sflag:$0xF], $0x4000, $0x38;
	[tilespmem:$0x1FE80] =	vst v63  }
0x46: {  	_ =	swait.ge [sflag:s12], $0x4000  }
0x47: {  	[sflag:s12] =	ssyncset.done $0x0  }
0x48: {  	s25 =	rddreg [dreg:$0xe];
	[sflag:s12] =	ssyncadd.s32 $0xFFFFC000  }
0x49: {  	[spmem:s25] =	stream.linear.scatter [tilespmem:s11], [sflag:$0xF], $0x4000, $0x38;
	[tilespmem:$0x1FE80] =	vst v63  }
0x4a: {  	_ =	swait.ge [sflag:s12], $0x4000  }
0x4b: {  	[sflag:s12] =	ssyncset.done $0x0  }
0x4c: {  	s26 =	rddreg [dreg:$0xf];
	[sflag:s12] =	ssyncadd.s32 $0xFFFFC000  }
0x4d: {  	[spmem:s26] =	stream.linear.scatter [tilespmem:s11], [sflag:$0xF], $0x4000, $0x38;
	[tilespmem:$0x1FE80] =	vst v63  }
0x4e: {  	_ =	swait.ge [sflag:s12], $0x4000  }
0x4f: {  	[sflag:s12] =	ssyncset.done $0x0  }
0x50: {  	s28 =	rddreg [dreg:$0x10];
	[sflag:s12] =	ssyncadd.s32 $0xFFFFC000  }
0x51: {  	[spmem:s28] =	stream.linear.scatter [tilespmem:s11], [sflag:$0xF], $0x4000, $0x38;
	[tilespmem:$0x1FE80] =	vst v63  }
0x52: {  	_ =	swait.ge [sflag:s12], $0x4000  }
0x53: {  	[sflag:s12] =	ssyncset.done $0x0  }
0x54: {  	s17 =	simm.s32 @!p2 $0x600;
	[sflag:s12] =	ssyncadd.s32 $0xFFFFC000  }
0x55: {  	[spmem:s8] =	stream.linear.scatter @!p2 [tilespmem:s17], [sflag:$0xF], $0x800, $0x38;
	[tilespmem:$0x1FE80] =	vst v63  }
0x56: {  	s17 =	simm.s32 @!p2 $0xF  }
0x57: {  	_ =	swait.ge @!p2 [sflag:s17], $0x800  }
0x58: {  	[sflag:s17] =	ssyncset.done @!p2 $0x0  }
0x59: {  	s18 =	rddreg [dreg:$0x11];
	[sflag:s17] =	ssyncadd.s32 @!p2 $0xFFFFF800;
	s17 =	simm.s32 @!p0 $0x600  }
0x5a: {  	[spmem:s18] =	stream.linear.scatter @!p0 [tilespmem:s17], [sflag:$0xF], $0x4000, $0x38;
	[tilespmem:$0x1FE80] =	vst v63  }
0x5b: {  	s17 =	simm.s32 @!p0 $0xF  }
0x5c: {  	_ =	swait.ge @!p0 [sflag:s17], $0x4000  }
0x5d: {  	[sflag:s17] =	ssyncset.done @!p0 $0x0  }
0x5e: {  	[sflag:s17] =	ssyncadd.s32 @!p0 $0xFFFFC000  }
0x5f: {  	s24 =	simm.s32 $0x0;
	[bflag:$0x0] =	sbarrier.arrive $0xFFFF  }
0x60: {  	[tilespmem:s24], [sflag:$0x1] =	stream.linear.gather [hbm4b:s0+s24], $0x100, $0x38;
	[tilespmem:$0x1FE80] =	vst v63  }
0x61: {  	s29 =	simm.s32 $0x400  }
0x62: {  	[tilespmem:s29], [sflag:$0x5] =	stream.linear.gather [hbm4b:s4+s24], $0x80, $0x38;
	[tilespmem:$0x1FE80] =	vst v63  }
0x63: {  	_ =	swait.ge [sflag:s13], $0x100  }
0x64: {  	[sflag:s13] =	ssyncset.done $0x0  }
0x65: {  	[sflag:s13] =	ssyncadd.s32 $0xFFFFFF00  }
0x66: {  	_ =	swait.ge [sflag:s14], $0x80  }
0x67: {  	[sflag:s14] =	ssyncset.done $0x0  }
0x68: {  	s23 =	simm.s32 $0x600;
	[sflag:s14] =	ssyncadd.s32 $0xFFFFFF80  }
0x69: {  	[tilespmem:s23], [sflag:$0x9] =	stream.indirect.gather [hbm4b:s16+s15], $0x80, s24, s15, $0xb8;
	[tilespmem:$0x1FE80] =	vst v63  }
0x6a: {  	s30 =	simm.s32 $0x100  }
0x6b: {  	[tilespmem:s30], [sflag:$0x2] =	stream.linear.gather [hbm4b:s9+s24], $0x100, $0x38;
	[tilespmem:$0x1FE80] =	vst v63  }
0x6c: {  	s31 =	simm.s32 $0x480;
	s17 =	simm.s32 $0x0  }
0x6d: {  	[tilespmem:s31], [sflag:$0x6] =	stream.linear.gather [hbm4b:s10+s24], $0x80, $0x38;
	[tilespmem:$0x1FE80] =	vst v63  }
.LBB2_4:
0x6e: {  	p3 =	seq.s32 s24, $0x4F  }
.Ltmp1:
0x6f: {  	_ = 	snop;
	(pc) =	sbr.rel @p3 .LBB2_9-.Ltmp1, $2  }
0x70: {  	_ =	sdelay $0x2  }
0x71: {  	s25 =	smul.u32 $0xAB, s24;
	s18 =	sadd.s32 $0x1, s24  }
0x72: {  	s26 =	sand.u32 $0x3, s18  }
0x73: {  	s28 =	sadd.s32 $0xAB, s25;
	s29 =	sadd.s32 $0x1, s26  }
0x74: {  	p3 =	sgt.u32 s24, $0x1;
	s28 =	sshrl.u32 s28, $0x9;
	_ =	swait.ge [sflag:s29], $0x100  }
.Ltmp2:
0x75: {  	s28 =	sand.u32 $0x7F, s28;
	[sflag:s29] =	ssyncset.done $0x0;
	(pc) =	sbr.rel @!p3 .LBB2_6-.Ltmp2, $4  }
0x76: {  	s31 =	sadd.s32 $0x5, s26;
	s28 =	smul.u32 $0x3, s28;
	[sflag:s29] =	ssyncadd.s32 $0xFFFFFF00  }
0x77: {  	_ =	swait.ge [sflag:s31], $0x80  }
0x78: {  	s28 =	ssub.s32 s18, s28;
	[sflag:s31] =	ssyncset.done $0x0  }
0x79: {  	s28 =	sand.u32 $0xFF, s28;
	[sflag:s31] =	ssyncadd.s32 $0xFFFFFF80  }
0x7a: {  	p3 =	sgt.u32 s24, $0x4D  }
.Ltmp3:
0x7b: {  	s29 =	sadd.s32 $0xC, s28;
	(pc) =	sbr.rel @p3 .LBB2_9-.Ltmp3, $4  }
.Ltmp4:
0x7c: {  	_ =	swait.ge [sflag:s29], $0x4000;
	(pc) =	sbr.rel @!p3 .LBB2_8-.Ltmp4, $4  }
0x7d: {  	s30 =	sshll.u32 s28, $0xE;
	s26 =	sshll.u32 s26, $0x8;
	[sflag:s29] =	ssyncset.done $0x0  }
0x7e: {  	s31 =	sadd.s32 $0x9, s28;
	[sflag:s29] =	ssyncadd.s32 $0xFFFFC000;
	s29 =	sor.u32 $0x600, s30  }
0x7f: {  	[tilespmem:s29], [sflag:s31] =	stream.indirect.gather [hbm4b:s16+s15], $0x80, s26, s15, $0xb8;
	[tilespmem:$0x1FE80] =	vst v63  }
0x80: {  	_ = 	snop  }
.LBB2_6:
0x81: {  	s26 =	sshll.u32 s28, $0xE;
	s29 =	sshll.u32 s18, $0x8  }
0x82: {  	s31 =	sadd.s32 $0x9, s28;
	s26 =	sor.u32 $0x600, s26;
	s29 =	sand.u32 $0x3FFFFF00, s29  }
0x83: {  	[tilespmem:s26], [sflag:s31] =	stream.indirect.gather [hbm4b:s16+s15], $0x80, s29, s15, $0xb8;
	[tilespmem:$0x1FE80] =	vst v63  }
.LBB2_8:
0x84: {  	s26 =	sadd.s32 $0x2, s24  }
0x85: {  	s28 =	sshll.u32 s26, $0x8  }
0x86: {  	s28 =	sadd.s32 s6, s28  }
0x87: {  	s29 =	sand.u32 $0x3, s26;
	s26 =	sshll.u32 s26, $0x7;
	s28 =	sshrl.u32 s28, $0x3  }
0x88: {  	s30 =	sshll.u32 s29, $0x8;
	s31 =	sadd.s32 $0x1, s29;
	s28 =	sadd.s32 s5, s28  }
0x89: {  	[tilespmem:s30], [sflag:s31] =	stream.linear.gather [hbm4b:s28+s3], $0x100, $0x38;
	[tilespmem:$0x1FE80] =	vst v63  }
0x8a: {  	s30 =	sand.u32 $0x7C00, s26  }
0x8b: {  	s26 =	sand.u32 $0x380, s26;
	s28 =	sadd.s32 s7, s30  }
0x8c: {  	s26 =	sor.u32 s26, s28  }
0x8d: {  	s31 =	sshll.u32 s29, $0x7;
	s26 =	sshrl.u32 s26, $0x3  }
0x8e: {  	s29 =	sadd.s32 $0x5, s29;
	s28 =	sor.u32 $0x400, s31;
	s26 =	sadd.s32 s1, s26  }
0x8f: {  	[tilespmem:s28], [sflag:s29] =	stream.linear.gather [hbm4b:s26+s3], $0x80, $0x38;
	[tilespmem:$0x1FE80] =	vst v63  }
.LBB2_9:
0x90: {  	s26 =	smulhi.u32 $0xAAAAAAAB, s24;
	_ =	sdelay $0x1  }
0x91: {  	s25 =	sshrl.u32 s25, $0x9;
	s26 =	sshrl.u32 s26, $0x1  }
0x92: {  	s25 =	sand.u32 $0x7F, s25;
	s26 =	smul.u32 $0xFFFD0000, s26  }
0x93: {  	s25 =	smul.u32 $0x3, s25;
	_ =	sdelay $0x1  }
0x94: {  	s26 =	sshra.s32 s26, $0x2;
	s25 =	ssub.s32 s24, s25  }
0x95: {  	s26 =	sadd.s32 s26, s23;
	s25 =	sand.u32 $0xFF, s25  }
0x96: {  	v1 =	vmov s26;
	s31 =	sadd.s32 $0x9, s25  }
0x97: {  	s28 =	sand.u32 $0x3, s17;
	_ =	swait.ge [sflag:s31], $0x4000  }
0x98: {  	s28 =	sshll.u32 s28, $0x7;
	[sflag:s31] =	ssyncset.done $0x0  }
0x99: {  	s29 =	sor.u32 $0x400, s28;
	[sflag:s31] =	ssyncadd.s32 $0xFFFFC000  }
0x9a: {  	s26 =	simm.s32 $0x0;
	v18 =	vld [tilespmem:s29+$0x0]  }
0x9b: {  	v13 =	vld.idx.msk [tilespmem:v1+s26+$0x780 ss:$0x1], $0xffff  }
0x9c: {  	v7 =	vld.idx.msk [tilespmem:v1+s26+$0x700 ss:$0x1], $0xffff  }
0x9d: {  	v4 =	vld.idx.msk [tilespmem:v1+s26+$0x680 ss:$0x1], $0xffff  }
0x9e: {  	v17 =	vld.idx.msk [tilespmem:v1+s26+$0x380 ss:$0x1], $0xffff  }
0x9f: {  	v8 =	vld.idx.msk [tilespmem:v1+s26+$0x180 ss:$0x1], $0xffff  }
0xa0: {  	v9 =	vld.idx.msk [tilespmem:v1+s26+$0x100 ss:$0x1], $0xffff;
	v5 =	vbroadcast v18, $0x0;
	v2 =	vbroadcast v18, $0x5  }
0xa1: {  	v21 =	vld.idx.msk [tilespmem:v1+s26+$0x0 ss:$0x1], $0xffff;
	v11 =	vbroadcast v18, $0x3;
	v15 =	vbroadcast v18, $0x4  }
0xa2: {  	v23 =	vld.idx.msk [tilespmem:v1+s26+$0x200 ss:$0x1], $0xffff;
	v12 =	vbroadcast v18, $0x1;
	v6 =	vbroadcast v18, $0xD  }
0xa3: {  	v25 =	vld.idx.msk [tilespmem:v1+s26+$0x80 ss:$0x1], $0xffff;
	v16 =	vbroadcast v18, $0x2;
	v3 =	vbroadcast v18, $0x8  }
0xa4: {  	v19 =	vld.idx.msk [tilespmem:v1+s26+$0x280 ss:$0x1], $0xffff;
	v14 =	vbroadcast v18, $0xF;
	v10 =	vbroadcast v18, $0xE  }
0xa5: {  	v26 =	vld.idx.msk [tilespmem:v1+s26+$0x580 ss:$0x1], $0xffff;
	v20 =	vmul.f32 v4, v6;
	v8 =	vmul.f32 v8, v11  }
0xa6: {  	v22 =	vld.idx.msk [tilespmem:v1+s26+$0x300 ss:$0x1], $0xffff;
	v4 =	vbroadcast v18, $0x6;
	v9 =	vmul.f32 v9, v16  }
0xa7: {  	v29 =	vld.idx.msk [tilespmem:v1+s26+$0x500 ss:$0x1], $0xffff;
	v21 =	vmul.f32 v5, v21;
	v27 =	vmul.f32 v23, v15;
	[tilespmem:v1+s26+$0x180 ss:$0x1] =	vst.idx.msk $0xffff, v8  }
0xa8: {  	v24 =	vld.idx.msk [tilespmem:v1+s26+$0x400 ss:$0x1], $0xffff;
	v25 =	vmul.f32 v25, v12;
	v28 =	vmul.f32 v7, v10;
	[tilespmem:v1+s26+$0x100 ss:$0x1] =	vst.idx.msk $0xffff, v9  }
0xa9: {  	v23 =	vld.idx.msk [tilespmem:v1+s26+$0x480 ss:$0x1], $0xffff;
	v30 =	vmul.f32 v19, v2;
	v9 =	vbroadcast v18, $0xB;
	[tilespmem:v1+s26+$0x0 ss:$0x1] =	vst.idx.msk $0xffff, v21  }
0xaa: {  	v19 =	vld.idx.msk [tilespmem:v1+s26+$0x600 ss:$0x1], $0xffff;
	v7 =	vbroadcast v18, $0xC;
	v8 =	vbroadcast v18, $0xA;
	[tilespmem:v1+s26+$0x200 ss:$0x1] =	vst.idx.msk $0xffff, v27  }
0xab: {  	s28 =	sshll.u32 s25, $0xE;
	[tilespmem:v1+s26+$0x80 ss:$0x1] =	vst.idx.msk $0xffff, v25;
	v25 =	vld.idx.msk [tilespmem:v1+s26+$0x210 ss:$0x1], $0xffff;
	v21 =	vmul.f32 v26, v9;
	v26 =	vmul.f32 v13, v14  }
0xac: {  	s30 =	simm.s32 $0x2000;
	s28 =	sor.u32 $0x600, s28;
	[tilespmem:v1+s26+$0x280 ss:$0x1] =	vst.idx.msk $0xffff, v30;
	v27 =	vld.idx.msk [tilespmem:v1+s26+$0x90 ss:$0x1], $0xffff;
	v13 =	vbroadcast v18, $0x9;
	v29 =	vmul.f32 v29, v8  }
.LBB2_10:
0xad: {  	p3 =	sne.s32 s30, $0xE000  }
0xae: {  	v30 =	vld.idx.msk [tilespmem:v1+s26+$0x110 ss:$0x1], $0xffff;
	v22 =	vmul.f32 v22, v4;
	v24 =	vmul.f32 v24, v3;
	[tilespmem:v1+s26+$0x700 ss:$0x1] =	vst.idx.msk $0xffff, v28;
	s29 =	sadd.s32 $0x10, s29;
	s31 =	smov.u32 s30;
	s30 =	sadd.s32 $0x2000, s30  }
0xaf: {  	v23 =	vmul.f32 v23, v13;
	[tilespmem:v1+s26+$0x500 ss:$0x1] =	vst.idx.msk $0xffff, v29;
	v28 =	vld.idx.msk [tilespmem:v1+s26+$0x710 ss:$0x1], $0xffff  }
0xb0: {  	v29 =	vld.idx.msk [tilespmem:v1+s26+$0x10 ss:$0x1], $0xffff;
	[tilespmem:v1+s26+$0x400 ss:$0x1] =	vst.idx.msk $0xffff, v24  }
0xb1: {  	[tilespmem:v1+s26+$0x300 ss:$0x1] =	vst.idx.msk $0xffff, v22;
	v22 =	vld.idx.msk [tilespmem:v1+s26+$0x510 ss:$0x1], $0xffff  }
0xb2: {  	v25 =	vmul.f32 v25, v15;
	v24 =	vld.idx.msk [tilespmem:v1+s26+$0x190 ss:$0x1], $0xffff;
	[tilespmem:v1+s26+$0x780 ss:$0x1] =	vst.idx.msk $0xffff, v26  }
0xb3: {  	v18 =	vbroadcast v18, $0x7;
	v26 =	vmul.f32 v27, v12;
	[tilespmem:v1+s26+$0x680 ss:$0x1] =	vst.idx.msk $0xffff, v20;
	v20 =	vld.idx.msk [tilespmem:v1+s26+$0x790 ss:$0x1], $0xffff  }
0xb4: {  	v27 =	vmul.f32 v30, v16;
	[tilespmem:v1+s26+$0x210 ss:$0x1] =	vst.idx.msk $0xffff, v25;
	v25 =	vld.idx.msk [tilespmem:v1+s26+$0x690 ss:$0x1], $0xffff  }
0xb5: {  	v17 =	vmul.f32 v17, v18;
	[tilespmem:v1+s26+$0x90 ss:$0x1] =	vst.idx.msk $0xffff, v26;
	v26 =	vld.idx.msk [tilespmem:v1+s26+$0x220 ss:$0x1], $0xffff  }
0xb6: {  	v30 =	vld.idx.msk [tilespmem:v1+s26+$0xA0 ss:$0x1], $0xffff;
	[tilespmem:v1+s26+$0x110 ss:$0x1] =	vst.idx.msk $0xffff, v27  }
0xb7: {  	v27 =	vmul.f32 v29, v5;
	v29 =	vld.idx.msk [tilespmem:v1+s26+$0x120 ss:$0x1], $0xffff;
	[tilespmem:v1+s26+$0x380 ss:$0x1] =	vst.idx.msk $0xffff, v17;
	v17 =	vmul.f32 v22, v8  }
0xb8: {  	v22 =	vmul.f32 v24, v11;
	v24 =	vld.idx.msk [tilespmem:v1+s26+$0x310 ss:$0x1], $0xffff;
	[tilespmem:v1+s26+$0x580 ss:$0x1] =	vst.idx.msk $0xffff, v21  }
0xb9: {  	v20 =	vmul.f32 v20, v14;
	[tilespmem:v1+s26+$0x10 ss:$0x1] =	vst.idx.msk $0xffff, v27;
	v21 =	vld.idx.msk [tilespmem:v1+s26+$0x390 ss:$0x1], $0xffff;
	v27 =	vmul.f32 v28, v10  }
0xba: {  	v25 =	vmul.f32 v25, v6;
	[tilespmem:v1+s26+$0x190 ss:$0x1] =	vst.idx.msk $0xffff, v22;
	v22 =	vld.idx.msk [tilespmem:v1+s26+$0x590 ss:$0x1], $0xffff  }
0xbb: {  	v15 =	vmul.f32 v26, v15;
	v28 =	vld.idx.msk [tilespmem:v1+s26+$0x1A0 ss:$0x1], $0xffff;
	[tilespmem:v1+s26+$0x480 ss:$0x1] =	vst.idx.msk $0xffff, v23  }
0xbc: {  	v12 =	vmul.f32 v30, v12;
	v23 =	vld.idx.msk [tilespmem:v1+s26+$0x490 ss:$0x1], $0xffff;
	[tilespmem:v1+s26+$0x790 ss:$0x1] =	vst.idx.msk $0xffff, v20  }
0xbd: {  	v16 =	vmul.f32 v29, v16;
	[tilespmem:v1+s26+$0x710 ss:$0x1] =	vst.idx.msk $0xffff, v27;
	v20 =	vld.idx.msk [tilespmem:v1+s26+$0x7A0 ss:$0x1], $0xffff  }
0xbe: {  	v24 =	vmul.f32 v24, v4;
	v26 =	vld.idx.msk [tilespmem:v1+s26+$0x410 ss:$0x1], $0xffff;
	[tilespmem:v1+s26+$0x690 ss:$0x1] =	vst.idx.msk $0xffff, v25  }
0xbf: {  	v19 =	vmul.f32 v19, v7;
	v25 =	vld.idx.msk [tilespmem:v1+s26+$0x20 ss:$0x1], $0xffff;
	[tilespmem:v1+s26+$0x120 ss:$0x1] =	vst.idx.msk $0xffff, v16;
	v16 =	vmul.f32 v21, v18  }
0xc0: {  	[tilespmem:v1+s26+$0x510 ss:$0x1] =	vst.idx.msk $0xffff, v17;
	v17 =	vmul.f32 v22, v9;
	v21 =	vld.idx.msk [tilespmem:v1+s26+$0x720 ss:$0x1], $0xffff  }
0xc1: {  	v11 =	vmul.f32 v28, v11;
	v22 =	vld.idx.msk [tilespmem:v1+s26+$0x290 ss:$0x1], $0xffff;
	[tilespmem:v1+s26+$0x600 ss:$0x1] =	vst.idx.msk $0xffff, v19  }
0xc2: {  	v19 =	vmul.f32 v23, v13;
	[tilespmem:v1+s26+$0x590 ss:$0x1] =	vst.idx.msk $0xffff, v17;
	v17 =	vld.idx.msk [tilespmem:v1+s26+$0x610 ss:$0x1], $0xffff  }
0xc3: {  	v14 =	vmul.f32 v20, v14;
	[tilespmem:v1+s26+$0x1A0 ss:$0x1] =	vst.idx.msk $0xffff, v11;
	v11 =	vld.idx.msk [tilespmem:v1+s26+$0x5A0 ss:$0x1], $0xffff  }
0xc4: {  	v20 =	vmul.f32 v26, v3;
	[tilespmem:v1+s26+$0x490 ss:$0x1] =	vst.idx.msk $0xffff, v19;
	v19 =	vld.idx.msk [tilespmem:v1+s26+$0x520 ss:$0x1], $0xffff  }
0xc5: {  	v5 =	vmul.f32 v25, v5;
	v23 =	vld.idx.msk [tilespmem:v1+s26+$0x6A0 ss:$0x1], $0xffff;
	[tilespmem:v1+s26+$0x7A0 ss:$0x1] =	vst.idx.msk $0xffff, v14  }
0xc6: {  	v10 =	vmul.f32 v21, v10;
	[tilespmem:v1+s26+$0x390 ss:$0x1] =	vst.idx.msk $0xffff, v16  }
0xc7: {  	v14 =	vmul.f32 v22, v2;
	v16 =	vld.idx.msk [tilespmem:v1+s26+$0x3A0 ss:$0x1], $0xffff;
	[tilespmem:v1+s26+$0x410 ss:$0x1] =	vst.idx.msk $0xffff, v20  }
0xc8: {  	v17 =	vmul.f32 v17, v7;
	[tilespmem:v1+s26+$0x220 ss:$0x1] =	vst.idx.msk $0xffff, v15;
	v15 =	vld.idx.msk [tilespmem:v1+s26+$0x4A0 ss:$0x1], $0xffff  }
0xc9: {  	v9 =	vmul.f32 v11, v9;
	v20 =	vld.idx.msk [tilespmem:v1+s26+$0x420 ss:$0x1], $0xffff;
	[tilespmem:v1+s26+$0x720 ss:$0x1] =	vst.idx.msk $0xffff, v10  }
0xca: {  	v8 =	vmul.f32 v19, v8;
	[tilespmem:v1+s26+$0x290 ss:$0x1] =	vst.idx.msk $0xffff, v14  }
0xcb: {  	v6 =	vmul.f32 v23, v6;
	v10 =	vld.idx.msk [tilespmem:v1+s26+$0x2A0 ss:$0x1], $0xffff;
	[tilespmem:v1+s26+$0x310 ss:$0x1] =	vst.idx.msk $0xffff, v24  }
0xcc: {  	[tilespmem:v1+s26+$0xA0 ss:$0x1] =	vst.idx.msk $0xffff, v12;
	v11 =	vld.idx.msk [tilespmem:v1+s26+$0x320 ss:$0x1], $0xffff  }
0xcd: {  	v12 =	vmul.f32 v16, v18;
	[tilespmem:v1+s26+$0x5A0 ss:$0x1] =	vst.idx.msk $0xffff, v9  }
0xce: {  	v9 =	vmul.f32 v15, v13;
	[tilespmem:v1+s26+$0x610 ss:$0x1] =	vst.idx.msk $0xffff, v17  }
0xcf: {  	s31 =	sshra.s32 s31, $0x2;
	v3 =	vmul.f32 v20, v3;
	v13 =	vld.idx.msk [tilespmem:v1+s26+$0x620 ss:$0x1], $0xffff;
	[tilespmem:v1+s26+$0x6A0 ss:$0x1] =	vst.idx.msk $0xffff, v6  }
0xd0: {  	v26 =	vld.idx.msk [tilespmem:v1+s31+$0x780 ss:$0x1], $0xffff;
	[tilespmem:v1+s26+$0x4A0 ss:$0x1] =	vst.idx.msk $0xffff, v9  }
0xd1: {  	v2 =	vmul.f32 v10, v2;
	v19 =	vld.idx.msk [tilespmem:v1+s31+$0x700 ss:$0x1], $0xffff;
	[tilespmem:v1+s26+$0x520 ss:$0x1] =	vst.idx.msk $0xffff, v8  }
0xd2: {  	v4 =	vmul.f32 v11, v4;
	v8 =	vld.idx.msk [tilespmem:v1+s31+$0x680 ss:$0x1], $0xffff;
	[tilespmem:v1+s26+$0x3A0 ss:$0x1] =	vst.idx.msk $0xffff, v12  }
0xd3: {  	[tilespmem:v1+s26+$0x2A0 ss:$0x1] =	vst.idx.msk $0xffff, v2  }
0xd4: {  	[tilespmem:v1+s26+$0x320 ss:$0x1] =	vst.idx.msk $0xffff, v4  }
0xd5: {  	v2 =	vmul.f32 v13, v7;
	[tilespmem:v1+s26+$0x420 ss:$0x1] =	vst.idx.msk $0xffff, v3  }
0xd6: {  	[tilespmem:v1+s26+$0x20 ss:$0x1] =	vst.idx.msk $0xffff, v5  }
0xd7: {  	[tilespmem:v1+s26+$0x620 ss:$0x1] =	vst.idx.msk $0xffff, v2;
	s26 =	smov.u32 s31  }
0xd8: {  	v18 =	vld [tilespmem:s29+$0x0]  }
0xd9: {  	v17 =	vld.idx.msk [tilespmem:v1+s26+$0x380 ss:$0x1], $0xffff  }
0xda: {  	v22 =	vld.idx.msk [tilespmem:v1+s26+$0x300 ss:$0x1], $0xffff  }
0xdb: {  	v7 =	vld.idx.msk [tilespmem:v1+s26+$0x280 ss:$0x1], $0xffff  }
0xdc: {  	v4 =	vld.idx.msk [tilespmem:v1+s26+$0x180 ss:$0x1], $0xffff  }
0xdd: {  	v5 =	vbroadcast v18, $0x0;
	v9 =	vld.idx.msk [tilespmem:v1+s26+$0x100 ss:$0x1], $0xffff;
	v2 =	vbroadcast v18, $0x5  }
0xde: {  	v11 =	vbroadcast v18, $0x3;
	v15 =	vbroadcast v18, $0x4;
	v13 =	vld.idx.msk [tilespmem:v1+s26+$0x0 ss:$0x1], $0xffff  }
0xdf: {  	v12 =	vbroadcast v18, $0x1;
	v6 =	vbroadcast v18, $0xD;
	v21 =	vld.idx.msk [tilespmem:v1+s26+$0x200 ss:$0x1], $0xffff  }
0xe0: {  	v16 =	vbroadcast v18, $0x2;
	v3 =	vbroadcast v18, $0x8;
	v25 =	vld.idx.msk [tilespmem:v1+s26+$0x80 ss:$0x1], $0xffff  }
0xe1: {  	v14 =	vbroadcast v18, $0xF;
	v20 =	vmul.f32 v8, v6;
	v27 =	vld.idx.msk [tilespmem:v1+s26+$0x580 ss:$0x1], $0xffff  }
0xe2: {  	v8 =	vmul.f32 v4, v11;
	v4 =	vbroadcast v18, $0x6  }
0xe3: {  	v10 =	vbroadcast v18, $0xE;
	v9 =	vmul.f32 v9, v16;
	v29 =	vld.idx.msk [tilespmem:v1+s26+$0x500 ss:$0x1], $0xffff  }
0xe4: {  	v13 =	vmul.f32 v5, v13;
	[tilespmem:v1+s26+$0x180 ss:$0x1] =	vst.idx.msk $0xffff, v8;
	v24 =	vld.idx.msk [tilespmem:v1+s26+$0x400 ss:$0x1], $0xffff;
	v8 =	vbroadcast v18, $0xA  }
.Ltmp5:
0xe5: {  	v21 =	vmul.f32 v21, v15;
	[tilespmem:v1+s26+$0x100 ss:$0x1] =	vst.idx.msk $0xffff, v9;
	v23 =	vld.idx.msk [tilespmem:v1+s26+$0x480 ss:$0x1], $0xffff;
	v9 =	vbroadcast v18, $0xB;
	(pc) =	sbr.rel @p3 .LBB2_10-.Ltmp5, $4  }
0xe6: {  	v28 =	vmul.f32 v19, v10;
	[tilespmem:v1+s26+$0x0 ss:$0x1] =	vst.idx.msk $0xffff, v13;
	v13 =	vmul.f32 v25, v12  }
0xe7: {  	v30 =	vmul.f32 v7, v2;
	[tilespmem:v1+s26+$0x200 ss:$0x1] =	vst.idx.msk $0xffff, v21;
	v21 =	vmul.f32 v27, v9;
	v19 =	vld.idx.msk [tilespmem:v1+s26+$0x600 ss:$0x1], $0xffff  }
0xe8: {  	v26 =	vmul.f32 v26, v14;
	v7 =	vbroadcast v18, $0xC;
	[tilespmem:v1+s26+$0x80 ss:$0x1] =	vst.idx.msk $0xffff, v13;
	v25 =	vld.idx.msk [tilespmem:v1+s26+$0x210 ss:$0x1], $0xffff  }
0xe9: {  	v13 =	vbroadcast v18, $0x9;
	v29 =	vmul.f32 v29, v8;
	v27 =	vld.idx.msk [tilespmem:v1+s26+$0x90 ss:$0x1], $0xffff;
	[tilespmem:v1+s26+$0x280 ss:$0x1] =	vst.idx.msk $0xffff, v30  }
0xea: {  	_ =	sdelay $0x3  }
0xeb: {  	[tilespmem:v1+s26+$0x700 ss:$0x1] =	vst.idx.msk $0xffff, v28  }
0xec: {  	[tilespmem:v1+s26+$0x780 ss:$0x1] =	vst.idx.msk $0xffff, v26  }
0xed: {  	[tilespmem:v1+s26+$0x680 ss:$0x1] =	vst.idx.msk $0xffff, v20  }
0xee: {  	v24 =	vmul.f32 v24, v3;
	[tilespmem:v1+s26+$0x580 ss:$0x1] =	vst.idx.msk $0xffff, v21  }
0xef: {  	v22 =	vmul.f32 v22, v4;
	v18 =	vbroadcast v18, $0x7;
	[tilespmem:v1+s26+$0x500 ss:$0x1] =	vst.idx.msk $0xffff, v29  }
0xf0: {  	v47 =	vld.idx.msk [tilespmem:v1+s26+$0x110 ss:$0x1], $0xffff;
	v57 =	vmul.f32 v23, v13;
	[tilespmem:v1+s26+$0x400 ss:$0x1] =	vst.idx.msk $0xffff, v24  }
0xf1: {  	v48 =	vld.idx.msk [tilespmem:v1+s26+$0x10 ss:$0x1], $0xffff;
	[tilespmem:v1+s26+$0x300 ss:$0x1] =	vst.idx.msk $0xffff, v22;
	v17 =	vmul.f32 v17, v18  }
0xf2: {  	v50 =	vld.idx.msk [tilespmem:v1+s26+$0x190 ss:$0x1], $0xffff;
	v31 =	vmul.f32 v19, v7;
	[tilespmem:v1+s26+$0x480 ss:$0x1] =	vst.idx.msk $0xffff, v57  }
0xf3: {  	v38 =	vld.idx.msk [tilespmem:v1+s26+$0x290 ss:$0x1], $0xffff;
	v49 =	vmul.f32 v25, v15;
	[tilespmem:v1+s26+$0x380 ss:$0x1] =	vst.idx.msk $0xffff, v17  }
0xf4: {  	v53 =	vld.idx.msk [tilespmem:v1+s26+$0x790 ss:$0x1], $0xffff;
	v51 =	vmul.f32 v27, v12;
	[tilespmem:v1+s26+$0x600 ss:$0x1] =	vst.idx.msk $0xffff, v31  }
0xf5: {  	v54 =	vld.idx.msk [tilespmem:v1+s26+$0x710 ss:$0x1], $0xffff;
	v52 =	vmul.f32 v47, v16;
	[tilespmem:v1+s26+$0x210 ss:$0x1] =	vst.idx.msk $0xffff, v49  }
0xf6: {  	v55 =	vld.idx.msk [tilespmem:v1+s26+$0x690 ss:$0x1], $0xffff;
	v22 =	vmul.f32 v48, v5;
	[tilespmem:v1+s26+$0x90 ss:$0x1] =	vst.idx.msk $0xffff, v51  }
0xf7: {  	v61 =	vld.idx.msk [tilespmem:v1+s26+$0x590 ss:$0x1], $0xffff;
	v25 =	vmul.f32 v50, v11;
	[tilespmem:v1+s26+$0x110 ss:$0x1] =	vst.idx.msk $0xffff, v52  }
0xf8: {  	v58 =	vld.idx.msk [tilespmem:v1+s26+$0x510 ss:$0x1], $0xffff;
	v17 =	vmul.f32 v38, v2;
	[tilespmem:v1+s26+$0x10 ss:$0x1] =	vst.idx.msk $0xffff, v22  }
0xf9: {  	v32 =	vld.idx.msk [tilespmem:v1+s26+$0x410 ss:$0x1], $0xffff;
	v59 =	vmul.f32 v53, v14;
	[tilespmem:v1+s26+$0x190 ss:$0x1] =	vst.idx.msk $0xffff, v25  }
0xfa: {  	v40 =	vld.idx.msk [tilespmem:v1+s26+$0x310 ss:$0x1], $0xffff;
	v60 =	vmul.f32 v54, v10;
	[tilespmem:v1+s26+$0x290 ss:$0x1] =	vst.idx.msk $0xffff, v17  }
0xfb: {  	v63 =	vld.idx.msk [tilespmem:v1+s26+$0x490 ss:$0x1], $0xffff;
	v20 =	vmul.f32 v55, v6;
	[tilespmem:v1+s26+$0x790 ss:$0x1] =	vst.idx.msk $0xffff, v59  }
0xfc: {  	v30 =	vld.idx.msk [tilespmem:v1+s26+$0x390 ss:$0x1], $0xffff;
	v33 =	vmul.f32 v61, v9;
	[tilespmem:v1+s26+$0x710 ss:$0x1] =	vst.idx.msk $0xffff, v60  }
0xfd: {  	v44 =	vld.idx.msk [tilespmem:v1+s26+$0x610 ss:$0x1], $0xffff;
	v28 =	vmul.f32 v58, v8;
	[tilespmem:v1+s26+$0x690 ss:$0x1] =	vst.idx.msk $0xffff, v20  }
0xfe: {  	v34 =	vld.idx.msk [tilespmem:v1+s26+$0x220 ss:$0x1], $0xffff;
	[tilespmem:v1+s26+$0x590 ss:$0x1] =	vst.idx.msk $0xffff, v33;
	v19 =	vmul.f32 v32, v3  }
0xff: {  	v41 =	vld.idx.msk [tilespmem:v1+s26+$0xA0 ss:$0x1], $0xffff;
	v47 =	vmul.f32 v40, v4;
	[tilespmem:v1+s26+$0x510 ss:$0x1] =	vst.idx.msk $0xffff, v28  }
0x100: {  	v56 =	vld.idx.msk [tilespmem:v1+s26+$0x120 ss:$0x1], $0xffff;
	v37 =	vmul.f32 v63, v13;
	[tilespmem:v1+s26+$0x410 ss:$0x1] =	vst.idx.msk $0xffff, v19  }
0x101: {  	v62 =	vld.idx.msk [tilespmem:v1+s26+$0x1A0 ss:$0x1], $0xffff;
	v20 =	vmul.f32 v30, v18;
	[tilespmem:v1+s26+$0x310 ss:$0x1] =	vst.idx.msk $0xffff, v47  }
0x102: {  	v54 =	vld.idx.msk [tilespmem:v1+s26+$0x2A0 ss:$0x1], $0xffff;
	v53 =	vmul.f32 v44, v7;
	[tilespmem:v1+s26+$0x490 ss:$0x1] =	vst.idx.msk $0xffff, v37  }
0x103: {  	v29 =	vld.idx.msk [tilespmem:v1+s26+$0x7A0 ss:$0x1], $0xffff;
	v42 =	vmul.f32 v34, v15;
	[tilespmem:v1+s26+$0x390 ss:$0x1] =	vst.idx.msk $0xffff, v20  }
0x104: {  	v36 =	vld.idx.msk [tilespmem:v1+s26+$0x720 ss:$0x1], $0xffff;
	v49 =	vmul.f32 v41, v12;
	[tilespmem:v1+s26+$0x610 ss:$0x1] =	vst.idx.msk $0xffff, v53  }
0x105: {  	v43 =	vld.idx.msk [tilespmem:v1+s26+$0x5A0 ss:$0x1], $0xffff;
	v27 =	vmul.f32 v56, v16;
	[tilespmem:v1+s26+$0x220 ss:$0x1] =	vst.idx.msk $0xffff, v42  }
0x106: {  	v46 =	vld.idx.msk [tilespmem:v1+s26+$0x6A0 ss:$0x1], $0xffff;
	v35 =	vmul.f32 v62, v11;
	[tilespmem:v1+s26+$0xA0 ss:$0x1] =	vst.idx.msk $0xffff, v49  }
0x107: {  	v50 =	vld.idx.msk [tilespmem:v1+s26+$0x520 ss:$0x1], $0xffff;
	v2 =	vmul.f32 v54, v2;
	[tilespmem:v1+s26+$0x120 ss:$0x1] =	vst.idx.msk $0xffff, v27  }
0x108: {  	v59 =	vld.idx.msk [tilespmem:v1+s26+$0x20 ss:$0x1], $0xffff;
	v39 =	vmul.f32 v29, v14;
	[tilespmem:v1+s26+$0x1A0 ss:$0x1] =	vst.idx.msk $0xffff, v35  }
0x109: {  	v57 =	vld.idx.msk [tilespmem:v1+s26+$0x420 ss:$0x1], $0xffff;
	v45 =	vmul.f32 v36, v10;
	[tilespmem:v1+s26+$0x2A0 ss:$0x1] =	vst.idx.msk $0xffff, v2  }
0x10a: {  	v48 =	vld.idx.msk [tilespmem:v1+s26+$0x4A0 ss:$0x1], $0xffff;
	v52 =	vmul.f32 v43, v9;
	[tilespmem:v1+s26+$0x7A0 ss:$0x1] =	vst.idx.msk $0xffff, v39  }
0x10b: {  	v51 =	vld.idx.msk [tilespmem:v1+s26+$0x3A0 ss:$0x1], $0xffff;
	v55 =	vmul.f32 v46, v6;
	[tilespmem:v1+s26+$0x720 ss:$0x1] =	vst.idx.msk $0xffff, v45  }
0x10c: {  	v56 =	vld.idx.msk [tilespmem:v1+s26+$0x320 ss:$0x1], $0xffff;
	v60 =	vmul.f32 v50, v8;
	[tilespmem:v1+s26+$0x5A0 ss:$0x1] =	vst.idx.msk $0xffff, v52  }
0x10d: {  	v62 =	vld.idx.msk [tilespmem:v1+s26+$0x620 ss:$0x1], $0xffff;
	v2 =	vmul.f32 v59, v5;
	[tilespmem:v1+s26+$0x6A0 ss:$0x1] =	vst.idx.msk $0xffff, v55  }
0x10e: {  	v3 =	vmul.f32 v57, v3;
	[tilespmem:v1+s26+$0x520 ss:$0x1] =	vst.idx.msk $0xffff, v60  }
0x10f: {  	v58 =	vmul.f32 v48, v13;
	[tilespmem:v1+s26+$0x20 ss:$0x1] =	vst.idx.msk $0xffff, v2  }
0x110: {  	v61 =	vmul.f32 v51, v18;
	[tilespmem:v1+s26+$0x420 ss:$0x1] =	vst.idx.msk $0xffff, v3  }
0x111: {  	p3 =	sne.s32 s18, $0x50;
	v63 =	vmul.f32 v56, v4;
	[tilespmem:v1+s26+$0x4A0 ss:$0x1] =	vst.idx.msk $0xffff, v58  }
.Ltmp6:
0x112: {  	s24 =	sshll.u32 s24, $0x8;
	v3 =	vmul.f32 v62, v7;
	[tilespmem:v1+s26+$0x3A0 ss:$0x1] =	vst.idx.msk $0xffff, v61;
	(pc) =	sbr.rel @p3 .LBB2_4-.Ltmp6, $4  }
0x113: {  	s24 =	sand.u32 $0x300, s24;
	[tilespmem:v1+s26+$0x320 ss:$0x1] =	vst.idx.msk $0xffff, v63  }
0x114: {  	s25 =	sadd.s32 $0xC, s25;
	s24 =	sor.u32 $0x80, s24;
	[tilespmem:v1+s26+$0x620 ss:$0x1] =	vst.idx.msk $0xffff, v3  }
0x115: {  	[spmem:s2] =	stream.indirect.scatter.add.f32 [tilespmem:s28], [sflag:s25], $0x80, s24, s15, $0xb8;
	[tilespmem:$0x1FE80] =	vst v63  }
0x116: {  	s17 =	sadd.s32 $0x1, s17;
	s23 =	sadd.s32 $0x4000, s23;
	s24 =	smov.u32 s18  }
0x117: {  	_ =	swait.ge [sflag:s19], $0x4000  }
0x118: {  	[sflag:s19] =	ssyncset.done $0x0  }
0x119: {  	[sflag:s19] =	ssyncadd.s32 $0xFFFFC000  }
0x11a: {  	_ =	swait.ge [sflag:s20], $0x4000  }
0x11b: {  	[sflag:s20] =	ssyncset.done $0x0  }
0x11c: {  	[sflag:s20] =	ssyncadd.s32 $0xFFFFC000  }
0x11d: {  	_ =	swait.ge [sflag:s21], $0x4000  }
0x11e: {  	[sflag:s21] =	ssyncset.done $0x0  }
0x11f: {  	[sflag:s21] =	ssyncadd.s32 $0xFFFFC000  }
0x120: {  	s17 =	stileid.u32;
	[bflag:$0x0] =	sbarrier.arrive $0xFFFF  }
0x121: {  	s17 =	sshll.u32 s17, $0x6;
	s18 =	rddreg [dreg:$0x4]  }
0x122: {  	s17 =	sor.u32 $0x1C0F, s17;
	s23 =	rddreg [dreg:$0x12]  }
0x123: {  	[hbm:s18], [sflag:s17] =	dma.local [spmem:s23], $0x500  }
0x124: {  	_ =	swait.ge [sflag:s12], $0x500  }
0x125: {  	[sflag:s12] =	ssyncset.done $0x0;
	s25 =	rddreg [dreg:$0x5]  }
0x126: {  	s26 =	rddreg [dreg:$0x13];
	[sflag:s12] =	ssyncadd.s32 $0xFFFFFB00  }
0x127: {  	[hbm:s25], [sflag:s17] =	dma.local [spmem:s26], $0x500  }
0x128: {  	_ =	swait.ge [sflag:s12], $0x500  }
0x129: {  	[sflag:s12] =	ssyncset.done $0x0;
	s28 =	rddreg [dreg:$0x6]  }
0x12a: {  	s29 =	rddreg [dreg:$0x14];
	[sflag:s12] =	ssyncadd.s32 $0xFFFFFB00  }
0x12b: {  	[hbm:s28], [sflag:s17] =	dma.local [spmem:s29], $0x500  }
0x12c: {  	_ =	swait.ge [sflag:s12], $0x500  }
0x12d: {  	[sflag:s12] =	ssyncset.done $0x0;
	s30 =	rddreg [dreg:$0x7]  }
0x12e: {  	s31 =	rddreg [dreg:$0x15];
	[sflag:s12] =	ssyncadd.s32 $0xFFFFFB00  }
0x12f: {  	[hbm:s30], [sflag:s17] =	dma.local [spmem:s31], $0x500  }
0x130: {  	_ =	swait.ge [sflag:s12], $0x500  }
0x131: {  	[sflag:s12] =	ssyncset.done $0x0;
	s24 =	rddreg [dreg:$0x8]  }
0x132: {  	s25 =	rddreg [dreg:$0x16];
	[sflag:s12] =	ssyncadd.s32 $0xFFFFFB00  }
0x133: {  	[hbm:s24], [sflag:s17] =	dma.local [spmem:s25], $0x500  }
0x134: {  	_ =	swait.ge [sflag:s12], $0x500  }
0x135: {  	[sflag:s12] =	ssyncset.done $0x0;
	s26 =	rddreg [dreg:$0x9]  }
0x136: {  	s28 =	rddreg [dreg:$0x17];
	[sflag:s12] =	ssyncadd.s32 $0xFFFFFB00  }
0x137: {  	[hbm:s26], [sflag:s17] =	dma.local [spmem:s28], $0x500  }
0x138: {  	_ =	swait.ge [sflag:s12], $0x500  }
0x139: {  	[sflag:s12] =	ssyncset.done $0x0;
	s29 =	rddreg [dreg:$0xa]  }
0x13a: {  	s30 =	rddreg [dreg:$0x18];
	[sflag:s12] =	ssyncadd.s32 $0xFFFFFB00  }
0x13b: {  	[hbm:s29], [sflag:s17] =	dma.local [spmem:s30], $0x500  }
0x13c: {  	_ =	swait.ge [sflag:s12], $0x500  }
0x13d: {  	[sflag:s12] =	ssyncset.done $0x0;
	s18 =	rddreg [dreg:$0xb]  }
0x13e: {  	s23 =	rddreg [dreg:$0x19];
	[sflag:s12] =	ssyncadd.s32 $0xFFFFFB00  }
0x13f: {  	[hbm:s18], [sflag:s17] =	dma.local @!p1 [spmem:s23], $0x500  }
0x140: {  	s17 =	simm.s32 @!p1 $0xF  }
0x141: {  	_ =	swait.ge @!p1 [sflag:s17], $0x500  }
0x142: {  	s22 =	sadd.s32 $0x1, s22;
	s31 =	rddreg [dreg:$0xc]  }
0x143: {  	p3 =	sne.s32 s22, s31  }
.Ltmp7:
0x144: {  	_ = 	snop;
	(pc) =	sbr.rel @p3 .LBB2_1-.Ltmp7, $3  }
0x145: {  	_ =	sdelay $0x1  }
0x146: {  	[sflag:s17] =	ssyncset.done @!p1 $0x0  }
0x147: {  	[sflag:s17] =	ssyncadd.s32 @!p1 $0xFFFFFB00  }
0x148: {  	_ =	sfence.sel $0x180000  }
0x149: {  	[bflag:$0x0] =	sbarrier.arrive $0xFFFF  }
0x14a: {  	_ =	strace $0x9000004A  }
0x14b: {  	s0 =	stileid.u32;
	[bflag:$0x2] =	sbarrier.arrive $0xFFFF  }
0x14c: {  	p0 =	sne.s32 s0, $0x0;
	s0 =	rddreg [dreg:$0x3]  }
0x14d: {  	s0 =	sadd.s32 @!p0 $0x100000, s0  }
0x14e: {  	[sflag:s0] =	ssyncadd.tile.s32 @!p0 $0x1;
	_ =	shalt  }
.Lfunc_end2:
_tile_overlayer_lowered:
.L_overlay_start_2:
0x14f: {  	(tag) =	ssettag $0x2  }
0x150: {  	s0 =	rddreg [dreg:$0x0];
	s2 =	stileid.u32  }
0x151: {  	s1 =	rddreg [dreg:$0x1];
	p0 =	sne.s32 s2, $0x0  }
0x152: {  	s3 =	rddreg [dreg:$0x2];
	[bflag:$0x3] =	sbarrier.arrive $0xFFFF;
	s2 =	simm.s32 @!p0 $0x1C0F  }
0x153: {  	[timem:s3], [sflag:s2] =	dma.local @!p0 [hbm:s0], s1  }
0x154: {  	s0 =	simm.s32 @!p0 $0xF  }
0x155: {  	_ =	swait.ge @!p0 [sflag:s0], s1  }
0x156: {  	s1 =	ssub.s32 @!p0 $0x0, s1;
	[sflag:s0] =	ssyncset.done @!p0 $0x0  }
0x157: {  	[sflag:s0] =	ssyncadd.s32 @!p0 s1  }
0x158: {  	[bflag:$0x3] =	sbarrier.arrive $0xFFFF  }
0x159: {  	_ =	shalt  }

</sc_bundles>
